<compile_context>
chip_gen: v7x
topology: tpu7x:2x2x1
jax: 0.10.2.dev20260603
libtpu: 0.0.44.dev20260713+nightly
codegen_flags: <defaults>
</compile_context>

<pallas_src>
import functools

import jax
import jax.numpy as jnp
from jax import lax
from jax.experimental import pallas as pl
from jax.experimental.pallas import tpu as pltpu
from jax.experimental.pallas import tpu_sc as plsc

N_A = 10000
N_B = 320000
N_U = N_B // 2
H = 128
BF = 144
MLP_D = 256
A_OUT = 35
B_OUT = 5
N_M = 200
DEPTH = 3

_NC = 2
_NS = 16
_NW = _NC * _NS
_PT = N_B // _NW
_CB = 80
_CH = _PT // _CB
N_AP = 10240
_RT = N_AP // _NS
_SUB = 5
_LB = _SUB * _CB
_NLB = _PT // _LB


def _sc_mesh():
    return plsc.VectorSubcoreMesh(core_axis_name="c", subcore_axis_name="s")


def _seg_sum_partials(h, idx3, zeros):
    @functools.partial(
        pl.kernel,
        out_type=jax.ShapeDtypeStruct((_NC, N_AP, H), jnp.float32),
        mesh=_sc_mesh(),
        scratch_types=[
            pltpu.VMEM((_CH, _CB), jnp.int32),
            pltpu.VMEM((_CB, H), jnp.float32),
            pltpu.VMEM((_CB, H), jnp.float32),
            pltpu.VMEM((_CB, H), jnp.float32),
            pltpu.VMEM_SHARED((N_AP, H), jnp.float32),
            pltpu.SemaphoreType.DMA,
            pltpu.SemaphoreType.DMA,
            pltpu.SemaphoreType.DMA,
            pltpu.SemaphoreType.DMA,
            pltpu.SemaphoreType.DMA,
            pltpu.SemaphoreType.DMA,
        ],
    )
    def k(h_hbm, idx_hbm, z_hbm, out_hbm, idx_v, r0, r1, r2, table,
          l0, l1, l2, s0, s1, s2):
        cid = lax.axis_index("c")
        sid = lax.axis_index("s")
        wid = cid * _NS + sid
        pltpu.sync_copy(z_hbm.at[pl.ds(sid * _RT, _RT)],
                        table.at[pl.ds(sid * _RT, _RT)])
        pltpu.sync_copy(idx_hbm.at[wid], idx_v)
        plsc.subcore_barrier()
        base = wid * _PT

        def load(j, buf, sem):
            pltpu.async_copy(h_hbm.at[pl.ds(base + j * _CB, _CB)], buf, sem)

        def wl(buf, sem):
            pltpu.make_async_copy(h_hbm.at[pl.ds(0, _CB)], buf, sem).wait()

        def scat(j, buf, sem):
            pltpu.async_copy(buf, table.at[idx_v.at[j]], sem, add=True)

        def ws(buf, sem):
            pltpu.make_async_copy(buf, table.at[idx_v.at[0]], sem).wait()

        load(0, r0, l0)
        load(1, r1, l1)
        wl(r0, l0); scat(0, r0, s0)
        load(2, r2, l2)
        wl(r1, l1); scat(1, r1, s1)
        ws(r0, s0); load(3, r0, l0)
        wl(r2, l2); scat(2, r2, s2)
        ws(r1, s1); load(4, r1, l1)

        def body(i, carry):
            j = 3 * i
            wl(r0, l0); scat(j, r0, s0)
            ws(r2, s2); load(j + 2, r2, l2)
            wl(r1, l1); scat(j + 1, r1, s1)
            ws(r0, s0); load(j + 3, r0, l0)
            wl(r2, l2); scat(j + 2, r2, s2)
            ws(r1, s1); load(j + 4, r1, l1)
            return carry

        lax.fori_loop(1, 41, body, 0)
        wl(r0, l0); scat(_CH - 2, r0, s0)
        wl(r1, l1); scat(_CH - 1, r1, s1)
        ws(r2, s2)
        ws(r0, s0)
        ws(r1, s1)
        plsc.subcore_barrier()
        pltpu.sync_copy(table.at[pl.ds(sid * _RT, _RT)],
                        out_hbm.at[cid, pl.ds(sid * _RT, _RT)])

    return k(h, idx3, zeros)


def _gather_rows(table, idx3):
    @functools.partial(
        pl.kernel,
        out_type=jax.ShapeDtypeStruct((N_B, H), jnp.float32),
        mesh=_sc_mesh(),
        scratch_types=[
            pltpu.VMEM((_CH, _CB), jnp.int32),
            pltpu.VMEM((_CB, H), jnp.float32),
            pltpu.VMEM((_CB, H), jnp.float32),
            pltpu.VMEM((_CB, H), jnp.float32),
            pltpu.VMEM_SHARED((N_AP, H), jnp.float32),
            pltpu.SemaphoreType.DMA,
            pltpu.SemaphoreType.DMA,
            pltpu.SemaphoreType.DMA,
            pltpu.SemaphoreType.DMA,
            pltpu.SemaphoreType.DMA,
            pltpu.SemaphoreType.DMA,
        ],
    )
    def k(t_hbm, idx_hbm, out_hbm, idx_v, r0, r1, r2, table_sh,
          g0, g1, g2, o0, o1, o2):
        cid = lax.axis_index("c")
        sid = lax.axis_index("s")
        wid = cid * _NS + sid
        pltpu.sync_copy(t_hbm.at[pl.ds(sid * _RT, _RT)],
                        table_sh.at[pl.ds(sid * _RT, _RT)])
        pltpu.sync_copy(idx_hbm.at[wid], idx_v)
        plsc.subcore_barrier()
        base = wid * _PT

        def gath(j, buf, sem):
            pltpu.async_copy(table_sh.at[idx_v.at[j]], buf, sem)

        def wg(buf, sem):
            pltpu.make_async_copy(table_sh.at[idx_v.at[0]], buf, sem).wait()

        def st(j, buf, sem):
            pltpu.async_copy(buf, out_hbm.at[pl.ds(base + j * _CB, _CB)],
                             sem)

        def wst(buf, sem):
            pltpu.make_async_copy(buf, out_hbm.at[pl.ds(0, _CB)], sem).wait()

        gath(0, r0, g0)
        gath(1, r1, g1)
        wg(r0, g0); st(0, r0, o0)
        gath(2, r2, g2)
        wg(r1, g1); st(1, r1, o1)
        wst(r0, o0); gath(3, r0, g0)
        wg(r2, g2); st(2, r2, o2)
        wst(r1, o1); gath(4, r1, g1)

        def body(i, carry):
            j = 3 * i
            wg(r0, g0); st(j, r0, o0)
            wst(r2, o2); gath(j + 2, r2, g2)
            wg(r1, g1); st(j + 1, r1, o1)
            wst(r0, o0); gath(j + 3, r0, g0)
            wg(r2, g2); st(j + 2, r2, o2)
            wst(r1, o1); gath(j + 4, r1, g1)
            return carry

        lax.fori_loop(1, 41, body, 0)
        wg(r0, g0); st(_CH - 2, r0, o0)
        wg(r1, g1); st(_CH - 1, r1, o1)
        wst(r2, o2)
        wst(r0, o0)
        wst(r1, o1)

    return k(table, idx3)


def _sum_partials(parts):
    def body(p_ref, o_ref):
        o_ref[...] = p_ref[0] + p_ref[1]

    return pl.pallas_call(
        body,
        grid=(4,),
        in_specs=[pl.BlockSpec((2, 2560, H), lambda i: (0, i, 0))],
        out_specs=pl.BlockSpec((2560, H), lambda i: (i, 0)),
        out_shape=jax.ShapeDtypeStruct((N_AP, H), jnp.float32),
    )(parts)


def _bond_in(f_bonds, W_i):
    R = 8000

    def body(x_ref, w_ref, o_ref):
        o_ref[...] = jnp.maximum(
            jnp.dot(x_ref[...], w_ref[...],
                    preferred_element_type=jnp.float32), 0.0)

    return pl.pallas_call(
        body,
        grid=(N_B // R,),
        in_specs=[
            pl.BlockSpec((R, BF), lambda i: (i, 0)),
            pl.BlockSpec((BF, H), lambda i: (0, 0)),
        ],
        out_specs=pl.BlockSpec((R, H), lambda i: (i, 0)),
        out_shape=jax.ShapeDtypeStruct((N_B, H), jnp.float32),
    )(f_bonds, W_i)


def _msg_update(g, h3, h0, W_h):
    R = 8000

    def body(g_ref, h_ref, h0_ref, w_ref, o_ref):
        hr = h_ref[...]
        swapped = jnp.concatenate([hr[:, 1:2, :], hr[:, 0:1, :]],
                                  axis=1).reshape(R, H)
        m = g_ref[...] - swapped
        o_ref[...] = jnp.maximum(
            h0_ref[...] + jnp.dot(m, w_ref[...],
                                  preferred_element_type=jnp.float32), 0.0)

    return pl.pallas_call(
        body,
        grid=(N_B // R,),
        in_specs=[
            pl.BlockSpec((R, H), lambda i: (i, 0)),
            pl.BlockSpec((R // 2, 2, H), lambda i: (i, 0, 0)),
            pl.BlockSpec((R, H), lambda i: (i, 0)),
            pl.BlockSpec((H, H), lambda i: (0, 0)),
        ],
        out_specs=pl.BlockSpec((R, H), lambda i: (i, 0)),
        out_shape=jax.ShapeDtypeStruct((N_B, H), jnp.float32),
    )(g, h3, h0, W_h)


def _atom_stage(parts, f_atoms, par2, mol2, prev, parity_emb, W_o, W_vv,
                W_vc, W_a1, b_a1, W_a2, b_a2, W_g1, b_g1, W_g2, b_g2):
    B = 5000
    NG = N_A // B

    def body(p_ref, fa_ref, par_ref, mol_ref, prev_ref, pe_ref, wo_ref,
             wvv_ref, wvc_ref, wa1_ref, ba1_ref, wa2_ref, ba2_ref, wg1_ref,
             bg1_ref, wg2_ref, bg2_ref, A_ref, ao_ref, go_ref, gv_ref):
        i = pl.program_id(0)
        a_in = p_ref[0] + p_ref[1]
        oh = (par_ref[...] == lax.broadcasted_iota(jnp.int32, (B, 3), 1)
              ).astype(jnp.float32)
        fa = fa_ref[...] + jnp.dot(oh, pe_ref[...],
                                   preferred_element_type=jnp.float32)
        atom_input = jnp.concatenate([fa, a_in], axis=1)
        a_feats = jnp.maximum(
            jnp.dot(atom_input, wo_ref[...],
                    preferred_element_type=jnp.float32), 0.0)
        A = jnp.maximum(
            jnp.dot(prev_ref[...], wvv_ref[...],
                    preferred_element_type=jnp.float32)
            + jnp.dot(a_feats, wvc_ref[...],
                      preferred_element_type=jnp.float32), 0.0)
        A_ref[...] = A
        hid = jnp.maximum(
            jnp.dot(A, wa1_ref[...], preferred_element_type=jnp.float32)
            + ba1_ref[...], 0.0)
        ao_ref[...] = jnp.dot(hid, wa2_ref[...],
                              preferred_element_type=jnp.float32) + ba2_ref[...]
        moh = (mol_ref[...] == lax.broadcasted_iota(jnp.int32, (B, N_M), 1)
               ).astype(jnp.float32)
        contrib = lax.dot_general(moh, A, (((0,), (0,)), ((), ())),
                                  preferred_element_type=jnp.float32)

        @pl.when(i == 0)
        def _():
            gv_ref[...] = contrib

        @pl.when(i > 0)
        def _():
            gv_ref[...] += contrib

        @pl.when(i == NG - 1)
        def _():
            ghid = jnp.maximum(
                jnp.dot(gv_ref[...], wg1_ref[...],
                        preferred_element_type=jnp.float32) + bg1_ref[...],
                0.0)
            go_ref[...] = jnp.dot(ghid, wg2_ref[...],
                                  preferred_element_type=jnp.float32) \
                + bg2_ref[...]

    full = lambda shape: pl.BlockSpec(shape, lambda i: tuple(0 for _ in shape))
    return pl.pallas_call(
        body,
        grid=(NG,),
        in_specs=[
            pl.BlockSpec((2, B, H), lambda i: (0, i, 0)),
            pl.BlockSpec((B, H), lambda i: (i, 0)),
            pl.BlockSpec((B, 1), lambda i: (i, 0)),
            pl.BlockSpec((B, 1), lambda i: (i, 0)),
            pl.BlockSpec((B, H), lambda i: (i, 0)),
            full((3, H)),
            full((2 * H, H)),
            full((H, H)),
            full((H, H)),
            full((H, MLP_D)),
            full((1, MLP_D)),
            full((MLP_D, A_OUT)),
            full((1, A_OUT)),
            full((H, MLP_D)),
            full((1, MLP_D)),
            full((MLP_D, 1)),
            full((1, 1)),
        ],
        out_specs=[
            pl.BlockSpec((B, H), lambda i: (i, 0)),
            pl.BlockSpec((B, A_OUT), lambda i: (i, 0)),
            pl.BlockSpec((N_M, 1), lambda i: (0, 0)),
        ],
        out_shape=[
            jax.ShapeDtypeStruct((N_AP, H), jnp.float32),
            jax.ShapeDtypeStruct((N_A, A_OUT), jnp.float32),
            jax.ShapeDtypeStruct((N_M, 1), jnp.float32),
        ],
        scratch_shapes=[pltpu.VMEM((N_M, H), jnp.float32)],
    )(parts, f_atoms, par2, mol2, prev, parity_emb, W_o, W_vv, W_vc,
      W_a1, b_a1, W_a2, b_a2, W_g1, b_g1, W_g2, b_g2)


def _bond_mlp(x, W_b1, b_b1, W_b2, b_b2):
    R = 8000

    def body(x_ref, w1_ref, b1_ref, w2_ref, b2_ref, o_ref):
        hid = jnp.maximum(
            jnp.dot(x_ref[...], w1_ref[...],
                    preferred_element_type=jnp.float32) + b1_ref[...], 0.0)
        o_ref[...] = jnp.dot(hid, w2_ref[...],
                             preferred_element_type=jnp.float32) + b2_ref[...]

    return pl.pallas_call(
        body,
        grid=(N_U // R,),
        in_specs=[
            pl.BlockSpec((R, 2 * H), lambda i: (i, 0)),
            pl.BlockSpec((2 * H, MLP_D), lambda i: (0, 0)),
            pl.BlockSpec((1, MLP_D), lambda i: (0, 0)),
            pl.BlockSpec((MLP_D, B_OUT), lambda i: (0, 0)),
            pl.BlockSpec((1, B_OUT), lambda i: (0, 0)),
        ],
        out_specs=pl.BlockSpec((R, B_OUT), lambda i: (i, 0)),
        out_shape=jax.ShapeDtypeStruct((N_U, B_OUT), jnp.float32),
    )(x, W_b1, b_b1, W_b2, b_b2)


def kernel(f_atoms, f_bonds, prev_atom_hiddens, parity_emb, W_i, W_h, W_o,
           W_vv, W_vc, W_a1, b_a1, W_a2, b_a2, W_b1, b_b1, W_b2, b_b2,
           W_g1, b_g1, W_g2, b_g2, b2a, b2dst, b2revb, bond_idx,
           parity_atoms, mol_ids):
    dst3 = b2dst.astype(jnp.int32).reshape(_NW, _CH, _CB)
    src3 = b2a.astype(jnp.int32).reshape(_NW, _CH, _CB)
    bf3 = bond_idx.astype(jnp.int32).reshape(_NW, _CH, _CB)
    zeros = jnp.zeros((N_AP, H), jnp.float32)

    h0 = _bond_in(f_bonds, W_i)
    h = h0
    for _ in range(DEPTH - 1):
        parts = _seg_sum_partials(h, dst3, zeros)
        amsg = _sum_partials(parts)
        g = _gather_rows(amsg, src3)
        h = _msg_update(g, h.reshape(N_B // 2, 2, H), h0, W_h)

    parts = _seg_sum_partials(h, dst3, zeros)
    A, atom_outs, graph_outs = _atom_stage(
        parts, f_atoms, parity_atoms.astype(jnp.int32).reshape(N_A, 1),
        mol_ids.astype(jnp.int32).reshape(N_A, 1), prev_atom_hiddens,
        parity_emb, W_o, W_vv, W_vc, W_a1, b_a1.reshape(1, MLP_D), W_a2,
        b_a2.reshape(1, A_OUT), W_g1, b_g1.reshape(1, MLP_D), W_g2,
        b_g2.reshape(1, 1))

    gbf = _gather_rows(A, bf3)
    bond_outs = _bond_mlp(gbf.reshape(N_U, 2 * H), W_b1,
                          b_b1.reshape(1, MLP_D), W_b2,
                          b_b2.reshape(1, B_OUT))
    return jnp.concatenate([bond_outs.reshape(-1), atom_outs.reshape(-1),
                            graph_outs.reshape(-1)])

# --- scband reference (transcript-rebuilt; emitter-appended) ---
"""Pipeline reference for scband-chiral-retro-25924422599320 (READ-ONLY COPY).

The authoritative reference and input builder live on the scoring server;
editing this copy changes nothing except your own understanding.
"""

import jax, jax.numpy as jnp
import numpy as np

N_ATOMS = 10000
N_BONDS = 320000
N_UBONDS = N_BONDS // 2
ATOM_FDIM = 128
BOND_FDIM = 144
HIDDEN = 128
MLP = 256
ATOM_OUT = 35
BOND_OUT = 5
N_MOLS = 200
DEPTH = 3


def _glorot(k, shape):
    return (jax.random.normal(k, shape) / np.sqrt(shape[0])).astype(jnp.float32)


def setup_inputs(seed: int = 0):
    key = jax.random.key(seed)
    ks = jax.random.split(key, 24)
    f_atoms = jax.random.normal(ks[0], (N_ATOMS, ATOM_FDIM), dtype=jnp.float32)
    f_bonds = jax.random.normal(ks[1], (N_BONDS, BOND_FDIM), dtype=jnp.float32)
    b2a = jax.random.randint(ks[2], (N_BONDS,), 0, N_ATOMS)
    # directed bonds (2i, 2i+1) are mutual reverses (DMPNN convention)
    b2revb = jnp.arange(N_BONDS, dtype=jnp.int32) ^ 1
    b2dst = b2a[b2revb]
    # undirected bond atom pairs (prod_tensors[-2] in the torch code)
    bond_idx = jnp.stack([b2a[0::2], b2dst[0::2]], axis=1)
    parity_atoms = jax.random.randint(ks[3], (N_ATOMS,), 0, 3)
    mol_ids = jnp.sort(jax.random.randint(ks[4], (N_ATOMS,), 0, N_MOLS))
    prev_atom_hiddens = jnp.zeros((N_ATOMS, HIDDEN), dtype=jnp.float32)
    parity_emb = _glorot(ks[5], (3, ATOM_FDIM))
    W_i = _glorot(ks[6], (BOND_FDIM, HIDDEN))
    W_h = _glorot(ks[7], (HIDDEN, HIDDEN))
    W_o = _glorot(ks[8], (ATOM_FDIM + HIDDEN, HIDDEN))
    W_vv = jnp.eye(HIDDEN, dtype=jnp.float32)  # nn.init.eye_
    W_vc = _glorot(ks[9], (HIDDEN, HIDDEN))
    W_a1 = _glorot(ks[10], (HIDDEN, MLP)); b_a1 = jnp.zeros((MLP,), jnp.float32)
    W_a2 = _glorot(ks[11], (MLP, ATOM_OUT)); b_a2 = jnp.zeros((ATOM_OUT,), jnp.float32)
    W_b1 = _glorot(ks[12], (2 * HIDDEN, MLP)); b_b1 = jnp.zeros((MLP,), jnp.float32)
    W_b2 = _glorot(ks[13], (MLP, BOND_OUT)); b_b2 = jnp.zeros((BOND_OUT,), jnp.float32)
    W_g1 = _glorot(ks[14], (HIDDEN, MLP)); b_g1 = jnp.zeros((MLP,), jnp.float32)
    W_g2 = _glorot(ks[15], (MLP, 1)); b_g2 = jnp.zeros((1,), jnp.float32)
    return {"f_atoms": f_atoms, "f_bonds": f_bonds, "prev_atom_hiddens": prev_atom_hiddens,
            "parity_emb": parity_emb, "W_i": W_i, "W_h": W_h, "W_o": W_o,
            "W_vv": W_vv, "W_vc": W_vc,
            "W_a1": W_a1, "b_a1": b_a1, "W_a2": W_a2, "b_a2": b_a2,
            "W_b1": W_b1, "b_b1": b_b1, "W_b2": W_b2, "b_b2": b_b2,
            "W_g1": W_g1, "b_g1": b_g1, "W_g2": W_g2, "b_g2": b_g2,
            "b2a": b2a, "b2dst": b2dst, "b2revb": b2revb, "bond_idx": bond_idx,
            "parity_atoms": parity_atoms, "mol_ids": mol_ids}


def reference(f_atoms, f_bonds, prev_atom_hiddens, parity_emb, W_i, W_h, W_o, W_vv, W_vc,
              W_a1, b_a1, W_a2, b_a2, W_b1, b_b1, W_b2, b_b2, W_g1, b_g1, W_g2, b_g2,
              b2a, b2dst, b2revb, bond_idx, parity_atoms, mol_ids):
    # ---- MPNEncoder (DMPNN, bond messages) with chirality parity conditioning ----
    h0 = jax.nn.relu(f_bonds @ W_i)
    h = h0
    for _ in range(DEPTH - 1):
        a_message = jax.ops.segment_sum(h, b2dst, num_segments=N_ATOMS)
        m = a_message[b2a] - h[b2revb]
        h = jax.nn.relu(h0 + m @ W_h)
    a_in = jax.ops.segment_sum(h, b2dst, num_segments=N_ATOMS)
    atom_input = jnp.concatenate([f_atoms + parity_emb[parity_atoms], a_in], axis=1)
    a_feats = jax.nn.relu(atom_input @ W_o)
    # ---- compute_edit_scores ----
    atom_feats = jax.nn.relu(prev_atom_hiddens @ W_vv + a_feats @ W_vc)
    bond_starts = atom_feats[bond_idx[:, 0]]
    bond_ends = atom_feats[bond_idx[:, 1]]
    bond_feats = jnp.concatenate([bond_starts, bond_ends], axis=1)
    graph_vecs = jax.ops.segment_sum(atom_feats, mol_ids, num_segments=N_MOLS)
    atom_outs = jax.nn.relu(atom_feats @ W_a1 + b_a1) @ W_a2 + b_a2
    bond_outs = jax.nn.relu(bond_feats @ W_b1 + b_b1) @ W_b2 + b_b2
    graph_outs = jax.nn.relu(graph_vecs @ W_g1 + b_g1) @ W_g2 + b_g2
    edit_scores = jnp.concatenate([bond_outs.reshape(-1), atom_outs.reshape(-1), graph_outs.reshape(-1)])
    return edit_scores


if False:  # reference __main__ guard neutralized (emitter)
    out = reference(**setup_inputs())
    print(out.shape, out.dtype)

if __name__ == "__main__":
    import jax
    _d = setup_inputs()
    print(jax.jit(kernel)(*tuple(_d.values())))

</pallas_src>

<mosaic_0001>
#map = affine_map<(d0, d1) -> (0, 0)>
#map1 = affine_map<(d0, d1) -> (0, 0, 0)>
module attributes {stable_mosaic.version = 14 : i64} {
  func.func @k(%arg0: i32, %arg1: i32, %arg2: memref<320000x128xf32, #tpu.memory_space<hbm>>, %arg3: memref<32x125x80xi32, #tpu.memory_space<hbm>>, %arg4: memref<10240x128xf32, #tpu.memory_space<hbm>>, %arg5: memref<2x10240x128xf32, #tpu.memory_space<hbm>>, %arg6: memref<125x80xi32, #tpu.memory_space<vmem>>, %arg7: memref<80x128xf32, #tpu.memory_space<vmem>>, %arg8: memref<80x128xf32, #tpu.memory_space<vmem>>, %arg9: memref<80x128xf32, #tpu.memory_space<vmem>>, %arg10: memref<10240x128xf32, #tpu.memory_space<vmem_shared>>, %arg11: memref<!tpu.dma_semaphore, #tpu.memory_space<semaphore_mem>>, %arg12: memref<!tpu.dma_semaphore, #tpu.memory_space<semaphore_mem>>, %arg13: memref<!tpu.dma_semaphore, #tpu.memory_space<semaphore_mem>>, %arg14: memref<!tpu.dma_semaphore, #tpu.memory_space<semaphore_mem>>, %arg15: memref<!tpu.dma_semaphore, #tpu.memory_space<semaphore_mem>>, %arg16: memref<!tpu.dma_semaphore, #tpu.memory_space<semaphore_mem>>) attributes {dimension_semantics = [#tpu.dimension_semantics<core_parallel>, #tpu.dimension_semantics<subcore_parallel>], iteration_bounds = array<i64: 2, 16>, scalar_prefetch = 0 : i64, scratch_operands = 11 : i64, tpu.core_type = #tpu.core_type<sc_vector_subcore>, window_params = [{transform_indices = #map}, {transform_indices = #map1}, {transform_indices = #map}, {transform_indices = #map1}]} {
    %mul3A = arith.constant 16 : i32
    %mul3A_0 = arith.muli %arg0, %mul3A : i32
    %add3A = arith.addi %mul3A_0, %arg1 : i32
    %mul3A_1 = arith.constant 640 : i32
    %mul3A_2 = arith.muli %arg1, %mul3A_1 : i32
    %mul3A_3 = arith.constant 640 : i32
    %mul3A_4 = arith.muli %arg1, %mul3A_3 : i32
    "tpu.region"() ({
      %run_scoped3A = tpu.sem_alloc : memref<!tpu.dma_semaphore, #tpu.memory_space<semaphore_mem>>
      %dma_start3A_145 = arith.constant 0 : i32
      %dma_start3A_146 = tpu.memref_slice %arg10[%mul3A_4, %dma_start3A_145] : memref<10240x128xf32, #tpu.memory_space<vmem_shared>> -> memref<640x128xf32, #tpu.memory_space<vmem_shared>>
      %dma_start3A_147 = arith.constant 0 : i32
      %dma_start3A_148 = tpu.memref_slice %arg4[%mul3A_2, %dma_start3A_147] : memref<10240x128xf32, #tpu.memory_space<hbm>> -> memref<640x128xf32, #tpu.memory_space<hbm>>
      tpu.enqueue_dma source(%dma_start3A_148 : memref<640x128xf32, #tpu.memory_space<hbm>>) target(%dma_start3A_146 : memref<640x128xf32, #tpu.memory_space<vmem_shared>>) target_semaphore(%run_scoped3A : memref<!tpu.dma_semaphore, #tpu.memory_space<semaphore_mem>>)
      %dma_wait3A_149 = arith.constant 0 : i32
      %dma_wait3A_150 = tpu.memref_slice %arg10[%mul3A_4, %dma_wait3A_149] : memref<10240x128xf32, #tpu.memory_space<vmem_shared>> -> memref<640x128xf32, #tpu.memory_space<vmem_shared>>
      %dma_wait3A_151 = arith.constant 0 : i32
      %dma_wait3A_152 = tpu.memref_slice %arg4[%mul3A_2, %dma_wait3A_151] : memref<10240x128xf32, #tpu.memory_space<hbm>> -> memref<640x128xf32, #tpu.memory_space<hbm>>
      tpu.wait_dma2 semaphore(%run_scoped3A : memref<!tpu.dma_semaphore, #tpu.memory_space<semaphore_mem>>) src(%dma_wait3A_152 : memref<640x128xf32, #tpu.memory_space<hbm>>) dst(%dma_wait3A_150 : memref<640x128xf32, #tpu.memory_space<vmem_shared>>)
      tpu.yield
    }) : () -> ()
    "tpu.region"() ({
      %run_scoped3A = tpu.sem_alloc : memref<!tpu.dma_semaphore, #tpu.memory_space<semaphore_mem>>
      %dma_start3A_145 = arith.constant 0 : i32
      %dma_start3A_146 = arith.constant 0 : i32
      %dma_start3A_147 = tpu.memref_slice %arg3[%add3A, %dma_start3A_145, %dma_start3A_146] : memref<32x125x80xi32, #tpu.memory_space<hbm>> -> memref<1x125x80xi32, #tpu.memory_space<hbm>>
      %dma_start3A_148 = tpu.memref_squeeze %dma_start3A_147 : memref<1x125x80xi32, #tpu.memory_space<hbm>> -> memref<125x80xi32, #tpu.memory_space<hbm>>
      %dma_start3A_149 = arith.constant 0 : i32
      %dma_start3A_150 = arith.constant 0 : i32
      %dma_start3A_151 = tpu.memref_slice %arg3[%add3A, %dma_start3A_149, %dma_start3A_150] : memref<32x125x80xi32, #tpu.memory_space<hbm>> -> memref<1x125x80xi32, #tpu.memory_space<hbm>>
      %dma_start3A_152 = tpu.memref_squeeze %dma_start3A_151 : memref<1x125x80xi32, #tpu.memory_space<hbm>> -> memref<125x80xi32, #tpu.memory_space<hbm>>
      tpu.enqueue_dma source(%dma_start3A_152 : memref<125x80xi32, #tpu.memory_space<hbm>>) target(%arg6 : memref<125x80xi32, #tpu.memory_space<vmem>>) target_semaphore(%run_scoped3A : memref<!tpu.dma_semaphore, #tpu.memory_space<semaphore_mem>>)
      %dma_wait3A_153 = arith.constant 0 : i32
      %dma_wait3A_154 = arith.constant 0 : i32
      %dma_wait3A_155 = tpu.memref_slice %arg3[%add3A, %dma_wait3A_153, %dma_wait3A_154] : memref<32x125x80xi32, #tpu.memory_space<hbm>> -> memref<1x125x80xi32, #tpu.memory_space<hbm>>
      %dma_wait3A_156 = tpu.memref_squeeze %dma_wait3A_155 : memref<1x125x80xi32, #tpu.memory_space<hbm>> -> memref<125x80xi32, #tpu.memory_space<hbm>>
      %dma_wait3A_157 = arith.constant 0 : i32
      %dma_wait3A_158 = arith.constant 0 : i32
      %dma_wait3A_159 = tpu.memref_slice %arg3[%add3A, %dma_wait3A_157, %dma_wait3A_158] : memref<32x125x80xi32, #tpu.memory_space<hbm>> -> memref<1x125x80xi32, #tpu.memory_space<hbm>>
      %dma_wait3A_160 = tpu.memref_squeeze %dma_wait3A_159 : memref<1x125x80xi32, #tpu.memory_space<hbm>> -> memref<125x80xi32, #tpu.memory_space<hbm>>
      tpu.wait_dma2 semaphore(%run_scoped3A : memref<!tpu.dma_semaphore, #tpu.memory_space<semaphore_mem>>) src(%dma_wait3A_160 : memref<125x80xi32, #tpu.memory_space<hbm>>) dst(%arg6 : memref<125x80xi32, #tpu.memory_space<vmem>>)
      tpu.yield
    }) : () -> ()
    %barrier3A = arith.constant 0 : index
    tpu.barrier barrier_id(%barrier3A)
    %mul3A_5 = arith.constant 10000 : i32
    %mul3A_6 = arith.muli %add3A, %mul3A_5 : i32
    %add3A_7 = arith.constant 0 : i32
    %add3A_8 = arith.addi %mul3A_6, %add3A_7 : i32
    %dma_start3A = arith.constant 0 : i32
    %dma_start3A_9 = tpu.memref_slice %arg2[%add3A_8, %dma_start3A] : memref<320000x128xf32, #tpu.memory_space<hbm>> -> memref<80x128xf32, #tpu.memory_space<hbm>>
    %dma_start3A_10 = arith.constant 0 : i32
    %dma_start3A_11 = tpu.memref_slice %arg2[%add3A_8, %dma_start3A_10] : memref<320000x128xf32, #tpu.memory_space<hbm>> -> memref<80x128xf32, #tpu.memory_space<hbm>>
    tpu.enqueue_dma source(%dma_start3A_11 : memref<80x128xf32, #tpu.memory_space<hbm>>) target(%arg7 : memref<80x128xf32, #tpu.memory_space<vmem>>) target_semaphore(%arg11 : memref<!tpu.dma_semaphore, #tpu.memory_space<semaphore_mem>>)
    %add3A_12 = arith.constant 80 : i32
    %add3A_13 = arith.addi %mul3A_6, %add3A_12 : i32
    %dma_start3A_14 = arith.constant 0 : i32
    %dma_start3A_15 = tpu.memref_slice %arg2[%add3A_13, %dma_start3A_14] : memref<320000x128xf32, #tpu.memory_space<hbm>> -> memref<80x128xf32, #tpu.memory_space<hbm>>
    %dma_start3A_16 = arith.constant 0 : i32
    %dma_start3A_17 = tpu.memref_slice %arg2[%add3A_13, %dma_start3A_16] : memref<320000x128xf32, #tpu.memory_space<hbm>> -> memref<80x128xf32, #tpu.memory_space<hbm>>
    tpu.enqueue_dma source(%dma_start3A_17 : memref<80x128xf32, #tpu.memory_space<hbm>>) target(%arg8 : memref<80x128xf32, #tpu.memory_space<vmem>>) target_semaphore(%arg12 : memref<!tpu.dma_semaphore, #tpu.memory_space<semaphore_mem>>)
    %dma_wait3A = arith.constant 0 : i32
    %dma_wait3A_18 = arith.constant 0 : i32
    %dma_wait3A_19 = tpu.memref_slice %arg2[%dma_wait3A, %dma_wait3A_18] : memref<320000x128xf32, #tpu.memory_space<hbm>> -> memref<80x128xf32, #tpu.memory_space<hbm>>
    %dma_wait3A_20 = arith.constant 0 : i32
    %dma_wait3A_21 = arith.constant 0 : i32
    %dma_wait3A_22 = tpu.memref_slice %arg2[%dma_wait3A_20, %dma_wait3A_21] : memref<320000x128xf32, #tpu.memory_space<hbm>> -> memref<80x128xf32, #tpu.memory_space<hbm>>
    tpu.wait_dma2 semaphore(%arg11 : memref<!tpu.dma_semaphore, #tpu.memory_space<semaphore_mem>>) src(%dma_wait3A_22 : memref<80x128xf32, #tpu.memory_space<hbm>>) dst(%arg7 : memref<80x128xf32, #tpu.memory_space<vmem>>)
    %dma_start3A_23 = arith.constant 0 : i32
    %dma_start3A_24 = arith.constant 0 : i32
    %dma_start3A_25 = tpu.memref_slice %arg6[%dma_start3A_23, %dma_start3A_24] : memref<125x80xi32, #tpu.memory_space<vmem>> -> memref<1x80xi32, #tpu.memory_space<vmem>>
    %dma_start3A_26 = tpu.memref_squeeze %dma_start3A_25 : memref<1x80xi32, #tpu.memory_space<vmem>> -> memref<80xi32, #tpu.memory_space<vmem>>
    %dma_start3A_27 = arith.constant 0 : i32
    %dma_start3A_28 = arith.constant 0 : i32
    %dma_start3A_29 = tpu.memref_slice %arg10[%dma_start3A_27, %dma_start3A_28] : memref<10240x128xf32, #tpu.memory_space<vmem_shared>> -> memref<10240x128xf32, #tpu.memory_space<vmem_shared>>
    tpu.enqueue_indirect_dma source(%arg7 : memref<80x128xf32, #tpu.memory_space<vmem>>) target(%dma_start3A_29 : memref<10240x128xf32, #tpu.memory_space<vmem_shared>>) offsets(%dma_start3A_26 : memref<80xi32, #tpu.memory_space<vmem>>) semaphore(%arg14 : memref<!tpu.dma_semaphore, #tpu.memory_space<semaphore_mem>>) {add = true}
    %add3A_30 = arith.constant 160 : i32
    %add3A_31 = arith.addi %mul3A_6, %add3A_30 : i32
    %dma_start3A_32 = arith.constant 0 : i32
    %dma_start3A_33 = tpu.memref_slice %arg2[%add3A_31, %dma_start3A_32] : memref<320000x128xf32, #tpu.memory_space<hbm>> -> memref<80x128xf32, #tpu.memory_space<hbm>>
    %dma_start3A_34 = arith.constant 0 : i32
    %dma_start3A_35 = tpu.memref_slice %arg2[%add3A_31, %dma_start3A_34] : memref<320000x128xf32, #tpu.memory_space<hbm>> -> memref<80x128xf32, #tpu.memory_space<hbm>>
    tpu.enqueue_dma source(%dma_start3A_35 : memref<80x128xf32, #tpu.memory_space<hbm>>) target(%arg9 : memref<80x128xf32, #tpu.memory_space<vmem>>) target_semaphore(%arg13 : memref<!tpu.dma_semaphore, #tpu.memory_space<semaphore_mem>>)
    %dma_wait3A_36 = arith.constant 0 : i32
    %dma_wait3A_37 = arith.constant 0 : i32
    %dma_wait3A_38 = tpu.memref_slice %arg2[%dma_wait3A_36, %dma_wait3A_37] : memref<320000x128xf32, #tpu.memory_space<hbm>> -> memref<80x128xf32, #tpu.memory_space<hbm>>
    %dma_wait3A_39 = arith.constant 0 : i32
    %dma_wait3A_40 = arith.constant 0 : i32
    %dma_wait3A_41 = tpu.memref_slice %arg2[%dma_wait3A_39, %dma_wait3A_40] : memref<320000x128xf32, #tpu.memory_space<hbm>> -> memref<80x128xf32, #tpu.memory_space<hbm>>
    tpu.wait_dma2 semaphore(%arg12 : memref<!tpu.dma_semaphore, #tpu.memory_space<semaphore_mem>>) src(%dma_wait3A_41 : memref<80x128xf32, #tpu.memory_space<hbm>>) dst(%arg8 : memref<80x128xf32, #tpu.memory_space<vmem>>)
    %dma_start3A_42 = arith.constant 1 : i32
    %dma_start3A_43 = arith.constant 0 : i32
    %dma_start3A_44 = tpu.memref_slice %arg6[%dma_start3A_42, %dma_start3A_43] : memref<125x80xi32, #tpu.memory_space<vmem>> -> memref<1x80xi32, #tpu.memory_space<vmem>>
    %dma_start3A_45 = tpu.memref_squeeze %dma_start3A_44 : memref<1x80xi32, #tpu.memory_space<vmem>> -> memref<80xi32, #tpu.memory_space<vmem>>
    %dma_start3A_46 = arith.constant 0 : i32
    %dma_start3A_47 = arith.constant 0 : i32
    %dma_start3A_48 = tpu.memref_slice %arg10[%dma_start3A_46, %dma_start3A_47] : memref<10240x128xf32, #tpu.memory_space<vmem_shared>> -> memref<10240x128xf32, #tpu.memory_space<vmem_shared>>
    tpu.enqueue_indirect_dma source(%arg8 : memref<80x128xf32, #tpu.memory_space<vmem>>) target(%dma_start3A_48 : memref<10240x128xf32, #tpu.memory_space<vmem_shared>>) offsets(%dma_start3A_45 : memref<80xi32, #tpu.memory_space<vmem>>) semaphore(%arg15 : memref<!tpu.dma_semaphore, #tpu.memory_space<semaphore_mem>>) {add = true}
    %dma_wait3A_49 = arith.constant 0 : i32
    %dma_wait3A_50 = arith.constant 0 : i32
    %dma_wait3A_51 = tpu.memref_slice %arg6[%dma_wait3A_49, %dma_wait3A_50] : memref<125x80xi32, #tpu.memory_space<vmem>> -> memref<1x80xi32, #tpu.memory_space<vmem>>
    %dma_wait3A_52 = tpu.memref_squeeze %dma_wait3A_51 : memref<1x80xi32, #tpu.memory_space<vmem>> -> memref<80xi32, #tpu.memory_space<vmem>>
    %dma_wait3A_53 = arith.constant 0 : i32
    %dma_wait3A_54 = arith.constant 0 : i32
    %dma_wait3A_55 = tpu.memref_slice %arg10[%dma_wait3A_53, %dma_wait3A_54] : memref<10240x128xf32, #tpu.memory_space<vmem_shared>> -> memref<10240x128xf32, #tpu.memory_space<vmem_shared>>
    tpu.wait_indirect_dma semaphore(%arg14 : memref<!tpu.dma_semaphore, #tpu.memory_space<semaphore_mem>>) src(%arg7 : memref<80x128xf32, #tpu.memory_space<vmem>>) dst(%dma_wait3A_55 : memref<10240x128xf32, #tpu.memory_space<vmem_shared>>)
    %add3A_56 = arith.constant 240 : i32
    %add3A_57 = arith.addi %mul3A_6, %add3A_56 : i32
    %dma_start3A_58 = arith.constant 0 : i32
    %dma_start3A_59 = tpu.memref_slice %arg2[%add3A_57, %dma_start3A_58] : memref<320000x128xf32, #tpu.memory_space<hbm>> -> memref<80x128xf32, #tpu.memory_space<hbm>>
    %dma_start3A_60 = arith.constant 0 : i32
    %dma_start3A_61 = tpu.memref_slice %arg2[%add3A_57, %dma_start3A_60] : memref<320000x128xf32, #tpu.memory_space<hbm>> -> memref<80x128xf32, #tpu.memory_space<hbm>>
    tpu.enqueue_dma source(%dma_start3A_61 : memref<80x128xf32, #tpu.memory_space<hbm>>) target(%arg7 : memref<80x128xf32, #tpu.memory_space<vmem>>) target_semaphore(%arg11 : memref<!tpu.dma_semaphore, #tpu.memory_space<semaphore_mem>>)
    %dma_wait3A_62 = arith.constant 0 : i32
    %dma_wait3A_63 = arith.constant 0 : i32
    %dma_wait3A_64 = tpu.memref_slice %arg2[%dma_wait3A_62, %dma_wait3A_63] : memref<320000x128xf32, #tpu.memory_space<hbm>> -> memref<80x128xf32, #tpu.memory_space<hbm>>
    %dma_wait3A_65 = arith.constant 0 : i32
    %dma_wait3A_66 = arith.constant 0 : i32
    %dma_wait3A_67 = tpu.memref_slice %arg2[%dma_wait3A_65, %dma_wait3A_66] : memref<320000x128xf32, #tpu.memory_space<hbm>> -> memref<80x128xf32, #tpu.memory_space<hbm>>
    tpu.wait_dma2 semaphore(%arg13 : memref<!tpu.dma_semaphore, #tpu.memory_space<semaphore_mem>>) src(%dma_wait3A_67 : memref<80x128xf32, #tpu.memory_space<hbm>>) dst(%arg9 : memref<80x128xf32, #tpu.memory_space<vmem>>)
    %dma_start3A_68 = arith.constant 2 : i32
    %dma_start3A_69 = arith.constant 0 : i32
    %dma_start3A_70 = tpu.memref_slice %arg6[%dma_start3A_68, %dma_start3A_69] : memref<125x80xi32, #tpu.memory_space<vmem>> -> memref<1x80xi32, #tpu.memory_space<vmem>>
    %dma_start3A_71 = tpu.memref_squeeze %dma_start3A_70 : memref<1x80xi32, #tpu.memory_space<vmem>> -> memref<80xi32, #tpu.memory_space<vmem>>
    %dma_start3A_72 = arith.constant 0 : i32
    %dma_start3A_73 = arith.constant 0 : i32
    %dma_start3A_74 = tpu.memref_slice %arg10[%dma_start3A_72, %dma_start3A_73] : memref<10240x128xf32, #tpu.memory_space<vmem_shared>> -> memref<10240x128xf32, #tpu.memory_space<vmem_shared>>
    tpu.enqueue_indirect_dma source(%arg9 : memref<80x128xf32, #tpu.memory_space<vmem>>) target(%dma_start3A_74 : memref<10240x128xf32, #tpu.memory_space<vmem_shared>>) offsets(%dma_start3A_71 : memref<80xi32, #tpu.memory_space<vmem>>) semaphore(%arg16 : memref<!tpu.dma_semaphore, #tpu.memory_space<semaphore_mem>>) {add = true}
    %dma_wait3A_75 = arith.constant 0 : i32
    %dma_wait3A_76 = arith.constant 0 : i32
    %dma_wait3A_77 = tpu.memref_slice %arg6[%dma_wait3A_75, %dma_wait3A_76] : memref<125x80xi32, #tpu.memory_space<vmem>> -> memref<1x80xi32, #tpu.memory_space<vmem>>
    %dma_wait3A_78 = tpu.memref_squeeze %dma_wait3A_77 : memref<1x80xi32, #tpu.memory_space<vmem>> -> memref<80xi32, #tpu.memory_space<vmem>>
    %dma_wait3A_79 = arith.constant 0 : i32
    %dma_wait3A_80 = arith.constant 0 : i32
    %dma_wait3A_81 = tpu.memref_slice %arg10[%dma_wait3A_79, %dma_wait3A_80] : memref<10240x128xf32, #tpu.memory_space<vmem_shared>> -> memref<10240x128xf32, #tpu.memory_space<vmem_shared>>
    tpu.wait_indirect_dma semaphore(%arg15 : memref<!tpu.dma_semaphore, #tpu.memory_space<semaphore_mem>>) src(%arg8 : memref<80x128xf32, #tpu.memory_space<vmem>>) dst(%dma_wait3A_81 : memref<10240x128xf32, #tpu.memory_space<vmem_shared>>)
    %add3A_82 = arith.constant 320 : i32
    %add3A_83 = arith.addi %mul3A_6, %add3A_82 : i32
    %dma_start3A_84 = arith.constant 0 : i32
    %dma_start3A_85 = tpu.memref_slice %arg2[%add3A_83, %dma_start3A_84] : memref<320000x128xf32, #tpu.memory_space<hbm>> -> memref<80x128xf32, #tpu.memory_space<hbm>>
    %dma_start3A_86 = arith.constant 0 : i32
    %dma_start3A_87 = tpu.memref_slice %arg2[%add3A_83, %dma_start3A_86] : memref<320000x128xf32, #tpu.memory_space<hbm>> -> memref<80x128xf32, #tpu.memory_space<hbm>>
    tpu.enqueue_dma source(%dma_start3A_87 : memref<80x128xf32, #tpu.memory_space<hbm>>) target(%arg8 : memref<80x128xf32, #tpu.memory_space<vmem>>) target_semaphore(%arg12 : memref<!tpu.dma_semaphore, #tpu.memory_space<semaphore_mem>>)
    %scan3A = arith.constant 0 : i32
    %scan3A_88 = arith.constant 1 : i32
    %scan3A_89 = arith.constant 40 : i32
    %scan3A_90 = arith.addi %scan3A_88, %scan3A_89 : i32
    %scan3A_91 = arith.constant 1 : i32
    scf.for %scan3A_145 = %scan3A_88 to %scan3A_90 step %scan3A_91  : i32 {
      %mul3A_146 = arith.constant 3 : i32
      %mul3A_147 = arith.muli %mul3A_146, %scan3A_145 : i32
      %dma_wait3A_148 = arith.constant 0 : i32
      %dma_wait3A_149 = arith.constant 0 : i32
      %dma_wait3A_150 = tpu.memref_slice %arg2[%dma_wait3A_148, %dma_wait3A_149] : memref<320000x128xf32, #tpu.memory_space<hbm>> -> memref<80x128xf32, #tpu.memory_space<hbm>>
      %dma_wait3A_151 = arith.constant 0 : i32
      %dma_wait3A_152 = arith.constant 0 : i32
      %dma_wait3A_153 = tpu.memref_slice %arg2[%dma_wait3A_151, %dma_wait3A_152] : memref<320000x128xf32, #tpu.memory_space<hbm>> -> memref<80x128xf32, #tpu.memory_space<hbm>>
      tpu.wait_dma2 semaphore(%arg11 : memref<!tpu.dma_semaphore, #tpu.memory_space<semaphore_mem>>) src(%dma_wait3A_153 : memref<80x128xf32, #tpu.memory_space<hbm>>) dst(%arg7 : memref<80x128xf32, #tpu.memory_space<vmem>>)
      %dma_start3A_154 = arith.constant 0 : i32
      %dma_start3A_155 = tpu.memref_slice %arg6[%mul3A_147, %dma_start3A_154] : memref<125x80xi32, #tpu.memory_space<vmem>> -> memref<1x80xi32, #tpu.memory_space<vmem>>
      %dma_start3A_156 = tpu.memref_squeeze %dma_start3A_155 : memref<1x80xi32, #tpu.memory_space<vmem>> -> memref<80xi32, #tpu.memory_space<vmem>>
      %dma_start3A_157 = arith.constant 0 : i32
      %dma_start3A_158 = arith.constant 0 : i32
      %dma_start3A_159 = tpu.memref_slice %arg10[%dma_start3A_157, %dma_start3A_158] : memref<10240x128xf32, #tpu.memory_space<vmem_shared>> -> memref<10240x128xf32, #tpu.memory_space<vmem_shared>>
      tpu.enqueue_indirect_dma source(%arg7 : memref<80x128xf32, #tpu.memory_space<vmem>>) target(%dma_start3A_159 : memref<10240x128xf32, #tpu.memory_space<vmem_shared>>) offsets(%dma_start3A_156 : memref<80xi32, #tpu.memory_space<vmem>>) semaphore(%arg14 : memref<!tpu.dma_semaphore, #tpu.memory_space<semaphore_mem>>) {add = true}
      %dma_wait3A_160 = arith.constant 0 : i32
      %dma_wait3A_161 = arith.constant 0 : i32
      %dma_wait3A_162 = tpu.memref_slice %arg6[%dma_wait3A_160, %dma_wait3A_161] : memref<125x80xi32, #tpu.memory_space<vmem>> -> memref<1x80xi32, #tpu.memory_space<vmem>>
      %dma_wait3A_163 = tpu.memref_squeeze %dma_wait3A_162 : memref<1x80xi32, #tpu.memory_space<vmem>> -> memref<80xi32, #tpu.memory_space<vmem>>
      %dma_wait3A_164 = arith.constant 0 : i32
      %dma_wait3A_165 = arith.constant 0 : i32
      %dma_wait3A_166 = tpu.memref_slice %arg10[%dma_wait3A_164, %dma_wait3A_165] : memref<10240x128xf32, #tpu.memory_space<vmem_shared>> -> memref<10240x128xf32, #tpu.memory_space<vmem_shared>>
      tpu.wait_indirect_dma semaphore(%arg16 : memref<!tpu.dma_semaphore, #tpu.memory_space<semaphore_mem>>) src(%arg9 : memref<80x128xf32, #tpu.memory_space<vmem>>) dst(%dma_wait3A_166 : memref<10240x128xf32, #tpu.memory_space<vmem_shared>>)
      %add3A_167 = arith.constant 2 : i32
      %add3A_168 = arith.addi %mul3A_147, %add3A_167 : i32
      %mul3A_169 = arith.constant 80 : i32
      %mul3A_170 = arith.muli %add3A_168, %mul3A_169 : i32
      %add3A_171 = arith.addi %mul3A_6, %mul3A_170 : i32
      %dma_start3A_172 = arith.constant 0 : i32
      %dma_start3A_173 = tpu.memref_slice %arg2[%add3A_171, %dma_start3A_172] : memref<320000x128xf32, #tpu.memory_space<hbm>> -> memref<80x128xf32, #tpu.memory_space<hbm>>
      %dma_start3A_174 = arith.constant 0 : i32
      %dma_start3A_175 = tpu.memref_slice %arg2[%add3A_171, %dma_start3A_174] : memref<320000x128xf32, #tpu.memory_space<hbm>> -> memref<80x128xf32, #tpu.memory_space<hbm>>
      tpu.enqueue_dma source(%dma_start3A_175 : memref<80x128xf32, #tpu.memory_space<hbm>>) target(%arg9 : memref<80x128xf32, #tpu.memory_space<vmem>>) target_semaphore(%arg13 : memref<!tpu.dma_semaphore, #tpu.memory_space<semaphore_mem>>)
      %dma_wait3A_176 = arith.constant 0 : i32
      %dma_wait3A_177 = arith.constant 0 : i32
      %dma_wait3A_178 = tpu.memref_slice %arg2[%dma_wait3A_176, %dma_wait3A_177] : memref<320000x128xf32, #tpu.memory_space<hbm>> -> memref<80x128xf32, #tpu.memory_space<hbm>>
      %dma_wait3A_179 = arith.constant 0 : i32
      %dma_wait3A_180 = arith.constant 0 : i32
      %dma_wait3A_181 = tpu.memref_slice %arg2[%dma_wait3A_179, %dma_wait3A_180] : memref<320000x128xf32, #tpu.memory_space<hbm>> -> memref<80x128xf32, #tpu.memory_space<hbm>>
      tpu.wait_dma2 semaphore(%arg12 : memref<!tpu.dma_semaphore, #tpu.memory_space<semaphore_mem>>) src(%dma_wait3A_181 : memref<80x128xf32, #tpu.memory_space<hbm>>) dst(%arg8 : memref<80x128xf32, #tpu.memory_space<vmem>>)
      %add3A_182 = arith.constant 1 : i32
      %add3A_183 = arith.addi %mul3A_147, %add3A_182 : i32
      %dma_start3A_184 = arith.constant 0 : i32
      %dma_start3A_185 = tpu.memref_slice %arg6[%add3A_183, %dma_start3A_184] : memref<125x80xi32, #tpu.memory_space<vmem>> -> memref<1x80xi32, #tpu.memory_space<vmem>>
      %dma_start3A_186 = tpu.memref_squeeze %dma_start3A_185 : memref<1x80xi32, #tpu.memory_space<vmem>> -> memref<80xi32, #tpu.memory_space<vmem>>
      %dma_start3A_187 = arith.constant 0 : i32
      %dma_start3A_188 = arith.constant 0 : i32
      %dma_start3A_189 = tpu.memref_slice %arg10[%dma_start3A_187, %dma_start3A_188] : memref<10240x128xf32, #tpu.memory_space<vmem_shared>> -> memref<10240x128xf32, #tpu.memory_space<vmem_shared>>
      tpu.enqueue_indirect_dma source(%arg8 : memref<80x128xf32, #tpu.memory_space<vmem>>) target(%dma_start3A_189 : memref<10240x128xf32, #tpu.memory_space<vmem_shared>>) offsets(%dma_start3A_186 : memref<80xi32, #tpu.memory_space<vmem>>) semaphore(%arg15 : memref<!tpu.dma_semaphore, #tpu.memory_space<semaphore_mem>>) {add = true}
      %dma_wait3A_190 = arith.constant 0 : i32
      %dma_wait3A_191 = arith.constant 0 : i32
      %dma_wait3A_192 = tpu.memref_slice %arg6[%dma_wait3A_190, %dma_wait3A_191] : memref<125x80xi32, #tpu.memory_space<vmem>> -> memref<1x80xi32, #tpu.memory_space<vmem>>
      %dma_wait3A_193 = tpu.memref_squeeze %dma_wait3A_192 : memref<1x80xi32, #tpu.memory_space<vmem>> -> memref<80xi32, #tpu.memory_space<vmem>>
      %dma_wait3A_194 = arith.constant 0 : i32
      %dma_wait3A_195 = arith.constant 0 : i32
      %dma_wait3A_196 = tpu.memref_slice %arg10[%dma_wait3A_194, %dma_wait3A_195] : memref<10240x128xf32, #tpu.memory_space<vmem_shared>> -> memref<10240x128xf32, #tpu.memory_space<vmem_shared>>
      tpu.wait_indirect_dma semaphore(%arg14 : memref<!tpu.dma_semaphore, #tpu.memory_space<semaphore_mem>>) src(%arg7 : memref<80x128xf32, #tpu.memory_space<vmem>>) dst(%dma_wait3A_196 : memref<10240x128xf32, #tpu.memory_space<vmem_shared>>)
      %add3A_197 = arith.constant 3 : i32
      %add3A_198 = arith.addi %mul3A_147, %add3A_197 : i32
      %mul3A_199 = arith.constant 80 : i32
      %mul3A_200 = arith.muli %add3A_198, %mul3A_199 : i32
      %add3A_201 = arith.addi %mul3A_6, %mul3A_200 : i32
      %dma_start3A_202 = arith.constant 0 : i32
      %dma_start3A_203 = tpu.memref_slice %arg2[%add3A_201, %dma_start3A_202] : memref<320000x128xf32, #tpu.memory_space<hbm>> -> memref<80x128xf32, #tpu.memory_space<hbm>>
      %dma_start3A_204 = arith.constant 0 : i32
      %dma_start3A_205 = tpu.memref_slice %arg2[%add3A_201, %dma_start3A_204] : memref<320000x128xf32, #tpu.memory_space<hbm>> -> memref<80x128xf32, #tpu.memory_space<hbm>>
      tpu.enqueue_dma source(%dma_start3A_205 : memref<80x128xf32, #tpu.memory_space<hbm>>) target(%arg7 : memref<80x128xf32, #tpu.memory_space<vmem>>) target_semaphore(%arg11 : memref<!tpu.dma_semaphore, #tpu.memory_space<semaphore_mem>>)
      %dma_wait3A_206 = arith.constant 0 : i32
      %dma_wait3A_207 = arith.constant 0 : i32
      %dma_wait3A_208 = tpu.memref_slice %arg2[%dma_wait3A_206, %dma_wait3A_207] : memref<320000x128xf32, #tpu.memory_space<hbm>> -> memref<80x128xf32, #tpu.memory_space<hbm>>
      %dma_wait3A_209 = arith.constant 0 : i32
      %dma_wait3A_210 = arith.constant 0 : i32
      %dma_wait3A_211 = tpu.memref_slice %arg2[%dma_wait3A_209, %dma_wait3A_210] : memref<320000x128xf32, #tpu.memory_space<hbm>> -> memref<80x128xf32, #tpu.memory_space<hbm>>
      tpu.wait_dma2 semaphore(%arg13 : memref<!tpu.dma_semaphore, #tpu.memory_space<semaphore_mem>>) src(%dma_wait3A_211 : memref<80x128xf32, #tpu.memory_space<hbm>>) dst(%arg9 : memref<80x128xf32, #tpu.memory_space<vmem>>)
      %add3A_212 = arith.constant 2 : i32
      %add3A_213 = arith.addi %mul3A_147, %add3A_212 : i32
      %dma_start3A_214 = arith.constant 0 : i32
      %dma_start3A_215 = tpu.memref_slice %arg6[%add3A_213, %dma_start3A_214] : memref<125x80xi32, #tpu.memory_space<vmem>> -> memref<1x80xi32, #tpu.memory_space<vmem>>
      %dma_start3A_216 = tpu.memref_squeeze %dma_start3A_215 : memref<1x80xi32, #tpu.memory_space<vmem>> -> memref<80xi32, #tpu.memory_space<vmem>>
      %dma_start3A_217 = arith.constant 0 : i32
      %dma_start3A_218 = arith.constant 0 : i32
      %dma_start3A_219 = tpu.memref_slice %arg10[%dma_start3A_217, %dma_start3A_218] : memref<10240x128xf32, #tpu.memory_space<vmem_shared>> -> memref<10240x128xf32, #tpu.memory_space<vmem_shared>>
      tpu.enqueue_indirect_dma source(%arg9 : memref<80x128xf32, #tpu.memory_space<vmem>>) target(%dma_start3A_219 : memref<10240x128xf32, #tpu.memory_space<vmem_shared>>) offsets(%dma_start3A_216 : memref<80xi32, #tpu.memory_space<vmem>>) semaphore(%arg16 : memref<!tpu.dma_semaphore, #tpu.memory_space<semaphore_mem>>) {add = true}
      %dma_wait3A_220 = arith.constant 0 : i32
      %dma_wait3A_221 = arith.constant 0 : i32
      %dma_wait3A_222 = tpu.memref_slice %arg6[%dma_wait3A_220, %dma_wait3A_221] : memref<125x80xi32, #tpu.memory_space<vmem>> -> memref<1x80xi32, #tpu.memory_space<vmem>>
      %dma_wait3A_223 = tpu.memref_squeeze %dma_wait3A_222 : memref<1x80xi32, #tpu.memory_space<vmem>> -> memref<80xi32, #tpu.memory_space<vmem>>
      %dma_wait3A_224 = arith.constant 0 : i32
      %dma_wait3A_225 = arith.constant 0 : i32
      %dma_wait3A_226 = tpu.memref_slice %arg10[%dma_wait3A_224, %dma_wait3A_225] : memref<10240x128xf32, #tpu.memory_space<vmem_shared>> -> memref<10240x128xf32, #tpu.memory_space<vmem_shared>>
      tpu.wait_indirect_dma semaphore(%arg15 : memref<!tpu.dma_semaphore, #tpu.memory_space<semaphore_mem>>) src(%arg8 : memref<80x128xf32, #tpu.memory_space<vmem>>) dst(%dma_wait3A_226 : memref<10240x128xf32, #tpu.memory_space<vmem_shared>>)
      %add3A_227 = arith.constant 4 : i32
      %add3A_228 = arith.addi %mul3A_147, %add3A_227 : i32
      %mul3A_229 = arith.constant 80 : i32
      %mul3A_230 = arith.muli %add3A_228, %mul3A_229 : i32
      %add3A_231 = arith.addi %mul3A_6, %mul3A_230 : i32
      %dma_start3A_232 = arith.constant 0 : i32
      %dma_start3A_233 = tpu.memref_slice %arg2[%add3A_231, %dma_start3A_232] : memref<320000x128xf32, #tpu.memory_space<hbm>> -> memref<80x128xf32, #tpu.memory_space<hbm>>
      %dma_start3A_234 = arith.constant 0 : i32
      %dma_start3A_235 = tpu.memref_slice %arg2[%add3A_231, %dma_start3A_234] : memref<320000x128xf32, #tpu.memory_space<hbm>> -> memref<80x128xf32, #tpu.memory_space<hbm>>
      tpu.enqueue_dma source(%dma_start3A_235 : memref<80x128xf32, #tpu.memory_space<hbm>>) target(%arg8 : memref<80x128xf32, #tpu.memory_space<vmem>>) target_semaphore(%arg12 : memref<!tpu.dma_semaphore, #tpu.memory_space<semaphore_mem>>)
    }
    %scan3A_92 = arith.constant 40 : i32
    %dma_wait3A_93 = arith.constant 0 : i32
    %dma_wait3A_94 = arith.constant 0 : i32
    %dma_wait3A_95 = tpu.memref_slice %arg2[%dma_wait3A_93, %dma_wait3A_94] : memref<320000x128xf32, #tpu.memory_space<hbm>> -> memref<80x128xf32, #tpu.memory_space<hbm>>
    %dma_wait3A_96 = arith.constant 0 : i32
    %dma_wait3A_97 = arith.constant 0 : i32
    %dma_wait3A_98 = tpu.memref_slice %arg2[%dma_wait3A_96, %dma_wait3A_97] : memref<320000x128xf32, #tpu.memory_space<hbm>> -> memref<80x128xf32, #tpu.memory_space<hbm>>
    tpu.wait_dma2 semaphore(%arg11 : memref<!tpu.dma_semaphore, #tpu.memory_space<semaphore_mem>>) src(%dma_wait3A_98 : memref<80x128xf32, #tpu.memory_space<hbm>>) dst(%arg7 : memref<80x128xf32, #tpu.memory_space<vmem>>)
    %dma_start3A_99 = arith.constant 123 : i32
    %dma_start3A_100 = arith.constant 0 : i32
    %dma_start3A_101 = tpu.memref_slice %arg6[%dma_start3A_99, %dma_start3A_100] : memref<125x80xi32, #tpu.memory_space<vmem>> -> memref<1x80xi32, #tpu.memory_space<vmem>>
    %dma_start3A_102 = tpu.memref_squeeze %dma_start3A_101 : memref<1x80xi32, #tpu.memory_space<vmem>> -> memref<80xi32, #tpu.memory_space<vmem>>
    %dma_start3A_103 = arith.constant 0 : i32
    %dma_start3A_104 = arith.constant 0 : i32
    %dma_start3A_105 = tpu.memref_slice %arg10[%dma_start3A_103, %dma_start3A_104] : memref<10240x128xf32, #tpu.memory_space<vmem_shared>> -> memref<10240x128xf32, #tpu.memory_space<vmem_shared>>
    tpu.enqueue_indirect_dma source(%arg7 : memref<80x128xf32, #tpu.memory_space<vmem>>) target(%dma_start3A_105 : memref<10240x128xf32, #tpu.memory_space<vmem_shared>>) offsets(%dma_start3A_102 : memref<80xi32, #tpu.memory_space<vmem>>) semaphore(%arg14 : memref<!tpu.dma_semaphore, #tpu.memory_space<semaphore_mem>>) {add = true}
    %dma_wait3A_106 = arith.constant 0 : i32
    %dma_wait3A_107 = arith.constant 0 : i32
    %dma_wait3A_108 = tpu.memref_slice %arg2[%dma_wait3A_106, %dma_wait3A_107] : memref<320000x128xf32, #tpu.memory_space<hbm>> -> memref<80x128xf32, #tpu.memory_space<hbm>>
    %dma_wait3A_109 = arith.constant 0 : i32
    %dma_wait3A_110 = arith.constant 0 : i32
    %dma_wait3A_111 = tpu.memref_slice %arg2[%dma_wait3A_109, %dma_wait3A_110] : memref<320000x128xf32, #tpu.memory_space<hbm>> -> memref<80x128xf32, #tpu.memory_space<hbm>>
    tpu.wait_dma2 semaphore(%arg12 : memref<!tpu.dma_semaphore, #tpu.memory_space<semaphore_mem>>) src(%dma_wait3A_111 : memref<80x128xf32, #tpu.memory_space<hbm>>) dst(%arg8 : memref<80x128xf32, #tpu.memory_space<vmem>>)
    %dma_start3A_112 = arith.constant 124 : i32
    %dma_start3A_113 = arith.constant 0 : i32
    %dma_start3A_114 = tpu.memref_slice %arg6[%dma_start3A_112, %dma_start3A_113] : memref<125x80xi32, #tpu.memory_space<vmem>> -> memref<1x80xi32, #tpu.memory_space<vmem>>
    %dma_start3A_115 = tpu.memref_squeeze %dma_start3A_114 : memref<1x80xi32, #tpu.memory_space<vmem>> -> memref<80xi32, #tpu.memory_space<vmem>>
    %dma_start3A_116 = arith.constant 0 : i32
    %dma_start3A_117 = arith.constant 0 : i32
    %dma_start3A_118 = tpu.memref_slice %arg10[%dma_start3A_116, %dma_start3A_117] : memref<10240x128xf32, #tpu.memory_space<vmem_shared>> -> memref<10240x128xf32, #tpu.memory_space<vmem_shared>>
    tpu.enqueue_indirect_dma source(%arg8 : memref<80x128xf32, #tpu.memory_space<vmem>>) target(%dma_start3A_118 : memref<10240x128xf32, #tpu.memory_space<vmem_shared>>) offsets(%dma_start3A_115 : memref<80xi32, #tpu.memory_space<vmem>>) semaphore(%arg15 : memref<!tpu.dma_semaphore, #tpu.memory_space<semaphore_mem>>) {add = true}
    %dma_wait3A_119 = arith.constant 0 : i32
    %dma_wait3A_120 = arith.constant 0 : i32
    %dma_wait3A_121 = tpu.memref_slice %arg6[%dma_wait3A_119, %dma_wait3A_120] : memref<125x80xi32, #tpu.memory_space<vmem>> -> memref<1x80xi32, #tpu.memory_space<vmem>>
    %dma_wait3A_122 = tpu.memref_squeeze %dma_wait3A_121 : memref<1x80xi32, #tpu.memory_space<vmem>> -> memref<80xi32, #tpu.memory_space<vmem>>
    %dma_wait3A_123 = arith.constant 0 : i32
    %dma_wait3A_124 = arith.constant 0 : i32
    %dma_wait3A_125 = tpu.memref_slice %arg10[%dma_wait3A_123, %dma_wait3A_124] : memref<10240x128xf32, #tpu.memory_space<vmem_shared>> -> memref<10240x128xf32, #tpu.memory_space<vmem_shared>>
    tpu.wait_indirect_dma semaphore(%arg16 : memref<!tpu.dma_semaphore, #tpu.memory_space<semaphore_mem>>) src(%arg9 : memref<80x128xf32, #tpu.memory_space<vmem>>) dst(%dma_wait3A_125 : memref<10240x128xf32, #tpu.memory_space<vmem_shared>>)
    %dma_wait3A_126 = arith.constant 0 : i32
    %dma_wait3A_127 = arith.constant 0 : i32
    %dma_wait3A_128 = tpu.memref_slice %arg6[%dma_wait3A_126, %dma_wait3A_127] : memref<125x80xi32, #tpu.memory_space<vmem>> -> memref<1x80xi32, #tpu.memory_space<vmem>>
    %dma_wait3A_129 = tpu.memref_squeeze %dma_wait3A_128 : memref<1x80xi32, #tpu.memory_space<vmem>> -> memref<80xi32, #tpu.memory_space<vmem>>
    %dma_wait3A_130 = arith.constant 0 : i32
    %dma_wait3A_131 = arith.constant 0 : i32
    %dma_wait3A_132 = tpu.memref_slice %arg10[%dma_wait3A_130, %dma_wait3A_131] : memref<10240x128xf32, #tpu.memory_space<vmem_shared>> -> memref<10240x128xf32, #tpu.memory_space<vmem_shared>>
    tpu.wait_indirect_dma semaphore(%arg14 : memref<!tpu.dma_semaphore, #tpu.memory_space<semaphore_mem>>) src(%arg7 : memref<80x128xf32, #tpu.memory_space<vmem>>) dst(%dma_wait3A_132 : memref<10240x128xf32, #tpu.memory_space<vmem_shared>>)
    %dma_wait3A_133 = arith.constant 0 : i32
    %dma_wait3A_134 = arith.constant 0 : i32
    %dma_wait3A_135 = tpu.memref_slice %arg6[%dma_wait3A_133, %dma_wait3A_134] : memref<125x80xi32, #tpu.memory_space<vmem>> -> memref<1x80xi32, #tpu.memory_space<vmem>>
    %dma_wait3A_136 = tpu.memref_squeeze %dma_wait3A_135 : memref<1x80xi32, #tpu.memory_space<vmem>> -> memref<80xi32, #tpu.memory_space<vmem>>
    %dma_wait3A_137 = arith.constant 0 : i32
    %dma_wait3A_138 = arith.constant 0 : i32
    %dma_wait3A_139 = tpu.memref_slice %arg10[%dma_wait3A_137, %dma_wait3A_138] : memref<10240x128xf32, #tpu.memory_space<vmem_shared>> -> memref<10240x128xf32, #tpu.memory_space<vmem_shared>>
    tpu.wait_indirect_dma semaphore(%arg15 : memref<!tpu.dma_semaphore, #tpu.memory_space<semaphore_mem>>) src(%arg8 : memref<80x128xf32, #tpu.memory_space<vmem>>) dst(%dma_wait3A_139 : memref<10240x128xf32, #tpu.memory_space<vmem_shared>>)
    %barrier3A_140 = arith.constant 0 : index
    tpu.barrier barrier_id(%barrier3A_140)
    %mul3A_141 = arith.constant 640 : i32
    %mul3A_142 = arith.muli %arg1, %mul3A_141 : i32
    %mul3A_143 = arith.constant 640 : i32
    %mul3A_144 = arith.muli %arg1, %mul3A_143 : i32
    "tpu.region"() ({
      %run_scoped3A = tpu.sem_alloc : memref<!tpu.dma_semaphore, #tpu.memory_space<semaphore_mem>>
      %dma_start3A_145 = arith.constant 0 : i32
      %dma_start3A_146 = tpu.memref_slice %arg5[%arg0, %mul3A_144, %dma_start3A_145] : memref<2x10240x128xf32, #tpu.memory_space<hbm>> -> memref<1x640x128xf32, #tpu.memory_space<hbm>>
      %dma_start3A_147 = tpu.memref_squeeze %dma_start3A_146 : memref<1x640x128xf32, #tpu.memory_space<hbm>> -> memref<640x128xf32, #tpu.memory_space<hbm>>
      %dma_start3A_148 = arith.constant 0 : i32
      %dma_start3A_149 = tpu.memref_slice %arg10[%mul3A_142, %dma_start3A_148] : memref<10240x128xf32, #tpu.memory_space<vmem_shared>> -> memref<640x128xf32, #tpu.memory_space<vmem_shared>>
      tpu.enqueue_dma source(%dma_start3A_149 : memref<640x128xf32, #tpu.memory_space<vmem_shared>>) target(%dma_start3A_147 : memref<640x128xf32, #tpu.memory_space<hbm>>) target_semaphore(%run_scoped3A : memref<!tpu.dma_semaphore, #tpu.memory_space<semaphore_mem>>)
      %dma_wait3A_150 = arith.constant 0 : i32
      %dma_wait3A_151 = tpu.memref_slice %arg5[%arg0, %mul3A_144, %dma_wait3A_150] : memref<2x10240x128xf32, #tpu.memory_space<hbm>> -> memref<1x640x128xf32, #tpu.memory_space<hbm>>
      %dma_wait3A_152 = tpu.memref_squeeze %dma_wait3A_151 : memref<1x640x128xf32, #tpu.memory_space<hbm>> -> memref<640x128xf32, #tpu.memory_space<hbm>>
      %dma_wait3A_153 = arith.constant 0 : i32
      %dma_wait3A_154 = tpu.memref_slice %arg10[%mul3A_142, %dma_wait3A_153] : memref<10240x128xf32, #tpu.memory_space<vmem_shared>> -> memref<640x128xf32, #tpu.memory_space<vmem_shared>>
      tpu.wait_dma2 semaphore(%run_scoped3A : memref<!tpu.dma_semaphore, #tpu.memory_space<semaphore_mem>>) src(%dma_wait3A_154 : memref<640x128xf32, #tpu.memory_space<vmem_shared>>) dst(%dma_wait3A_152 : memref<640x128xf32, #tpu.memory_space<hbm>>)
      tpu.yield
    }) : () -> ()
    return
  }
}

#map = affine_map<(d0, d1) -> (0, 0)>
#map1 = affine_map<(d0, d1) -> (0, 0, 0)>
module attributes {stable_mosaic.version = 14 : i64} {
  func.func @k(%arg0: i32, %arg1: i32, %arg2: memref<10240x128xf32, #tpu.memory_space<hbm>>, %arg3: memref<32x125x80xi32, #tpu.memory_space<hbm>>, %arg4: memref<320000x128xf32, #tpu.memory_space<hbm>>, %arg5: memref<125x80xi32, #tpu.memory_space<vmem>>, %arg6: memref<80x128xf32, #tpu.memory_space<vmem>>, %arg7: memref<80x128xf32, #tpu.memory_space<vmem>>, %arg8: memref<80x128xf32, #tpu.memory_space<vmem>>, %arg9: memref<10240x128xf32, #tpu.memory_space<vmem_shared>>, %arg10: memref<!tpu.dma_semaphore, #tpu.memory_space<semaphore_mem>>, %arg11: memref<!tpu.dma_semaphore, #tpu.memory_space<semaphore_mem>>, %arg12: memref<!tpu.dma_semaphore, #tpu.memory_space<semaphore_mem>>, %arg13: memref<!tpu.dma_semaphore, #tpu.memory_space<semaphore_mem>>, %arg14: memref<!tpu.dma_semaphore, #tpu.memory_space<semaphore_mem>>, %arg15: memref<!tpu.dma_semaphore, #tpu.memory_space<semaphore_mem>>) attributes {dimension_semantics = [#tpu.dimension_semantics<core_parallel>, #tpu.dimension_semantics<subcore_parallel>], iteration_bounds = array<i64: 2, 16>, scalar_prefetch = 0 : i64, scratch_operands = 11 : i64, tpu.core_type = #tpu.core_type<sc_vector_subcore>, window_params = [{transform_indices = #map}, {transform_indices = #map1}, {transform_indices = #map}]} {
    %mul3A = arith.constant 16 : i32
    %mul3A_0 = arith.muli %arg0, %mul3A : i32
    %add3A = arith.addi %mul3A_0, %arg1 : i32
    %mul3A_1 = arith.constant 640 : i32
    %mul3A_2 = arith.muli %arg1, %mul3A_1 : i32
    %mul3A_3 = arith.constant 640 : i32
    %mul3A_4 = arith.muli %arg1, %mul3A_3 : i32
    "tpu.region"() ({
      %run_scoped3A = tpu.sem_alloc : memref<!tpu.dma_semaphore, #tpu.memory_space<semaphore_mem>>
      %dma_start3A_140 = arith.constant 0 : i32
      %dma_start3A_141 = tpu.memref_slice %arg9[%mul3A_4, %dma_start3A_140] : memref<10240x128xf32, #tpu.memory_space<vmem_shared>> -> memref<640x128xf32, #tpu.memory_space<vmem_shared>>
      %dma_start3A_142 = arith.constant 0 : i32
      %dma_start3A_143 = tpu.memref_slice %arg2[%mul3A_2, %dma_start3A_142] : memref<10240x128xf32, #tpu.memory_space<hbm>> -> memref<640x128xf32, #tpu.memory_space<hbm>>
      tpu.enqueue_dma source(%dma_start3A_143 : memref<640x128xf32, #tpu.memory_space<hbm>>) target(%dma_start3A_141 : memref<640x128xf32, #tpu.memory_space<vmem_shared>>) target_semaphore(%run_scoped3A : memref<!tpu.dma_semaphore, #tpu.memory_space<semaphore_mem>>)
      %dma_wait3A_144 = arith.constant 0 : i32
      %dma_wait3A_145 = tpu.memref_slice %arg9[%mul3A_4, %dma_wait3A_144] : memref<10240x128xf32, #tpu.memory_space<vmem_shared>> -> memref<640x128xf32, #tpu.memory_space<vmem_shared>>
      %dma_wait3A_146 = arith.constant 0 : i32
      %dma_wait3A_147 = tpu.memref_slice %arg2[%mul3A_2, %dma_wait3A_146] : memref<10240x128xf32, #tpu.memory_space<hbm>> -> memref<640x128xf32, #tpu.memory_space<hbm>>
      tpu.wait_dma2 semaphore(%run_scoped3A : memref<!tpu.dma_semaphore, #tpu.memory_space<semaphore_mem>>) src(%dma_wait3A_147 : memref<640x128xf32, #tpu.memory_space<hbm>>) dst(%dma_wait3A_145 : memref<640x128xf32, #tpu.memory_space<vmem_shared>>)
      tpu.yield
    }) : () -> ()
    "tpu.region"() ({
      %run_scoped3A = tpu.sem_alloc : memref<!tpu.dma_semaphore, #tpu.memory_space<semaphore_mem>>
      %dma_start3A_140 = arith.constant 0 : i32
      %dma_start3A_141 = arith.constant 0 : i32
      %dma_start3A_142 = tpu.memref_slice %arg3[%add3A, %dma_start3A_140, %dma_start3A_141] : memref<32x125x80xi32, #tpu.memory_space<hbm>> -> memref<1x125x80xi32, #tpu.memory_space<hbm>>
      %dma_start3A_143 = tpu.memref_squeeze %dma_start3A_142 : memref<1x125x80xi32, #tpu.memory_space<hbm>> -> memref<125x80xi32, #tpu.memory_space<hbm>>
      %dma_start3A_144 = arith.constant 0 : i32
      %dma_start3A_145 = arith.constant 0 : i32
      %dma_start3A_146 = tpu.memref_slice %arg3[%add3A, %dma_start3A_144, %dma_start3A_145] : memref<32x125x80xi32, #tpu.memory_space<hbm>> -> memref<1x125x80xi32, #tpu.memory_space<hbm>>
      %dma_start3A_147 = tpu.memref_squeeze %dma_start3A_146 : memref<1x125x80xi32, #tpu.memory_space<hbm>> -> memref<125x80xi32, #tpu.memory_space<hbm>>
      tpu.enqueue_dma source(%dma_start3A_147 : memref<125x80xi32, #tpu.memory_space<hbm>>) target(%arg5 : memref<125x80xi32, #tpu.memory_space<vmem>>) target_semaphore(%run_scoped3A : memref<!tpu.dma_semaphore, #tpu.memory_space<semaphore_mem>>)
      %dma_wait3A_148 = arith.constant 0 : i32
      %dma_wait3A_149 = arith.constant 0 : i32
      %dma_wait3A_150 = tpu.memref_slice %arg3[%add3A, %dma_wait3A_148, %dma_wait3A_149] : memref<32x125x80xi32, #tpu.memory_space<hbm>> -> memref<1x125x80xi32, #tpu.memory_space<hbm>>
      %dma_wait3A_151 = tpu.memref_squeeze %dma_wait3A_150 : memref<1x125x80xi32, #tpu.memory_space<hbm>> -> memref<125x80xi32, #tpu.memory_space<hbm>>
      %dma_wait3A_152 = arith.constant 0 : i32
      %dma_wait3A_153 = arith.constant 0 : i32
      %dma_wait3A_154 = tpu.memref_slice %arg3[%add3A, %dma_wait3A_152, %dma_wait3A_153] : memref<32x125x80xi32, #tpu.memory_space<hbm>> -> memref<1x125x80xi32, #tpu.memory_space<hbm>>
      %dma_wait3A_155 = tpu.memref_squeeze %dma_wait3A_154 : memref<1x125x80xi32, #tpu.memory_space<hbm>> -> memref<125x80xi32, #tpu.memory_space<hbm>>
      tpu.wait_dma2 semaphore(%run_scoped3A : memref<!tpu.dma_semaphore, #tpu.memory_space<semaphore_mem>>) src(%dma_wait3A_155 : memref<125x80xi32, #tpu.memory_space<hbm>>) dst(%arg5 : memref<125x80xi32, #tpu.memory_space<vmem>>)
      tpu.yield
    }) : () -> ()
    %barrier3A = arith.constant 0 : index
    tpu.barrier barrier_id(%barrier3A)
    %mul3A_5 = arith.constant 10000 : i32
    %mul3A_6 = arith.muli %add3A, %mul3A_5 : i32
    %dma_start3A = arith.constant 0 : i32
    %dma_start3A_7 = arith.constant 0 : i32
    %dma_start3A_8 = tpu.memref_slice %arg5[%dma_start3A, %dma_start3A_7] : memref<125x80xi32, #tpu.memory_space<vmem>> -> memref<1x80xi32, #tpu.memory_space<vmem>>
    %dma_start3A_9 = tpu.memref_squeeze %dma_start3A_8 : memref<1x80xi32, #tpu.memory_space<vmem>> -> memref<80xi32, #tpu.memory_space<vmem>>
    %dma_start3A_10 = arith.constant 0 : i32
    %dma_start3A_11 = arith.constant 0 : i32
    %dma_start3A_12 = tpu.memref_slice %arg9[%dma_start3A_10, %dma_start3A_11] : memref<10240x128xf32, #tpu.memory_space<vmem_shared>> -> memref<10240x128xf32, #tpu.memory_space<vmem_shared>>
    tpu.enqueue_indirect_dma source(%dma_start3A_12 : memref<10240x128xf32, #tpu.memory_space<vmem_shared>>) target(%arg6 : memref<80x128xf32, #tpu.memory_space<vmem>>) offsets(%dma_start3A_9 : memref<80xi32, #tpu.memory_space<vmem>>) semaphore(%arg10 : memref<!tpu.dma_semaphore, #tpu.memory_space<semaphore_mem>>)
    %dma_start3A_13 = arith.constant 1 : i32
    %dma_start3A_14 = arith.constant 0 : i32
    %dma_start3A_15 = tpu.memref_slice %arg5[%dma_start3A_13, %dma_start3A_14] : memref<125x80xi32, #tpu.memory_space<vmem>> -> memref<1x80xi32, #tpu.memory_space<vmem>>
    %dma_start3A_16 = tpu.memref_squeeze %dma_start3A_15 : memref<1x80xi32, #tpu.memory_space<vmem>> -> memref<80xi32, #tpu.memory_space<vmem>>
    %dma_start3A_17 = arith.constant 0 : i32
    %dma_start3A_18 = arith.constant 0 : i32
    %dma_start3A_19 = tpu.memref_slice %arg9[%dma_start3A_17, %dma_start3A_18] : memref<10240x128xf32, #tpu.memory_space<vmem_shared>> -> memref<10240x128xf32, #tpu.memory_space<vmem_shared>>
    tpu.enqueue_indirect_dma source(%dma_start3A_19 : memref<10240x128xf32, #tpu.memory_space<vmem_shared>>) target(%arg7 : memref<80x128xf32, #tpu.memory_space<vmem>>) offsets(%dma_start3A_16 : memref<80xi32, #tpu.memory_space<vmem>>) semaphore(%arg11 : memref<!tpu.dma_semaphore, #tpu.memory_space<semaphore_mem>>)
    %dma_wait3A = arith.constant 0 : i32
    %dma_wait3A_20 = arith.constant 0 : i32
    %dma_wait3A_21 = tpu.memref_slice %arg5[%dma_wait3A, %dma_wait3A_20] : memref<125x80xi32, #tpu.memory_space<vmem>> -> memref<1x80xi32, #tpu.memory_space<vmem>>
    %dma_wait3A_22 = tpu.memref_squeeze %dma_wait3A_21 : memref<1x80xi32, #tpu.memory_space<vmem>> -> memref<80xi32, #tpu.memory_space<vmem>>
    %dma_wait3A_23 = arith.constant 0 : i32
    %dma_wait3A_24 = arith.constant 0 : i32
    %dma_wait3A_25 = tpu.memref_slice %arg9[%dma_wait3A_23, %dma_wait3A_24] : memref<10240x128xf32, #tpu.memory_space<vmem_shared>> -> memref<10240x128xf32, #tpu.memory_space<vmem_shared>>
    tpu.wait_indirect_dma semaphore(%arg10 : memref<!tpu.dma_semaphore, #tpu.memory_space<semaphore_mem>>) src(%dma_wait3A_25 : memref<10240x128xf32, #tpu.memory_space<vmem_shared>>) dst(%arg6 : memref<80x128xf32, #tpu.memory_space<vmem>>)
    %add3A_26 = arith.constant 0 : i32
    %add3A_27 = arith.addi %mul3A_6, %add3A_26 : i32
    %dma_start3A_28 = arith.constant 0 : i32
    %dma_start3A_29 = tpu.memref_slice %arg4[%add3A_27, %dma_start3A_28] : memref<320000x128xf32, #tpu.memory_space<hbm>> -> memref<80x128xf32, #tpu.memory_space<hbm>>
    %dma_start3A_30 = arith.constant 0 : i32
    %dma_start3A_31 = tpu.memref_slice %arg4[%add3A_27, %dma_start3A_30] : memref<320000x128xf32, #tpu.memory_space<hbm>> -> memref<80x128xf32, #tpu.memory_space<hbm>>
    tpu.enqueue_dma source(%arg6 : memref<80x128xf32, #tpu.memory_space<vmem>>) target(%dma_start3A_31 : memref<80x128xf32, #tpu.memory_space<hbm>>) target_semaphore(%arg13 : memref<!tpu.dma_semaphore, #tpu.memory_space<semaphore_mem>>)
    %dma_start3A_32 = arith.constant 2 : i32
    %dma_start3A_33 = arith.constant 0 : i32
    %dma_start3A_34 = tpu.memref_slice %arg5[%dma_start3A_32, %dma_start3A_33] : memref<125x80xi32, #tpu.memory_space<vmem>> -> memref<1x80xi32, #tpu.memory_space<vmem>>
    %dma_start3A_35 = tpu.memref_squeeze %dma_start3A_34 : memref<1x80xi32, #tpu.memory_space<vmem>> -> memref<80xi32, #tpu.memory_space<vmem>>
    %dma_start3A_36 = arith.constant 0 : i32
    %dma_start3A_37 = arith.constant 0 : i32
    %dma_start3A_38 = tpu.memref_slice %arg9[%dma_start3A_36, %dma_start3A_37] : memref<10240x128xf32, #tpu.memory_space<vmem_shared>> -> memref<10240x128xf32, #tpu.memory_space<vmem_shared>>
    tpu.enqueue_indirect_dma source(%dma_start3A_38 : memref<10240x128xf32, #tpu.memory_space<vmem_shared>>) target(%arg8 : memref<80x128xf32, #tpu.memory_space<vmem>>) offsets(%dma_start3A_35 : memref<80xi32, #tpu.memory_space<vmem>>) semaphore(%arg12 : memref<!tpu.dma_semaphore, #tpu.memory_space<semaphore_mem>>)
    %dma_wait3A_39 = arith.constant 0 : i32
    %dma_wait3A_40 = arith.constant 0 : i32
    %dma_wait3A_41 = tpu.memref_slice %arg5[%dma_wait3A_39, %dma_wait3A_40] : memref<125x80xi32, #tpu.memory_space<vmem>> -> memref<1x80xi32, #tpu.memory_space<vmem>>
    %dma_wait3A_42 = tpu.memref_squeeze %dma_wait3A_41 : memref<1x80xi32, #tpu.memory_space<vmem>> -> memref<80xi32, #tpu.memory_space<vmem>>
    %dma_wait3A_43 = arith.constant 0 : i32
    %dma_wait3A_44 = arith.constant 0 : i32
    %dma_wait3A_45 = tpu.memref_slice %arg9[%dma_wait3A_43, %dma_wait3A_44] : memref<10240x128xf32, #tpu.memory_space<vmem_shared>> -> memref<10240x128xf32, #tpu.memory_space<vmem_shared>>
    tpu.wait_indirect_dma semaphore(%arg11 : memref<!tpu.dma_semaphore, #tpu.memory_space<semaphore_mem>>) src(%dma_wait3A_45 : memref<10240x128xf32, #tpu.memory_space<vmem_shared>>) dst(%arg7 : memref<80x128xf32, #tpu.memory_space<vmem>>)
    %add3A_46 = arith.constant 80 : i32
    %add3A_47 = arith.addi %mul3A_6, %add3A_46 : i32
    %dma_start3A_48 = arith.constant 0 : i32
    %dma_start3A_49 = tpu.memref_slice %arg4[%add3A_47, %dma_start3A_48] : memref<320000x128xf32, #tpu.memory_space<hbm>> -> memref<80x128xf32, #tpu.memory_space<hbm>>
    %dma_start3A_50 = arith.constant 0 : i32
    %dma_start3A_51 = tpu.memref_slice %arg4[%add3A_47, %dma_start3A_50] : memref<320000x128xf32, #tpu.memory_space<hbm>> -> memref<80x128xf32, #tpu.memory_space<hbm>>
    tpu.enqueue_dma source(%arg7 : memref<80x128xf32, #tpu.memory_space<vmem>>) target(%dma_start3A_51 : memref<80x128xf32, #tpu.memory_space<hbm>>) target_semaphore(%arg14 : memref<!tpu.dma_semaphore, #tpu.memory_space<semaphore_mem>>)
    %dma_wait3A_52 = arith.constant 0 : i32
    %dma_wait3A_53 = arith.constant 0 : i32
    %dma_wait3A_54 = tpu.memref_slice %arg4[%dma_wait3A_52, %dma_wait3A_53] : memref<320000x128xf32, #tpu.memory_space<hbm>> -> memref<80x128xf32, #tpu.memory_space<hbm>>
    %dma_wait3A_55 = arith.constant 0 : i32
    %dma_wait3A_56 = arith.constant 0 : i32
    %dma_wait3A_57 = tpu.memref_slice %arg4[%dma_wait3A_55, %dma_wait3A_56] : memref<320000x128xf32, #tpu.memory_space<hbm>> -> memref<80x128xf32, #tpu.memory_space<hbm>>
    tpu.wait_dma2 semaphore(%arg13 : memref<!tpu.dma_semaphore, #tpu.memory_space<semaphore_mem>>) src(%arg6 : memref<80x128xf32, #tpu.memory_space<vmem>>) dst(%dma_wait3A_57 : memref<80x128xf32, #tpu.memory_space<hbm>>)
    %dma_start3A_58 = arith.constant 3 : i32
    %dma_start3A_59 = arith.constant 0 : i32
    %dma_start3A_60 = tpu.memref_slice %arg5[%dma_start3A_58, %dma_start3A_59] : memref<125x80xi32, #tpu.memory_space<vmem>> -> memref<1x80xi32, #tpu.memory_space<vmem>>
    %dma_start3A_61 = tpu.memref_squeeze %dma_start3A_60 : memref<1x80xi32, #tpu.memory_space<vmem>> -> memref<80xi32, #tpu.memory_space<vmem>>
    %dma_start3A_62 = arith.constant 0 : i32
    %dma_start3A_63 = arith.constant 0 : i32
    %dma_start3A_64 = tpu.memref_slice %arg9[%dma_start3A_62, %dma_start3A_63] : memref<10240x128xf32, #tpu.memory_space<vmem_shared>> -> memref<10240x128xf32, #tpu.memory_space<vmem_shared>>
    tpu.enqueue_indirect_dma source(%dma_start3A_64 : memref<10240x128xf32, #tpu.memory_space<vmem_shared>>) target(%arg6 : memref<80x128xf32, #tpu.memory_space<vmem>>) offsets(%dma_start3A_61 : memref<80xi32, #tpu.memory_space<vmem>>) semaphore(%arg10 : memref<!tpu.dma_semaphore, #tpu.memory_space<semaphore_mem>>)
    %dma_wait3A_65 = arith.constant 0 : i32
    %dma_wait3A_66 = arith.constant 0 : i32
    %dma_wait3A_67 = tpu.memref_slice %arg5[%dma_wait3A_65, %dma_wait3A_66] : memref<125x80xi32, #tpu.memory_space<vmem>> -> memref<1x80xi32, #tpu.memory_space<vmem>>
    %dma_wait3A_68 = tpu.memref_squeeze %dma_wait3A_67 : memref<1x80xi32, #tpu.memory_space<vmem>> -> memref<80xi32, #tpu.memory_space<vmem>>
    %dma_wait3A_69 = arith.constant 0 : i32
    %dma_wait3A_70 = arith.constant 0 : i32
    %dma_wait3A_71 = tpu.memref_slice %arg9[%dma_wait3A_69, %dma_wait3A_70] : memref<10240x128xf32, #tpu.memory_space<vmem_shared>> -> memref<10240x128xf32, #tpu.memory_space<vmem_shared>>
    tpu.wait_indirect_dma semaphore(%arg12 : memref<!tpu.dma_semaphore, #tpu.memory_space<semaphore_mem>>) src(%dma_wait3A_71 : memref<10240x128xf32, #tpu.memory_space<vmem_shared>>) dst(%arg8 : memref<80x128xf32, #tpu.memory_space<vmem>>)
    %add3A_72 = arith.constant 160 : i32
    %add3A_73 = arith.addi %mul3A_6, %add3A_72 : i32
    %dma_start3A_74 = arith.constant 0 : i32
    %dma_start3A_75 = tpu.memref_slice %arg4[%add3A_73, %dma_start3A_74] : memref<320000x128xf32, #tpu.memory_space<hbm>> -> memref<80x128xf32, #tpu.memory_space<hbm>>
    %dma_start3A_76 = arith.constant 0 : i32
    %dma_start3A_77 = tpu.memref_slice %arg4[%add3A_73, %dma_start3A_76] : memref<320000x128xf32, #tpu.memory_space<hbm>> -> memref<80x128xf32, #tpu.memory_space<hbm>>
    tpu.enqueue_dma source(%arg8 : memref<80x128xf32, #tpu.memory_space<vmem>>) target(%dma_start3A_77 : memref<80x128xf32, #tpu.memory_space<hbm>>) target_semaphore(%arg15 : memref<!tpu.dma_semaphore, #tpu.memory_space<semaphore_mem>>)
    %dma_wait3A_78 = arith.constant 0 : i32
    %dma_wait3A_79 = arith.constant 0 : i32
    %dma_wait3A_80 = tpu.memref_slice %arg4[%dma_wait3A_78, %dma_wait3A_79] : memref<320000x128xf32, #tpu.memory_space<hbm>> -> memref<80x128xf32, #tpu.memory_space<hbm>>
    %dma_wait3A_81 = arith.constant 0 : i32
    %dma_wait3A_82 = arith.constant 0 : i32
    %dma_wait3A_83 = tpu.memref_slice %arg4[%dma_wait3A_81, %dma_wait3A_82] : memref<320000x128xf32, #tpu.memory_space<hbm>> -> memref<80x128xf32, #tpu.memory_space<hbm>>
    tpu.wait_dma2 semaphore(%arg14 : memref<!tpu.dma_semaphore, #tpu.memory_space<semaphore_mem>>) src(%arg7 : memref<80x128xf32, #tpu.memory_space<vmem>>) dst(%dma_wait3A_83 : memref<80x128xf32, #tpu.memory_space<hbm>>)
    %dma_start3A_84 = arith.constant 4 : i32
    %dma_start3A_85 = arith.constant 0 : i32
    %dma_start3A_86 = tpu.memref_slice %arg5[%dma_start3A_84, %dma_start3A_85] : memref<125x80xi32, #tpu.memory_space<vmem>> -> memref<1x80xi32, #tpu.memory_space<vmem>>
    %dma_start3A_87 = tpu.memref_squeeze %dma_start3A_86 : memref<1x80xi32, #tpu.memory_space<vmem>> -> memref<80xi32, #tpu.memory_space<vmem>>
    %dma_start3A_88 = arith.constant 0 : i32
    %dma_start3A_89 = arith.constant 0 : i32
    %dma_start3A_90 = tpu.memref_slice %arg9[%dma_start3A_88, %dma_start3A_89] : memref<10240x128xf32, #tpu.memory_space<vmem_shared>> -> memref<10240x128xf32, #tpu.memory_space<vmem_shared>>
    tpu.enqueue_indirect_dma source(%dma_start3A_90 : memref<10240x128xf32, #tpu.memory_space<vmem_shared>>) target(%arg7 : memref<80x128xf32, #tpu.memory_space<vmem>>) offsets(%dma_start3A_87 : memref<80xi32, #tpu.memory_space<vmem>>) semaphore(%arg11 : memref<!tpu.dma_semaphore, #tpu.memory_space<semaphore_mem>>)
    %scan3A = arith.constant 0 : i32
    %scan3A_91 = arith.constant 1 : i32
    %scan3A_92 = arith.constant 40 : i32
    %scan3A_93 = arith.addi %scan3A_91, %scan3A_92 : i32
    %scan3A_94 = arith.constant 1 : i32
    scf.for %scan3A_140 = %scan3A_91 to %scan3A_93 step %scan3A_94  : i32 {
      %mul3A_141 = arith.constant 3 : i32
      %mul3A_142 = arith.muli %mul3A_141, %scan3A_140 : i32
      %dma_wait3A_143 = arith.constant 0 : i32
      %dma_wait3A_144 = arith.constant 0 : i32
      %dma_wait3A_145 = tpu.memref_slice %arg5[%dma_wait3A_143, %dma_wait3A_144] : memref<125x80xi32, #tpu.memory_space<vmem>> -> memref<1x80xi32, #tpu.memory_space<vmem>>
      %dma_wait3A_146 = tpu.memref_squeeze %dma_wait3A_145 : memref<1x80xi32, #tpu.memory_space<vmem>> -> memref<80xi32, #tpu.memory_space<vmem>>
      %dma_wait3A_147 = arith.constant 0 : i32
      %dma_wait3A_148 = arith.constant 0 : i32
      %dma_wait3A_149 = tpu.memref_slice %arg9[%dma_wait3A_147, %dma_wait3A_148] : memref<10240x128xf32, #tpu.memory_space<vmem_shared>> -> memref<10240x128xf32, #tpu.memory_space<vmem_shared>>
      tpu.wait_indirect_dma semaphore(%arg10 : memref<!tpu.dma_semaphore, #tpu.memory_space<semaphore_mem>>) src(%dma_wait3A_149 : memref<10240x128xf32, #tpu.memory_space<vmem_shared>>) dst(%arg6 : memref<80x128xf32, #tpu.memory_space<vmem>>)
      %mul3A_150 = arith.constant 80 : i32
      %mul3A_151 = arith.muli %mul3A_142, %mul3A_150 : i32
      %add3A_152 = arith.addi %mul3A_6, %mul3A_151 : i32
      %dma_start3A_153 = arith.constant 0 : i32
      %dma_start3A_154 = tpu.memref_slice %arg4[%add3A_152, %dma_start3A_153] : memref<320000x128xf32, #tpu.memory_space<hbm>> -> memref<80x128xf32, #tpu.memory_space<hbm>>
      %dma_start3A_155 = arith.constant 0 : i32
      %dma_start3A_156 = tpu.memref_slice %arg4[%add3A_152, %dma_start3A_155] : memref<320000x128xf32, #tpu.memory_space<hbm>> -> memref<80x128xf32, #tpu.memory_space<hbm>>
      tpu.enqueue_dma source(%arg6 : memref<80x128xf32, #tpu.memory_space<vmem>>) target(%dma_start3A_156 : memref<80x128xf32, #tpu.memory_space<hbm>>) target_semaphore(%arg13 : memref<!tpu.dma_semaphore, #tpu.memory_space<semaphore_mem>>)
      %dma_wait3A_157 = arith.constant 0 : i32
      %dma_wait3A_158 = arith.constant 0 : i32
      %dma_wait3A_159 = tpu.memref_slice %arg4[%dma_wait3A_157, %dma_wait3A_158] : memref<320000x128xf32, #tpu.memory_space<hbm>> -> memref<80x128xf32, #tpu.memory_space<hbm>>
      %dma_wait3A_160 = arith.constant 0 : i32
      %dma_wait3A_161 = arith.constant 0 : i32
      %dma_wait3A_162 = tpu.memref_slice %arg4[%dma_wait3A_160, %dma_wait3A_161] : memref<320000x128xf32, #tpu.memory_space<hbm>> -> memref<80x128xf32, #tpu.memory_space<hbm>>
      tpu.wait_dma2 semaphore(%arg15 : memref<!tpu.dma_semaphore, #tpu.memory_space<semaphore_mem>>) src(%arg8 : memref<80x128xf32, #tpu.memory_space<vmem>>) dst(%dma_wait3A_162 : memref<80x128xf32, #tpu.memory_space<hbm>>)
      %add3A_163 = arith.constant 2 : i32
      %add3A_164 = arith.addi %mul3A_142, %add3A_163 : i32
      %dma_start3A_165 = arith.constant 0 : i32
      %dma_start3A_166 = tpu.memref_slice %arg5[%add3A_164, %dma_start3A_165] : memref<125x80xi32, #tpu.memory_space<vmem>> -> memref<1x80xi32, #tpu.memory_space<vmem>>
      %dma_start3A_167 = tpu.memref_squeeze %dma_start3A_166 : memref<1x80xi32, #tpu.memory_space<vmem>> -> memref<80xi32, #tpu.memory_space<vmem>>
      %dma_start3A_168 = arith.constant 0 : i32
      %dma_start3A_169 = arith.constant 0 : i32
      %dma_start3A_170 = tpu.memref_slice %arg9[%dma_start3A_168, %dma_start3A_169] : memref<10240x128xf32, #tpu.memory_space<vmem_shared>> -> memref<10240x128xf32, #tpu.memory_space<vmem_shared>>
      tpu.enqueue_indirect_dma source(%dma_start3A_170 : memref<10240x128xf32, #tpu.memory_space<vmem_shared>>) target(%arg8 : memref<80x128xf32, #tpu.memory_space<vmem>>) offsets(%dma_start3A_167 : memref<80xi32, #tpu.memory_space<vmem>>) semaphore(%arg12 : memref<!tpu.dma_semaphore, #tpu.memory_space<semaphore_mem>>)
      %dma_wait3A_171 = arith.constant 0 : i32
      %dma_wait3A_172 = arith.constant 0 : i32
      %dma_wait3A_173 = tpu.memref_slice %arg5[%dma_wait3A_171, %dma_wait3A_172] : memref<125x80xi32, #tpu.memory_space<vmem>> -> memref<1x80xi32, #tpu.memory_space<vmem>>
      %dma_wait3A_174 = tpu.memref_squeeze %dma_wait3A_173 : memref<1x80xi32, #tpu.memory_space<vmem>> -> memref<80xi32, #tpu.memory_space<vmem>>
      %dma_wait3A_175 = arith.constant 0 : i32
      %dma_wait3A_176 = arith.constant 0 : i32
      %dma_wait3A_177 = tpu.memref_slice %arg9[%dma_wait3A_175, %dma_wait3A_176] : memref<10240x128xf32, #tpu.memory_space<vmem_shared>> -> memref<10240x128xf32, #tpu.memory_space<vmem_shared>>
      tpu.wait_indirect_dma semaphore(%arg11 : memref<!tpu.dma_semaphore, #tpu.memory_space<semaphore_mem>>) src(%dma_wait3A_177 : memref<10240x128xf32, #tpu.memory_space<vmem_shared>>) dst(%arg7 : memref<80x128xf32, #tpu.memory_space<vmem>>)
      %add3A_178 = arith.constant 1 : i32
      %add3A_179 = arith.addi %mul3A_142, %add3A_178 : i32
      %mul3A_180 = arith.constant 80 : i32
      %mul3A_181 = arith.muli %add3A_179, %mul3A_180 : i32
      %add3A_182 = arith.addi %mul3A_6, %mul3A_181 : i32
      %dma_start3A_183 = arith.constant 0 : i32
      %dma_start3A_184 = tpu.memref_slice %arg4[%add3A_182, %dma_start3A_183] : memref<320000x128xf32, #tpu.memory_space<hbm>> -> memref<80x128xf32, #tpu.memory_space<hbm>>
      %dma_start3A_185 = arith.constant 0 : i32
      %dma_start3A_186 = tpu.memref_slice %arg4[%add3A_182, %dma_start3A_185] : memref<320000x128xf32, #tpu.memory_space<hbm>> -> memref<80x128xf32, #tpu.memory_space<hbm>>
      tpu.enqueue_dma source(%arg7 : memref<80x128xf32, #tpu.memory_space<vmem>>) target(%dma_start3A_186 : memref<80x128xf32, #tpu.memory_space<hbm>>) target_semaphore(%arg14 : memref<!tpu.dma_semaphore, #tpu.memory_space<semaphore_mem>>)
      %dma_wait3A_187 = arith.constant 0 : i32
      %dma_wait3A_188 = arith.constant 0 : i32
      %dma_wait3A_189 = tpu.memref_slice %arg4[%dma_wait3A_187, %dma_wait3A_188] : memref<320000x128xf32, #tpu.memory_space<hbm>> -> memref<80x128xf32, #tpu.memory_space<hbm>>
      %dma_wait3A_190 = arith.constant 0 : i32
      %dma_wait3A_191 = arith.constant 0 : i32
      %dma_wait3A_192 = tpu.memref_slice %arg4[%dma_wait3A_190, %dma_wait3A_191] : memref<320000x128xf32, #tpu.memory_space<hbm>> -> memref<80x128xf32, #tpu.memory_space<hbm>>
      tpu.wait_dma2 semaphore(%arg13 : memref<!tpu.dma_semaphore, #tpu.memory_space<semaphore_mem>>) src(%arg6 : memref<80x128xf32, #tpu.memory_space<vmem>>) dst(%dma_wait3A_192 : memref<80x128xf32, #tpu.memory_space<hbm>>)
      %add3A_193 = arith.constant 3 : i32
      %add3A_194 = arith.addi %mul3A_142, %add3A_193 : i32
      %dma_start3A_195 = arith.constant 0 : i32
      %dma_start3A_196 = tpu.memref_slice %arg5[%add3A_194, %dma_start3A_195] : memref<125x80xi32, #tpu.memory_space<vmem>> -> memref<1x80xi32, #tpu.memory_space<vmem>>
      %dma_start3A_197 = tpu.memref_squeeze %dma_start3A_196 : memref<1x80xi32, #tpu.memory_space<vmem>> -> memref<80xi32, #tpu.memory_space<vmem>>
      %dma_start3A_198 = arith.constant 0 : i32
      %dma_start3A_199 = arith.constant 0 : i32
      %dma_start3A_200 = tpu.memref_slice %arg9[%dma_start3A_198, %dma_start3A_199] : memref<10240x128xf32, #tpu.memory_space<vmem_shared>> -> memref<10240x128xf32, #tpu.memory_space<vmem_shared>>
      tpu.enqueue_indirect_dma source(%dma_start3A_200 : memref<10240x128xf32, #tpu.memory_space<vmem_shared>>) target(%arg6 : memref<80x128xf32, #tpu.memory_space<vmem>>) offsets(%dma_start3A_197 : memref<80xi32, #tpu.memory_space<vmem>>) semaphore(%arg10 : memref<!tpu.dma_semaphore, #tpu.memory_space<semaphore_mem>>)
      %dma_wait3A_201 = arith.constant 0 : i32
      %dma_wait3A_202 = arith.constant 0 : i32
      %dma_wait3A_203 = tpu.memref_slice %arg5[%dma_wait3A_201, %dma_wait3A_202] : memref<125x80xi32, #tpu.memory_space<vmem>> -> memref<1x80xi32, #tpu.memory_space<vmem>>
      %dma_wait3A_204 = tpu.memref_squeeze %dma_wait3A_203 : memref<1x80xi32, #tpu.memory_space<vmem>> -> memref<80xi32, #tpu.memory_space<vmem>>
      %dma_wait3A_205 = arith.constant 0 : i32
      %dma_wait3A_206 = arith.constant 0 : i32
      %dma_wait3A_207 = tpu.memref_slice %arg9[%dma_wait3A_205, %dma_wait3A_206] : memref<10240x128xf32, #tpu.memory_space<vmem_shared>> -> memref<10240x128xf32, #tpu.memory_space<vmem_shared>>
      tpu.wait_indirect_dma semaphore(%arg12 : memref<!tpu.dma_semaphore, #tpu.memory_space<semaphore_mem>>) src(%dma_wait3A_207 : memref<10240x128xf32, #tpu.memory_space<vmem_shared>>) dst(%arg8 : memref<80x128xf32, #tpu.memory_space<vmem>>)
      %add3A_208 = arith.constant 2 : i32
      %add3A_209 = arith.addi %mul3A_142, %add3A_208 : i32
      %mul3A_210 = arith.constant 80 : i32
      %mul3A_211 = arith.muli %add3A_209, %mul3A_210 : i32
      %add3A_212 = arith.addi %mul3A_6, %mul3A_211 : i32
      %dma_start3A_213 = arith.constant 0 : i32
      %dma_start3A_214 = tpu.memref_slice %arg4[%add3A_212, %dma_start3A_213] : memref<320000x128xf32, #tpu.memory_space<hbm>> -> memref<80x128xf32, #tpu.memory_space<hbm>>
      %dma_start3A_215 = arith.constant 0 : i32
      %dma_start3A_216 = tpu.memref_slice %arg4[%add3A_212, %dma_start3A_215] : memref<320000x128xf32, #tpu.memory_space<hbm>> -> memref<80x128xf32, #tpu.memory_space<hbm>>
      tpu.enqueue_dma source(%arg8 : memref<80x128xf32, #tpu.memory_space<vmem>>) target(%dma_start3A_216 : memref<80x128xf32, #tpu.memory_space<hbm>>) target_semaphore(%arg15 : memref<!tpu.dma_semaphore, #tpu.memory_space<semaphore_mem>>)
      %dma_wait3A_217 = arith.constant 0 : i32
      %dma_wait3A_218 = arith.constant 0 : i32
      %dma_wait3A_219 = tpu.memref_slice %arg4[%dma_wait3A_217, %dma_wait3A_218] : memref<320000x128xf32, #tpu.memory_space<hbm>> -> memref<80x128xf32, #tpu.memory_space<hbm>>
      %dma_wait3A_220 = arith.constant 0 : i32
      %dma_wait3A_221 = arith.constant 0 : i32
      %dma_wait3A_222 = tpu.memref_slice %arg4[%dma_wait3A_220, %dma_wait3A_221] : memref<320000x128xf32, #tpu.memory_space<hbm>> -> memref<80x128xf32, #tpu.memory_space<hbm>>
      tpu.wait_dma2 semaphore(%arg14 : memref<!tpu.dma_semaphore, #tpu.memory_space<semaphore_mem>>) src(%arg7 : memref<80x128xf32, #tpu.memory_space<vmem>>) dst(%dma_wait3A_222 : memref<80x128xf32, #tpu.memory_space<hbm>>)
      %add3A_223 = arith.constant 4 : i32
      %add3A_224 = arith.addi %mul3A_142, %add3A_223 : i32
      %dma_start3A_225 = arith.constant 0 : i32
      %dma_start3A_226 = tpu.memref_slice %arg5[%add3A_224, %dma_start3A_225] : memref<125x80xi32, #tpu.memory_space<vmem>> -> memref<1x80xi32, #tpu.memory_space<vmem>>
      %dma_start3A_227 = tpu.memref_squeeze %dma_start3A_226 : memref<1x80xi32, #tpu.memory_space<vmem>> -> memref<80xi32, #tpu.memory_space<vmem>>
      %dma_start3A_228 = arith.constant 0 : i32
      %dma_start3A_229 = arith.constant 0 : i32
      %dma_start3A_230 = tpu.memref_slice %arg9[%dma_start3A_228, %dma_start3A_229] : memref<10240x128xf32, #tpu.memory_space<vmem_shared>> -> memref<10240x128xf32, #tpu.memory_space<vmem_shared>>
      tpu.enqueue_indirect_dma source(%dma_start3A_230 : memref<10240x128xf32, #tpu.memory_space<vmem_shared>>) target(%arg7 : memref<80x128xf32, #tpu.memory_space<vmem>>) offsets(%dma_start3A_227 : memref<80xi32, #tpu.memory_space<vmem>>) semaphore(%arg11 : memref<!tpu.dma_semaphore, #tpu.memory_space<semaphore_mem>>)
    }
    %scan3A_95 = arith.constant 40 : i32
    %dma_wait3A_96 = arith.constant 0 : i32
    %dma_wait3A_97 = arith.constant 0 : i32
    %dma_wait3A_98 = tpu.memref_slice %arg5[%dma_wait3A_96, %dma_wait3A_97] : memref<125x80xi32, #tpu.memory_space<vmem>> -> memref<1x80xi32, #tpu.memory_space<vmem>>
    %dma_wait3A_99 = tpu.memref_squeeze %dma_wait3A_98 : memref<1x80xi32, #tpu.memory_space<vmem>> -> memref<80xi32, #tpu.memory_space<vmem>>
    %dma_wait3A_100 = arith.constant 0 : i32
    %dma_wait3A_101 = arith.constant 0 : i32
    %dma_wait3A_102 = tpu.memref_slice %arg9[%dma_wait3A_100, %dma_wait3A_101] : memref<10240x128xf32, #tpu.memory_space<vmem_shared>> -> memref<10240x128xf32, #tpu.memory_space<vmem_shared>>
    tpu.wait_indirect_dma semaphore(%arg10 : memref<!tpu.dma_semaphore, #tpu.memory_space<semaphore_mem>>) src(%dma_wait3A_102 : memref<10240x128xf32, #tpu.memory_space<vmem_shared>>) dst(%arg6 : memref<80x128xf32, #tpu.memory_space<vmem>>)
    %add3A_103 = arith.constant 9840 : i32
    %add3A_104 = arith.addi %mul3A_6, %add3A_103 : i32
    %dma_start3A_105 = arith.constant 0 : i32
    %dma_start3A_106 = tpu.memref_slice %arg4[%add3A_104, %dma_start3A_105] : memref<320000x128xf32, #tpu.memory_space<hbm>> -> memref<80x128xf32, #tpu.memory_space<hbm>>
    %dma_start3A_107 = arith.constant 0 : i32
    %dma_start3A_108 = tpu.memref_slice %arg4[%add3A_104, %dma_start3A_107] : memref<320000x128xf32, #tpu.memory_space<hbm>> -> memref<80x128xf32, #tpu.memory_space<hbm>>
    tpu.enqueue_dma source(%arg6 : memref<80x128xf32, #tpu.memory_space<vmem>>) target(%dma_start3A_108 : memref<80x128xf32, #tpu.memory_space<hbm>>) target_semaphore(%arg13 : memref<!tpu.dma_semaphore, #tpu.memory_space<semaphore_mem>>)
    %dma_wait3A_109 = arith.constant 0 : i32
    %dma_wait3A_110 = arith.constant 0 : i32
    %dma_wait3A_111 = tpu.memref_slice %arg5[%dma_wait3A_109, %dma_wait3A_110] : memref<125x80xi32, #tpu.memory_space<vmem>> -> memref<1x80xi32, #tpu.memory_space<vmem>>
    %dma_wait3A_112 = tpu.memref_squeeze %dma_wait3A_111 : memref<1x80xi32, #tpu.memory_space<vmem>> -> memref<80xi32, #tpu.memory_space<vmem>>
    %dma_wait3A_113 = arith.constant 0 : i32
    %dma_wait3A_114 = arith.constant 0 : i32
    %dma_wait3A_115 = tpu.memref_slice %arg9[%dma_wait3A_113, %dma_wait3A_114] : memref<10240x128xf32, #tpu.memory_space<vmem_shared>> -> memref<10240x128xf32, #tpu.memory_space<vmem_shared>>
    tpu.wait_indirect_dma semaphore(%arg11 : memref<!tpu.dma_semaphore, #tpu.memory_space<semaphore_mem>>) src(%dma_wait3A_115 : memref<10240x128xf32, #tpu.memory_space<vmem_shared>>) dst(%arg7 : memref<80x128xf32, #tpu.memory_space<vmem>>)
    %add3A_116 = arith.constant 9920 : i32
    %add3A_117 = arith.addi %mul3A_6, %add3A_116 : i32
    %dma_start3A_118 = arith.constant 0 : i32
    %dma_start3A_119 = tpu.memref_slice %arg4[%add3A_117, %dma_start3A_118] : memref<320000x128xf32, #tpu.memory_space<hbm>> -> memref<80x128xf32, #tpu.memory_space<hbm>>
    %dma_start3A_120 = arith.constant 0 : i32
    %dma_start3A_121 = tpu.memref_slice %arg4[%add3A_117, %dma_start3A_120] : memref<320000x128xf32, #tpu.memory_space<hbm>> -> memref<80x128xf32, #tpu.memory_space<hbm>>
    tpu.enqueue_dma source(%arg7 : memref<80x128xf32, #tpu.memory_space<vmem>>) target(%dma_start3A_121 : memref<80x128xf32, #tpu.memory_space<hbm>>) target_semaphore(%arg14 : memref<!tpu.dma_semaphore, #tpu.memory_space<semaphore_mem>>)
    %dma_wait3A_122 = arith.constant 0 : i32
    %dma_wait3A_123 = arith.constant 0 : i32
    %dma_wait3A_124 = tpu.memref_slice %arg4[%dma_wait3A_122, %dma_wait3A_123] : memref<320000x128xf32, #tpu.memory_space<hbm>> -> memref<80x128xf32, #tpu.memory_space<hbm>>
    %dma_wait3A_125 = arith.constant 0 : i32
    %dma_wait3A_126 = arith.constant 0 : i32
    %dma_wait3A_127 = tpu.memref_slice %arg4[%dma_wait3A_125, %dma_wait3A_126] : memref<320000x128xf32, #tpu.memory_space<hbm>> -> memref<80x128xf32, #tpu.memory_space<hbm>>
    tpu.wait_dma2 semaphore(%arg15 : memref<!tpu.dma_semaphore, #tpu.memory_space<semaphore_mem>>) src(%arg8 : memref<80x128xf32, #tpu.memory_space<vmem>>) dst(%dma_wait3A_127 : memref<80x128xf32, #tpu.memory_space<hbm>>)
    %dma_wait3A_128 = arith.constant 0 : i32
    %dma_wait3A_129 = arith.constant 0 : i32
    %dma_wait3A_130 = tpu.memref_slice %arg4[%dma_wait3A_128, %dma_wait3A_129] : memref<320000x128xf32, #tpu.memory_space<hbm>> -> memref<80x128xf32, #tpu.memory_space<hbm>>
    %dma_wait3A_131 = arith.constant 0 : i32
    %dma_wait3A_132 = arith.constant 0 : i32
    %dma_wait3A_133 = tpu.memref_slice %arg4[%dma_wait3A_131, %dma_wait3A_132] : memref<320000x128xf32, #tpu.memory_space<hbm>> -> memref<80x128xf32, #tpu.memory_space<hbm>>
    tpu.wait_dma2 semaphore(%arg13 : memref<!tpu.dma_semaphore, #tpu.memory_space<semaphore_mem>>) src(%arg6 : memref<80x128xf32, #tpu.memory_space<vmem>>) dst(%dma_wait3A_133 : memref<80x128xf32, #tpu.memory_space<hbm>>)
    %dma_wait3A_134 = arith.constant 0 : i32
    %dma_wait3A_135 = arith.constant 0 : i32
    %dma_wait3A_136 = tpu.memref_slice %arg4[%dma_wait3A_134, %dma_wait3A_135] : memref<320000x128xf32, #tpu.memory_space<hbm>> -> memref<80x128xf32, #tpu.memory_space<hbm>>
    %dma_wait3A_137 = arith.constant 0 : i32
    %dma_wait3A_138 = arith.constant 0 : i32
    %dma_wait3A_139 = tpu.memref_slice %arg4[%dma_wait3A_137, %dma_wait3A_138] : memref<320000x128xf32, #tpu.memory_space<hbm>> -> memref<80x128xf32, #tpu.memory_space<hbm>>
    tpu.wait_dma2 semaphore(%arg14 : memref<!tpu.dma_semaphore, #tpu.memory_space<semaphore_mem>>) src(%arg7 : memref<80x128xf32, #tpu.memory_space<vmem>>) dst(%dma_wait3A_139 : memref<80x128xf32, #tpu.memory_space<hbm>>)
    return
  }
}

#map = affine_map<(d0, d1) -> (0, 0)>
#map1 = affine_map<(d0, d1) -> (0, 0, 0)>
module attributes {stable_mosaic.version = 14 : i64} {
  func.func @k(%arg0: i32, %arg1: i32, %arg2: memref<320000x128xf32, #tpu.memory_space<hbm>>, %arg3: memref<32x125x80xi32, #tpu.memory_space<hbm>>, %arg4: memref<10240x128xf32, #tpu.memory_space<hbm>>, %arg5: memref<2x10240x128xf32, #tpu.memory_space<hbm>>, %arg6: memref<125x80xi32, #tpu.memory_space<vmem>>, %arg7: memref<80x128xf32, #tpu.memory_space<vmem>>, %arg8: memref<80x128xf32, #tpu.memory_space<vmem>>, %arg9: memref<80x128xf32, #tpu.memory_space<vmem>>, %arg10: memref<10240x128xf32, #tpu.memory_space<vmem_shared>>, %arg11: memref<!tpu.dma_semaphore, #tpu.memory_space<semaphore_mem>>, %arg12: memref<!tpu.dma_semaphore, #tpu.memory_space<semaphore_mem>>, %arg13: memref<!tpu.dma_semaphore, #tpu.memory_space<semaphore_mem>>, %arg14: memref<!tpu.dma_semaphore, #tpu.memory_space<semaphore_mem>>, %arg15: memref<!tpu.dma_semaphore, #tpu.memory_space<semaphore_mem>>, %arg16: memref<!tpu.dma_semaphore, #tpu.memory_space<semaphore_mem>>) attributes {dimension_semantics = [#tpu.dimension_semantics<core_parallel>, #tpu.dimension_semantics<subcore_parallel>], iteration_bounds = array<i64: 2, 16>, scalar_prefetch = 0 : i64, scratch_operands = 11 : i64, tpu.core_type = #tpu.core_type<sc_vector_subcore>, window_params = [{transform_indices = #map}, {transform_indices = #map1}, {transform_indices = #map}, {transform_indices = #map1}]} {
    %mul3A = arith.constant 16 : i32
    %mul3A_0 = arith.muli %arg0, %mul3A : i32
    %add3A = arith.addi %mul3A_0, %arg1 : i32
    %mul3A_1 = arith.constant 640 : i32
    %mul3A_2 = arith.muli %arg1, %mul3A_1 : i32
    %mul3A_3 = arith.constant 640 : i32
    %mul3A_4 = arith.muli %arg1, %mul3A_3 : i32
    "tpu.region"() ({
      %run_scoped3A = tpu.sem_alloc : memref<!tpu.dma_semaphore, #tpu.memory_space<semaphore_mem>>
      %dma_start3A_145 = arith.constant 0 : i32
      %dma_start3A_146 = tpu.memref_slice %arg10[%mul3A_4, %dma_start3A_145] : memref<10240x128xf32, #tpu.memory_space<vmem_shared>> -> memref<640x128xf32, #tpu.memory_space<vmem_shared>>
      %dma_start3A_147 = arith.constant 0 : i32
      %dma_start3A_148 = tpu.memref_slice %arg4[%mul3A_2, %dma_start3A_147] : memref<10240x128xf32, #tpu.memory_space<hbm>> -> memref<640x128xf32, #tpu.memory_space<hbm>>
      tpu.enqueue_dma source(%dma_start3A_148 : memref<640x128xf32, #tpu.memory_space<hbm>>) target(%dma_start3A_146 : memref<640x128xf32, #tpu.memory_space<vmem_shared>>) target_semaphore(%run_scoped3A : memref<!tpu.dma_semaphore, #tpu.memory_space<semaphore_mem>>)
      %dma_wait3A_149 = arith.constant 0 : i32
      %dma_wait3A_150 = tpu.memref_slice %arg10[%mul3A_4, %dma_wait3A_149] : memref<10240x128xf32, #tpu.memory_space<vmem_shared>> -> memref<640x128xf32, #tpu.memory_space<vmem_shared>>
      %dma_wait3A_151 = arith.constant 0 : i32
      %dma_wait3A_152 = tpu.memref_slice %arg4[%mul3A_2, %dma_wait3A_151] : memref<10240x128xf32, #tpu.memory_space<hbm>> -> memref<640x128xf32, #tpu.memory_space<hbm>>
      tpu.wait_dma2 semaphore(%run_scoped3A : memref<!tpu.dma_semaphore, #tpu.memory_space<semaphore_mem>>) src(%dma_wait3A_152 : memref<640x128xf32, #tpu.memory_space<hbm>>) dst(%dma_wait3A_150 : memref<640x128xf32, #tpu.memory_space<vmem_shared>>)
      tpu.yield
    }) : () -> ()
    "tpu.region"() ({
      %run_scoped3A = tpu.sem_alloc : memref<!tpu.dma_semaphore, #tpu.memory_space<semaphore_mem>>
      %dma_start3A_145 = arith.constant 0 : i32
      %dma_start3A_146 = arith.constant 0 : i32
      %dma_start3A_147 = tpu.memref_slice %arg3[%add3A, %dma_start3A_145, %dma_start3A_146] : memref<32x125x80xi32, #tpu.memory_space<hbm>> -> memref<1x125x80xi32, #tpu.memory_space<hbm>>
      %dma_start3A_148 = tpu.memref_squeeze %dma_start3A_147 : memref<1x125x80xi32, #tpu.memory_space<hbm>> -> memref<125x80xi32, #tpu.memory_space<hbm>>
      %dma_start3A_149 = arith.constant 0 : i32
      %dma_start3A_150 = arith.constant 0 : i32
      %dma_start3A_151 = tpu.memref_slice %arg3[%add3A, %dma_start3A_149, %dma_start3A_150] : memref<32x125x80xi32, #tpu.memory_space<hbm>> -> memref<1x125x80xi32, #tpu.memory_space<hbm>>
      %dma_start3A_152 = tpu.memref_squeeze %dma_start3A_151 : memref<1x125x80xi32, #tpu.memory_space<hbm>> -> memref<125x80xi32, #tpu.memory_space<hbm>>
      tpu.enqueue_dma source(%dma_start3A_152 : memref<125x80xi32, #tpu.memory_space<hbm>>) target(%arg6 : memref<125x80xi32, #tpu.memory_space<vmem>>) target_semaphore(%run_scoped3A : memref<!tpu.dma_semaphore, #tpu.memory_space<semaphore_mem>>)
      %dma_wait3A_153 = arith.constant 0 : i32
      %dma_wait3A_154 = arith.constant 0 : i32
      %dma_wait3A_155 = tpu.memref_slice %arg3[%add3A, %dma_wait3A_153, %dma_wait3A_154] : memref<32x125x80xi32, #tpu.memory_space<hbm>> -> memref<1x125x80xi32, #tpu.memory_space<hbm>>
      %dma_wait3A_156 = tpu.memref_squeeze %dma_wait3A_155 : memref<1x125x80xi32, #tpu.memory_space<hbm>> -> memref<125x80xi32, #tpu.memory_space<hbm>>
      %dma_wait3A_157 = arith.constant 0 : i32
      %dma_wait3A_158 = arith.constant 0 : i32
      %dma_wait3A_159 = tpu.memref_slice %arg3[%add3A, %dma_wait3A_157, %dma_wait3A_158] : memref<32x125x80xi32, #tpu.memory_space<hbm>> -> memref<1x125x80xi32, #tpu.memory_space<hbm>>
      %dma_wait3A_160 = tpu.memref_squeeze %dma_wait3A_159 : memref<1x125x80xi32, #tpu.memory_space<hbm>> -> memref<125x80xi32, #tpu.memory_space<hbm>>
      tpu.wait_dma2 semaphore(%run_scoped3A : memref<!tpu.dma_semaphore, #tpu.memory_space<semaphore_mem>>) src(%dma_wait3A_160 : memref<125x80xi32, #tpu.memory_space<hbm>>) dst(%arg6 : memref<125x80xi32, #tpu.memory_space<vmem>>)
      tpu.yield
    }) : () -> ()
    %barrier3A = arith.constant 0 : index
    tpu.barrier barrier_id(%barrier3A)
    %mul3A_5 = arith.constant 10000 : i32
    %mul3A_6 = arith.muli %add3A, %mul3A_5 : i32
    %add3A_7 = arith.constant 0 : i32
    %add3A_8 = arith.addi %mul3A_6, %add3A_7 : i32
    %dma_start3A = arith.constant 0 : i32
    %dma_start3A_9 = tpu.memref_slice %arg2[%add3A_8, %dma_start3A] : memref<320000x128xf32, #tpu.memory_space<hbm>> -> memref<80x128xf32, #tpu.memory_space<hbm>>
    %dma_start3A_10 = arith.constant 0 : i32
    %dma_start3A_11 = tpu.memref_slice %arg2[%add3A_8, %dma_start3A_10] : memref<320000x128xf32, #tpu.memory_space<hbm>> -> memref<80x128xf32, #tpu.memory_space<hbm>>
    tpu.enqueue_dma source(%dma_start3A_11 : memref<80x128xf32, #tpu.memory_space<hbm>>) target(%arg7 : memref<80x128xf32, #tpu.memory_space<vmem>>) target_semaphore(%arg11 : memref<!tpu.dma_semaphore, #tpu.memory_space<semaphore_mem>>)
    %add3A_12 = arith.constant 80 : i32
    %add3A_13 = arith.addi %mul3A_6, %add3A_12 : i32
    %dma_start3A_14 = arith.constant 0 : i32
    %dma_start3A_15 = tpu.memref_slice %arg2[%add3A_13, %dma_start3A_14] : memref<320000x128xf32, #tpu.memory_space<hbm>> -> memref<80x128xf32, #tpu.memory_space<hbm>>
    %dma_start3A_16 = arith.constant 0 : i32
    %dma_start3A_17 = tpu.memref_slice %arg2[%add3A_13, %dma_start3A_16] : memref<320000x128xf32, #tpu.memory_space<hbm>> -> memref<80x128xf32, #tpu.memory_space<hbm>>
    tpu.enqueue_dma source(%dma_start3A_17 : memref<80x128xf32, #tpu.memory_space<hbm>>) target(%arg8 : memref<80x128xf32, #tpu.memory_space<vmem>>) target_semaphore(%arg12 : memref<!tpu.dma_semaphore, #tpu.memory_space<semaphore_mem>>)
    %dma_wait3A = arith.constant 0 : i32
    %dma_wait3A_18 = arith.constant 0 : i32
    %dma_wait3A_19 = tpu.memref_slice %arg2[%dma_wait3A, %dma_wait3A_18] : memref<320000x128xf32, #tpu.memory_space<hbm>> -> memref<80x128xf32, #tpu.memory_space<hbm>>
    %dma_wait3A_20 = arith.constant 0 : i32
    %dma_wait3A_21 = arith.constant 0 : i32
    %dma_wait3A_22 = tpu.memref_slice %arg2[%dma_wait3A_20, %dma_wait3A_21] : memref<320000x128xf32, #tpu.memory_space<hbm>> -> memref<80x128xf32, #tpu.memory_space<hbm>>
    tpu.wait_dma2 semaphore(%arg11 : memref<!tpu.dma_semaphore, #tpu.memory_space<semaphore_mem>>) src(%dma_wait3A_22 : memref<80x128xf32, #tpu.memory_space<hbm>>) dst(%arg7 : memref<80x128xf32, #tpu.memory_space<vmem>>)
    %dma_start3A_23 = arith.constant 0 : i32
    %dma_start3A_24 = arith.constant 0 : i32
    %dma_start3A_25 = tpu.memref_slice %arg6[%dma_start3A_23, %dma_start3A_24] : memref<125x80xi32, #tpu.memory_space<vmem>> -> memref<1x80xi32, #tpu.memory_space<vmem>>
    %dma_start3A_26 = tpu.memref_squeeze %dma_start3A_25 : memref<1x80xi32, #tpu.memory_space<vmem>> -> memref<80xi32, #tpu.memory_space<vmem>>
    %dma_start3A_27 = arith.constant 0 : i32
    %dma_start3A_28 = arith.constant 0 : i32
    %dma_start3A_29 = tpu.memref_slice %arg10[%dma_start3A_27, %dma_start3A_28] : memref<10240x128xf32, #tpu.memory_space<vmem_shared>> -> memref<10240x128xf32, #tpu.memory_space<vmem_shared>>
    tpu.enqueue_indirect_dma source(%arg7 : memref<80x128xf32, #tpu.memory_space<vmem>>) target(%dma_start3A_29 : memref<10240x128xf32, #tpu.memory_space<vmem_shared>>) offsets(%dma_start3A_26 : memref<80xi32, #tpu.memory_space<vmem>>) semaphore(%arg14 : memref<!tpu.dma_semaphore, #tpu.memory_space<semaphore_mem>>) {add = true}
    %add3A_30 = arith.constant 160 : i32
    %add3A_31 = arith.addi %mul3A_6, %add3A_30 : i32
    %dma_start3A_32 = arith.constant 0 : i32
    %dma_start3A_33 = tpu.memref_slice %arg2[%add3A_31, %dma_start3A_32] : memref<320000x128xf32, #tpu.memory_space<hbm>> -> memref<80x128xf32, #tpu.memory_space<hbm>>
    %dma_start3A_34 = arith.constant 0 : i32
    %dma_start3A_35 = tpu.memref_slice %arg2[%add3A_31, %dma_start3A_34] : memref<320000x128xf32, #tpu.memory_space<hbm>> -> memref<80x128xf32, #tpu.memory_space<hbm>>
    tpu.enqueue_dma source(%dma_start3A_35 : memref<80x128xf32, #tpu.memory_space<hbm>>) target(%arg9 : memref<80x128xf32, #tpu.memory_space<vmem>>) target_semaphore(%arg13 : memref<!tpu.dma_semaphore, #tpu.memory_space<semaphore_mem>>)
    %dma_wait3A_36 = arith.constant 0 : i32
    %dma_wait3A_37 = arith.constant 0 : i32
    %dma_wait3A_38 = tpu.memref_slice %arg2[%dma_wait3A_36, %dma_wait3A_37] : memref<320000x128xf32, #tpu.memory_space<hbm>> -> memref<80x128xf32, #tpu.memory_space<hbm>>
    %dma_wait3A_39 = arith.constant 0 : i32
    %dma_wait3A_40 = arith.constant 0 : i32
    %dma_wait3A_41 = tpu.memref_slice %arg2[%dma_wait3A_39, %dma_wait3A_40] : memref<320000x128xf32, #tpu.memory_space<hbm>> -> memref<80x128xf32, #tpu.memory_space<hbm>>
    tpu.wait_dma2 semaphore(%arg12 : memref<!tpu.dma_semaphore, #tpu.memory_space<semaphore_mem>>) src(%dma_wait3A_41 : memref<80x128xf32, #tpu.memory_space<hbm>>) dst(%arg8 : memref<80x128xf32, #tpu.memory_space<vmem>>)
    %dma_start3A_42 = arith.constant 1 : i32
    %dma_start3A_43 = arith.constant 0 : i32
    %dma_start3A_44 = tpu.memref_slice %arg6[%dma_start3A_42, %dma_start3A_43] : memref<125x80xi32, #tpu.memory_space<vmem>> -> memref<1x80xi32, #tpu.memory_space<vmem>>
    %dma_start3A_45 = tpu.memref_squeeze %dma_start3A_44 : memref<1x80xi32, #tpu.memory_space<vmem>> -> memref<80xi32, #tpu.memory_space<vmem>>
    %dma_start3A_46 = arith.constant 0 : i32
    %dma_start3A_47 = arith.constant 0 : i32
    %dma_start3A_48 = tpu.memref_slice %arg10[%dma_start3A_46, %dma_start3A_47] : memref<10240x128xf32, #tpu.memory_space<vmem_shared>> -> memref<10240x128xf32, #tpu.memory_space<vmem_shared>>
    tpu.enqueue_indirect_dma source(%arg8 : memref<80x128xf32, #tpu.memory_space<vmem>>) target(%dma_start3A_48 : memref<10240x128xf32, #tpu.memory_space<vmem_shared>>) offsets(%dma_start3A_45 : memref<80xi32, #tpu.memory_space<vmem>>) semaphore(%arg15 : memref<!tpu.dma_semaphore, #tpu.memory_space<semaphore_mem>>) {add = true}
    %dma_wait3A_49 = arith.constant 0 : i32
    %dma_wait3A_50 = arith.constant 0 : i32
    %dma_wait3A_51 = tpu.memref_slice %arg6[%dma_wait3A_49, %dma_wait3A_50] : memref<125x80xi32, #tpu.memory_space<vmem>> -> memref<1x80xi32, #tpu.memory_space<vmem>>
    %dma_wait3A_52 = tpu.memref_squeeze %dma_wait3A_51 : memref<1x80xi32, #tpu.memory_space<vmem>> -> memref<80xi32, #tpu.memory_space<vmem>>
    %dma_wait3A_53 = arith.constant 0 : i32
    %dma_wait3A_54 = arith.constant 0 : i32
    %dma_wait3A_55 = tpu.memref_slice %arg10[%dma_wait3A_53, %dma_wait3A_54] : memref<10240x128xf32, #tpu.memory_space<vmem_shared>> -> memref<10240x128xf32, #tpu.memory_space<vmem_shared>>
    tpu.wait_indirect_dma semaphore(%arg14 : memref<!tpu.dma_semaphore, #tpu.memory_space<semaphore_mem>>) src(%arg7 : memref<80x128xf32, #tpu.memory_space<vmem>>) dst(%dma_wait3A_55 : memref<10240x128xf32, #tpu.memory_space<vmem_shared>>)
    %add3A_56 = arith.constant 240 : i32
    %add3A_57 = arith.addi %mul3A_6, %add3A_56 : i32
    %dma_start3A_58 = arith.constant 0 : i32
    %dma_start3A_59 = tpu.memref_slice %arg2[%add3A_57, %dma_start3A_58] : memref<320000x128xf32, #tpu.memory_space<hbm>> -> memref<80x128xf32, #tpu.memory_space<hbm>>
    %dma_start3A_60 = arith.constant 0 : i32
    %dma_start3A_61 = tpu.memref_slice %arg2[%add3A_57, %dma_start3A_60] : memref<320000x128xf32, #tpu.memory_space<hbm>> -> memref<80x128xf32, #tpu.memory_space<hbm>>
    tpu.enqueue_dma source(%dma_start3A_61 : memref<80x128xf32, #tpu.memory_space<hbm>>) target(%arg7 : memref<80x128xf32, #tpu.memory_space<vmem>>) target_semaphore(%arg11 : memref<!tpu.dma_semaphore, #tpu.memory_space<semaphore_mem>>)
    %dma_wait3A_62 = arith.constant 0 : i32
    %dma_wait3A_63 = arith.constant 0 : i32
    %dma_wait3A_64 = tpu.memref_slice %arg2[%dma_wait3A_62, %dma_wait3A_63] : memref<320000x128xf32, #tpu.memory_space<hbm>> -> memref<80x128xf32, #tpu.memory_space<hbm>>
    %dma_wait3A_65 = arith.constant 0 : i32
    %dma_wait3A_66 = arith.constant 0 : i32
    %dma_wait3A_67 = tpu.memref_slice %arg2[%dma_wait3A_65, %dma_wait3A_66] : memref<320000x128xf32, #tpu.memory_space<hbm>> -> memref<80x128xf32, #tpu.memory_space<hbm>>
    tpu.wait_dma2 semaphore(%arg13 : memref<!tpu.dma_semaphore, #tpu.memory_space<semaphore_mem>>) src(%dma_wait3A_67 : memref<80x128xf32, #tpu.memory_space<hbm>>) dst(%arg9 : memref<80x128xf32, #tpu.memory_space<vmem>>)
    %dma_start3A_68 = arith.constant 2 : i32
    %dma_start3A_69 = arith.constant 0 : i32
    %dma_start3A_70 = tpu.memref_slice %arg6[%dma_start3A_68, %dma_start3A_69] : memref<125x80xi32, #tpu.memory_space<vmem>> -> memref<1x80xi32, #tpu.memory_space<vmem>>
    %dma_start3A_71 = tpu.memref_squeeze %dma_start3A_70 : memref<1x80xi32, #tpu.memory_space<vmem>> -> memref<80xi32, #tpu.memory_space<vmem>>
    %dma_start3A_72 = arith.constant 0 : i32
    %dma_start3A_73 = arith.constant 0 : i32
    %dma_start3A_74 = tpu.memref_slice %arg10[%dma_start3A_72, %dma_start3A_73] : memref<10240x128xf32, #tpu.memory_space<vmem_shared>> -> memref<10240x128xf32, #tpu.memory_space<vmem_shared>>
    tpu.enqueue_indirect_dma source(%arg9 : memref<80x128xf32, #tpu.memory_space<vmem>>) target(%dma_start3A_74 : memref<10240x128xf32, #tpu.memory_space<vmem_shared>>) offsets(%dma_start3A_71 : memref<80xi32, #tpu.memory_space<vmem>>) semaphore(%arg16 : memref<!tpu.dma_semaphore, #tpu.memory_space<semaphore_mem>>) {add = true}
    %dma_wait3A_75 = arith.constant 0 : i32
    %dma_wait3A_76 = arith.constant 0 : i32
    %dma_wait3A_77 = tpu.memref_slice %arg6[%dma_wait3A_75, %dma_wait3A_76] : memref<125x80xi32, #tpu.memory_space<vmem>> -> memref<1x80xi32, #tpu.memory_space<vmem>>
    %dma_wait3A_78 = tpu.memref_squeeze %dma_wait3A_77 : memref<1x80xi32, #tpu.memory_space<vmem>> -> memref<80xi32, #tpu.memory_space<vmem>>
    %dma_wait3A_79 = arith.constant 0 : i32
    %dma_wait3A_80 = arith.constant 0 : i32
    %dma_wait3A_81 = tpu.memref_slice %arg10[%dma_wait3A_79, %dma_wait3A_80] : memref<10240x128xf32, #tpu.memory_space<vmem_shared>> -> memref<10240x128xf32, #tpu.memory_space<vmem_shared>>
    tpu.wait_indirect_dma semaphore(%arg15 : memref<!tpu.dma_semaphore, #tpu.memory_space<semaphore_mem>>) src(%arg8 : memref<80x128xf32, #tpu.memory_space<vmem>>) dst(%dma_wait3A_81 : memref<10240x128xf32, #tpu.memory_space<vmem_shared>>)
    %add3A_82 = arith.constant 320 : i32
    %add3A_83 = arith.addi %mul3A_6, %add3A_82 : i32
    %dma_start3A_84 = arith.constant 0 : i32
    %dma_start3A_85 = tpu.memref_slice %arg2[%add3A_83, %dma_start3A_84] : memref<320000x128xf32, #tpu.memory_space<hbm>> -> memref<80x128xf32, #tpu.memory_space<hbm>>
    %dma_start3A_86 = arith.constant 0 : i32
    %dma_start3A_87 = tpu.memref_slice %arg2[%add3A_83, %dma_start3A_86] : memref<320000x128xf32, #tpu.memory_space<hbm>> -> memref<80x128xf32, #tpu.memory_space<hbm>>
    tpu.enqueue_dma source(%dma_start3A_87 : memref<80x128xf32, #tpu.memory_space<hbm>>) target(%arg8 : memref<80x128xf32, #tpu.memory_space<vmem>>) target_semaphore(%arg12 : memref<!tpu.dma_semaphore, #tpu.memory_space<semaphore_mem>>)
    %scan3A = arith.constant 0 : i32
    %scan3A_88 = arith.constant 1 : i32
    %scan3A_89 = arith.constant 40 : i32
    %scan3A_90 = arith.addi %scan3A_88, %scan3A_89 : i32
    %scan3A_91 = arith.constant 1 : i32
    scf.for %scan3A_145 = %scan3A_88 to %scan3A_90 step %scan3A_91  : i32 {
      %mul3A_146 = arith.constant 3 : i32
      %mul3A_147 = arith.muli %mul3A_146, %scan3A_145 : i32
      %dma_wait3A_148 = arith.constant 0 : i32
      %dma_wait3A_149 = arith.constant 0 : i32
      %dma_wait3A_150 = tpu.memref_slice %arg2[%dma_wait3A_148, %dma_wait3A_149] : memref<320000x128xf32, #tpu.memory_space<hbm>> -> memref<80x128xf32, #tpu.memory_space<hbm>>
      %dma_wait3A_151 = arith.constant 0 : i32
      %dma_wait3A_152 = arith.constant 0 : i32
      %dma_wait3A_153 = tpu.memref_slice %arg2[%dma_wait3A_151, %dma_wait3A_152] : memref<320000x128xf32, #tpu.memory_space<hbm>> -> memref<80x128xf32, #tpu.memory_space<hbm>>
      tpu.wait_dma2 semaphore(%arg11 : memref<!tpu.dma_semaphore, #tpu.memory_space<semaphore_mem>>) src(%dma_wait3A_153 : memref<80x128xf32, #tpu.memory_space<hbm>>) dst(%arg7 : memref<80x128xf32, #tpu.memory_space<vmem>>)
      %dma_start3A_154 = arith.constant 0 : i32
      %dma_start3A_155 = tpu.memref_slice %arg6[%mul3A_147, %dma_start3A_154] : memref<125x80xi32, #tpu.memory_space<vmem>> -> memref<1x80xi32, #tpu.memory_space<vmem>>
      %dma_start3A_156 = tpu.memref_squeeze %dma_start3A_155 : memref<1x80xi32, #tpu.memory_space<vmem>> -> memref<80xi32, #tpu.memory_space<vmem>>
      %dma_start3A_157 = arith.constant 0 : i32
      %dma_start3A_158 = arith.constant 0 : i32
      %dma_start3A_159 = tpu.memref_slice %arg10[%dma_start3A_157, %dma_start3A_158] : memref<10240x128xf32, #tpu.memory_space<vmem_shared>> -> memref<10240x128xf32, #tpu.memory_space<vmem_shared>>
      tpu.enqueue_indirect_dma source(%arg7 : memref<80x128xf32, #tpu.memory_space<vmem>>) target(%dma_start3A_159 : memref<10240x128xf32, #tpu.memory_space<vmem_shared>>) offsets(%dma_start3A_156 : memref<80xi32, #tpu.memory_space<vmem>>) semaphore(%arg14 : memref<!tpu.dma_semaphore, #tpu.memory_space<semaphore_mem>>) {add = true}
      %dma_wait3A_160 = arith.constant 0 : i32
      %dma_wait3A_161 = arith.constant 0 : i32
      %dma_wait3A_162 = tpu.memref_slice %arg6[%dma_wait3A_160, %dma_wait3A_161] : memref<125x80xi32, #tpu.memory_space<vmem>> -> memref<1x80xi32, #tpu.memory_space<vmem>>
      %dma_wait3A_163 = tpu.memref_squeeze %dma_wait3A_162 : memref<1x80xi32, #tpu.memory_space<vmem>> -> memref<80xi32, #tpu.memory_space<vmem>>
      %dma_wait3A_164 = arith.constant 0 : i32
      %dma_wait3A_165 = arith.constant 0 : i32
      %dma_wait3A_166 = tpu.memref_slice %arg10[%dma_wait3A_164, %dma_wait3A_165] : memref<10240x128xf32, #tpu.memory_space<vmem_shared>> -> memref<10240x128xf32, #tpu.memory_space<vmem_shared>>
      tpu.wait_indirect_dma semaphore(%arg16 : memref<!tpu.dma_semaphore, #tpu.memory_space<semaphore_mem>>) src(%arg9 : memref<80x128xf32, #tpu.memory_space<vmem>>) dst(%dma_wait3A_166 : memref<10240x128xf32, #tpu.memory_space<vmem_shared>>)
      %add3A_167 = arith.constant 2 : i32
      %add3A_168 = arith.addi %mul3A_147, %add3A_167 : i32
      %mul3A_169 = arith.constant 80 : i32
      %mul3A_170 = arith.muli %add3A_168, %mul3A_169 : i32
      %add3A_171 = arith.addi %mul3A_6, %mul3A_170 : i32
      %dma_start3A_172 = arith.constant 0 : i32
      %dma_start3A_173 = tpu.memref_slice %arg2[%add3A_171, %dma_start3A_172] : memref<320000x128xf32, #tpu.memory_space<hbm>> -> memref<80x128xf32, #tpu.memory_space<hbm>>
      %dma_start3A_174 = arith.constant 0 : i32
      %dma_start3A_175 = tpu.memref_slice %arg2[%add3A_171, %dma_start3A_174] : memref<320000x128xf32, #tpu.memory_space<hbm>> -> memref<80x128xf32, #tpu.memory_space<hbm>>
      tpu.enqueue_dma source(%dma_start3A_175 : memref<80x128xf32, #tpu.memory_space<hbm>>) target(%arg9 : memref<80x128xf32, #tpu.memory_space<vmem>>) target_semaphore(%arg13 : memref<!tpu.dma_semaphore, #tpu.memory_space<semaphore_mem>>)
      %dma_wait3A_176 = arith.constant 0 : i32
      %dma_wait3A_177 = arith.constant 0 : i32
      %dma_wait3A_178 = tpu.memref_slice %arg2[%dma_wait3A_176, %dma_wait3A_177] : memref<320000x128xf32, #tpu.memory_space<hbm>> -> memref<80x128xf32, #tpu.memory_space<hbm>>
      %dma_wait3A_179 = arith.constant 0 : i32
      %dma_wait3A_180 = arith.constant 0 : i32
      %dma_wait3A_181 = tpu.memref_slice %arg2[%dma_wait3A_179, %dma_wait3A_180] : memref<320000x128xf32, #tpu.memory_space<hbm>> -> memref<80x128xf32, #tpu.memory_space<hbm>>
      tpu.wait_dma2 semaphore(%arg12 : memref<!tpu.dma_semaphore, #tpu.memory_space<semaphore_mem>>) src(%dma_wait3A_181 : memref<80x128xf32, #tpu.memory_space<hbm>>) dst(%arg8 : memref<80x128xf32, #tpu.memory_space<vmem>>)
      %add3A_182 = arith.constant 1 : i32
      %add3A_183 = arith.addi %mul3A_147, %add3A_182 : i32
      %dma_start3A_184 = arith.constant 0 : i32
      %dma_start3A_185 = tpu.memref_slice %arg6[%add3A_183, %dma_start3A_184] : memref<125x80xi32, #tpu.memory_space<vmem>> -> memref<1x80xi32, #tpu.memory_space<vmem>>
      %dma_start3A_186 = tpu.memref_squeeze %dma_start3A_185 : memref<1x80xi32, #tpu.memory_space<vmem>> -> memref<80xi32, #tpu.memory_space<vmem>>
      %dma_start3A_187 = arith.constant 0 : i32
      %dma_start3A_188 = arith.constant 0 : i32
      %dma_start3A_189 = tpu.memref_slice %arg10[%dma_start3A_187, %dma_start3A_188] : memref<10240x128xf32, #tpu.memory_space<vmem_shared>> -> memref<10240x128xf32, #tpu.memory_space<vmem_shared>>
      tpu.enqueue_indirect_dma source(%arg8 : memref<80x128xf32, #tpu.memory_space<vmem>>) target(%dma_start3A_189 : memref<10240x128xf32, #tpu.memory_space<vmem_shared>>) offsets(%dma_start3A_186 : memref<80xi32, #tpu.memory_space<vmem>>) semaphore(%arg15 : memref<!tpu.dma_semaphore, #tpu.memory_space<semaphore_mem>>) {add = true}
      %dma_wait3A_190 = arith.constant 0 : i32
      %dma_wait3A_191 = arith.constant 0 : i32
      %dma_wait3A_192 = tpu.memref_slice %arg6[%dma_wait3A_190, %dma_wait3A_191] : memref<125x80xi32, #tpu.memory_space<vmem>> -> memref<1x80xi32, #tpu.memory_space<vmem>>
      %dma_wait3A_193 = tpu.memref_squeeze %dma_wait3A_192 : memref<1x80xi32, #tpu.memory_space<vmem>> -> memref<80xi32, #tpu.memory_space<vmem>>
      %dma_wait3A_194 = arith.constant 0 : i32
      %dma_wait3A_195 = arith.constant 0 : i32
      %dma_wait3A_196 = tpu.memref_slice %arg10[%dma_wait3A_194, %dma_wait3A_195] : memref<10240x128xf32, #tpu.memory_space<vmem_shared>> -> memref<10240x128xf32, #tpu.memory_space<vmem_shared>>
      tpu.wait_indirect_dma semaphore(%arg14 : memref<!tpu.dma_semaphore, #tpu.memory_space<semaphore_mem>>) src(%arg7 : memref<80x128xf32, #tpu.memory_space<vmem>>) dst(%dma_wait3A_196 : memref<10240x128xf32, #tpu.memory_space<vmem_shared>>)
      %add3A_197 = arith.constant 3 : i32
      %add3A_198 = arith.addi %mul3A_147, %add3A_197 : i32
      %mul3A_199 = arith.constant 80 : i32
      %mul3A_200 = arith.muli %add3A_198, %mul3A_199 : i32
      %add3A_201 = arith.addi %mul3A_6, %mul3A_200 : i32
      %dma_start3A_202 = arith.constant 0 : i32
      %dma_start3A_203 = tpu.memref_slice %arg2[%add3A_201, %dma_start3A_202] : memref<320000x128xf32, #tpu.memory_space<hbm>> -> memref<80x128xf32, #tpu.memory_space<hbm>>
      %dma_start3A_204 = arith.constant 0 : i32
      %dma_start3A_205 = tpu.memref_slice %arg2[%add3A_201, %dma_start3A_204] : memref<320000x128xf32, #tpu.memory_space<hbm>> -> memref<80x128xf32, #tpu.memory_space<hbm>>
      tpu.enqueue_dma source(%dma_start3A_205 : memref<80x128xf32, #tpu.memory_space<hbm>>) target(%arg7 : memref<80x128xf32, #tpu.memory_space<vmem>>) target_semaphore(%arg11 : memref<!tpu.dma_semaphore, #tpu.memory_space<semaphore_mem>>)
      %dma_wait3A_206 = arith.constant 0 : i32
      %dma_wait3A_207 = arith.constant 0 : i32
      %dma_wait3A_208 = tpu.memref_slice %arg2[%dma_wait3A_206, %dma_wait3A_207] : memref<320000x128xf32, #tpu.memory_space<hbm>> -> memref<80x128xf32, #tpu.memory_space<hbm>>
      %dma_wait3A_209 = arith.constant 0 : i32
      %dma_wait3A_210 = arith.constant 0 : i32
      %dma_wait3A_211 = tpu.memref_slice %arg2[%dma_wait3A_209, %dma_wait3A_210] : memref<320000x128xf32, #tpu.memory_space<hbm>> -> memref<80x128xf32, #tpu.memory_space<hbm>>
      tpu.wait_dma2 semaphore(%arg13 : memref<!tpu.dma_semaphore, #tpu.memory_space<semaphore_mem>>) src(%dma_wait3A_211 : memref<80x128xf32, #tpu.memory_space<hbm>>) dst(%arg9 : memref<80x128xf32, #tpu.memory_space<vmem>>)
      %add3A_212 = arith.constant 2 : i32
      %add3A_213 = arith.addi %mul3A_147, %add3A_212 : i32
      %dma_start3A_214 = arith.constant 0 : i32
      %dma_start3A_215 = tpu.memref_slice %arg6[%add3A_213, %dma_start3A_214] : memref<125x80xi32, #tpu.memory_space<vmem>> -> memref<1x80xi32, #tpu.memory_space<vmem>>
      %dma_start3A_216 = tpu.memref_squeeze %dma_start3A_215 : memref<1x80xi32, #tpu.memory_space<vmem>> -> memref<80xi32, #tpu.memory_space<vmem>>
      %dma_start3A_217 = arith.constant 0 : i32
      %dma_start3A_218 = arith.constant 0 : i32
      %dma_start3A_219 = tpu.memref_slice %arg10[%dma_start3A_217, %dma_start3A_218] : memref<10240x128xf32, #tpu.memory_space<vmem_shared>> -> memref<10240x128xf32, #tpu.memory_space<vmem_shared>>
      tpu.enqueue_indirect_dma source(%arg9 : memref<80x128xf32, #tpu.memory_space<vmem>>) target(%dma_start3A_219 : memref<10240x128xf32, #tpu.memory_space<vmem_shared>>) offsets(%dma_start3A_216 : memref<80xi32, #tpu.memory_space<vmem>>) semaphore(%arg16 : memref<!tpu.dma_semaphore, #tpu.memory_space<semaphore_mem>>) {add = true}
      %dma_wait3A_220 = arith.constant 0 : i32
      %dma_wait3A_221 = arith.constant 0 : i32
      %dma_wait3A_222 = tpu.memref_slice %arg6[%dma_wait3A_220, %dma_wait3A_221] : memref<125x80xi32, #tpu.memory_space<vmem>> -> memref<1x80xi32, #tpu.memory_space<vmem>>
      %dma_wait3A_223 = tpu.memref_squeeze %dma_wait3A_222 : memref<1x80xi32, #tpu.memory_space<vmem>> -> memref<80xi32, #tpu.memory_space<vmem>>
      %dma_wait3A_224 = arith.constant 0 : i32
      %dma_wait3A_225 = arith.constant 0 : i32
      %dma_wait3A_226 = tpu.memref_slice %arg10[%dma_wait3A_224, %dma_wait3A_225] : memref<10240x128xf32, #tpu.memory_space<vmem_shared>> -> memref<10240x128xf32, #tpu.memory_space<vmem_shared>>
      tpu.wait_indirect_dma semaphore(%arg15 : memref<!tpu.dma_semaphore, #tpu.memory_space<semaphore_mem>>) src(%arg8 : memref<80x128xf32, #tpu.memory_space<vmem>>) dst(%dma_wait3A_226 : memref<10240x128xf32, #tpu.memory_space<vmem_shared>>)
      %add3A_227 = arith.constant 4 : i32
      %add3A_228 = arith.addi %mul3A_147, %add3A_227 : i32
      %mul3A_229 = arith.constant 80 : i32
      %mul3A_230 = arith.muli %add3A_228, %mul3A_229 : i32
      %add3A_231 = arith.addi %mul3A_6, %mul3A_230 : i32
      %dma_start3A_232 = arith.constant 0 : i32
      %dma_start3A_233 = tpu.memref_slice %arg2[%add3A_231, %dma_start3A_232] : memref<320000x128xf32, #tpu.memory_space<hbm>> -> memref<80x128xf32, #tpu.memory_space<hbm>>
      %dma_start3A_234 = arith.constant 0 : i32
      %dma_start3A_235 = tpu.memref_slice %arg2[%add3A_231, %dma_start3A_234] : memref<320000x128xf32, #tpu.memory_space<hbm>> -> memref<80x128xf32, #tpu.memory_space<hbm>>
      tpu.enqueue_dma source(%dma_start3A_235 : memref<80x128xf32, #tpu.memory_space<hbm>>) target(%arg8 : memref<80x128xf32, #tpu.memory_space<vmem>>) target_semaphore(%arg12 : memref<!tpu.dma_semaphore, #tpu.memory_space<semaphore_mem>>)
    }
    %scan3A_92 = arith.constant 40 : i32
    %dma_wait3A_93 = arith.constant 0 : i32
    %dma_wait3A_94 = arith.constant 0 : i32
    %dma_wait3A_95 = tpu.memref_slice %arg2[%dma_wait3A_93, %dma_wait3A_94] : memref<320000x128xf32, #tpu.memory_space<hbm>> -> memref<80x128xf32, #tpu.memory_space<hbm>>
    %dma_wait3A_96 = arith.constant 0 : i32
    %dma_wait3A_97 = arith.constant 0 : i32
    %dma_wait3A_98 = tpu.memref_slice %arg2[%dma_wait3A_96, %dma_wait3A_97] : memref<320000x128xf32, #tpu.memory_space<hbm>> -> memref<80x128xf32, #tpu.memory_space<hbm>>
    tpu.wait_dma2 semaphore(%arg11 : memref<!tpu.dma_semaphore, #tpu.memory_space<semaphore_mem>>) src(%dma_wait3A_98 : memref<80x128xf32, #tpu.memory_space<hbm>>) dst(%arg7 : memref<80x128xf32, #tpu.memory_space<vmem>>)
    %dma_start3A_99 = arith.constant 123 : i32
    %dma_start3A_100 = arith.constant 0 : i32
    %dma_start3A_101 = tpu.memref_slice %arg6[%dma_start3A_99, %dma_start3A_100] : memref<125x80xi32, #tpu.memory_space<vmem>> -> memref<1x80xi32, #tpu.memory_space<vmem>>
    %dma_start3A_102 = tpu.memref_squeeze %dma_start3A_101 : memref<1x80xi32, #tpu.memory_space<vmem>> -> memref<80xi32, #tpu.memory_space<vmem>>
    %dma_start3A_103 = arith.constant 0 : i32
    %dma_start3A_104 = arith.constant 0 : i32
    %dma_start3A_105 = tpu.memref_slice %arg10[%dma_start3A_103, %dma_start3A_104] : memref<10240x128xf32, #tpu.memory_space<vmem_shared>> -> memref<10240x128xf32, #tpu.memory_space<vmem_shared>>
    tpu.enqueue_indirect_dma source(%arg7 : memref<80x128xf32, #tpu.memory_space<vmem>>) target(%dma_start3A_105 : memref<10240x128xf32, #tpu.memory_space<vmem_shared>>) offsets(%dma_start3A_102 : memref<80xi32, #tpu.memory_space<vmem>>) semaphore(%arg14 : memref<!tpu.dma_semaphore, #tpu.memory_space<semaphore_mem>>) {add = true}
    %dma_wait3A_106 = arith.constant 0 : i32
    %dma_wait3A_107 = arith.constant 0 : i32
    %dma_wait3A_108 = tpu.memref_slice %arg2[%dma_wait3A_106, %dma_wait3A_107] : memref<320000x128xf32, #tpu.memory_space<hbm>> -> memref<80x128xf32, #tpu.memory_space<hbm>>
    %dma_wait3A_109 = arith.constant 0 : i32
    %dma_wait3A_110 = arith.constant 0 : i32
    %dma_wait3A_111 = tpu.memref_slice %arg2[%dma_wait3A_109, %dma_wait3A_110] : memref<320000x128xf32, #tpu.memory_space<hbm>> -> memref<80x128xf32, #tpu.memory_space<hbm>>
    tpu.wait_dma2 semaphore(%arg12 : memref<!tpu.dma_semaphore, #tpu.memory_space<semaphore_mem>>) src(%dma_wait3A_111 : memref<80x128xf32, #tpu.memory_space<hbm>>) dst(%arg8 : memref<80x128xf32, #tpu.memory_space<vmem>>)
    %dma_start3A_112 = arith.constant 124 : i32
    %dma_start3A_113 = arith.constant 0 : i32
    %dma_start3A_114 = tpu.memref_slice %arg6[%dma_start3A_112, %dma_start3A_113] : memref<125x80xi32, #tpu.memory_space<vmem>> -> memref<1x80xi32, #tpu.memory_space<vmem>>
    %dma_start3A_115 = tpu.memref_squeeze %dma_start3A_114 : memref<1x80xi32, #tpu.memory_space<vmem>> -> memref<80xi32, #tpu.memory_space<vmem>>
    %dma_start3A_116 = arith.constant 0 : i32
    %dma_start3A_117 = arith.constant 0 : i32
    %dma_start3A_118 = tpu.memref_slice %arg10[%dma_start3A_116, %dma_start3A_117] : memref<10240x128xf32, #tpu.memory_space<vmem_shared>> -> memref<10240x128xf32, #tpu.memory_space<vmem_shared>>
    tpu.enqueue_indirect_dma source(%arg8 : memref<80x128xf32, #tpu.memory_space<vmem>>) target(%dma_start3A_118 : memref<10240x128xf32, #tpu.memory_space<vmem_shared>>) offsets(%dma_start3A_115 : memref<80xi32, #tpu.memory_space<vmem>>) semaphore(%arg15 : memref<!tpu.dma_semaphore, #tpu.memory_space<semaphore_mem>>) {add = true}
    %dma_wait3A_119 = arith.constant 0 : i32
    %dma_wait3A_120 = arith.constant 0 : i32
    %dma_wait3A_121 = tpu.memref_slice %arg6[%dma_wait3A_119, %dma_wait3A_120] : memref<125x80xi32, #tpu.memory_space<vmem>> -> memref<1x80xi32, #tpu.memory_space<vmem>>
    %dma_wait3A_122 = tpu.memref_squeeze %dma_wait3A_121 : memref<1x80xi32, #tpu.memory_space<vmem>> -> memref<80xi32, #tpu.memory_space<vmem>>
    %dma_wait3A_123 = arith.constant 0 : i32
    %dma_wait3A_124 = arith.constant 0 : i32
    %dma_wait3A_125 = tpu.memref_slice %arg10[%dma_wait3A_123, %dma_wait3A_124] : memref<10240x128xf32, #tpu.memory_space<vmem_shared>> -> memref<10240x128xf32, #tpu.memory_space<vmem_shared>>
    tpu.wait_indirect_dma semaphore(%arg16 : memref<!tpu.dma_semaphore, #tpu.memory_space<semaphore_mem>>) src(%arg9 : memref<80x128xf32, #tpu.memory_space<vmem>>) dst(%dma_wait3A_125 : memref<10240x128xf32, #tpu.memory_space<vmem_shared>>)
    %dma_wait3A_126 = arith.constant 0 : i32
    %dma_wait3A_127 = arith.constant 0 : i32
    %dma_wait3A_128 = tpu.memref_slice %arg6[%dma_wait3A_126, %dma_wait3A_127] : memref<125x80xi32, #tpu.memory_space<vmem>> -> memref<1x80xi32, #tpu.memory_space<vmem>>
    %dma_wait3A_129 = tpu.memref_squeeze %dma_wait3A_128 : memref<1x80xi32, #tpu.memory_space<vmem>> -> memref<80xi32, #tpu.memory_space<vmem>>
    %dma_wait3A_130 = arith.constant 0 : i32
    %dma_wait3A_131 = arith.constant 0 : i32
    %dma_wait3A_132 = tpu.memref_slice %arg10[%dma_wait3A_130, %dma_wait3A_131] : memref<10240x128xf32, #tpu.memory_space<vmem_shared>> -> memref<10240x128xf32, #tpu.memory_space<vmem_shared>>
    tpu.wait_indirect_dma semaphore(%arg14 : memref<!tpu.dma_semaphore, #tpu.memory_space<semaphore_mem>>) src(%arg7 : memref<80x128xf32, #tpu.memory_space<vmem>>) dst(%dma_wait3A_132 : memref<10240x128xf32, #tpu.memory_space<vmem_shared>>)
    %dma_wait3A_133 = arith.constant 0 : i32
    %dma_wait3A_134 = arith.constant 0 : i32
    %dma_wait3A_135 = tpu.memref_slice %arg6[%dma_wait3A_133, %dma_wait3A_134] : memref<125x80xi32, #tpu.memory_space<vmem>> -> memref<1x80xi32, #tpu.memory_space<vmem>>
    %dma_wait3A_136 = tpu.memref_squeeze %dma_wait3A_135 : memref<1x80xi32, #tpu.memory_space<vmem>> -> memref<80xi32, #tpu.memory_space<vmem>>
    %dma_wait3A_137 = arith.constant 0 : i32
    %dma_wait3A_138 = arith.constant 0 : i32
    %dma_wait3A_139 = tpu.memref_slice %arg10[%dma_wait3A_137, %dma_wait3A_138] : memref<10240x128xf32, #tpu.memory_space<vmem_shared>> -> memref<10240x128xf32, #tpu.memory_space<vmem_shared>>
    tpu.wait_indirect_dma semaphore(%arg15 : memref<!tpu.dma_semaphore, #tpu.memory_space<semaphore_mem>>) src(%arg8 : memref<80x128xf32, #tpu.memory_space<vmem>>) dst(%dma_wait3A_139 : memref<10240x128xf32, #tpu.memory_space<vmem_shared>>)
    %barrier3A_140 = arith.constant 0 : index
    tpu.barrier barrier_id(%barrier3A_140)
    %mul3A_141 = arith.constant 640 : i32
    %mul3A_142 = arith.muli %arg1, %mul3A_141 : i32
    %mul3A_143 = arith.constant 640 : i32
    %mul3A_144 = arith.muli %arg1, %mul3A_143 : i32
    "tpu.region"() ({
      %run_scoped3A = tpu.sem_alloc : memref<!tpu.dma_semaphore, #tpu.memory_space<semaphore_mem>>
      %dma_start3A_145 = arith.constant 0 : i32
      %dma_start3A_146 = tpu.memref_slice %arg5[%arg0, %mul3A_144, %dma_start3A_145] : memref<2x10240x128xf32, #tpu.memory_space<hbm>> -> memref<1x640x128xf32, #tpu.memory_space<hbm>>
      %dma_start3A_147 = tpu.memref_squeeze %dma_start3A_146 : memref<1x640x128xf32, #tpu.memory_space<hbm>> -> memref<640x128xf32, #tpu.memory_space<hbm>>
      %dma_start3A_148 = arith.constant 0 : i32
      %dma_start3A_149 = tpu.memref_slice %arg10[%mul3A_142, %dma_start3A_148] : memref<10240x128xf32, #tpu.memory_space<vmem_shared>> -> memref<640x128xf32, #tpu.memory_space<vmem_shared>>
      tpu.enqueue_dma source(%dma_start3A_149 : memref<640x128xf32, #tpu.memory_space<vmem_shared>>) target(%dma_start3A_147 : memref<640x128xf32, #tpu.memory_space<hbm>>) target_semaphore(%run_scoped3A : memref<!tpu.dma_semaphore, #tpu.memory_space<semaphore_mem>>)
      %dma_wait3A_150 = arith.constant 0 : i32
      %dma_wait3A_151 = tpu.memref_slice %arg5[%arg0, %mul3A_144, %dma_wait3A_150] : memref<2x10240x128xf32, #tpu.memory_space<hbm>> -> memref<1x640x128xf32, #tpu.memory_space<hbm>>
      %dma_wait3A_152 = tpu.memref_squeeze %dma_wait3A_151 : memref<1x640x128xf32, #tpu.memory_space<hbm>> -> memref<640x128xf32, #tpu.memory_space<hbm>>
      %dma_wait3A_153 = arith.constant 0 : i32
      %dma_wait3A_154 = tpu.memref_slice %arg10[%mul3A_142, %dma_wait3A_153] : memref<10240x128xf32, #tpu.memory_space<vmem_shared>> -> memref<640x128xf32, #tpu.memory_space<vmem_shared>>
      tpu.wait_dma2 semaphore(%run_scoped3A : memref<!tpu.dma_semaphore, #tpu.memory_space<semaphore_mem>>) src(%dma_wait3A_154 : memref<640x128xf32, #tpu.memory_space<vmem_shared>>) dst(%dma_wait3A_152 : memref<640x128xf32, #tpu.memory_space<hbm>>)
      tpu.yield
    }) : () -> ()
    return
  }
}

#map = affine_map<(d0, d1) -> (0, 0)>
#map1 = affine_map<(d0, d1) -> (0, 0, 0)>
module attributes {stable_mosaic.version = 14 : i64} {
  func.func @k(%arg0: i32, %arg1: i32, %arg2: memref<10240x128xf32, #tpu.memory_space<hbm>>, %arg3: memref<32x125x80xi32, #tpu.memory_space<hbm>>, %arg4: memref<320000x128xf32, #tpu.memory_space<hbm>>, %arg5: memref<125x80xi32, #tpu.memory_space<vmem>>, %arg6: memref<80x128xf32, #tpu.memory_space<vmem>>, %arg7: memref<80x128xf32, #tpu.memory_space<vmem>>, %arg8: memref<80x128xf32, #tpu.memory_space<vmem>>, %arg9: memref<10240x128xf32, #tpu.memory_space<vmem_shared>>, %arg10: memref<!tpu.dma_semaphore, #tpu.memory_space<semaphore_mem>>, %arg11: memref<!tpu.dma_semaphore, #tpu.memory_space<semaphore_mem>>, %arg12: memref<!tpu.dma_semaphore, #tpu.memory_space<semaphore_mem>>, %arg13: memref<!tpu.dma_semaphore, #tpu.memory_space<semaphore_mem>>, %arg14: memref<!tpu.dma_semaphore, #tpu.memory_space<semaphore_mem>>, %arg15: memref<!tpu.dma_semaphore, #tpu.memory_space<semaphore_mem>>) attributes {dimension_semantics = [#tpu.dimension_semantics<core_parallel>, #tpu.dimension_semantics<subcore_parallel>], iteration_bounds = array<i64: 2, 16>, scalar_prefetch = 0 : i64, scratch_operands = 11 : i64, tpu.core_type = #tpu.core_type<sc_vector_subcore>, window_params = [{transform_indices = #map}, {transform_indices = #map1}, {transform_indices = #map}]} {
    %mul3A = arith.constant 16 : i32
    %mul3A_0 = arith.muli %arg0, %mul3A : i32
    %add3A = arith.addi %mul3A_0, %arg1 : i32
    %mul3A_1 = arith.constant 640 : i32
    %mul3A_2 = arith.muli %arg1, %mul3A_1 : i32
    %mul3A_3 = arith.constant 640 : i32
    %mul3A_4 = arith.muli %arg1, %mul3A_3 : i32
    "tpu.region"() ({
      %run_scoped3A = tpu.sem_alloc : memref<!tpu.dma_semaphore, #tpu.memory_space<semaphore_mem>>
      %dma_start3A_140 = arith.constant 0 : i32
      %dma_start3A_141 = tpu.memref_slice %arg9[%mul3A_4, %dma_start3A_140] : memref<10240x128xf32, #tpu.memory_space<vmem_shared>> -> memref<640x128xf32, #tpu.memory_space<vmem_shared>>
      %dma_start3A_142 = arith.constant 0 : i32
      %dma_start3A_143 = tpu.memref_slice %arg2[%mul3A_2, %dma_start3A_142] : memref<10240x128xf32, #tpu.memory_space<hbm>> -> memref<640x128xf32, #tpu.memory_space<hbm>>
      tpu.enqueue_dma source(%dma_start3A_143 : memref<640x128xf32, #tpu.memory_space<hbm>>) target(%dma_start3A_141 : memref<640x128xf32, #tpu.memory_space<vmem_shared>>) target_semaphore(%run_scoped3A : memref<!tpu.dma_semaphore, #tpu.memory_space<semaphore_mem>>)
      %dma_wait3A_144 = arith.constant 0 : i32
      %dma_wait3A_145 = tpu.memref_slice %arg9[%mul3A_4, %dma_wait3A_144] : memref<10240x128xf32, #tpu.memory_space<vmem_shared>> -> memref<640x128xf32, #tpu.memory_space<vmem_shared>>
      %dma_wait3A_146 = arith.constant 0 : i32
      %dma_wait3A_147 = tpu.memref_slice %arg2[%mul3A_2, %dma_wait3A_146] : memref<10240x128xf32, #tpu.memory_space<hbm>> -> memref<640x128xf32, #tpu.memory_space<hbm>>
      tpu.wait_dma2 semaphore(%run_scoped3A : memref<!tpu.dma_semaphore, #tpu.memory_space<semaphore_mem>>) src(%dma_wait3A_147 : memref<640x128xf32, #tpu.memory_space<hbm>>) dst(%dma_wait3A_145 : memref<640x128xf32, #tpu.memory_space<vmem_shared>>)
      tpu.yield
    }) : () -> ()
    "tpu.region"() ({
      %run_scoped3A = tpu.sem_alloc : memref<!tpu.dma_semaphore, #tpu.memory_space<semaphore_mem>>
      %dma_start3A_140 = arith.constant 0 : i32
      %dma_start3A_141 = arith.constant 0 : i32
      %dma_start3A_142 = tpu.memref_slice %arg3[%add3A, %dma_start3A_140, %dma_start3A_141] : memref<32x125x80xi32, #tpu.memory_space<hbm>> -> memref<1x125x80xi32, #tpu.memory_space<hbm>>
      %dma_start3A_143 = tpu.memref_squeeze %dma_start3A_142 : memref<1x125x80xi32, #tpu.memory_space<hbm>> -> memref<125x80xi32, #tpu.memory_space<hbm>>
      %dma_start3A_144 = arith.constant 0 : i32
      %dma_start3A_145 = arith.constant 0 : i32
      %dma_start3A_146 = tpu.memref_slice %arg3[%add3A, %dma_start3A_144, %dma_start3A_145] : memref<32x125x80xi32, #tpu.memory_space<hbm>> -> memref<1x125x80xi32, #tpu.memory_space<hbm>>
      %dma_start3A_147 = tpu.memref_squeeze %dma_start3A_146 : memref<1x125x80xi32, #tpu.memory_space<hbm>> -> memref<125x80xi32, #tpu.memory_space<hbm>>
      tpu.enqueue_dma source(%dma_start3A_147 : memref<125x80xi32, #tpu.memory_space<hbm>>) target(%arg5 : memref<125x80xi32, #tpu.memory_space<vmem>>) target_semaphore(%run_scoped3A : memref<!tpu.dma_semaphore, #tpu.memory_space<semaphore_mem>>)
      %dma_wait3A_148 = arith.constant 0 : i32
      %dma_wait3A_149 = arith.constant 0 : i32
      %dma_wait3A_150 = tpu.memref_slice %arg3[%add3A, %dma_wait3A_148, %dma_wait3A_149] : memref<32x125x80xi32, #tpu.memory_space<hbm>> -> memref<1x125x80xi32, #tpu.memory_space<hbm>>
      %dma_wait3A_151 = tpu.memref_squeeze %dma_wait3A_150 : memref<1x125x80xi32, #tpu.memory_space<hbm>> -> memref<125x80xi32, #tpu.memory_space<hbm>>
      %dma_wait3A_152 = arith.constant 0 : i32
      %dma_wait3A_153 = arith.constant 0 : i32
      %dma_wait3A_154 = tpu.memref_slice %arg3[%add3A, %dma_wait3A_152, %dma_wait3A_153] : memref<32x125x80xi32, #tpu.memory_space<hbm>> -> memref<1x125x80xi32, #tpu.memory_space<hbm>>
      %dma_wait3A_155 = tpu.memref_squeeze %dma_wait3A_154 : memref<1x125x80xi32, #tpu.memory_space<hbm>> -> memref<125x80xi32, #tpu.memory_space<hbm>>
      tpu.wait_dma2 semaphore(%run_scoped3A : memref<!tpu.dma_semaphore, #tpu.memory_space<semaphore_mem>>) src(%dma_wait3A_155 : memref<125x80xi32, #tpu.memory_space<hbm>>) dst(%arg5 : memref<125x80xi32, #tpu.memory_space<vmem>>)
      tpu.yield
    }) : () -> ()
    %barrier3A = arith.constant 0 : index
    tpu.barrier barrier_id(%barrier3A)
    %mul3A_5 = arith.constant 10000 : i32
    %mul3A_6 = arith.muli %add3A, %mul3A_5 : i32
    %dma_start3A = arith.constant 0 : i32
    %dma_start3A_7 = arith.constant 0 : i32
    %dma_start3A_8 = tpu.memref_slice %arg5[%dma_start3A, %dma_start3A_7] : memref<125x80xi32, #tpu.memory_space<vmem>> -> memref<1x80xi32, #tpu.memory_space<vmem>>
    %dma_start3A_9 = tpu.memref_squeeze %dma_start3A_8 : memref<1x80xi32, #tpu.memory_space<vmem>> -> memref<80xi32, #tpu.memory_space<vmem>>
    %dma_start3A_10 = arith.constant 0 : i32
    %dma_start3A_11 = arith.constant 0 : i32
    %dma_start3A_12 = tpu.memref_slice %arg9[%dma_start3A_10, %dma_start3A_11] : memref<10240x128xf32, #tpu.memory_space<vmem_shared>> -> memref<10240x128xf32, #tpu.memory_space<vmem_shared>>
    tpu.enqueue_indirect_dma source(%dma_start3A_12 : memref<10240x128xf32, #tpu.memory_space<vmem_shared>>) target(%arg6 : memref<80x128xf32, #tpu.memory_space<vmem>>) offsets(%dma_start3A_9 : memref<80xi32, #tpu.memory_space<vmem>>) semaphore(%arg10 : memref<!tpu.dma_semaphore, #tpu.memory_space<semaphore_mem>>)
    %dma_start3A_13 = arith.constant 1 : i32
    %dma_start3A_14 = arith.constant 0 : i32
    %dma_start3A_15 = tpu.memref_slice %arg5[%dma_start3A_13, %dma_start3A_14] : memref<125x80xi32, #tpu.memory_space<vmem>> -> memref<1x80xi32, #tpu.memory_space<vmem>>
    %dma_start3A_16 = tpu.memref_squeeze %dma_start3A_15 : memref<1x80xi32, #tpu.memory_space<vmem>> -> memref<80xi32, #tpu.memory_space<vmem>>
    %dma_start3A_17 = arith.constant 0 : i32
    %dma_start3A_18 = arith.constant 0 : i32
    %dma_start3A_19 = tpu.memref_slice %arg9[%dma_start3A_17, %dma_start3A_18] : memref<10240x128xf32, #tpu.memory_space<vmem_shared>> -> memref<10240x128xf32, #tpu.memory_space<vmem_shared>>
    tpu.enqueue_indirect_dma source(%dma_start3A_19 : memref<10240x128xf32, #tpu.memory_space<vmem_shared>>) target(%arg7 : memref<80x128xf32, #tpu.memory_space<vmem>>) offsets(%dma_start3A_16 : memref<80xi32, #tpu.memory_space<vmem>>) semaphore(%arg11 : memref<!tpu.dma_semaphore, #tpu.memory_space<semaphore_mem>>)
    %dma_wait3A = arith.constant 0 : i32
    %dma_wait3A_20 = arith.constant 0 : i32
    %dma_wait3A_21 = tpu.memref_slice %arg5[%dma_wait3A, %dma_wait3A_20] : memref<125x80xi32, #tpu.memory_space<vmem>> -> memref<1x80xi32, #tpu.memory_space<vmem>>
    %dma_wait3A_22 = tpu.memref_squeeze %dma_wait3A_21 : memref<1x80xi32, #tpu.memory_space<vmem>> -> memref<80xi32, #tpu.memory_space<vmem>>
    %dma_wait3A_23 = arith.constant 0 : i32
    %dma_wait3A_24 = arith.constant 0 : i32
    %dma_wait3A_25 = tpu.memref_slice %arg9[%dma_wait3A_23, %dma_wait3A_24] : memref<10240x128xf32, #tpu.memory_space<vmem_shared>> -> memref<10240x128xf32, #tpu.memory_space<vmem_shared>>
    tpu.wait_indirect_dma semaphore(%arg10 : memref<!tpu.dma_semaphore, #tpu.memory_space<semaphore_mem>>) src(%dma_wait3A_25 : memref<10240x128xf32, #tpu.memory_space<vmem_shared>>) dst(%arg6 : memref<80x128xf32, #tpu.memory_space<vmem>>)
    %add3A_26 = arith.constant 0 : i32
    %add3A_27 = arith.addi %mul3A_6, %add3A_26 : i32
    %dma_start3A_28 = arith.constant 0 : i32
    %dma_start3A_29 = tpu.memref_slice %arg4[%add3A_27, %dma_start3A_28] : memref<320000x128xf32, #tpu.memory_space<hbm>> -> memref<80x128xf32, #tpu.memory_space<hbm>>
    %dma_start3A_30 = arith.constant 0 : i32
    %dma_start3A_31 = tpu.memref_slice %arg4[%add3A_27, %dma_start3A_30] : memref<320000x128xf32, #tpu.memory_space<hbm>> -> memref<80x128xf32, #tpu.memory_space<hbm>>
    tpu.enqueue_dma source(%arg6 : memref<80x128xf32, #tpu.memory_space<vmem>>) target(%dma_start3A_31 : memref<80x128xf32, #tpu.memory_space<hbm>>) target_semaphore(%arg13 : memref<!tpu.dma_semaphore, #tpu.memory_space<semaphore_mem>>)
    %dma_start3A_32 = arith.constant 2 : i32
    %dma_start3A_33 = arith.constant 0 : i32
    %dma_start3A_34 = tpu.memref_slice %arg5[%dma_start3A_32, %dma_start3A_33] : memref<125x80xi32, #tpu.memory_space<vmem>> -> memref<1x80xi32, #tpu.memory_space<vmem>>
    %dma_start3A_35 = tpu.memref_squeeze %dma_start3A_34 : memref<1x80xi32, #tpu.memory_space<vmem>> -> memref<80xi32, #tpu.memory_space<vmem>>
    %dma_start3A_36 = arith.constant 0 : i32
    %dma_start3A_37 = arith.constant 0 : i32
    %dma_start3A_38 = tpu.memref_slice %arg9[%dma_start3A_36, %dma_start3A_37] : memref<10240x128xf32, #tpu.memory_space<vmem_shared>> -> memref<10240x128xf32, #tpu.memory_space<vmem_shared>>
    tpu.enqueue_indirect_dma source(%dma_start3A_38 : memref<10240x128xf32, #tpu.memory_space<vmem_shared>>) target(%arg8 : memref<80x128xf32, #tpu.memory_space<vmem>>) offsets(%dma_start3A_35 : memref<80xi32, #tpu.memory_space<vmem>>) semaphore(%arg12 : memref<!tpu.dma_semaphore, #tpu.memory_space<semaphore_mem>>)
    %dma_wait3A_39 = arith.constant 0 : i32
    %dma_wait3A_40 = arith.constant 0 : i32
    %dma_wait3A_41 = tpu.memref_slice %arg5[%dma_wait3A_39, %dma_wait3A_40] : memref<125x80xi32, #tpu.memory_space<vmem>> -> memref<1x80xi32, #tpu.memory_space<vmem>>
    %dma_wait3A_42 = tpu.memref_squeeze %dma_wait3A_41 : memref<1x80xi32, #tpu.memory_space<vmem>> -> memref<80xi32, #tpu.memory_space<vmem>>
    %dma_wait3A_43 = arith.constant 0 : i32
    %dma_wait3A_44 = arith.constant 0 : i32
    %dma_wait3A_45 = tpu.memref_slice %arg9[%dma_wait3A_43, %dma_wait3A_44] : memref<10240x128xf32, #tpu.memory_space<vmem_shared>> -> memref<10240x128xf32, #tpu.memory_space<vmem_shared>>
    tpu.wait_indirect_dma semaphore(%arg11 : memref<!tpu.dma_semaphore, #tpu.memory_space<semaphore_mem>>) src(%dma_wait3A_45 : memref<10240x128xf32, #tpu.memory_space<vmem_shared>>) dst(%arg7 : memref<80x128xf32, #tpu.memory_space<vmem>>)
    %add3A_46 = arith.constant 80 : i32
    %add3A_47 = arith.addi %mul3A_6, %add3A_46 : i32
    %dma_start3A_48 = arith.constant 0 : i32
    %dma_start3A_49 = tpu.memref_slice %arg4[%add3A_47, %dma_start3A_48] : memref<320000x128xf32, #tpu.memory_space<hbm>> -> memref<80x128xf32, #tpu.memory_space<hbm>>
    %dma_start3A_50 = arith.constant 0 : i32
    %dma_start3A_51 = tpu.memref_slice %arg4[%add3A_47, %dma_start3A_50] : memref<320000x128xf32, #tpu.memory_space<hbm>> -> memref<80x128xf32, #tpu.memory_space<hbm>>
    tpu.enqueue_dma source(%arg7 : memref<80x128xf32, #tpu.memory_space<vmem>>) target(%dma_start3A_51 : memref<80x128xf32, #tpu.memory_space<hbm>>) target_semaphore(%arg14 : memref<!tpu.dma_semaphore, #tpu.memory_space<semaphore_mem>>)
    %dma_wait3A_52 = arith.constant 0 : i32
    %dma_wait3A_53 = arith.constant 0 : i32
    %dma_wait3A_54 = tpu.memref_slice %arg4[%dma_wait3A_52, %dma_wait3A_53] : memref<320000x128xf32, #tpu.memory_space<hbm>> -> memref<80x128xf32, #tpu.memory_space<hbm>>
    %dma_wait3A_55 = arith.constant 0 : i32
    %dma_wait3A_56 = arith.constant 0 : i32
    %dma_wait3A_57 = tpu.memref_slice %arg4[%dma_wait3A_55, %dma_wait3A_56] : memref<320000x128xf32, #tpu.memory_space<hbm>> -> memref<80x128xf32, #tpu.memory_space<hbm>>
    tpu.wait_dma2 semaphore(%arg13 : memref<!tpu.dma_semaphore, #tpu.memory_space<semaphore_mem>>) src(%arg6 : memref<80x128xf32, #tpu.memory_space<vmem>>) dst(%dma_wait3A_57 : memref<80x128xf32, #tpu.memory_space<hbm>>)
    %dma_start3A_58 = arith.constant 3 : i32
    %dma_start3A_59 = arith.constant 0 : i32
    %dma_start3A_60 = tpu.memref_slice %arg5[%dma_start3A_58, %dma_start3A_59] : memref<125x80xi32, #tpu.memory_space<vmem>> -> memref<1x80xi32, #tpu.memory_space<vmem>>
    %dma_start3A_61 = tpu.memref_squeeze %dma_start3A_60 : memref<1x80xi32, #tpu.memory_space<vmem>> -> memref<80xi32, #tpu.memory_space<vmem>>
    %dma_start3A_62 = arith.constant 0 : i32
    %dma_start3A_63 = arith.constant 0 : i32
    %dma_start3A_64 = tpu.memref_slice %arg9[%dma_start3A_62, %dma_start3A_63] : memref<10240x128xf32, #tpu.memory_space<vmem_shared>> -> memref<10240x128xf32, #tpu.memory_space<vmem_shared>>
    tpu.enqueue_indirect_dma source(%dma_start3A_64 : memref<10240x128xf32, #tpu.memory_space<vmem_shared>>) target(%arg6 : memref<80x128xf32, #tpu.memory_space<vmem>>) offsets(%dma_start3A_61 : memref<80xi32, #tpu.memory_space<vmem>>) semaphore(%arg10 : memref<!tpu.dma_semaphore, #tpu.memory_space<semaphore_mem>>)
    %dma_wait3A_65 = arith.constant 0 : i32
    %dma_wait3A_66 = arith.constant 0 : i32
    %dma_wait3A_67 = tpu.memref_slice %arg5[%dma_wait3A_65, %dma_wait3A_66] : memref<125x80xi32, #tpu.memory_space<vmem>> -> memref<1x80xi32, #tpu.memory_space<vmem>>
    %dma_wait3A_68 = tpu.memref_squeeze %dma_wait3A_67 : memref<1x80xi32, #tpu.memory_space<vmem>> -> memref<80xi32, #tpu.memory_space<vmem>>
    %dma_wait3A_69 = arith.constant 0 : i32
    %dma_wait3A_70 = arith.constant 0 : i32
    %dma_wait3A_71 = tpu.memref_slice %arg9[%dma_wait3A_69, %dma_wait3A_70] : memref<10240x128xf32, #tpu.memory_space<vmem_shared>> -> memref<10240x128xf32, #tpu.memory_space<vmem_shared>>
    tpu.wait_indirect_dma semaphore(%arg12 : memref<!tpu.dma_semaphore, #tpu.memory_space<semaphore_mem>>) src(%dma_wait3A_71 : memref<10240x128xf32, #tpu.memory_space<vmem_shared>>) dst(%arg8 : memref<80x128xf32, #tpu.memory_space<vmem>>)
    %add3A_72 = arith.constant 160 : i32
    %add3A_73 = arith.addi %mul3A_6, %add3A_72 : i32
    %dma_start3A_74 = arith.constant 0 : i32
    %dma_start3A_75 = tpu.memref_slice %arg4[%add3A_73, %dma_start3A_74] : memref<320000x128xf32, #tpu.memory_space<hbm>> -> memref<80x128xf32, #tpu.memory_space<hbm>>
    %dma_start3A_76 = arith.constant 0 : i32
    %dma_start3A_77 = tpu.memref_slice %arg4[%add3A_73, %dma_start3A_76] : memref<320000x128xf32, #tpu.memory_space<hbm>> -> memref<80x128xf32, #tpu.memory_space<hbm>>
    tpu.enqueue_dma source(%arg8 : memref<80x128xf32, #tpu.memory_space<vmem>>) target(%dma_start3A_77 : memref<80x128xf32, #tpu.memory_space<hbm>>) target_semaphore(%arg15 : memref<!tpu.dma_semaphore, #tpu.memory_space<semaphore_mem>>)
    %dma_wait3A_78 = arith.constant 0 : i32
    %dma_wait3A_79 = arith.constant 0 : i32
    %dma_wait3A_80 = tpu.memref_slice %arg4[%dma_wait3A_78, %dma_wait3A_79] : memref<320000x128xf32, #tpu.memory_space<hbm>> -> memref<80x128xf32, #tpu.memory_space<hbm>>
    %dma_wait3A_81 = arith.constant 0 : i32
    %dma_wait3A_82 = arith.constant 0 : i32
    %dma_wait3A_83 = tpu.memref_slice %arg4[%dma_wait3A_81, %dma_wait3A_82] : memref<320000x128xf32, #tpu.memory_space<hbm>> -> memref<80x128xf32, #tpu.memory_space<hbm>>
    tpu.wait_dma2 semaphore(%arg14 : memref<!tpu.dma_semaphore, #tpu.memory_space<semaphore_mem>>) src(%arg7 : memref<80x128xf32, #tpu.memory_space<vmem>>) dst(%dma_wait3A_83 : memref<80x128xf32, #tpu.memory_space<hbm>>)
    %dma_start3A_84 = arith.constant 4 : i32
    %dma_start3A_85 = arith.constant 0 : i32
    %dma_start3A_86 = tpu.memref_slice %arg5[%dma_start3A_84, %dma_start3A_85] : memref<125x80xi32, #tpu.memory_space<vmem>> -> memref<1x80xi32, #tpu.memory_space<vmem>>
    %dma_start3A_87 = tpu.memref_squeeze %dma_start3A_86 : memref<1x80xi32, #tpu.memory_space<vmem>> -> memref<80xi32, #tpu.memory_space<vmem>>
    %dma_start3A_88 = arith.constant 0 : i32
    %dma_start3A_89 = arith.constant 0 : i32
    %dma_start3A_90 = tpu.memref_slice %arg9[%dma_start3A_88, %dma_start3A_89] : memref<10240x128xf32, #tpu.memory_space<vmem_shared>> -> memref<10240x128xf32, #tpu.memory_space<vmem_shared>>
    tpu.enqueue_indirect_dma source(%dma_start3A_90 : memref<10240x128xf32, #tpu.memory_space<vmem_shared>>) target(%arg7 : memref<80x128xf32, #tpu.memory_space<vmem>>) offsets(%dma_start3A_87 : memref<80xi32, #tpu.memory_space<vmem>>) semaphore(%arg11 : memref<!tpu.dma_semaphore, #tpu.memory_space<semaphore_mem>>)
    %scan3A = arith.constant 0 : i32
    %scan3A_91 = arith.constant 1 : i32
    %scan3A_92 = arith.constant 40 : i32
    %scan3A_93 = arith.addi %scan3A_91, %scan3A_92 : i32
    %scan3A_94 = arith.constant 1 : i32
    scf.for %scan3A_140 = %scan3A_91 to %scan3A_93 step %scan3A_94  : i32 {
      %mul3A_141 = arith.constant 3 : i32
      %mul3A_142 = arith.muli %mul3A_141, %scan3A_140 : i32
      %dma_wait3A_143 = arith.constant 0 : i32
      %dma_wait3A_144 = arith.constant 0 : i32
      %dma_wait3A_145 = tpu.memref_slice %arg5[%dma_wait3A_143, %dma_wait3A_144] : memref<125x80xi32, #tpu.memory_space<vmem>> -> memref<1x80xi32, #tpu.memory_space<vmem>>
      %dma_wait3A_146 = tpu.memref_squeeze %dma_wait3A_145 : memref<1x80xi32, #tpu.memory_space<vmem>> -> memref<80xi32, #tpu.memory_space<vmem>>
      %dma_wait3A_147 = arith.constant 0 : i32
      %dma_wait3A_148 = arith.constant 0 : i32
      %dma_wait3A_149 = tpu.memref_slice %arg9[%dma_wait3A_147, %dma_wait3A_148] : memref<10240x128xf32, #tpu.memory_space<vmem_shared>> -> memref<10240x128xf32, #tpu.memory_space<vmem_shared>>
      tpu.wait_indirect_dma semaphore(%arg10 : memref<!tpu.dma_semaphore, #tpu.memory_space<semaphore_mem>>) src(%dma_wait3A_149 : memref<10240x128xf32, #tpu.memory_space<vmem_shared>>) dst(%arg6 : memref<80x128xf32, #tpu.memory_space<vmem>>)
      %mul3A_150 = arith.constant 80 : i32
      %mul3A_151 = arith.muli %mul3A_142, %mul3A_150 : i32
      %add3A_152 = arith.addi %mul3A_6, %mul3A_151 : i32
      %dma_start3A_153 = arith.constant 0 : i32
      %dma_start3A_154 = tpu.memref_slice %arg4[%add3A_152, %dma_start3A_153] : memref<320000x128xf32, #tpu.memory_space<hbm>> -> memref<80x128xf32, #tpu.memory_space<hbm>>
      %dma_start3A_155 = arith.constant 0 : i32
      %dma_start3A_156 = tpu.memref_slice %arg4[%add3A_152, %dma_start3A_155] : memref<320000x128xf32, #tpu.memory_space<hbm>> -> memref<80x128xf32, #tpu.memory_space<hbm>>
      tpu.enqueue_dma source(%arg6 : memref<80x128xf32, #tpu.memory_space<vmem>>) target(%dma_start3A_156 : memref<80x128xf32, #tpu.memory_space<hbm>>) target_semaphore(%arg13 : memref<!tpu.dma_semaphore, #tpu.memory_space<semaphore_mem>>)
      %dma_wait3A_157 = arith.constant 0 : i32
      %dma_wait3A_158 = arith.constant 0 : i32
      %dma_wait3A_159 = tpu.memref_slice %arg4[%dma_wait3A_157, %dma_wait3A_158] : memref<320000x128xf32, #tpu.memory_space<hbm>> -> memref<80x128xf32, #tpu.memory_space<hbm>>
      %dma_wait3A_160 = arith.constant 0 : i32
      %dma_wait3A_161 = arith.constant 0 : i32
      %dma_wait3A_162 = tpu.memref_slice %arg4[%dma_wait3A_160, %dma_wait3A_161] : memref<320000x128xf32, #tpu.memory_space<hbm>> -> memref<80x128xf32, #tpu.memory_space<hbm>>
      tpu.wait_dma2 semaphore(%arg15 : memref<!tpu.dma_semaphore, #tpu.memory_space<semaphore_mem>>) src(%arg8 : memref<80x128xf32, #tpu.memory_space<vmem>>) dst(%dma_wait3A_162 : memref<80x128xf32, #tpu.memory_space<hbm>>)
      %add3A_163 = arith.constant 2 : i32
      %add3A_164 = arith.addi %mul3A_142, %add3A_163 : i32
      %dma_start3A_165 = arith.constant 0 : i32
      %dma_start3A_166 = tpu.memref_slice %arg5[%add3A_164, %dma_start3A_165] : memref<125x80xi32, #tpu.memory_space<vmem>> -> memref<1x80xi32, #tpu.memory_space<vmem>>
      %dma_start3A_167 = tpu.memref_squeeze %dma_start3A_166 : memref<1x80xi32, #tpu.memory_space<vmem>> -> memref<80xi32, #tpu.memory_space<vmem>>
      %dma_start3A_168 = arith.constant 0 : i32
      %dma_start3A_169 = arith.constant 0 : i32
      %dma_start3A_170 = tpu.memref_slice %arg9[%dma_start3A_168, %dma_start3A_169] : memref<10240x128xf32, #tpu.memory_space<vmem_shared>> -> memref<10240x128xf32, #tpu.memory_space<vmem_shared>>
      tpu.enqueue_indirect_dma source(%dma_start3A_170 : memref<10240x128xf32, #tpu.memory_space<vmem_shared>>) target(%arg8 : memref<80x128xf32, #tpu.memory_space<vmem>>) offsets(%dma_start3A_167 : memref<80xi32, #tpu.memory_space<vmem>>) semaphore(%arg12 : memref<!tpu.dma_semaphore, #tpu.memory_space<semaphore_mem>>)
      %dma_wait3A_171 = arith.constant 0 : i32
      %dma_wait3A_172 = arith.constant 0 : i32
      %dma_wait3A_173 = tpu.memref_slice %arg5[%dma_wait3A_171, %dma_wait3A_172] : memref<125x80xi32, #tpu.memory_space<vmem>> -> memref<1x80xi32, #tpu.memory_space<vmem>>
      %dma_wait3A_174 = tpu.memref_squeeze %dma_wait3A_173 : memref<1x80xi32, #tpu.memory_space<vmem>> -> memref<80xi32, #tpu.memory_space<vmem>>
      %dma_wait3A_175 = arith.constant 0 : i32
      %dma_wait3A_176 = arith.constant 0 : i32
      %dma_wait3A_177 = tpu.memref_slice %arg9[%dma_wait3A_175, %dma_wait3A_176] : memref<10240x128xf32, #tpu.memory_space<vmem_shared>> -> memref<10240x128xf32, #tpu.memory_space<vmem_shared>>
      tpu.wait_indirect_dma semaphore(%arg11 : memref<!tpu.dma_semaphore, #tpu.memory_space<semaphore_mem>>) src(%dma_wait3A_177 : memref<10240x128xf32, #tpu.memory_space<vmem_shared>>) dst(%arg7 : memref<80x128xf32, #tpu.memory_space<vmem>>)
      %add3A_178 = arith.constant 1 : i32
      %add3A_179 = arith.addi %mul3A_142, %add3A_178 : i32
      %mul3A_180 = arith.constant 80 : i32
      %mul3A_181 = arith.muli %add3A_179, %mul3A_180 : i32
      %add3A_182 = arith.addi %mul3A_6, %mul3A_181 : i32
      %dma_start3A_183 = arith.constant 0 : i32
      %dma_start3A_184 = tpu.memref_slice %arg4[%add3A_182, %dma_start3A_183] : memref<320000x128xf32, #tpu.memory_space<hbm>> -> memref<80x128xf32, #tpu.memory_space<hbm>>
      %dma_start3A_185 = arith.constant 0 : i32
      %dma_start3A_186 = tpu.memref_slice %arg4[%add3A_182, %dma_start3A_185] : memref<320000x128xf32, #tpu.memory_space<hbm>> -> memref<80x128xf32, #tpu.memory_space<hbm>>
      tpu.enqueue_dma source(%arg7 : memref<80x128xf32, #tpu.memory_space<vmem>>) target(%dma_start3A_186 : memref<80x128xf32, #tpu.memory_space<hbm>>) target_semaphore(%arg14 : memref<!tpu.dma_semaphore, #tpu.memory_space<semaphore_mem>>)
      %dma_wait3A_187 = arith.constant 0 : i32
      %dma_wait3A_188 = arith.constant 0 : i32
      %dma_wait3A_189 = tpu.memref_slice %arg4[%dma_wait3A_187, %dma_wait3A_188] : memref<320000x128xf32, #tpu.memory_space<hbm>> -> memref<80x128xf32, #tpu.memory_space<hbm>>
      %dma_wait3A_190 = arith.constant 0 : i32
      %dma_wait3A_191 = arith.constant 0 : i32
      %dma_wait3A_192 = tpu.memref_slice %arg4[%dma_wait3A_190, %dma_wait3A_191] : memref<320000x128xf32, #tpu.memory_space<hbm>> -> memref<80x128xf32, #tpu.memory_space<hbm>>
      tpu.wait_dma2 semaphore(%arg13 : memref<!tpu.dma_semaphore, #tpu.memory_space<semaphore_mem>>) src(%arg6 : memref<80x128xf32, #tpu.memory_space<vmem>>) dst(%dma_wait3A_192 : memref<80x128xf32, #tpu.memory_space<hbm>>)
      %add3A_193 = arith.constant 3 : i32
      %add3A_194 = arith.addi %mul3A_142, %add3A_193 : i32
      %dma_start3A_195 = arith.constant 0 : i32
      %dma_start3A_196 = tpu.memref_slice %arg5[%add3A_194, %dma_start3A_195] : memref<125x80xi32, #tpu.memory_space<vmem>> -> memref<1x80xi32, #tpu.memory_space<vmem>>
      %dma_start3A_197 = tpu.memref_squeeze %dma_start3A_196 : memref<1x80xi32, #tpu.memory_space<vmem>> -> memref<80xi32, #tpu.memory_space<vmem>>
      %dma_start3A_198 = arith.constant 0 : i32
      %dma_start3A_199 = arith.constant 0 : i32
      %dma_start3A_200 = tpu.memref_slice %arg9[%dma_start3A_198, %dma_start3A_199] : memref<10240x128xf32, #tpu.memory_space<vmem_shared>> -> memref<10240x128xf32, #tpu.memory_space<vmem_shared>>
      tpu.enqueue_indirect_dma source(%dma_start3A_200 : memref<10240x128xf32, #tpu.memory_space<vmem_shared>>) target(%arg6 : memref<80x128xf32, #tpu.memory_space<vmem>>) offsets(%dma_start3A_197 : memref<80xi32, #tpu.memory_space<vmem>>) semaphore(%arg10 : memref<!tpu.dma_semaphore, #tpu.memory_space<semaphore_mem>>)
      %dma_wait3A_201 = arith.constant 0 : i32
      %dma_wait3A_202 = arith.constant 0 : i32
      %dma_wait3A_203 = tpu.memref_slice %arg5[%dma_wait3A_201, %dma_wait3A_202] : memref<125x80xi32, #tpu.memory_space<vmem>> -> memref<1x80xi32, #tpu.memory_space<vmem>>
      %dma_wait3A_204 = tpu.memref_squeeze %dma_wait3A_203 : memref<1x80xi32, #tpu.memory_space<vmem>> -> memref<80xi32, #tpu.memory_space<vmem>>
      %dma_wait3A_205 = arith.constant 0 : i32
      %dma_wait3A_206 = arith.constant 0 : i32
      %dma_wait3A_207 = tpu.memref_slice %arg9[%dma_wait3A_205, %dma_wait3A_206] : memref<10240x128xf32, #tpu.memory_space<vmem_shared>> -> memref<10240x128xf32, #tpu.memory_space<vmem_shared>>
      tpu.wait_indirect_dma semaphore(%arg12 : memref<!tpu.dma_semaphore, #tpu.memory_space<semaphore_mem>>) src(%dma_wait3A_207 : memref<10240x128xf32, #tpu.memory_space<vmem_shared>>) dst(%arg8 : memref<80x128xf32, #tpu.memory_space<vmem>>)
      %add3A_208 = arith.constant 2 : i32
      %add3A_209 = arith.addi %mul3A_142, %add3A_208 : i32
      %mul3A_210 = arith.constant 80 : i32
      %mul3A_211 = arith.muli %add3A_209, %mul3A_210 : i32
      %add3A_212 = arith.addi %mul3A_6, %mul3A_211 : i32
      %dma_start3A_213 = arith.constant 0 : i32
      %dma_start3A_214 = tpu.memref_slice %arg4[%add3A_212, %dma_start3A_213] : memref<320000x128xf32, #tpu.memory_space<hbm>> -> memref<80x128xf32, #tpu.memory_space<hbm>>
      %dma_start3A_215 = arith.constant 0 : i32
      %dma_start3A_216 = tpu.memref_slice %arg4[%add3A_212, %dma_start3A_215] : memref<320000x128xf32, #tpu.memory_space<hbm>> -> memref<80x128xf32, #tpu.memory_space<hbm>>
      tpu.enqueue_dma source(%arg8 : memref<80x128xf32, #tpu.memory_space<vmem>>) target(%dma_start3A_216 : memref<80x128xf32, #tpu.memory_space<hbm>>) target_semaphore(%arg15 : memref<!tpu.dma_semaphore, #tpu.memory_space<semaphore_mem>>)
      %dma_wait3A_217 = arith.constant 0 : i32
      %dma_wait3A_218 = arith.constant 0 : i32
      %dma_wait3A_219 = tpu.memref_slice %arg4[%dma_wait3A_217, %dma_wait3A_218] : memref<320000x128xf32, #tpu.memory_space<hbm>> -> memref<80x128xf32, #tpu.memory_space<hbm>>
      %dma_wait3A_220 = arith.constant 0 : i32
      %dma_wait3A_221 = arith.constant 0 : i32
      %dma_wait3A_222 = tpu.memref_slice %arg4[%dma_wait3A_220, %dma_wait3A_221] : memref<320000x128xf32, #tpu.memory_space<hbm>> -> memref<80x128xf32, #tpu.memory_space<hbm>>
      tpu.wait_dma2 semaphore(%arg14 : memref<!tpu.dma_semaphore, #tpu.memory_space<semaphore_mem>>) src(%arg7 : memref<80x128xf32, #tpu.memory_space<vmem>>) dst(%dma_wait3A_222 : memref<80x128xf32, #tpu.memory_space<hbm>>)
      %add3A_223 = arith.constant 4 : i32
      %add3A_224 = arith.addi %mul3A_142, %add3A_223 : i32
      %dma_start3A_225 = arith.constant 0 : i32
      %dma_start3A_226 = tpu.memref_slice %arg5[%add3A_224, %dma_start3A_225] : memref<125x80xi32, #tpu.memory_space<vmem>> -> memref<1x80xi32, #tpu.memory_space<vmem>>
      %dma_start3A_227 = tpu.memref_squeeze %dma_start3A_226 : memref<1x80xi32, #tpu.memory_space<vmem>> -> memref<80xi32, #tpu.memory_space<vmem>>
      %dma_start3A_228 = arith.constant 0 : i32
      %dma_start3A_229 = arith.constant 0 : i32
      %dma_start3A_230 = tpu.memref_slice %arg9[%dma_start3A_228, %dma_start3A_229] : memref<10240x128xf32, #tpu.memory_space<vmem_shared>> -> memref<10240x128xf32, #tpu.memory_space<vmem_shared>>
      tpu.enqueue_indirect_dma source(%dma_start3A_230 : memref<10240x128xf32, #tpu.memory_space<vmem_shared>>) target(%arg7 : memref<80x128xf32, #tpu.memory_space<vmem>>) offsets(%dma_start3A_227 : memref<80xi32, #tpu.memory_space<vmem>>) semaphore(%arg11 : memref<!tpu.dma_semaphore, #tpu.memory_space<semaphore_mem>>)
    }
    %scan3A_95 = arith.constant 40 : i32
    %dma_wait3A_96 = arith.constant 0 : i32
    %dma_wait3A_97 = arith.constant 0 : i32
    %dma_wait3A_98 = tpu.memref_slice %arg5[%dma_wait3A_96, %dma_wait3A_97] : memref<125x80xi32, #tpu.memory_space<vmem>> -> memref<1x80xi32, #tpu.memory_space<vmem>>
    %dma_wait3A_99 = tpu.memref_squeeze %dma_wait3A_98 : memref<1x80xi32, #tpu.memory_space<vmem>> -> memref<80xi32, #tpu.memory_space<vmem>>
    %dma_wait3A_100 = arith.constant 0 : i32
    %dma_wait3A_101 = arith.constant 0 : i32
    %dma_wait3A_102 = tpu.memref_slice %arg9[%dma_wait3A_100, %dma_wait3A_101] : memref<10240x128xf32, #tpu.memory_space<vmem_shared>> -> memref<10240x128xf32, #tpu.memory_space<vmem_shared>>
    tpu.wait_indirect_dma semaphore(%arg10 : memref<!tpu.dma_semaphore, #tpu.memory_space<semaphore_mem>>) src(%dma_wait3A_102 : memref<10240x128xf32, #tpu.memory_space<vmem_shared>>) dst(%arg6 : memref<80x128xf32, #tpu.memory_space<vmem>>)
    %add3A_103 = arith.constant 9840 : i32
    %add3A_104 = arith.addi %mul3A_6, %add3A_103 : i32
    %dma_start3A_105 = arith.constant 0 : i32
    %dma_start3A_106 = tpu.memref_slice %arg4[%add3A_104, %dma_start3A_105] : memref<320000x128xf32, #tpu.memory_space<hbm>> -> memref<80x128xf32, #tpu.memory_space<hbm>>
    %dma_start3A_107 = arith.constant 0 : i32
    %dma_start3A_108 = tpu.memref_slice %arg4[%add3A_104, %dma_start3A_107] : memref<320000x128xf32, #tpu.memory_space<hbm>> -> memref<80x128xf32, #tpu.memory_space<hbm>>
    tpu.enqueue_dma source(%arg6 : memref<80x128xf32, #tpu.memory_space<vmem>>) target(%dma_start3A_108 : memref<80x128xf32, #tpu.memory_space<hbm>>) target_semaphore(%arg13 : memref<!tpu.dma_semaphore, #tpu.memory_space<semaphore_mem>>)
    %dma_wait3A_109 = arith.constant 0 : i32
    %dma_wait3A_110 = arith.constant 0 : i32
    %dma_wait3A_111 = tpu.memref_slice %arg5[%dma_wait3A_109, %dma_wait3A_110] : memref<125x80xi32, #tpu.memory_space<vmem>> -> memref<1x80xi32, #tpu.memory_space<vmem>>
    %dma_wait3A_112 = tpu.memref_squeeze %dma_wait3A_111 : memref<1x80xi32, #tpu.memory_space<vmem>> -> memref<80xi32, #tpu.memory_space<vmem>>
    %dma_wait3A_113 = arith.constant 0 : i32
    %dma_wait3A_114 = arith.constant 0 : i32
    %dma_wait3A_115 = tpu.memref_slice %arg9[%dma_wait3A_113, %dma_wait3A_114] : memref<10240x128xf32, #tpu.memory_space<vmem_shared>> -> memref<10240x128xf32, #tpu.memory_space<vmem_shared>>
    tpu.wait_indirect_dma semaphore(%arg11 : memref<!tpu.dma_semaphore, #tpu.memory_space<semaphore_mem>>) src(%dma_wait3A_115 : memref<10240x128xf32, #tpu.memory_space<vmem_shared>>) dst(%arg7 : memref<80x128xf32, #tpu.memory_space<vmem>>)
    %add3A_116 = arith.constant 9920 : i32
    %add3A_117 = arith.addi %mul3A_6, %add3A_116 : i32
    %dma_start3A_118 = arith.constant 0 : i32
    %dma_start3A_119 = tpu.memref_slice %arg4[%add3A_117, %dma_start3A_118] : memref<320000x128xf32, #tpu.memory_space<hbm>> -> memref<80x128xf32, #tpu.memory_space<hbm>>
    %dma_start3A_120 = arith.constant 0 : i32
    %dma_start3A_121 = tpu.memref_slice %arg4[%add3A_117, %dma_start3A_120] : memref<320000x128xf32, #tpu.memory_space<hbm>> -> memref<80x128xf32, #tpu.memory_space<hbm>>
    tpu.enqueue_dma source(%arg7 : memref<80x128xf32, #tpu.memory_space<vmem>>) target(%dma_start3A_121 : memref<80x128xf32, #tpu.memory_space<hbm>>) target_semaphore(%arg14 : memref<!tpu.dma_semaphore, #tpu.memory_space<semaphore_mem>>)
    %dma_wait3A_122 = arith.constant 0 : i32
    %dma_wait3A_123 = arith.constant 0 : i32
    %dma_wait3A_124 = tpu.memref_slice %arg4[%dma_wait3A_122, %dma_wait3A_123] : memref<320000x128xf32, #tpu.memory_space<hbm>> -> memref<80x128xf32, #tpu.memory_space<hbm>>
    %dma_wait3A_125 = arith.constant 0 : i32
    %dma_wait3A_126 = arith.constant 0 : i32
    %dma_wait3A_127 = tpu.memref_slice %arg4[%dma_wait3A_125, %dma_wait3A_126] : memref<320000x128xf32, #tpu.memory_space<hbm>> -> memref<80x128xf32, #tpu.memory_space<hbm>>
    tpu.wait_dma2 semaphore(%arg15 : memref<!tpu.dma_semaphore, #tpu.memory_space<semaphore_mem>>) src(%arg8 : memref<80x128xf32, #tpu.memory_space<vmem>>) dst(%dma_wait3A_127 : memref<80x128xf32, #tpu.memory_space<hbm>>)
    %dma_wait3A_128 = arith.constant 0 : i32
    %dma_wait3A_129 = arith.constant 0 : i32
    %dma_wait3A_130 = tpu.memref_slice %arg4[%dma_wait3A_128, %dma_wait3A_129] : memref<320000x128xf32, #tpu.memory_space<hbm>> -> memref<80x128xf32, #tpu.memory_space<hbm>>
    %dma_wait3A_131 = arith.constant 0 : i32
    %dma_wait3A_132 = arith.constant 0 : i32
    %dma_wait3A_133 = tpu.memref_slice %arg4[%dma_wait3A_131, %dma_wait3A_132] : memref<320000x128xf32, #tpu.memory_space<hbm>> -> memref<80x128xf32, #tpu.memory_space<hbm>>
    tpu.wait_dma2 semaphore(%arg13 : memref<!tpu.dma_semaphore, #tpu.memory_space<semaphore_mem>>) src(%arg6 : memref<80x128xf32, #tpu.memory_space<vmem>>) dst(%dma_wait3A_133 : memref<80x128xf32, #tpu.memory_space<hbm>>)
    %dma_wait3A_134 = arith.constant 0 : i32
    %dma_wait3A_135 = arith.constant 0 : i32
    %dma_wait3A_136 = tpu.memref_slice %arg4[%dma_wait3A_134, %dma_wait3A_135] : memref<320000x128xf32, #tpu.memory_space<hbm>> -> memref<80x128xf32, #tpu.memory_space<hbm>>
    %dma_wait3A_137 = arith.constant 0 : i32
    %dma_wait3A_138 = arith.constant 0 : i32
    %dma_wait3A_139 = tpu.memref_slice %arg4[%dma_wait3A_137, %dma_wait3A_138] : memref<320000x128xf32, #tpu.memory_space<hbm>> -> memref<80x128xf32, #tpu.memory_space<hbm>>
    tpu.wait_dma2 semaphore(%arg14 : memref<!tpu.dma_semaphore, #tpu.memory_space<semaphore_mem>>) src(%arg7 : memref<80x128xf32, #tpu.memory_space<vmem>>) dst(%dma_wait3A_139 : memref<80x128xf32, #tpu.memory_space<hbm>>)
    return
  }
}

#map = affine_map<(d0, d1) -> (0, 0)>
#map1 = affine_map<(d0, d1) -> (0, 0, 0)>
module attributes {stable_mosaic.version = 14 : i64} {
  func.func @k(%arg0: i32, %arg1: i32, %arg2: memref<320000x128xf32, #tpu.memory_space<hbm>>, %arg3: memref<32x125x80xi32, #tpu.memory_space<hbm>>, %arg4: memref<10240x128xf32, #tpu.memory_space<hbm>>, %arg5: memref<2x10240x128xf32, #tpu.memory_space<hbm>>, %arg6: memref<125x80xi32, #tpu.memory_space<vmem>>, %arg7: memref<80x128xf32, #tpu.memory_space<vmem>>, %arg8: memref<80x128xf32, #tpu.memory_space<vmem>>, %arg9: memref<80x128xf32, #tpu.memory_space<vmem>>, %arg10: memref<10240x128xf32, #tpu.memory_space<vmem_shared>>, %arg11: memref<!tpu.dma_semaphore, #tpu.memory_space<semaphore_mem>>, %arg12: memref<!tpu.dma_semaphore, #tpu.memory_space<semaphore_mem>>, %arg13: memref<!tpu.dma_semaphore, #tpu.memory_space<semaphore_mem>>, %arg14: memref<!tpu.dma_semaphore, #tpu.memory_space<semaphore_mem>>, %arg15: memref<!tpu.dma_semaphore, #tpu.memory_space<semaphore_mem>>, %arg16: memref<!tpu.dma_semaphore, #tpu.memory_space<semaphore_mem>>) attributes {dimension_semantics = [#tpu.dimension_semantics<core_parallel>, #tpu.dimension_semantics<subcore_parallel>], iteration_bounds = array<i64: 2, 16>, scalar_prefetch = 0 : i64, scratch_operands = 11 : i64, tpu.core_type = #tpu.core_type<sc_vector_subcore>, window_params = [{transform_indices = #map}, {transform_indices = #map1}, {transform_indices = #map}, {transform_indices = #map1}]} {
    %mul3A = arith.constant 16 : i32
    %mul3A_0 = arith.muli %arg0, %mul3A : i32
    %add3A = arith.addi %mul3A_0, %arg1 : i32
    %mul3A_1 = arith.constant 640 : i32
    %mul3A_2 = arith.muli %arg1, %mul3A_1 : i32
    %mul3A_3 = arith.constant 640 : i32
    %mul3A_4 = arith.muli %arg1, %mul3A_3 : i32
    "tpu.region"() ({
      %run_scoped3A = tpu.sem_alloc : memref<!tpu.dma_semaphore, #tpu.memory_space<semaphore_mem>>
      %dma_start3A_145 = arith.constant 0 : i32
      %dma_start3A_146 = tpu.memref_slice %arg10[%mul3A_4, %dma_start3A_145] : memref<10240x128xf32, #tpu.memory_space<vmem_shared>> -> memref<640x128xf32, #tpu.memory_space<vmem_shared>>
      %dma_start3A_147 = arith.constant 0 : i32
      %dma_start3A_148 = tpu.memref_slice %arg4[%mul3A_2, %dma_start3A_147] : memref<10240x128xf32, #tpu.memory_space<hbm>> -> memref<640x128xf32, #tpu.memory_space<hbm>>
      tpu.enqueue_dma source(%dma_start3A_148 : memref<640x128xf32, #tpu.memory_space<hbm>>) target(%dma_start3A_146 : memref<640x128xf32, #tpu.memory_space<vmem_shared>>) target_semaphore(%run_scoped3A : memref<!tpu.dma_semaphore, #tpu.memory_space<semaphore_mem>>)
      %dma_wait3A_149 = arith.constant 0 : i32
      %dma_wait3A_150 = tpu.memref_slice %arg10[%mul3A_4, %dma_wait3A_149] : memref<10240x128xf32, #tpu.memory_space<vmem_shared>> -> memref<640x128xf32, #tpu.memory_space<vmem_shared>>
      %dma_wait3A_151 = arith.constant 0 : i32
      %dma_wait3A_152 = tpu.memref_slice %arg4[%mul3A_2, %dma_wait3A_151] : memref<10240x128xf32, #tpu.memory_space<hbm>> -> memref<640x128xf32, #tpu.memory_space<hbm>>
      tpu.wait_dma2 semaphore(%run_scoped3A : memref<!tpu.dma_semaphore, #tpu.memory_space<semaphore_mem>>) src(%dma_wait3A_152 : memref<640x128xf32, #tpu.memory_space<hbm>>) dst(%dma_wait3A_150 : memref<640x128xf32, #tpu.memory_space<vmem_shared>>)
      tpu.yield
    }) : () -> ()
    "tpu.region"() ({
      %run_scoped3A = tpu.sem_alloc : memref<!tpu.dma_semaphore, #tpu.memory_space<semaphore_mem>>
      %dma_start3A_145 = arith.constant 0 : i32
      %dma_start3A_146 = arith.constant 0 : i32
      %dma_start3A_147 = tpu.memref_slice %arg3[%add3A, %dma_start3A_145, %dma_start3A_146] : memref<32x125x80xi32, #tpu.memory_space<hbm>> -> memref<1x125x80xi32, #tpu.memory_space<hbm>>
      %dma_start3A_148 = tpu.memref_squeeze %dma_start3A_147 : memref<1x125x80xi32, #tpu.memory_space<hbm>> -> memref<125x80xi32, #tpu.memory_space<hbm>>
      %dma_start3A_149 = arith.constant 0 : i32
      %dma_start3A_150 = arith.constant 0 : i32
      %dma_start3A_151 = tpu.memref_slice %arg3[%add3A, %dma_start3A_149, %dma_start3A_150] : memref<32x125x80xi32, #tpu.memory_space<hbm>> -> memref<1x125x80xi32, #tpu.memory_space<hbm>>
      %dma_start3A_152 = tpu.memref_squeeze %dma_start3A_151 : memref<1x125x80xi32, #tpu.memory_space<hbm>> -> memref<125x80xi32, #tpu.memory_space<hbm>>
      tpu.enqueue_dma source(%dma_start3A_152 : memref<125x80xi32, #tpu.memory_space<hbm>>) target(%arg6 : memref<125x80xi32, #tpu.memory_space<vmem>>) target_semaphore(%run_scoped3A : memref<!tpu.dma_semaphore, #tpu.memory_space<semaphore_mem>>)
      %dma_wait3A_153 = arith.constant 0 : i32
      %dma_wait3A_154 = arith.constant 0 : i32
      %dma_wait3A_155 = tpu.memref_slice %arg3[%add3A, %dma_wait3A_153, %dma_wait3A_154] : memref<32x125x80xi32, #tpu.memory_space<hbm>> -> memref<1x125x80xi32, #tpu.memory_space<hbm>>
      %dma_wait3A_156 = tpu.memref_squeeze %dma_wait3A_155 : memref<1x125x80xi32, #tpu.memory_space<hbm>> -> memref<125x80xi32, #tpu.memory_space<hbm>>
      %dma_wait3A_157 = arith.constant 0 : i32
      %dma_wait3A_158 = arith.constant 0 : i32
      %dma_wait3A_159 = tpu.memref_slice %arg3[%add3A, %dma_wait3A_157, %dma_wait3A_158] : memref<32x125x80xi32, #tpu.memory_space<hbm>> -> memref<1x125x80xi32, #tpu.memory_space<hbm>>
      %dma_wait3A_160 = tpu.memref_squeeze %dma_wait3A_159 : memref<1x125x80xi32, #tpu.memory_space<hbm>> -> memref<125x80xi32, #tpu.memory_space<hbm>>
      tpu.wait_dma2 semaphore(%run_scoped3A : memref<!tpu.dma_semaphore, #tpu.memory_space<semaphore_mem>>) src(%dma_wait3A_160 : memref<125x80xi32, #tpu.memory_space<hbm>>) dst(%arg6 : memref<125x80xi32, #tpu.memory_space<vmem>>)
      tpu.yield
    }) : () -> ()
    %barrier3A = arith.constant 0 : index
    tpu.barrier barrier_id(%barrier3A)
    %mul3A_5 = arith.constant 10000 : i32
    %mul3A_6 = arith.muli %add3A, %mul3A_5 : i32
    %add3A_7 = arith.constant 0 : i32
    %add3A_8 = arith.addi %mul3A_6, %add3A_7 : i32
    %dma_start3A = arith.constant 0 : i32
    %dma_start3A_9 = tpu.memref_slice %arg2[%add3A_8, %dma_start3A] : memref<320000x128xf32, #tpu.memory_space<hbm>> -> memref<80x128xf32, #tpu.memory_space<hbm>>
    %dma_start3A_10 = arith.constant 0 : i32
    %dma_start3A_11 = tpu.memref_slice %arg2[%add3A_8, %dma_start3A_10] : memref<320000x128xf32, #tpu.memory_space<hbm>> -> memref<80x128xf32, #tpu.memory_space<hbm>>
    tpu.enqueue_dma source(%dma_start3A_11 : memref<80x128xf32, #tpu.memory_space<hbm>>) target(%arg7 : memref<80x128xf32, #tpu.memory_space<vmem>>) target_semaphore(%arg11 : memref<!tpu.dma_semaphore, #tpu.memory_space<semaphore_mem>>)
    %add3A_12 = arith.constant 80 : i32
    %add3A_13 = arith.addi %mul3A_6, %add3A_12 : i32
    %dma_start3A_14 = arith.constant 0 : i32
    %dma_start3A_15 = tpu.memref_slice %arg2[%add3A_13, %dma_start3A_14] : memref<320000x128xf32, #tpu.memory_space<hbm>> -> memref<80x128xf32, #tpu.memory_space<hbm>>
    %dma_start3A_16 = arith.constant 0 : i32
    %dma_start3A_17 = tpu.memref_slice %arg2[%add3A_13, %dma_start3A_16] : memref<320000x128xf32, #tpu.memory_space<hbm>> -> memref<80x128xf32, #tpu.memory_space<hbm>>
    tpu.enqueue_dma source(%dma_start3A_17 : memref<80x128xf32, #tpu.memory_space<hbm>>) target(%arg8 : memref<80x128xf32, #tpu.memory_space<vmem>>) target_semaphore(%arg12 : memref<!tpu.dma_semaphore, #tpu.memory_space<semaphore_mem>>)
    %dma_wait3A = arith.constant 0 : i32
    %dma_wait3A_18 = arith.constant 0 : i32
    %dma_wait3A_19 = tpu.memref_slice %arg2[%dma_wait3A, %dma_wait3A_18] : memref<320000x128xf32, #tpu.memory_space<hbm>> -> memref<80x128xf32, #tpu.memory_space<hbm>>
    %dma_wait3A_20 = arith.constant 0 : i32
    %dma_wait3A_21 = arith.constant 0 : i32
    %dma_wait3A_22 = tpu.memref_slice %arg2[%dma_wait3A_20, %dma_wait3A_21] : memref<320000x128xf32, #tpu.memory_space<hbm>> -> memref<80x128xf32, #tpu.memory_space<hbm>>
    tpu.wait_dma2 semaphore(%arg11 : memref<!tpu.dma_semaphore, #tpu.memory_space<semaphore_mem>>) src(%dma_wait3A_22 : memref<80x128xf32, #tpu.memory_space<hbm>>) dst(%arg7 : memref<80x128xf32, #tpu.memory_space<vmem>>)
    %dma_start3A_23 = arith.constant 0 : i32
    %dma_start3A_24 = arith.constant 0 : i32
    %dma_start3A_25 = tpu.memref_slice %arg6[%dma_start3A_23, %dma_start3A_24] : memref<125x80xi32, #tpu.memory_space<vmem>> -> memref<1x80xi32, #tpu.memory_space<vmem>>
    %dma_start3A_26 = tpu.memref_squeeze %dma_start3A_25 : memref<1x80xi32, #tpu.memory_space<vmem>> -> memref<80xi32, #tpu.memory_space<vmem>>
    %dma_start3A_27 = arith.constant 0 : i32
    %dma_start3A_28 = arith.constant 0 : i32
    %dma_start3A_29 = tpu.memref_slice %arg10[%dma_start3A_27, %dma_start3A_28] : memref<10240x128xf32, #tpu.memory_space<vmem_shared>> -> memref<10240x128xf32, #tpu.memory_space<vmem_shared>>
    tpu.enqueue_indirect_dma source(%arg7 : memref<80x128xf32, #tpu.memory_space<vmem>>) target(%dma_start3A_29 : memref<10240x128xf32, #tpu.memory_space<vmem_shared>>) offsets(%dma_start3A_26 : memref<80xi32, #tpu.memory_space<vmem>>) semaphore(%arg14 : memref<!tpu.dma_semaphore, #tpu.memory_space<semaphore_mem>>) {add = true}
    %add3A_30 = arith.constant 160 : i32
    %add3A_31 = arith.addi %mul3A_6, %add3A_30 : i32
    %dma_start3A_32 = arith.constant 0 : i32
    %dma_start3A_33 = tpu.memref_slice %arg2[%add3A_31, %dma_start3A_32] : memref<320000x128xf32, #tpu.memory_space<hbm>> -> memref<80x128xf32, #tpu.memory_space<hbm>>
    %dma_start3A_34 = arith.constant 0 : i32
    %dma_start3A_35 = tpu.memref_slice %arg2[%add3A_31, %dma_start3A_34] : memref<320000x128xf32, #tpu.memory_space<hbm>> -> memref<80x128xf32, #tpu.memory_space<hbm>>
    tpu.enqueue_dma source(%dma_start3A_35 : memref<80x128xf32, #tpu.memory_space<hbm>>) target(%arg9 : memref<80x128xf32, #tpu.memory_space<vmem>>) target_semaphore(%arg13 : memref<!tpu.dma_semaphore, #tpu.memory_space<semaphore_mem>>)
    %dma_wait3A_36 = arith.constant 0 : i32
    %dma_wait3A_37 = arith.constant 0 : i32
    %dma_wait3A_38 = tpu.memref_slice %arg2[%dma_wait3A_36, %dma_wait3A_37] : memref<320000x128xf32, #tpu.memory_space<hbm>> -> memref<80x128xf32, #tpu.memory_space<hbm>>
    %dma_wait3A_39 = arith.constant 0 : i32
    %dma_wait3A_40 = arith.constant 0 : i32
    %dma_wait3A_41 = tpu.memref_slice %arg2[%dma_wait3A_39, %dma_wait3A_40] : memref<320000x128xf32, #tpu.memory_space<hbm>> -> memref<80x128xf32, #tpu.memory_space<hbm>>
    tpu.wait_dma2 semaphore(%arg12 : memref<!tpu.dma_semaphore, #tpu.memory_space<semaphore_mem>>) src(%dma_wait3A_41 : memref<80x128xf32, #tpu.memory_space<hbm>>) dst(%arg8 : memref<80x128xf32, #tpu.memory_space<vmem>>)
    %dma_start3A_42 = arith.constant 1 : i32
    %dma_start3A_43 = arith.constant 0 : i32
    %dma_start3A_44 = tpu.memref_slice %arg6[%dma_start3A_42, %dma_start3A_43] : memref<125x80xi32, #tpu.memory_space<vmem>> -> memref<1x80xi32, #tpu.memory_space<vmem>>
    %dma_start3A_45 = tpu.memref_squeeze %dma_start3A_44 : memref<1x80xi32, #tpu.memory_space<vmem>> -> memref<80xi32, #tpu.memory_space<vmem>>
    %dma_start3A_46 = arith.constant 0 : i32
    %dma_start3A_47 = arith.constant 0 : i32
    %dma_start3A_48 = tpu.memref_slice %arg10[%dma_start3A_46, %dma_start3A_47] : memref<10240x128xf32, #tpu.memory_space<vmem_shared>> -> memref<10240x128xf32, #tpu.memory_space<vmem_shared>>
    tpu.enqueue_indirect_dma source(%arg8 : memref<80x128xf32, #tpu.memory_space<vmem>>) target(%dma_start3A_48 : memref<10240x128xf32, #tpu.memory_space<vmem_shared>>) offsets(%dma_start3A_45 : memref<80xi32, #tpu.memory_space<vmem>>) semaphore(%arg15 : memref<!tpu.dma_semaphore, #tpu.memory_space<semaphore_mem>>) {add = true}
    %dma_wait3A_49 = arith.constant 0 : i32
    %dma_wait3A_50 = arith.constant 0 : i32
    %dma_wait3A_51 = tpu.memref_slice %arg6[%dma_wait3A_49, %dma_wait3A_50] : memref<125x80xi32, #tpu.memory_space<vmem>> -> memref<1x80xi32, #tpu.memory_space<vmem>>
    %dma_wait3A_52 = tpu.memref_squeeze %dma_wait3A_51 : memref<1x80xi32, #tpu.memory_space<vmem>> -> memref<80xi32, #tpu.memory_space<vmem>>
    %dma_wait3A_53 = arith.constant 0 : i32
    %dma_wait3A_54 = arith.constant 0 : i32
    %dma_wait3A_55 = tpu.memref_slice %arg10[%dma_wait3A_53, %dma_wait3A_54] : memref<10240x128xf32, #tpu.memory_space<vmem_shared>> -> memref<10240x128xf32, #tpu.memory_space<vmem_shared>>
    tpu.wait_indirect_dma semaphore(%arg14 : memref<!tpu.dma_semaphore, #tpu.memory_space<semaphore_mem>>) src(%arg7 : memref<80x128xf32, #tpu.memory_space<vmem>>) dst(%dma_wait3A_55 : memref<10240x128xf32, #tpu.memory_space<vmem_shared>>)
    %add3A_56 = arith.constant 240 : i32
    %add3A_57 = arith.addi %mul3A_6, %add3A_56 : i32
    %dma_start3A_58 = arith.constant 0 : i32
    %dma_start3A_59 = tpu.memref_slice %arg2[%add3A_57, %dma_start3A_58] : memref<320000x128xf32, #tpu.memory_space<hbm>> -> memref<80x128xf32, #tpu.memory_space<hbm>>
    %dma_start3A_60 = arith.constant 0 : i32
    %dma_start3A_61 = tpu.memref_slice %arg2[%add3A_57, %dma_start3A_60] : memref<320000x128xf32, #tpu.memory_space<hbm>> -> memref<80x128xf32, #tpu.memory_space<hbm>>
    tpu.enqueue_dma source(%dma_start3A_61 : memref<80x128xf32, #tpu.memory_space<hbm>>) target(%arg7 : memref<80x128xf32, #tpu.memory_space<vmem>>) target_semaphore(%arg11 : memref<!tpu.dma_semaphore, #tpu.memory_space<semaphore_mem>>)
    %dma_wait3A_62 = arith.constant 0 : i32
    %dma_wait3A_63 = arith.constant 0 : i32
    %dma_wait3A_64 = tpu.memref_slice %arg2[%dma_wait3A_62, %dma_wait3A_63] : memref<320000x128xf32, #tpu.memory_space<hbm>> -> memref<80x128xf32, #tpu.memory_space<hbm>>
    %dma_wait3A_65 = arith.constant 0 : i32
    %dma_wait3A_66 = arith.constant 0 : i32
    %dma_wait3A_67 = tpu.memref_slice %arg2[%dma_wait3A_65, %dma_wait3A_66] : memref<320000x128xf32, #tpu.memory_space<hbm>> -> memref<80x128xf32, #tpu.memory_space<hbm>>
    tpu.wait_dma2 semaphore(%arg13 : memref<!tpu.dma_semaphore, #tpu.memory_space<semaphore_mem>>) src(%dma_wait3A_67 : memref<80x128xf32, #tpu.memory_space<hbm>>) dst(%arg9 : memref<80x128xf32, #tpu.memory_space<vmem>>)
    %dma_start3A_68 = arith.constant 2 : i32
    %dma_start3A_69 = arith.constant 0 : i32
    %dma_start3A_70 = tpu.memref_slice %arg6[%dma_start3A_68, %dma_start3A_69] : memref<125x80xi32, #tpu.memory_space<vmem>> -> memref<1x80xi32, #tpu.memory_space<vmem>>
    %dma_start3A_71 = tpu.memref_squeeze %dma_start3A_70 : memref<1x80xi32, #tpu.memory_space<vmem>> -> memref<80xi32, #tpu.memory_space<vmem>>
    %dma_start3A_72 = arith.constant 0 : i32
    %dma_start3A_73 = arith.constant 0 : i32
    %dma_start3A_74 = tpu.memref_slice %arg10[%dma_start3A_72, %dma_start3A_73] : memref<10240x128xf32, #tpu.memory_space<vmem_shared>> -> memref<10240x128xf32, #tpu.memory_space<vmem_shared>>
    tpu.enqueue_indirect_dma source(%arg9 : memref<80x128xf32, #tpu.memory_space<vmem>>) target(%dma_start3A_74 : memref<10240x128xf32, #tpu.memory_space<vmem_shared>>) offsets(%dma_start3A_71 : memref<80xi32, #tpu.memory_space<vmem>>) semaphore(%arg16 : memref<!tpu.dma_semaphore, #tpu.memory_space<semaphore_mem>>) {add = true}
    %dma_wait3A_75 = arith.constant 0 : i32
    %dma_wait3A_76 = arith.constant 0 : i32
    %dma_wait3A_77 = tpu.memref_slice %arg6[%dma_wait3A_75, %dma_wait3A_76] : memref<125x80xi32, #tpu.memory_space<vmem>> -> memref<1x80xi32, #tpu.memory_space<vmem>>
    %dma_wait3A_78 = tpu.memref_squeeze %dma_wait3A_77 : memref<1x80xi32, #tpu.memory_space<vmem>> -> memref<80xi32, #tpu.memory_space<vmem>>
    %dma_wait3A_79 = arith.constant 0 : i32
    %dma_wait3A_80 = arith.constant 0 : i32
    %dma_wait3A_81 = tpu.memref_slice %arg10[%dma_wait3A_79, %dma_wait3A_80] : memref<10240x128xf32, #tpu.memory_space<vmem_shared>> -> memref<10240x128xf32, #tpu.memory_space<vmem_shared>>
    tpu.wait_indirect_dma semaphore(%arg15 : memref<!tpu.dma_semaphore, #tpu.memory_space<semaphore_mem>>) src(%arg8 : memref<80x128xf32, #tpu.memory_space<vmem>>) dst(%dma_wait3A_81 : memref<10240x128xf32, #tpu.memory_space<vmem_shared>>)
    %add3A_82 = arith.constant 320 : i32
    %add3A_83 = arith.addi %mul3A_6, %add3A_82 : i32
    %dma_start3A_84 = arith.constant 0 : i32
    %dma_start3A_85 = tpu.memref_slice %arg2[%add3A_83, %dma_start3A_84] : memref<320000x128xf32, #tpu.memory_space<hbm>> -> memref<80x128xf32, #tpu.memory_space<hbm>>
    %dma_start3A_86 = arith.constant 0 : i32
    %dma_start3A_87 = tpu.memref_slice %arg2[%add3A_83, %dma_start3A_86] : memref<320000x128xf32, #tpu.memory_space<hbm>> -> memref<80x128xf32, #tpu.memory_space<hbm>>
    tpu.enqueue_dma source(%dma_start3A_87 : memref<80x128xf32, #tpu.memory_space<hbm>>) target(%arg8 : memref<80x128xf32, #tpu.memory_space<vmem>>) target_semaphore(%arg12 : memref<!tpu.dma_semaphore, #tpu.memory_space<semaphore_mem>>)
    %scan3A = arith.constant 0 : i32
    %scan3A_88 = arith.constant 1 : i32
    %scan3A_89 = arith.constant 40 : i32
    %scan3A_90 = arith.addi %scan3A_88, %scan3A_89 : i32
    %scan3A_91 = arith.constant 1 : i32
    scf.for %scan3A_145 = %scan3A_88 to %scan3A_90 step %scan3A_91  : i32 {
      %mul3A_146 = arith.constant 3 : i32
      %mul3A_147 = arith.muli %mul3A_146, %scan3A_145 : i32
      %dma_wait3A_148 = arith.constant 0 : i32
      %dma_wait3A_149 = arith.constant 0 : i32
      %dma_wait3A_150 = tpu.memref_slice %arg2[%dma_wait3A_148, %dma_wait3A_149] : memref<320000x128xf32, #tpu.memory_space<hbm>> -> memref<80x128xf32, #tpu.memory_space<hbm>>
      %dma_wait3A_151 = arith.constant 0 : i32
      %dma_wait3A_152 = arith.constant 0 : i32
      %dma_wait3A_153 = tpu.memref_slice %arg2[%dma_wait3A_151, %dma_wait3A_152] : memref<320000x128xf32, #tpu.memory_space<hbm>> -> memref<80x128xf32, #tpu.memory_space<hbm>>
      tpu.wait_dma2 semaphore(%arg11 : memref<!tpu.dma_semaphore, #tpu.memory_space<semaphore_mem>>) src(%dma_wait3A_153 : memref<80x128xf32, #tpu.memory_space<hbm>>) dst(%arg7 : memref<80x128xf32, #tpu.memory_space<vmem>>)
      %dma_start3A_154 = arith.constant 0 : i32
      %dma_start3A_155 = tpu.memref_slice %arg6[%mul3A_147, %dma_start3A_154] : memref<125x80xi32, #tpu.memory_space<vmem>> -> memref<1x80xi32, #tpu.memory_space<vmem>>
      %dma_start3A_156 = tpu.memref_squeeze %dma_start3A_155 : memref<1x80xi32, #tpu.memory_space<vmem>> -> memref<80xi32, #tpu.memory_space<vmem>>
      %dma_start3A_157 = arith.constant 0 : i32
      %dma_start3A_158 = arith.constant 0 : i32
      %dma_start3A_159 = tpu.memref_slice %arg10[%dma_start3A_157, %dma_start3A_158] : memref<10240x128xf32, #tpu.memory_space<vmem_shared>> -> memref<10240x128xf32, #tpu.memory_space<vmem_shared>>
      tpu.enqueue_indirect_dma source(%arg7 : memref<80x128xf32, #tpu.memory_space<vmem>>) target(%dma_start3A_159 : memref<10240x128xf32, #tpu.memory_space<vmem_shared>>) offsets(%dma_start3A_156 : memref<80xi32, #tpu.memory_space<vmem>>) semaphore(%arg14 : memref<!tpu.dma_semaphore, #tpu.memory_space<semaphore_mem>>) {add = true}
      %dma_wait3A_160 = arith.constant 0 : i32
      %dma_wait3A_161 = arith.constant 0 : i32
      %dma_wait3A_162 = tpu.memref_slice %arg6[%dma_wait3A_160, %dma_wait3A_161] : memref<125x80xi32, #tpu.memory_space<vmem>> -> memref<1x80xi32, #tpu.memory_space<vmem>>
      %dma_wait3A_163 = tpu.memref_squeeze %dma_wait3A_162 : memref<1x80xi32, #tpu.memory_space<vmem>> -> memref<80xi32, #tpu.memory_space<vmem>>
      %dma_wait3A_164 = arith.constant 0 : i32
      %dma_wait3A_165 = arith.constant 0 : i32
      %dma_wait3A_166 = tpu.memref_slice %arg10[%dma_wait3A_164, %dma_wait3A_165] : memref<10240x128xf32, #tpu.memory_space<vmem_shared>> -> memref<10240x128xf32, #tpu.memory_space<vmem_shared>>
      tpu.wait_indirect_dma semaphore(%arg16 : memref<!tpu.dma_semaphore, #tpu.memory_space<semaphore_mem>>) src(%arg9 : memref<80x128xf32, #tpu.memory_space<vmem>>) dst(%dma_wait3A_166 : memref<10240x128xf32, #tpu.memory_space<vmem_shared>>)
      %add3A_167 = arith.constant 2 : i32
      %add3A_168 = arith.addi %mul3A_147, %add3A_167 : i32
      %mul3A_169 = arith.constant 80 : i32
      %mul3A_170 = arith.muli %add3A_168, %mul3A_169 : i32
      %add3A_171 = arith.addi %mul3A_6, %mul3A_170 : i32
      %dma_start3A_172 = arith.constant 0 : i32
      %dma_start3A_173 = tpu.memref_slice %arg2[%add3A_171, %dma_start3A_172] : memref<320000x128xf32, #tpu.memory_space<hbm>> -> memref<80x128xf32, #tpu.memory_space<hbm>>
      %dma_start3A_174 = arith.constant 0 : i32
      %dma_start3A_175 = tpu.memref_slice %arg2[%add3A_171, %dma_start3A_174] : memref<320000x128xf32, #tpu.memory_space<hbm>> -> memref<80x128xf32, #tpu.memory_space<hbm>>
      tpu.enqueue_dma source(%dma_start3A_175 : memref<80x128xf32, #tpu.memory_space<hbm>>) target(%arg9 : memref<80x128xf32, #tpu.memory_space<vmem>>) target_semaphore(%arg13 : memref<!tpu.dma_semaphore, #tpu.memory_space<semaphore_mem>>)
      %dma_wait3A_176 = arith.constant 0 : i32
      %dma_wait3A_177 = arith.constant 0 : i32
      %dma_wait3A_178 = tpu.memref_slice %arg2[%dma_wait3A_176, %dma_wait3A_177] : memref<320000x128xf32, #tpu.memory_space<hbm>> -> memref<80x128xf32, #tpu.memory_space<hbm>>
      %dma_wait3A_179 = arith.constant 0 : i32
      %dma_wait3A_180 = arith.constant 0 : i32
      %dma_wait3A_181 = tpu.memref_slice %arg2[%dma_wait3A_179, %dma_wait3A_180] : memref<320000x128xf32, #tpu.memory_space<hbm>> -> memref<80x128xf32, #tpu.memory_space<hbm>>
      tpu.wait_dma2 semaphore(%arg12 : memref<!tpu.dma_semaphore, #tpu.memory_space<semaphore_mem>>) src(%dma_wait3A_181 : memref<80x128xf32, #tpu.memory_space<hbm>>) dst(%arg8 : memref<80x128xf32, #tpu.memory_space<vmem>>)
      %add3A_182 = arith.constant 1 : i32
      %add3A_183 = arith.addi %mul3A_147, %add3A_182 : i32
      %dma_start3A_184 = arith.constant 0 : i32
      %dma_start3A_185 = tpu.memref_slice %arg6[%add3A_183, %dma_start3A_184] : memref<125x80xi32, #tpu.memory_space<vmem>> -> memref<1x80xi32, #tpu.memory_space<vmem>>
      %dma_start3A_186 = tpu.memref_squeeze %dma_start3A_185 : memref<1x80xi32, #tpu.memory_space<vmem>> -> memref<80xi32, #tpu.memory_space<vmem>>
      %dma_start3A_187 = arith.constant 0 : i32
      %dma_start3A_188 = arith.constant 0 : i32
      %dma_start3A_189 = tpu.memref_slice %arg10[%dma_start3A_187, %dma_start3A_188] : memref<10240x128xf32, #tpu.memory_space<vmem_shared>> -> memref<10240x128xf32, #tpu.memory_space<vmem_shared>>
      tpu.enqueue_indirect_dma source(%arg8 : memref<80x128xf32, #tpu.memory_space<vmem>>) target(%dma_start3A_189 : memref<10240x128xf32, #tpu.memory_space<vmem_shared>>) offsets(%dma_start3A_186 : memref<80xi32, #tpu.memory_space<vmem>>) semaphore(%arg15 : memref<!tpu.dma_semaphore, #tpu.memory_space<semaphore_mem>>) {add = true}
      %dma_wait3A_190 = arith.constant 0 : i32
      %dma_wait3A_191 = arith.constant 0 : i32
      %dma_wait3A_192 = tpu.memref_slice %arg6[%dma_wait3A_190, %dma_wait3A_191] : memref<125x80xi32, #tpu.memory_space<vmem>> -> memref<1x80xi32, #tpu.memory_space<vmem>>
      %dma_wait3A_193 = tpu.memref_squeeze %dma_wait3A_192 : memref<1x80xi32, #tpu.memory_space<vmem>> -> memref<80xi32, #tpu.memory_space<vmem>>
      %dma_wait3A_194 = arith.constant 0 : i32
      %dma_wait3A_195 = arith.constant 0 : i32
      %dma_wait3A_196 = tpu.memref_slice %arg10[%dma_wait3A_194, %dma_wait3A_195] : memref<10240x128xf32, #tpu.memory_space<vmem_shared>> -> memref<10240x128xf32, #tpu.memory_space<vmem_shared>>
      tpu.wait_indirect_dma semaphore(%arg14 : memref<!tpu.dma_semaphore, #tpu.memory_space<semaphore_mem>>) src(%arg7 : memref<80x128xf32, #tpu.memory_space<vmem>>) dst(%dma_wait3A_196 : memref<10240x128xf32, #tpu.memory_space<vmem_shared>>)
      %add3A_197 = arith.constant 3 : i32
      %add3A_198 = arith.addi %mul3A_147, %add3A_197 : i32
      %mul3A_199 = arith.constant 80 : i32
      %mul3A_200 = arith.muli %add3A_198, %mul3A_199 : i32
      %add3A_201 = arith.addi %mul3A_6, %mul3A_200 : i32
      %dma_start3A_202 = arith.constant 0 : i32
      %dma_start3A_203 = tpu.memref_slice %arg2[%add3A_201, %dma_start3A_202] : memref<320000x128xf32, #tpu.memory_space<hbm>> -> memref<80x128xf32, #tpu.memory_space<hbm>>
      %dma_start3A_204 = arith.constant 0 : i32
      %dma_start3A_205 = tpu.memref_slice %arg2[%add3A_201, %dma_start3A_204] : memref<320000x128xf32, #tpu.memory_space<hbm>> -> memref<80x128xf32, #tpu.memory_space<hbm>>
      tpu.enqueue_dma source(%dma_start3A_205 : memref<80x128xf32, #tpu.memory_space<hbm>>) target(%arg7 : memref<80x128xf32, #tpu.memory_space<vmem>>) target_semaphore(%arg11 : memref<!tpu.dma_semaphore, #tpu.memory_space<semaphore_mem>>)
      %dma_wait3A_206 = arith.constant 0 : i32
      %dma_wait3A_207 = arith.constant 0 : i32
      %dma_wait3A_208 = tpu.memref_slice %arg2[%dma_wait3A_206, %dma_wait3A_207] : memref<320000x128xf32, #tpu.memory_space<hbm>> -> memref<80x128xf32, #tpu.memory_space<hbm>>
      %dma_wait3A_209 = arith.constant 0 : i32
      %dma_wait3A_210 = arith.constant 0 : i32
      %dma_wait3A_211 = tpu.memref_slice %arg2[%dma_wait3A_209, %dma_wait3A_210] : memref<320000x128xf32, #tpu.memory_space<hbm>> -> memref<80x128xf32, #tpu.memory_space<hbm>>
      tpu.wait_dma2 semaphore(%arg13 : memref<!tpu.dma_semaphore, #tpu.memory_space<semaphore_mem>>) src(%dma_wait3A_211 : memref<80x128xf32, #tpu.memory_space<hbm>>) dst(%arg9 : memref<80x128xf32, #tpu.memory_space<vmem>>)
      %add3A_212 = arith.constant 2 : i32
      %add3A_213 = arith.addi %mul3A_147, %add3A_212 : i32
      %dma_start3A_214 = arith.constant 0 : i32
      %dma_start3A_215 = tpu.memref_slice %arg6[%add3A_213, %dma_start3A_214] : memref<125x80xi32, #tpu.memory_space<vmem>> -> memref<1x80xi32, #tpu.memory_space<vmem>>
      %dma_start3A_216 = tpu.memref_squeeze %dma_start3A_215 : memref<1x80xi32, #tpu.memory_space<vmem>> -> memref<80xi32, #tpu.memory_space<vmem>>
      %dma_start3A_217 = arith.constant 0 : i32
      %dma_start3A_218 = arith.constant 0 : i32
      %dma_start3A_219 = tpu.memref_slice %arg10[%dma_start3A_217, %dma_start3A_218] : memref<10240x128xf32, #tpu.memory_space<vmem_shared>> -> memref<10240x128xf32, #tpu.memory_space<vmem_shared>>
      tpu.enqueue_indirect_dma source(%arg9 : memref<80x128xf32, #tpu.memory_space<vmem>>) target(%dma_start3A_219 : memref<10240x128xf32, #tpu.memory_space<vmem_shared>>) offsets(%dma_start3A_216 : memref<80xi32, #tpu.memory_space<vmem>>) semaphore(%arg16 : memref<!tpu.dma_semaphore, #tpu.memory_space<semaphore_mem>>) {add = true}
      %dma_wait3A_220 = arith.constant 0 : i32
      %dma_wait3A_221 = arith.constant 0 : i32
      %dma_wait3A_222 = tpu.memref_slice %arg6[%dma_wait3A_220, %dma_wait3A_221] : memref<125x80xi32, #tpu.memory_space<vmem>> -> memref<1x80xi32, #tpu.memory_space<vmem>>
      %dma_wait3A_223 = tpu.memref_squeeze %dma_wait3A_222 : memref<1x80xi32, #tpu.memory_space<vmem>> -> memref<80xi32, #tpu.memory_space<vmem>>
      %dma_wait3A_224 = arith.constant 0 : i32
      %dma_wait3A_225 = arith.constant 0 : i32
      %dma_wait3A_226 = tpu.memref_slice %arg10[%dma_wait3A_224, %dma_wait3A_225] : memref<10240x128xf32, #tpu.memory_space<vmem_shared>> -> memref<10240x128xf32, #tpu.memory_space<vmem_shared>>
      tpu.wait_indirect_dma semaphore(%arg15 : memref<!tpu.dma_semaphore, #tpu.memory_space<semaphore_mem>>) src(%arg8 : memref<80x128xf32, #tpu.memory_space<vmem>>) dst(%dma_wait3A_226 : memref<10240x128xf32, #tpu.memory_space<vmem_shared>>)
      %add3A_227 = arith.constant 4 : i32
      %add3A_228 = arith.addi %mul3A_147, %add3A_227 : i32
      %mul3A_229 = arith.constant 80 : i32
      %mul3A_230 = arith.muli %add3A_228, %mul3A_229 : i32
      %add3A_231 = arith.addi %mul3A_6, %mul3A_230 : i32
      %dma_start3A_232 = arith.constant 0 : i32
      %dma_start3A_233 = tpu.memref_slice %arg2[%add3A_231, %dma_start3A_232] : memref<320000x128xf32, #tpu.memory_space<hbm>> -> memref<80x128xf32, #tpu.memory_space<hbm>>
      %dma_start3A_234 = arith.constant 0 : i32
      %dma_start3A_235 = tpu.memref_slice %arg2[%add3A_231, %dma_start3A_234] : memref<320000x128xf32, #tpu.memory_space<hbm>> -> memref<80x128xf32, #tpu.memory_space<hbm>>
      tpu.enqueue_dma source(%dma_start3A_235 : memref<80x128xf32, #tpu.memory_space<hbm>>) target(%arg8 : memref<80x128xf32, #tpu.memory_space<vmem>>) target_semaphore(%arg12 : memref<!tpu.dma_semaphore, #tpu.memory_space<semaphore_mem>>)
    }
    %scan3A_92 = arith.constant 40 : i32
    %dma_wait3A_93 = arith.constant 0 : i32
    %dma_wait3A_94 = arith.constant 0 : i32
    %dma_wait3A_95 = tpu.memref_slice %arg2[%dma_wait3A_93, %dma_wait3A_94] : memref<320000x128xf32, #tpu.memory_space<hbm>> -> memref<80x128xf32, #tpu.memory_space<hbm>>
    %dma_wait3A_96 = arith.constant 0 : i32
    %dma_wait3A_97 = arith.constant 0 : i32
    %dma_wait3A_98 = tpu.memref_slice %arg2[%dma_wait3A_96, %dma_wait3A_97] : memref<320000x128xf32, #tpu.memory_space<hbm>> -> memref<80x128xf32, #tpu.memory_space<hbm>>
    tpu.wait_dma2 semaphore(%arg11 : memref<!tpu.dma_semaphore, #tpu.memory_space<semaphore_mem>>) src(%dma_wait3A_98 : memref<80x128xf32, #tpu.memory_space<hbm>>) dst(%arg7 : memref<80x128xf32, #tpu.memory_space<vmem>>)
    %dma_start3A_99 = arith.constant 123 : i32
    %dma_start3A_100 = arith.constant 0 : i32
    %dma_start3A_101 = tpu.memref_slice %arg6[%dma_start3A_99, %dma_start3A_100] : memref<125x80xi32, #tpu.memory_space<vmem>> -> memref<1x80xi32, #tpu.memory_space<vmem>>
    %dma_start3A_102 = tpu.memref_squeeze %dma_start3A_101 : memref<1x80xi32, #tpu.memory_space<vmem>> -> memref<80xi32, #tpu.memory_space<vmem>>
    %dma_start3A_103 = arith.constant 0 : i32
    %dma_start3A_104 = arith.constant 0 : i32
    %dma_start3A_105 = tpu.memref_slice %arg10[%dma_start3A_103, %dma_start3A_104] : memref<10240x128xf32, #tpu.memory_space<vmem_shared>> -> memref<10240x128xf32, #tpu.memory_space<vmem_shared>>
    tpu.enqueue_indirect_dma source(%arg7 : memref<80x128xf32, #tpu.memory_space<vmem>>) target(%dma_start3A_105 : memref<10240x128xf32, #tpu.memory_space<vmem_shared>>) offsets(%dma_start3A_102 : memref<80xi32, #tpu.memory_space<vmem>>) semaphore(%arg14 : memref<!tpu.dma_semaphore, #tpu.memory_space<semaphore_mem>>) {add = true}
    %dma_wait3A_106 = arith.constant 0 : i32
    %dma_wait3A_107 = arith.constant 0 : i32
    %dma_wait3A_108 = tpu.memref_slice %arg2[%dma_wait3A_106, %dma_wait3A_107] : memref<320000x128xf32, #tpu.memory_space<hbm>> -> memref<80x128xf32, #tpu.memory_space<hbm>>
    %dma_wait3A_109 = arith.constant 0 : i32
    %dma_wait3A_110 = arith.constant 0 : i32
    %dma_wait3A_111 = tpu.memref_slice %arg2[%dma_wait3A_109, %dma_wait3A_110] : memref<320000x128xf32, #tpu.memory_space<hbm>> -> memref<80x128xf32, #tpu.memory_space<hbm>>
    tpu.wait_dma2 semaphore(%arg12 : memref<!tpu.dma_semaphore, #tpu.memory_space<semaphore_mem>>) src(%dma_wait3A_111 : memref<80x128xf32, #tpu.memory_space<hbm>>) dst(%arg8 : memref<80x128xf32, #tpu.memory_space<vmem>>)
    %dma_start3A_112 = arith.constant 124 : i32
    %dma_start3A_113 = arith.constant 0 : i32
    %dma_start3A_114 = tpu.memref_slice %arg6[%dma_start3A_112, %dma_start3A_113] : memref<125x80xi32, #tpu.memory_space<vmem>> -> memref<1x80xi32, #tpu.memory_space<vmem>>
    %dma_start3A_115 = tpu.memref_squeeze %dma_start3A_114 : memref<1x80xi32, #tpu.memory_space<vmem>> -> memref<80xi32, #tpu.memory_space<vmem>>
    %dma_start3A_116 = arith.constant 0 : i32
    %dma_start3A_117 = arith.constant 0 : i32
    %dma_start3A_118 = tpu.memref_slice %arg10[%dma_start3A_116, %dma_start3A_117] : memref<10240x128xf32, #tpu.memory_space<vmem_shared>> -> memref<10240x128xf32, #tpu.memory_space<vmem_shared>>
    tpu.enqueue_indirect_dma source(%arg8 : memref<80x128xf32, #tpu.memory_space<vmem>>) target(%dma_start3A_118 : memref<10240x128xf32, #tpu.memory_space<vmem_shared>>) offsets(%dma_start3A_115 : memref<80xi32, #tpu.memory_space<vmem>>) semaphore(%arg15 : memref<!tpu.dma_semaphore, #tpu.memory_space<semaphore_mem>>) {add = true}
    %dma_wait3A_119 = arith.constant 0 : i32
    %dma_wait3A_120 = arith.constant 0 : i32
    %dma_wait3A_121 = tpu.memref_slice %arg6[%dma_wait3A_119, %dma_wait3A_120] : memref<125x80xi32, #tpu.memory_space<vmem>> -> memref<1x80xi32, #tpu.memory_space<vmem>>
    %dma_wait3A_122 = tpu.memref_squeeze %dma_wait3A_121 : memref<1x80xi32, #tpu.memory_space<vmem>> -> memref<80xi32, #tpu.memory_space<vmem>>
    %dma_wait3A_123 = arith.constant 0 : i32
    %dma_wait3A_124 = arith.constant 0 : i32
    %dma_wait3A_125 = tpu.memref_slice %arg10[%dma_wait3A_123, %dma_wait3A_124] : memref<10240x128xf32, #tpu.memory_space<vmem_shared>> -> memref<10240x128xf32, #tpu.memory_space<vmem_shared>>
    tpu.wait_indirect_dma semaphore(%arg16 : memref<!tpu.dma_semaphore, #tpu.memory_space<semaphore_mem>>) src(%arg9 : memref<80x128xf32, #tpu.memory_space<vmem>>) dst(%dma_wait3A_125 : memref<10240x128xf32, #tpu.memory_space<vmem_shared>>)
    %dma_wait3A_126 = arith.constant 0 : i32
    %dma_wait3A_127 = arith.constant 0 : i32
    %dma_wait3A_128 = tpu.memref_slice %arg6[%dma_wait3A_126, %dma_wait3A_127] : memref<125x80xi32, #tpu.memory_space<vmem>> -> memref<1x80xi32, #tpu.memory_space<vmem>>
    %dma_wait3A_129 = tpu.memref_squeeze %dma_wait3A_128 : memref<1x80xi32, #tpu.memory_space<vmem>> -> memref<80xi32, #tpu.memory_space<vmem>>
    %dma_wait3A_130 = arith.constant 0 : i32
    %dma_wait3A_131 = arith.constant 0 : i32
    %dma_wait3A_132 = tpu.memref_slice %arg10[%dma_wait3A_130, %dma_wait3A_131] : memref<10240x128xf32, #tpu.memory_space<vmem_shared>> -> memref<10240x128xf32, #tpu.memory_space<vmem_shared>>
    tpu.wait_indirect_dma semaphore(%arg14 : memref<!tpu.dma_semaphore, #tpu.memory_space<semaphore_mem>>) src(%arg7 : memref<80x128xf32, #tpu.memory_space<vmem>>) dst(%dma_wait3A_132 : memref<10240x128xf32, #tpu.memory_space<vmem_shared>>)
    %dma_wait3A_133 = arith.constant 0 : i32
    %dma_wait3A_134 = arith.constant 0 : i32
    %dma_wait3A_135 = tpu.memref_slice %arg6[%dma_wait3A_133, %dma_wait3A_134] : memref<125x80xi32, #tpu.memory_space<vmem>> -> memref<1x80xi32, #tpu.memory_space<vmem>>
    %dma_wait3A_136 = tpu.memref_squeeze %dma_wait3A_135 : memref<1x80xi32, #tpu.memory_space<vmem>> -> memref<80xi32, #tpu.memory_space<vmem>>
    %dma_wait3A_137 = arith.constant 0 : i32
    %dma_wait3A_138 = arith.constant 0 : i32
    %dma_wait3A_139 = tpu.memref_slice %arg10[%dma_wait3A_137, %dma_wait3A_138] : memref<10240x128xf32, #tpu.memory_space<vmem_shared>> -> memref<10240x128xf32, #tpu.memory_space<vmem_shared>>
    tpu.wait_indirect_dma semaphore(%arg15 : memref<!tpu.dma_semaphore, #tpu.memory_space<semaphore_mem>>) src(%arg8 : memref<80x128xf32, #tpu.memory_space<vmem>>) dst(%dma_wait3A_139 : memref<10240x128xf32, #tpu.memory_space<vmem_shared>>)
    %barrier3A_140 = arith.constant 0 : index
    tpu.barrier barrier_id(%barrier3A_140)
    %mul3A_141 = arith.constant 640 : i32
    %mul3A_142 = arith.muli %arg1, %mul3A_141 : i32
    %mul3A_143 = arith.constant 640 : i32
    %mul3A_144 = arith.muli %arg1, %mul3A_143 : i32
    "tpu.region"() ({
      %run_scoped3A = tpu.sem_alloc : memref<!tpu.dma_semaphore, #tpu.memory_space<semaphore_mem>>
      %dma_start3A_145 = arith.constant 0 : i32
      %dma_start3A_146 = tpu.memref_slice %arg5[%arg0, %mul3A_144, %dma_start3A_145] : memref<2x10240x128xf32, #tpu.memory_space<hbm>> -> memref<1x640x128xf32, #tpu.memory_space<hbm>>
      %dma_start3A_147 = tpu.memref_squeeze %dma_start3A_146 : memref<1x640x128xf32, #tpu.memory_space<hbm>> -> memref<640x128xf32, #tpu.memory_space<hbm>>
      %dma_start3A_148 = arith.constant 0 : i32
      %dma_start3A_149 = tpu.memref_slice %arg10[%mul3A_142, %dma_start3A_148] : memref<10240x128xf32, #tpu.memory_space<vmem_shared>> -> memref<640x128xf32, #tpu.memory_space<vmem_shared>>
      tpu.enqueue_dma source(%dma_start3A_149 : memref<640x128xf32, #tpu.memory_space<vmem_shared>>) target(%dma_start3A_147 : memref<640x128xf32, #tpu.memory_space<hbm>>) target_semaphore(%run_scoped3A : memref<!tpu.dma_semaphore, #tpu.memory_space<semaphore_mem>>)
      %dma_wait3A_150 = arith.constant 0 : i32
      %dma_wait3A_151 = tpu.memref_slice %arg5[%arg0, %mul3A_144, %dma_wait3A_150] : memref<2x10240x128xf32, #tpu.memory_space<hbm>> -> memref<1x640x128xf32, #tpu.memory_space<hbm>>
      %dma_wait3A_152 = tpu.memref_squeeze %dma_wait3A_151 : memref<1x640x128xf32, #tpu.memory_space<hbm>> -> memref<640x128xf32, #tpu.memory_space<hbm>>
      %dma_wait3A_153 = arith.constant 0 : i32
      %dma_wait3A_154 = tpu.memref_slice %arg10[%mul3A_142, %dma_wait3A_153] : memref<10240x128xf32, #tpu.memory_space<vmem_shared>> -> memref<640x128xf32, #tpu.memory_space<vmem_shared>>
      tpu.wait_dma2 semaphore(%run_scoped3A : memref<!tpu.dma_semaphore, #tpu.memory_space<semaphore_mem>>) src(%dma_wait3A_154 : memref<640x128xf32, #tpu.memory_space<vmem_shared>>) dst(%dma_wait3A_152 : memref<640x128xf32, #tpu.memory_space<hbm>>)
      tpu.yield
    }) : () -> ()
    return
  }
}

#map = affine_map<(d0, d1) -> (0, 0)>
#map1 = affine_map<(d0, d1) -> (0, 0, 0)>
module attributes {stable_mosaic.version = 14 : i64} {
  func.func @k(%arg0: i32, %arg1: i32, %arg2: memref<10240x128xf32, #tpu.memory_space<hbm>>, %arg3: memref<32x125x80xi32, #tpu.memory_space<hbm>>, %arg4: memref<320000x128xf32, #tpu.memory_space<hbm>>, %arg5: memref<125x80xi32, #tpu.memory_space<vmem>>, %arg6: memref<80x128xf32, #tpu.memory_space<vmem>>, %arg7: memref<80x128xf32, #tpu.memory_space<vmem>>, %arg8: memref<80x128xf32, #tpu.memory_space<vmem>>, %arg9: memref<10240x128xf32, #tpu.memory_space<vmem_shared>>, %arg10: memref<!tpu.dma_semaphore, #tpu.memory_space<semaphore_mem>>, %arg11: memref<!tpu.dma_semaphore, #tpu.memory_space<semaphore_mem>>, %arg12: memref<!tpu.dma_semaphore, #tpu.memory_space<semaphore_mem>>, %arg13: memref<!tpu.dma_semaphore, #tpu.memory_space<semaphore_mem>>, %arg14: memref<!tpu.dma_semaphore, #tpu.memory_space<semaphore_mem>>, %arg15: memref<!tpu.dma_semaphore, #tpu.memory_space<semaphore_mem>>) attributes {dimension_semantics = [#tpu.dimension_semantics<core_parallel>, #tpu.dimension_semantics<subcore_parallel>], iteration_bounds = array<i64: 2, 16>, scalar_prefetch = 0 : i64, scratch_operands = 11 : i64, tpu.core_type = #tpu.core_type<sc_vector_subcore>, window_params = [{transform_indices = #map}, {transform_indices = #map1}, {transform_indices = #map}]} {
    %mul3A = arith.constant 16 : i32
    %mul3A_0 = arith.muli %arg0, %mul3A : i32
    %add3A = arith.addi %mul3A_0, %arg1 : i32
    %mul3A_1 = arith.constant 640 : i32
    %mul3A_2 = arith.muli %arg1, %mul3A_1 : i32
    %mul3A_3 = arith.constant 640 : i32
    %mul3A_4 = arith.muli %arg1, %mul3A_3 : i32
    "tpu.region"() ({
      %run_scoped3A = tpu.sem_alloc : memref<!tpu.dma_semaphore, #tpu.memory_space<semaphore_mem>>
      %dma_start3A_140 = arith.constant 0 : i32
      %dma_start3A_141 = tpu.memref_slice %arg9[%mul3A_4, %dma_start3A_140] : memref<10240x128xf32, #tpu.memory_space<vmem_shared>> -> memref<640x128xf32, #tpu.memory_space<vmem_shared>>
      %dma_start3A_142 = arith.constant 0 : i32
      %dma_start3A_143 = tpu.memref_slice %arg2[%mul3A_2, %dma_start3A_142] : memref<10240x128xf32, #tpu.memory_space<hbm>> -> memref<640x128xf32, #tpu.memory_space<hbm>>
      tpu.enqueue_dma source(%dma_start3A_143 : memref<640x128xf32, #tpu.memory_space<hbm>>) target(%dma_start3A_141 : memref<640x128xf32, #tpu.memory_space<vmem_shared>>) target_semaphore(%run_scoped3A : memref<!tpu.dma_semaphore, #tpu.memory_space<semaphore_mem>>)
      %dma_wait3A_144 = arith.constant 0 : i32
      %dma_wait3A_145 = tpu.memref_slice %arg9[%mul3A_4, %dma_wait3A_144] : memref<10240x128xf32, #tpu.memory_space<vmem_shared>> -> memref<640x128xf32, #tpu.memory_space<vmem_shared>>
      %dma_wait3A_146 = arith.constant 0 : i32
      %dma_wait3A_147 = tpu.memref_slice %arg2[%mul3A_2, %dma_wait3A_146] : memref<10240x128xf32, #tpu.memory_space<hbm>> -> memref<640x128xf32, #tpu.memory_space<hbm>>
      tpu.wait_dma2 semaphore(%run_scoped3A : memref<!tpu.dma_semaphore, #tpu.memory_space<semaphore_mem>>) src(%dma_wait3A_147 : memref<640x128xf32, #tpu.memory_space<hbm>>) dst(%dma_wait3A_145 : memref<640x128xf32, #tpu.memory_space<vmem_shared>>)
      tpu.yield
    }) : () -> ()
    "tpu.region"() ({
      %run_scoped3A = tpu.sem_alloc : memref<!tpu.dma_semaphore, #tpu.memory_space<semaphore_mem>>
      %dma_start3A_140 = arith.constant 0 : i32
      %dma_start3A_141 = arith.constant 0 : i32
      %dma_start3A_142 = tpu.memref_slice %arg3[%add3A, %dma_start3A_140, %dma_start3A_141] : memref<32x125x80xi32, #tpu.memory_space<hbm>> -> memref<1x125x80xi32, #tpu.memory_space<hbm>>
      %dma_start3A_143 = tpu.memref_squeeze %dma_start3A_142 : memref<1x125x80xi32, #tpu.memory_space<hbm>> -> memref<125x80xi32, #tpu.memory_space<hbm>>
      %dma_start3A_144 = arith.constant 0 : i32
      %dma_start3A_145 = arith.constant 0 : i32
      %dma_start3A_146 = tpu.memref_slice %arg3[%add3A, %dma_start3A_144, %dma_start3A_145] : memref<32x125x80xi32, #tpu.memory_space<hbm>> -> memref<1x125x80xi32, #tpu.memory_space<hbm>>
      %dma_start3A_147 = tpu.memref_squeeze %dma_start3A_146 : memref<1x125x80xi32, #tpu.memory_space<hbm>> -> memref<125x80xi32, #tpu.memory_space<hbm>>
      tpu.enqueue_dma source(%dma_start3A_147 : memref<125x80xi32, #tpu.memory_space<hbm>>) target(%arg5 : memref<125x80xi32, #tpu.memory_space<vmem>>) target_semaphore(%run_scoped3A : memref<!tpu.dma_semaphore, #tpu.memory_space<semaphore_mem>>)
      %dma_wait3A_148 = arith.constant 0 : i32
      %dma_wait3A_149 = arith.constant 0 : i32
      %dma_wait3A_150 = tpu.memref_slice %arg3[%add3A, %dma_wait3A_148, %dma_wait3A_149] : memref<32x125x80xi32, #tpu.memory_space<hbm>> -> memref<1x125x80xi32, #tpu.memory_space<hbm>>
      %dma_wait3A_151 = tpu.memref_squeeze %dma_wait3A_150 : memref<1x125x80xi32, #tpu.memory_space<hbm>> -> memref<125x80xi32, #tpu.memory_space<hbm>>
      %dma_wait3A_152 = arith.constant 0 : i32
      %dma_wait3A_153 = arith.constant 0 : i32
      %dma_wait3A_154 = tpu.memref_slice %arg3[%add3A, %dma_wait3A_152, %dma_wait3A_153] : memref<32x125x80xi32, #tpu.memory_space<hbm>> -> memref<1x125x80xi32, #tpu.memory_space<hbm>>
      %dma_wait3A_155 = tpu.memref_squeeze %dma_wait3A_154 : memref<1x125x80xi32, #tpu.memory_space<hbm>> -> memref<125x80xi32, #tpu.memory_space<hbm>>
      tpu.wait_dma2 semaphore(%run_scoped3A : memref<!tpu.dma_semaphore, #tpu.memory_space<semaphore_mem>>) src(%dma_wait3A_155 : memref<125x80xi32, #tpu.memory_space<hbm>>) dst(%arg5 : memref<125x80xi32, #tpu.memory_space<vmem>>)
      tpu.yield
    }) : () -> ()
    %barrier3A = arith.constant 0 : index
    tpu.barrier barrier_id(%barrier3A)
    %mul3A_5 = arith.constant 10000 : i32
    %mul3A_6 = arith.muli %add3A, %mul3A_5 : i32
    %dma_start3A = arith.constant 0 : i32
    %dma_start3A_7 = arith.constant 0 : i32
    %dma_start3A_8 = tpu.memref_slice %arg5[%dma_start3A, %dma_start3A_7] : memref<125x80xi32, #tpu.memory_space<vmem>> -> memref<1x80xi32, #tpu.memory_space<vmem>>
    %dma_start3A_9 = tpu.memref_squeeze %dma_start3A_8 : memref<1x80xi32, #tpu.memory_space<vmem>> -> memref<80xi32, #tpu.memory_space<vmem>>
    %dma_start3A_10 = arith.constant 0 : i32
    %dma_start3A_11 = arith.constant 0 : i32
    %dma_start3A_12 = tpu.memref_slice %arg9[%dma_start3A_10, %dma_start3A_11] : memref<10240x128xf32, #tpu.memory_space<vmem_shared>> -> memref<10240x128xf32, #tpu.memory_space<vmem_shared>>
    tpu.enqueue_indirect_dma source(%dma_start3A_12 : memref<10240x128xf32, #tpu.memory_space<vmem_shared>>) target(%arg6 : memref<80x128xf32, #tpu.memory_space<vmem>>) offsets(%dma_start3A_9 : memref<80xi32, #tpu.memory_space<vmem>>) semaphore(%arg10 : memref<!tpu.dma_semaphore, #tpu.memory_space<semaphore_mem>>)
    %dma_start3A_13 = arith.constant 1 : i32
    %dma_start3A_14 = arith.constant 0 : i32
    %dma_start3A_15 = tpu.memref_slice %arg5[%dma_start3A_13, %dma_start3A_14] : memref<125x80xi32, #tpu.memory_space<vmem>> -> memref<1x80xi32, #tpu.memory_space<vmem>>
    %dma_start3A_16 = tpu.memref_squeeze %dma_start3A_15 : memref<1x80xi32, #tpu.memory_space<vmem>> -> memref<80xi32, #tpu.memory_space<vmem>>
    %dma_start3A_17 = arith.constant 0 : i32
    %dma_start3A_18 = arith.constant 0 : i32
    %dma_start3A_19 = tpu.memref_slice %arg9[%dma_start3A_17, %dma_start3A_18] : memref<10240x128xf32, #tpu.memory_space<vmem_shared>> -> memref<10240x128xf32, #tpu.memory_space<vmem_shared>>
    tpu.enqueue_indirect_dma source(%dma_start3A_19 : memref<10240x128xf32, #tpu.memory_space<vmem_shared>>) target(%arg7 : memref<80x128xf32, #tpu.memory_space<vmem>>) offsets(%dma_start3A_16 : memref<80xi32, #tpu.memory_space<vmem>>) semaphore(%arg11 : memref<!tpu.dma_semaphore, #tpu.memory_space<semaphore_mem>>)
    %dma_wait3A = arith.constant 0 : i32
    %dma_wait3A_20 = arith.constant 0 : i32
    %dma_wait3A_21 = tpu.memref_slice %arg5[%dma_wait3A, %dma_wait3A_20] : memref<125x80xi32, #tpu.memory_space<vmem>> -> memref<1x80xi32, #tpu.memory_space<vmem>>
    %dma_wait3A_22 = tpu.memref_squeeze %dma_wait3A_21 : memref<1x80xi32, #tpu.memory_space<vmem>> -> memref<80xi32, #tpu.memory_space<vmem>>
    %dma_wait3A_23 = arith.constant 0 : i32
    %dma_wait3A_24 = arith.constant 0 : i32
    %dma_wait3A_25 = tpu.memref_slice %arg9[%dma_wait3A_23, %dma_wait3A_24] : memref<10240x128xf32, #tpu.memory_space<vmem_shared>> -> memref<10240x128xf32, #tpu.memory_space<vmem_shared>>
    tpu.wait_indirect_dma semaphore(%arg10 : memref<!tpu.dma_semaphore, #tpu.memory_space<semaphore_mem>>) src(%dma_wait3A_25 : memref<10240x128xf32, #tpu.memory_space<vmem_shared>>) dst(%arg6 : memref<80x128xf32, #tpu.memory_space<vmem>>)
    %add3A_26 = arith.constant 0 : i32
    %add3A_27 = arith.addi %mul3A_6, %add3A_26 : i32
    %dma_start3A_28 = arith.constant 0 : i32
    %dma_start3A_29 = tpu.memref_slice %arg4[%add3A_27, %dma_start3A_28] : memref<320000x128xf32, #tpu.memory_space<hbm>> -> memref<80x128xf32, #tpu.memory_space<hbm>>
    %dma_start3A_30 = arith.constant 0 : i32
    %dma_start3A_31 = tpu.memref_slice %arg4[%add3A_27, %dma_start3A_30] : memref<320000x128xf32, #tpu.memory_space<hbm>> -> memref<80x128xf32, #tpu.memory_space<hbm>>
    tpu.enqueue_dma source(%arg6 : memref<80x128xf32, #tpu.memory_space<vmem>>) target(%dma_start3A_31 : memref<80x128xf32, #tpu.memory_space<hbm>>) target_semaphore(%arg13 : memref<!tpu.dma_semaphore, #tpu.memory_space<semaphore_mem>>)
    %dma_start3A_32 = arith.constant 2 : i32
    %dma_start3A_33 = arith.constant 0 : i32
    %dma_start3A_34 = tpu.memref_slice %arg5[%dma_start3A_32, %dma_start3A_33] : memref<125x80xi32, #tpu.memory_space<vmem>> -> memref<1x80xi32, #tpu.memory_space<vmem>>
    %dma_start3A_35 = tpu.memref_squeeze %dma_start3A_34 : memref<1x80xi32, #tpu.memory_space<vmem>> -> memref<80xi32, #tpu.memory_space<vmem>>
    %dma_start3A_36 = arith.constant 0 : i32
    %dma_start3A_37 = arith.constant 0 : i32
    %dma_start3A_38 = tpu.memref_slice %arg9[%dma_start3A_36, %dma_start3A_37] : memref<10240x128xf32, #tpu.memory_space<vmem_shared>> -> memref<10240x128xf32, #tpu.memory_space<vmem_shared>>
    tpu.enqueue_indirect_dma source(%dma_start3A_38 : memref<10240x128xf32, #tpu.memory_space<vmem_shared>>) target(%arg8 : memref<80x128xf32, #tpu.memory_space<vmem>>) offsets(%dma_start3A_35 : memref<80xi32, #tpu.memory_space<vmem>>) semaphore(%arg12 : memref<!tpu.dma_semaphore, #tpu.memory_space<semaphore_mem>>)
    %dma_wait3A_39 = arith.constant 0 : i32
    %dma_wait3A_40 = arith.constant 0 : i32
    %dma_wait3A_41 = tpu.memref_slice %arg5[%dma_wait3A_39, %dma_wait3A_40] : memref<125x80xi32, #tpu.memory_space<vmem>> -> memref<1x80xi32, #tpu.memory_space<vmem>>
    %dma_wait3A_42 = tpu.memref_squeeze %dma_wait3A_41 : memref<1x80xi32, #tpu.memory_space<vmem>> -> memref<80xi32, #tpu.memory_space<vmem>>
    %dma_wait3A_43 = arith.constant 0 : i32
    %dma_wait3A_44 = arith.constant 0 : i32
    %dma_wait3A_45 = tpu.memref_slice %arg9[%dma_wait3A_43, %dma_wait3A_44] : memref<10240x128xf32, #tpu.memory_space<vmem_shared>> -> memref<10240x128xf32, #tpu.memory_space<vmem_shared>>
    tpu.wait_indirect_dma semaphore(%arg11 : memref<!tpu.dma_semaphore, #tpu.memory_space<semaphore_mem>>) src(%dma_wait3A_45 : memref<10240x128xf32, #tpu.memory_space<vmem_shared>>) dst(%arg7 : memref<80x128xf32, #tpu.memory_space<vmem>>)
    %add3A_46 = arith.constant 80 : i32
    %add3A_47 = arith.addi %mul3A_6, %add3A_46 : i32
    %dma_start3A_48 = arith.constant 0 : i32
    %dma_start3A_49 = tpu.memref_slice %arg4[%add3A_47, %dma_start3A_48] : memref<320000x128xf32, #tpu.memory_space<hbm>> -> memref<80x128xf32, #tpu.memory_space<hbm>>
    %dma_start3A_50 = arith.constant 0 : i32
    %dma_start3A_51 = tpu.memref_slice %arg4[%add3A_47, %dma_start3A_50] : memref<320000x128xf32, #tpu.memory_space<hbm>> -> memref<80x128xf32, #tpu.memory_space<hbm>>
    tpu.enqueue_dma source(%arg7 : memref<80x128xf32, #tpu.memory_space<vmem>>) target(%dma_start3A_51 : memref<80x128xf32, #tpu.memory_space<hbm>>) target_semaphore(%arg14 : memref<!tpu.dma_semaphore, #tpu.memory_space<semaphore_mem>>)
    %dma_wait3A_52 = arith.constant 0 : i32
    %dma_wait3A_53 = arith.constant 0 : i32
    %dma_wait3A_54 = tpu.memref_slice %arg4[%dma_wait3A_52, %dma_wait3A_53] : memref<320000x128xf32, #tpu.memory_space<hbm>> -> memref<80x128xf32, #tpu.memory_space<hbm>>
    %dma_wait3A_55 = arith.constant 0 : i32
    %dma_wait3A_56 = arith.constant 0 : i32
    %dma_wait3A_57 = tpu.memref_slice %arg4[%dma_wait3A_55, %dma_wait3A_56] : memref<320000x128xf32, #tpu.memory_space<hbm>> -> memref<80x128xf32, #tpu.memory_space<hbm>>
    tpu.wait_dma2 semaphore(%arg13 : memref<!tpu.dma_semaphore, #tpu.memory_space<semaphore_mem>>) src(%arg6 : memref<80x128xf32, #tpu.memory_space<vmem>>) dst(%dma_wait3A_57 : memref<80x128xf32, #tpu.memory_space<hbm>>)
    %dma_start3A_58 = arith.constant 3 : i32
    %dma_start3A_59 = arith.constant 0 : i32
    %dma_start3A_60 = tpu.memref_slice %arg5[%dma_start3A_58, %dma_start3A_59] : memref<125x80xi32, #tpu.memory_space<vmem>> -> memref<1x80xi32, #tpu.memory_space<vmem>>
    %dma_start3A_61 = tpu.memref_squeeze %dma_start3A_60 : memref<1x80xi32, #tpu.memory_space<vmem>> -> memref<80xi32, #tpu.memory_space<vmem>>
    %dma_start3A_62 = arith.constant 0 : i32
    %dma_start3A_63 = arith.constant 0 : i32
    %dma_start3A_64 = tpu.memref_slice %arg9[%dma_start3A_62, %dma_start3A_63] : memref<10240x128xf32, #tpu.memory_space<vmem_shared>> -> memref<10240x128xf32, #tpu.memory_space<vmem_shared>>
    tpu.enqueue_indirect_dma source(%dma_start3A_64 : memref<10240x128xf32, #tpu.memory_space<vmem_shared>>) target(%arg6 : memref<80x128xf32, #tpu.memory_space<vmem>>) offsets(%dma_start3A_61 : memref<80xi32, #tpu.memory_space<vmem>>) semaphore(%arg10 : memref<!tpu.dma_semaphore, #tpu.memory_space<semaphore_mem>>)
    %dma_wait3A_65 = arith.constant 0 : i32
    %dma_wait3A_66 = arith.constant 0 : i32
    %dma_wait3A_67 = tpu.memref_slice %arg5[%dma_wait3A_65, %dma_wait3A_66] : memref<125x80xi32, #tpu.memory_space<vmem>> -> memref<1x80xi32, #tpu.memory_space<vmem>>
    %dma_wait3A_68 = tpu.memref_squeeze %dma_wait3A_67 : memref<1x80xi32, #tpu.memory_space<vmem>> -> memref<80xi32, #tpu.memory_space<vmem>>
    %dma_wait3A_69 = arith.constant 0 : i32
    %dma_wait3A_70 = arith.constant 0 : i32
    %dma_wait3A_71 = tpu.memref_slice %arg9[%dma_wait3A_69, %dma_wait3A_70] : memref<10240x128xf32, #tpu.memory_space<vmem_shared>> -> memref<10240x128xf32, #tpu.memory_space<vmem_shared>>
    tpu.wait_indirect_dma semaphore(%arg12 : memref<!tpu.dma_semaphore, #tpu.memory_space<semaphore_mem>>) src(%dma_wait3A_71 : memref<10240x128xf32, #tpu.memory_space<vmem_shared>>) dst(%arg8 : memref<80x128xf32, #tpu.memory_space<vmem>>)
    %add3A_72 = arith.constant 160 : i32
    %add3A_73 = arith.addi %mul3A_6, %add3A_72 : i32
    %dma_start3A_74 = arith.constant 0 : i32
    %dma_start3A_75 = tpu.memref_slice %arg4[%add3A_73, %dma_start3A_74] : memref<320000x128xf32, #tpu.memory_space<hbm>> -> memref<80x128xf32, #tpu.memory_space<hbm>>
    %dma_start3A_76 = arith.constant 0 : i32
    %dma_start3A_77 = tpu.memref_slice %arg4[%add3A_73, %dma_start3A_76] : memref<320000x128xf32, #tpu.memory_space<hbm>> -> memref<80x128xf32, #tpu.memory_space<hbm>>
    tpu.enqueue_dma source(%arg8 : memref<80x128xf32, #tpu.memory_space<vmem>>) target(%dma_start3A_77 : memref<80x128xf32, #tpu.memory_space<hbm>>) target_semaphore(%arg15 : memref<!tpu.dma_semaphore, #tpu.memory_space<semaphore_mem>>)
    %dma_wait3A_78 = arith.constant 0 : i32
    %dma_wait3A_79 = arith.constant 0 : i32
    %dma_wait3A_80 = tpu.memref_slice %arg4[%dma_wait3A_78, %dma_wait3A_79] : memref<320000x128xf32, #tpu.memory_space<hbm>> -> memref<80x128xf32, #tpu.memory_space<hbm>>
    %dma_wait3A_81 = arith.constant 0 : i32
    %dma_wait3A_82 = arith.constant 0 : i32
    %dma_wait3A_83 = tpu.memref_slice %arg4[%dma_wait3A_81, %dma_wait3A_82] : memref<320000x128xf32, #tpu.memory_space<hbm>> -> memref<80x128xf32, #tpu.memory_space<hbm>>
    tpu.wait_dma2 semaphore(%arg14 : memref<!tpu.dma_semaphore, #tpu.memory_space<semaphore_mem>>) src(%arg7 : memref<80x128xf32, #tpu.memory_space<vmem>>) dst(%dma_wait3A_83 : memref<80x128xf32, #tpu.memory_space<hbm>>)
    %dma_start3A_84 = arith.constant 4 : i32
    %dma_start3A_85 = arith.constant 0 : i32
    %dma_start3A_86 = tpu.memref_slice %arg5[%dma_start3A_84, %dma_start3A_85] : memref<125x80xi32, #tpu.memory_space<vmem>> -> memref<1x80xi32, #tpu.memory_space<vmem>>
    %dma_start3A_87 = tpu.memref_squeeze %dma_start3A_86 : memref<1x80xi32, #tpu.memory_space<vmem>> -> memref<80xi32, #tpu.memory_space<vmem>>
    %dma_start3A_88 = arith.constant 0 : i32
    %dma_start3A_89 = arith.constant 0 : i32
    %dma_start3A_90 = tpu.memref_slice %arg9[%dma_start3A_88, %dma_start3A_89] : memref<10240x128xf32, #tpu.memory_space<vmem_shared>> -> memref<10240x128xf32, #tpu.memory_space<vmem_shared>>
    tpu.enqueue_indirect_dma source(%dma_start3A_90 : memref<10240x128xf32, #tpu.memory_space<vmem_shared>>) target(%arg7 : memref<80x128xf32, #tpu.memory_space<vmem>>) offsets(%dma_start3A_87 : memref<80xi32, #tpu.memory_space<vmem>>) semaphore(%arg11 : memref<!tpu.dma_semaphore, #tpu.memory_space<semaphore_mem>>)
    %scan3A = arith.constant 0 : i32
    %scan3A_91 = arith.constant 1 : i32
    %scan3A_92 = arith.constant 40 : i32
    %scan3A_93 = arith.addi %scan3A_91, %scan3A_92 : i32
    %scan3A_94 = arith.constant 1 : i32
    scf.for %scan3A_140 = %scan3A_91 to %scan3A_93 step %scan3A_94  : i32 {
      %mul3A_141 = arith.constant 3 : i32
      %mul3A_142 = arith.muli %mul3A_141, %scan3A_140 : i32
      %dma_wait3A_143 = arith.constant 0 : i32
      %dma_wait3A_144 = arith.constant 0 : i32
      %dma_wait3A_145 = tpu.memref_slice %arg5[%dma_wait3A_143, %dma_wait3A_144] : memref<125x80xi32, #tpu.memory_space<vmem>> -> memref<1x80xi32, #tpu.memory_space<vmem>>
      %dma_wait3A_146 = tpu.memref_squeeze %dma_wait3A_145 : memref<1x80xi32, #tpu.memory_space<vmem>> -> memref<80xi32, #tpu.memory_space<vmem>>
      %dma_wait3A_147 = arith.constant 0 : i32
      %dma_wait3A_148 = arith.constant 0 : i32
      %dma_wait3A_149 = tpu.memref_slice %arg9[%dma_wait3A_147, %dma_wait3A_148] : memref<10240x128xf32, #tpu.memory_space<vmem_shared>> -> memref<10240x128xf32, #tpu.memory_space<vmem_shared>>
      tpu.wait_indirect_dma semaphore(%arg10 : memref<!tpu.dma_semaphore, #tpu.memory_space<semaphore_mem>>) src(%dma_wait3A_149 : memref<10240x128xf32, #tpu.memory_space<vmem_shared>>) dst(%arg6 : memref<80x128xf32, #tpu.memory_space<vmem>>)
      %mul3A_150 = arith.constant 80 : i32
      %mul3A_151 = arith.muli %mul3A_142, %mul3A_150 : i32
      %add3A_152 = arith.addi %mul3A_6, %mul3A_151 : i32
      %dma_start3A_153 = arith.constant 0 : i32
      %dma_start3A_154 = tpu.memref_slice %arg4[%add3A_152, %dma_start3A_153] : memref<320000x128xf32, #tpu.memory_space<hbm>> -> memref<80x128xf32, #tpu.memory_space<hbm>>
      %dma_start3A_155 = arith.constant 0 : i32
      %dma_start3A_156 = tpu.memref_slice %arg4[%add3A_152, %dma_start3A_155] : memref<320000x128xf32, #tpu.memory_space<hbm>> -> memref<80x128xf32, #tpu.memory_space<hbm>>
      tpu.enqueue_dma source(%arg6 : memref<80x128xf32, #tpu.memory_space<vmem>>) target(%dma_start3A_156 : memref<80x128xf32, #tpu.memory_space<hbm>>) target_semaphore(%arg13 : memref<!tpu.dma_semaphore, #tpu.memory_space<semaphore_mem>>)
      %dma_wait3A_157 = arith.constant 0 : i32
      %dma_wait3A_158 = arith.constant 0 : i32
      %dma_wait3A_159 = tpu.memref_slice %arg4[%dma_wait3A_157, %dma_wait3A_158] : memref<320000x128xf32, #tpu.memory_space<hbm>> -> memref<80x128xf32, #tpu.memory_space<hbm>>
      %dma_wait3A_160 = arith.constant 0 : i32
      %dma_wait3A_161 = arith.constant 0 : i32
      %dma_wait3A_162 = tpu.memref_slice %arg4[%dma_wait3A_160, %dma_wait3A_161] : memref<320000x128xf32, #tpu.memory_space<hbm>> -> memref<80x128xf32, #tpu.memory_space<hbm>>
      tpu.wait_dma2 semaphore(%arg15 : memref<!tpu.dma_semaphore, #tpu.memory_space<semaphore_mem>>) src(%arg8 : memref<80x128xf32, #tpu.memory_space<vmem>>) dst(%dma_wait3A_162 : memref<80x128xf32, #tpu.memory_space<hbm>>)
      %add3A_163 = arith.constant 2 : i32
      %add3A_164 = arith.addi %mul3A_142, %add3A_163 : i32
      %dma_start3A_165 = arith.constant 0 : i32
      %dma_start3A_166 = tpu.memref_slice %arg5[%add3A_164, %dma_start3A_165] : memref<125x80xi32, #tpu.memory_space<vmem>> -> memref<1x80xi32, #tpu.memory_space<vmem>>
      %dma_start3A_167 = tpu.memref_squeeze %dma_start3A_166 : memref<1x80xi32, #tpu.memory_space<vmem>> -> memref<80xi32, #tpu.memory_space<vmem>>
      %dma_start3A_168 = arith.constant 0 : i32
      %dma_start3A_169 = arith.constant 0 : i32
      %dma_start3A_170 = tpu.memref_slice %arg9[%dma_start3A_168, %dma_start3A_169] : memref<10240x128xf32, #tpu.memory_space<vmem_shared>> -> memref<10240x128xf32, #tpu.memory_space<vmem_shared>>
      tpu.enqueue_indirect_dma source(%dma_start3A_170 : memref<10240x128xf32, #tpu.memory_space<vmem_shared>>) target(%arg8 : memref<80x128xf32, #tpu.memory_space<vmem>>) offsets(%dma_start3A_167 : memref<80xi32, #tpu.memory_space<vmem>>) semaphore(%arg12 : memref<!tpu.dma_semaphore, #tpu.memory_space<semaphore_mem>>)
      %dma_wait3A_171 = arith.constant 0 : i32
      %dma_wait3A_172 = arith.constant 0 : i32
      %dma_wait3A_173 = tpu.memref_slice %arg5[%dma_wait3A_171, %dma_wait3A_172] : memref<125x80xi32, #tpu.memory_space<vmem>> -> memref<1x80xi32, #tpu.memory_space<vmem>>
      %dma_wait3A_174 = tpu.memref_squeeze %dma_wait3A_173 : memref<1x80xi32, #tpu.memory_space<vmem>> -> memref<80xi32, #tpu.memory_space<vmem>>
      %dma_wait3A_175 = arith.constant 0 : i32
      %dma_wait3A_176 = arith.constant 0 : i32
      %dma_wait3A_177 = tpu.memref_slice %arg9[%dma_wait3A_175, %dma_wait3A_176] : memref<10240x128xf32, #tpu.memory_space<vmem_shared>> -> memref<10240x128xf32, #tpu.memory_space<vmem_shared>>
      tpu.wait_indirect_dma semaphore(%arg11 : memref<!tpu.dma_semaphore, #tpu.memory_space<semaphore_mem>>) src(%dma_wait3A_177 : memref<10240x128xf32, #tpu.memory_space<vmem_shared>>) dst(%arg7 : memref<80x128xf32, #tpu.memory_space<vmem>>)
      %add3A_178 = arith.constant 1 : i32
      %add3A_179 = arith.addi %mul3A_142, %add3A_178 : i32
      %mul3A_180 = arith.constant 80 : i32
      %mul3A_181 = arith.muli %add3A_179, %mul3A_180 : i32
      %add3A_182 = arith.addi %mul3A_6, %mul3A_181 : i32
      %dma_start3A_183 = arith.constant 0 : i32
      %dma_start3A_184 = tpu.memref_slice %arg4[%add3A_182, %dma_start3A_183] : memref<320000x128xf32, #tpu.memory_space<hbm>> -> memref<80x128xf32, #tpu.memory_space<hbm>>
      %dma_start3A_185 = arith.constant 0 : i32
      %dma_start3A_186 = tpu.memref_slice %arg4[%add3A_182, %dma_start3A_185] : memref<320000x128xf32, #tpu.memory_space<hbm>> -> memref<80x128xf32, #tpu.memory_space<hbm>>
      tpu.enqueue_dma source(%arg7 : memref<80x128xf32, #tpu.memory_space<vmem>>) target(%dma_start3A_186 : memref<80x128xf32, #tpu.memory_space<hbm>>) target_semaphore(%arg14 : memref<!tpu.dma_semaphore, #tpu.memory_space<semaphore_mem>>)
      %dma_wait3A_187 = arith.constant 0 : i32
      %dma_wait3A_188 = arith.constant 0 : i32
      %dma_wait3A_189 = tpu.memref_slice %arg4[%dma_wait3A_187, %dma_wait3A_188] : memref<320000x128xf32, #tpu.memory_space<hbm>> -> memref<80x128xf32, #tpu.memory_space<hbm>>
      %dma_wait3A_190 = arith.constant 0 : i32
      %dma_wait3A_191 = arith.constant 0 : i32
      %dma_wait3A_192 = tpu.memref_slice %arg4[%dma_wait3A_190, %dma_wait3A_191] : memref<320000x128xf32, #tpu.memory_space<hbm>> -> memref<80x128xf32, #tpu.memory_space<hbm>>
      tpu.wait_dma2 semaphore(%arg13 : memref<!tpu.dma_semaphore, #tpu.memory_space<semaphore_mem>>) src(%arg6 : memref<80x128xf32, #tpu.memory_space<vmem>>) dst(%dma_wait3A_192 : memref<80x128xf32, #tpu.memory_space<hbm>>)
      %add3A_193 = arith.constant 3 : i32
      %add3A_194 = arith.addi %mul3A_142, %add3A_193 : i32
      %dma_start3A_195 = arith.constant 0 : i32
      %dma_start3A_196 = tpu.memref_slice %arg5[%add3A_194, %dma_start3A_195] : memref<125x80xi32, #tpu.memory_space<vmem>> -> memref<1x80xi32, #tpu.memory_space<vmem>>
      %dma_start3A_197 = tpu.memref_squeeze %dma_start3A_196 : memref<1x80xi32, #tpu.memory_space<vmem>> -> memref<80xi32, #tpu.memory_space<vmem>>
      %dma_start3A_198 = arith.constant 0 : i32
      %dma_start3A_199 = arith.constant 0 : i32
      %dma_start3A_200 = tpu.memref_slice %arg9[%dma_start3A_198, %dma_start3A_199] : memref<10240x128xf32, #tpu.memory_space<vmem_shared>> -> memref<10240x128xf32, #tpu.memory_space<vmem_shared>>
      tpu.enqueue_indirect_dma source(%dma_start3A_200 : memref<10240x128xf32, #tpu.memory_space<vmem_shared>>) target(%arg6 : memref<80x128xf32, #tpu.memory_space<vmem>>) offsets(%dma_start3A_197 : memref<80xi32, #tpu.memory_space<vmem>>) semaphore(%arg10 : memref<!tpu.dma_semaphore, #tpu.memory_space<semaphore_mem>>)
      %dma_wait3A_201 = arith.constant 0 : i32
      %dma_wait3A_202 = arith.constant 0 : i32
      %dma_wait3A_203 = tpu.memref_slice %arg5[%dma_wait3A_201, %dma_wait3A_202] : memref<125x80xi32, #tpu.memory_space<vmem>> -> memref<1x80xi32, #tpu.memory_space<vmem>>
      %dma_wait3A_204 = tpu.memref_squeeze %dma_wait3A_203 : memref<1x80xi32, #tpu.memory_space<vmem>> -> memref<80xi32, #tpu.memory_space<vmem>>
      %dma_wait3A_205 = arith.constant 0 : i32
      %dma_wait3A_206 = arith.constant 0 : i32
      %dma_wait3A_207 = tpu.memref_slice %arg9[%dma_wait3A_205, %dma_wait3A_206] : memref<10240x128xf32, #tpu.memory_space<vmem_shared>> -> memref<10240x128xf32, #tpu.memory_space<vmem_shared>>
      tpu.wait_indirect_dma semaphore(%arg12 : memref<!tpu.dma_semaphore, #tpu.memory_space<semaphore_mem>>) src(%dma_wait3A_207 : memref<10240x128xf32, #tpu.memory_space<vmem_shared>>) dst(%arg8 : memref<80x128xf32, #tpu.memory_space<vmem>>)
      %add3A_208 = arith.constant 2 : i32
      %add3A_209 = arith.addi %mul3A_142, %add3A_208 : i32
      %mul3A_210 = arith.constant 80 : i32
      %mul3A_211 = arith.muli %add3A_209, %mul3A_210 : i32
      %add3A_212 = arith.addi %mul3A_6, %mul3A_211 : i32
      %dma_start3A_213 = arith.constant 0 : i32
      %dma_start3A_214 = tpu.memref_slice %arg4[%add3A_212, %dma_start3A_213] : memref<320000x128xf32, #tpu.memory_space<hbm>> -> memref<80x128xf32, #tpu.memory_space<hbm>>
      %dma_start3A_215 = arith.constant 0 : i32
      %dma_start3A_216 = tpu.memref_slice %arg4[%add3A_212, %dma_start3A_215] : memref<320000x128xf32, #tpu.memory_space<hbm>> -> memref<80x128xf32, #tpu.memory_space<hbm>>
      tpu.enqueue_dma source(%arg8 : memref<80x128xf32, #tpu.memory_space<vmem>>) target(%dma_start3A_216 : memref<80x128xf32, #tpu.memory_space<hbm>>) target_semaphore(%arg15 : memref<!tpu.dma_semaphore, #tpu.memory_space<semaphore_mem>>)
      %dma_wait3A_217 = arith.constant 0 : i32
      %dma_wait3A_218 = arith.constant 0 : i32
      %dma_wait3A_219 = tpu.memref_slice %arg4[%dma_wait3A_217, %dma_wait3A_218] : memref<320000x128xf32, #tpu.memory_space<hbm>> -> memref<80x128xf32, #tpu.memory_space<hbm>>
      %dma_wait3A_220 = arith.constant 0 : i32
      %dma_wait3A_221 = arith.constant 0 : i32
      %dma_wait3A_222 = tpu.memref_slice %arg4[%dma_wait3A_220, %dma_wait3A_221] : memref<320000x128xf32, #tpu.memory_space<hbm>> -> memref<80x128xf32, #tpu.memory_space<hbm>>
      tpu.wait_dma2 semaphore(%arg14 : memref<!tpu.dma_semaphore, #tpu.memory_space<semaphore_mem>>) src(%arg7 : memref<80x128xf32, #tpu.memory_space<vmem>>) dst(%dma_wait3A_222 : memref<80x128xf32, #tpu.memory_space<hbm>>)
      %add3A_223 = arith.constant 4 : i32
      %add3A_224 = arith.addi %mul3A_142, %add3A_223 : i32
      %dma_start3A_225 = arith.constant 0 : i32
      %dma_start3A_226 = tpu.memref_slice %arg5[%add3A_224, %dma_start3A_225] : memref<125x80xi32, #tpu.memory_space<vmem>> -> memref<1x80xi32, #tpu.memory_space<vmem>>
      %dma_start3A_227 = tpu.memref_squeeze %dma_start3A_226 : memref<1x80xi32, #tpu.memory_space<vmem>> -> memref<80xi32, #tpu.memory_space<vmem>>
      %dma_start3A_228 = arith.constant 0 : i32
      %dma_start3A_229 = arith.constant 0 : i32
      %dma_start3A_230 = tpu.memref_slice %arg9[%dma_start3A_228, %dma_start3A_229] : memref<10240x128xf32, #tpu.memory_space<vmem_shared>> -> memref<10240x128xf32, #tpu.memory_space<vmem_shared>>
      tpu.enqueue_indirect_dma source(%dma_start3A_230 : memref<10240x128xf32, #tpu.memory_space<vmem_shared>>) target(%arg7 : memref<80x128xf32, #tpu.memory_space<vmem>>) offsets(%dma_start3A_227 : memref<80xi32, #tpu.memory_space<vmem>>) semaphore(%arg11 : memref<!tpu.dma_semaphore, #tpu.memory_space<semaphore_mem>>)
    }
    %scan3A_95 = arith.constant 40 : i32
    %dma_wait3A_96 = arith.constant 0 : i32
    %dma_wait3A_97 = arith.constant 0 : i32
    %dma_wait3A_98 = tpu.memref_slice %arg5[%dma_wait3A_96, %dma_wait3A_97] : memref<125x80xi32, #tpu.memory_space<vmem>> -> memref<1x80xi32, #tpu.memory_space<vmem>>
    %dma_wait3A_99 = tpu.memref_squeeze %dma_wait3A_98 : memref<1x80xi32, #tpu.memory_space<vmem>> -> memref<80xi32, #tpu.memory_space<vmem>>
    %dma_wait3A_100 = arith.constant 0 : i32
    %dma_wait3A_101 = arith.constant 0 : i32
    %dma_wait3A_102 = tpu.memref_slice %arg9[%dma_wait3A_100, %dma_wait3A_101] : memref<10240x128xf32, #tpu.memory_space<vmem_shared>> -> memref<10240x128xf32, #tpu.memory_space<vmem_shared>>
    tpu.wait_indirect_dma semaphore(%arg10 : memref<!tpu.dma_semaphore, #tpu.memory_space<semaphore_mem>>) src(%dma_wait3A_102 : memref<10240x128xf32, #tpu.memory_space<vmem_shared>>) dst(%arg6 : memref<80x128xf32, #tpu.memory_space<vmem>>)
    %add3A_103 = arith.constant 9840 : i32
    %add3A_104 = arith.addi %mul3A_6, %add3A_103 : i32
    %dma_start3A_105 = arith.constant 0 : i32
    %dma_start3A_106 = tpu.memref_slice %arg4[%add3A_104, %dma_start3A_105] : memref<320000x128xf32, #tpu.memory_space<hbm>> -> memref<80x128xf32, #tpu.memory_space<hbm>>
    %dma_start3A_107 = arith.constant 0 : i32
    %dma_start3A_108 = tpu.memref_slice %arg4[%add3A_104, %dma_start3A_107] : memref<320000x128xf32, #tpu.memory_space<hbm>> -> memref<80x128xf32, #tpu.memory_space<hbm>>
    tpu.enqueue_dma source(%arg6 : memref<80x128xf32, #tpu.memory_space<vmem>>) target(%dma_start3A_108 : memref<80x128xf32, #tpu.memory_space<hbm>>) target_semaphore(%arg13 : memref<!tpu.dma_semaphore, #tpu.memory_space<semaphore_mem>>)
    %dma_wait3A_109 = arith.constant 0 : i32
    %dma_wait3A_110 = arith.constant 0 : i32
    %dma_wait3A_111 = tpu.memref_slice %arg5[%dma_wait3A_109, %dma_wait3A_110] : memref<125x80xi32, #tpu.memory_space<vmem>> -> memref<1x80xi32, #tpu.memory_space<vmem>>
    %dma_wait3A_112 = tpu.memref_squeeze %dma_wait3A_111 : memref<1x80xi32, #tpu.memory_space<vmem>> -> memref<80xi32, #tpu.memory_space<vmem>>
    %dma_wait3A_113 = arith.constant 0 : i32
    %dma_wait3A_114 = arith.constant 0 : i32
    %dma_wait3A_115 = tpu.memref_slice %arg9[%dma_wait3A_113, %dma_wait3A_114] : memref<10240x128xf32, #tpu.memory_space<vmem_shared>> -> memref<10240x128xf32, #tpu.memory_space<vmem_shared>>
    tpu.wait_indirect_dma semaphore(%arg11 : memref<!tpu.dma_semaphore, #tpu.memory_space<semaphore_mem>>) src(%dma_wait3A_115 : memref<10240x128xf32, #tpu.memory_space<vmem_shared>>) dst(%arg7 : memref<80x128xf32, #tpu.memory_space<vmem>>)
    %add3A_116 = arith.constant 9920 : i32
    %add3A_117 = arith.addi %mul3A_6, %add3A_116 : i32
    %dma_start3A_118 = arith.constant 0 : i32
    %dma_start3A_119 = tpu.memref_slice %arg4[%add3A_117, %dma_start3A_118] : memref<320000x128xf32, #tpu.memory_space<hbm>> -> memref<80x128xf32, #tpu.memory_space<hbm>>
    %dma_start3A_120 = arith.constant 0 : i32
    %dma_start3A_121 = tpu.memref_slice %arg4[%add3A_117, %dma_start3A_120] : memref<320000x128xf32, #tpu.memory_space<hbm>> -> memref<80x128xf32, #tpu.memory_space<hbm>>
    tpu.enqueue_dma source(%arg7 : memref<80x128xf32, #tpu.memory_space<vmem>>) target(%dma_start3A_121 : memref<80x128xf32, #tpu.memory_space<hbm>>) target_semaphore(%arg14 : memref<!tpu.dma_semaphore, #tpu.memory_space<semaphore_mem>>)
    %dma_wait3A_122 = arith.constant 0 : i32
    %dma_wait3A_123 = arith.constant 0 : i32
    %dma_wait3A_124 = tpu.memref_slice %arg4[%dma_wait3A_122, %dma_wait3A_123] : memref<320000x128xf32, #tpu.memory_space<hbm>> -> memref<80x128xf32, #tpu.memory_space<hbm>>
    %dma_wait3A_125 = arith.constant 0 : i32
    %dma_wait3A_126 = arith.constant 0 : i32
    %dma_wait3A_127 = tpu.memref_slice %arg4[%dma_wait3A_125, %dma_wait3A_126] : memref<320000x128xf32, #tpu.memory_space<hbm>> -> memref<80x128xf32, #tpu.memory_space<hbm>>
    tpu.wait_dma2 semaphore(%arg15 : memref<!tpu.dma_semaphore, #tpu.memory_space<semaphore_mem>>) src(%arg8 : memref<80x128xf32, #tpu.memory_space<vmem>>) dst(%dma_wait3A_127 : memref<80x128xf32, #tpu.memory_space<hbm>>)
    %dma_wait3A_128 = arith.constant 0 : i32
    %dma_wait3A_129 = arith.constant 0 : i32
    %dma_wait3A_130 = tpu.memref_slice %arg4[%dma_wait3A_128, %dma_wait3A_129] : memref<320000x128xf32, #tpu.memory_space<hbm>> -> memref<80x128xf32, #tpu.memory_space<hbm>>
    %dma_wait3A_131 = arith.constant 0 : i32
    %dma_wait3A_132 = arith.constant 0 : i32
    %dma_wait3A_133 = tpu.memref_slice %arg4[%dma_wait3A_131, %dma_wait3A_132] : memref<320000x128xf32, #tpu.memory_space<hbm>> -> memref<80x128xf32, #tpu.memory_space<hbm>>
    tpu.wait_dma2 semaphore(%arg13 : memref<!tpu.dma_semaphore, #tpu.memory_space<semaphore_mem>>) src(%arg6 : memref<80x128xf32, #tpu.memory_space<vmem>>) dst(%dma_wait3A_133 : memref<80x128xf32, #tpu.memory_space<hbm>>)
    %dma_wait3A_134 = arith.constant 0 : i32
    %dma_wait3A_135 = arith.constant 0 : i32
    %dma_wait3A_136 = tpu.memref_slice %arg4[%dma_wait3A_134, %dma_wait3A_135] : memref<320000x128xf32, #tpu.memory_space<hbm>> -> memref<80x128xf32, #tpu.memory_space<hbm>>
    %dma_wait3A_137 = arith.constant 0 : i32
    %dma_wait3A_138 = arith.constant 0 : i32
    %dma_wait3A_139 = tpu.memref_slice %arg4[%dma_wait3A_137, %dma_wait3A_138] : memref<320000x128xf32, #tpu.memory_space<hbm>> -> memref<80x128xf32, #tpu.memory_space<hbm>>
    tpu.wait_dma2 semaphore(%arg14 : memref<!tpu.dma_semaphore, #tpu.memory_space<semaphore_mem>>) src(%arg7 : memref<80x128xf32, #tpu.memory_space<vmem>>) dst(%dma_wait3A_139 : memref<80x128xf32, #tpu.memory_space<hbm>>)
    return
  }
}

module attributes {stable_mosaic.version = 14 : i64} {
  func.func @body(%arg0: i32, %arg1: memref<8000x144xf32, #tpu.memory_space<vmem>>, %arg2: memref<144x128xf32, #tpu.memory_space<vmem>>, %arg3: memref<8000x128xf32, #tpu.memory_space<vmem>>) attributes {dimension_semantics = [#tpu.dimension_semantics<arbitrary>], iteration_bounds = array<i64: 40>, scalar_prefetch = 0 : i64, scratch_operands = 0 : i64, tpu.core_type = #tpu.core_type<tc>, window_params = [{transform_indices = @transform_0, window_bounds = array<i64: 8000, 144>}, {pipeline_mode = #tpu.pipeline_mode<synchronous>, transform_indices = @transform_1, window_bounds = array<i64: 144, 128>}, {transform_indices = @transform_2, window_bounds = array<i64: 8000, 128>}]} {
    %get3A = arith.constant 0 : index
    %get3A_0 = arith.constant 0 : index
    %get3A_1 = vector.load %arg1[%get3A, %get3A_0] : memref<8000x144xf32, #tpu.memory_space<vmem>>, vector<8000x144xf32>
    %get3A_2 = arith.constant 0 : index
    %get3A_3 = arith.constant 0 : index
    %get3A_4 = vector.load %arg2[%get3A_2, %get3A_3] : memref<144x128xf32, #tpu.memory_space<vmem>>, vector<144x128xf32>
    %dot_general3A = arith.constant dense<0.000000e+00> : vector<8000x128xf32>
    %dot_general3A_5 = tpu.matmul %get3A_1, %get3A_4, %dot_general3A {dimension_numbers = #tpu.dot_dimension_numbers<[1], [0], [0], [1], [0, 0, 1, 1], [], []>, transpose_lhs_hint = false} : vector<8000x144xf32>, vector<144x128xf32>, vector<8000x128xf32> -> vector<8000x128xf32>
    %max3A = arith.constant 0.000000e+00 : f32
    %max3A_6 = vector.broadcast %max3A : f32 to vector<8000x128xf32>
    %max3A_7 = arith.maximumf %dot_general3A_5, %max3A_6 : vector<8000x128xf32>
    %swap3A = arith.constant 0 : index
    %swap3A_8 = arith.constant 0 : index
    %swap3A_9 = vector.load %arg3[%swap3A, %swap3A_8] : memref<8000x128xf32, #tpu.memory_space<vmem>>, vector<8000x128xf32>
    tpu.vector_store %arg3[%swap3A, %swap3A_8], %max3A_7 {strides = array<i32>} : memref<8000x128xf32, #tpu.memory_space<vmem>>, vector<8000x128xf32>,
    return
  }
  func.func @transform_0(%arg0: i32) -> (i32, i32) {
    %c0_i32 = arith.constant 0 : i32
    %c0_i32_0 = arith.constant 0 : i32
    return %arg0, %c0_i32 : i32, i32
  }
  func.func @transform_1(%arg0: i32) -> (i32, i32) {
    %c0_i32 = arith.constant 0 : i32
    %c0_i32_0 = arith.constant 0 : i32
    %c0_i32_1 = arith.constant 0 : i32
    return %c0_i32, %c0_i32_0 : i32, i32
  }
  func.func @transform_2(%arg0: i32) -> (i32, i32) {
    %c0_i32 = arith.constant 0 : i32
    %c0_i32_0 = arith.constant 0 : i32
    return %arg0, %c0_i32 : i32, i32
  }
}

module attributes {stable_mosaic.version = 14 : i64} {
  func.func @body(%arg0: i32, %arg1: memref<2x2560x128xf32, #tpu.memory_space<vmem>>, %arg2: memref<2560x128xf32, #tpu.memory_space<vmem>>) attributes {dimension_semantics = [#tpu.dimension_semantics<arbitrary>], iteration_bounds = array<i64: 4>, scalar_prefetch = 0 : i64, scratch_operands = 0 : i64, tpu.core_type = #tpu.core_type<tc>, window_params = [{transform_indices = @transform_0, window_bounds = array<i64: 2, 2560, 128>}, {transform_indices = @transform_1, window_bounds = array<i64: 2560, 128>}]} {
    %get3A = arith.constant 0 : index
    %get3A_0 = arith.constant 0 : index
    %get3A_1 = arith.constant 0 : index
    %get3A_2 = vector.load %arg1[%get3A, %get3A_0, %get3A_1] : memref<2x2560x128xf32, #tpu.memory_space<vmem>>, vector<1x2560x128xf32>
    %get3A_3 = vector.shape_cast %get3A_2 : vector<1x2560x128xf32> to vector<2560x128xf32>
    %get3A_4 = arith.constant 1 : index
    %get3A_5 = arith.constant 0 : index
    %get3A_6 = arith.constant 0 : index
    %get3A_7 = vector.load %arg1[%get3A_4, %get3A_5, %get3A_6] : memref<2x2560x128xf32, #tpu.memory_space<vmem>>, vector<1x2560x128xf32>
    %get3A_8 = vector.shape_cast %get3A_7 : vector<1x2560x128xf32> to vector<2560x128xf32>
    %add3A = arith.addf %get3A_3, %get3A_8 : vector<2560x128xf32>
    %swap3A = arith.constant 0 : index
    %swap3A_9 = arith.constant 0 : index
    %swap3A_10 = vector.load %arg2[%swap3A, %swap3A_9] : memref<2560x128xf32, #tpu.memory_space<vmem>>, vector<2560x128xf32>
    tpu.vector_store %arg2[%swap3A, %swap3A_9], %add3A {strides = array<i32>} : memref<2560x128xf32, #tpu.memory_space<vmem>>, vector<2560x128xf32>,
    return
  }
  func.func @transform_0(%arg0: i32) -> (i32, i32, i32) {
    %c0_i32 = arith.constant 0 : i32
    %c0_i32_0 = arith.constant 0 : i32
    %c0_i32_1 = arith.constant 0 : i32
    return %c0_i32, %arg0, %c0_i32_0 : i32, i32, i32
  }
  func.func @transform_1(%arg0: i32) -> (i32, i32) {
    %c0_i32 = arith.constant 0 : i32
    %c0_i32_0 = arith.constant 0 : i32
    return %arg0, %c0_i32 : i32, i32
  }
}

module attributes {stable_mosaic.version = 14 : i64} {
  func.func @body(%arg0: i32, %arg1: memref<8000x128xf32, #tpu.memory_space<vmem>>, %arg2: memref<4000x2x128xf32, #tpu.memory_space<vmem>>, %arg3: memref<8000x128xf32, #tpu.memory_space<vmem>>, %arg4: memref<128x128xf32, #tpu.memory_space<vmem>>, %arg5: memref<8000x128xf32, #tpu.memory_space<vmem>>) attributes {dimension_semantics = [#tpu.dimension_semantics<arbitrary>], iteration_bounds = array<i64: 40>, scalar_prefetch = 0 : i64, scratch_operands = 0 : i64, tpu.core_type = #tpu.core_type<tc>, window_params = [{transform_indices = @transform_0, window_bounds = array<i64: 8000, 128>}, {transform_indices = @transform_1, window_bounds = array<i64: 4000, 2, 128>}, {transform_indices = @transform_2, window_bounds = array<i64: 8000, 128>}, {pipeline_mode = #tpu.pipeline_mode<synchronous>, transform_indices = @transform_3, window_bounds = array<i64: 128, 128>}, {transform_indices = @transform_4, window_bounds = array<i64: 8000, 128>}]} {
    %get3A = arith.constant 0 : index
    %get3A_0 = arith.constant 0 : index
    %get3A_1 = arith.constant 0 : index
    %get3A_2 = vector.load %arg2[%get3A, %get3A_0, %get3A_1] : memref<4000x2x128xf32, #tpu.memory_space<vmem>>, vector<4000x2x128xf32>
    %slice3A = vector.extract_strided_slice %get3A_2 {offsets = [0, 1, 0], sizes = [4000, 1, 128], strides = [1, 1, 1]} : vector<4000x2x128xf32> to vector<4000x1x128xf32>
    %slice3A_3 = vector.extract_strided_slice %get3A_2 {offsets = [0, 0, 0], sizes = [4000, 1, 128], strides = [1, 1, 1]} : vector<4000x2x128xf32> to vector<4000x1x128xf32>
    %concatenate3A = tpu.concatenate %slice3A, %slice3A_3 in 1 : vector<4000x1x128xf32>, vector<4000x1x128xf32> -> vector<4000x2x128xf32>
    %reshape3A = vector.shape_cast %concatenate3A : vector<4000x2x128xf32> to vector<8000x128xf32>
    %get3A_4 = arith.constant 0 : index
    %get3A_5 = arith.constant 0 : index
    %get3A_6 = vector.load %arg1[%get3A_4, %get3A_5] : memref<8000x128xf32, #tpu.memory_space<vmem>>, vector<8000x128xf32>
    %sub3A = arith.subf %get3A_6, %reshape3A : vector<8000x128xf32>
    %get3A_7 = arith.constant 0 : index
    %get3A_8 = arith.constant 0 : index
    %get3A_9 = vector.load %arg3[%get3A_7, %get3A_8] : memref<8000x128xf32, #tpu.memory_space<vmem>>, vector<8000x128xf32>
    %get3A_10 = arith.constant 0 : index
    %get3A_11 = arith.constant 0 : index
    %get3A_12 = vector.load %arg4[%get3A_10, %get3A_11] : memref<128x128xf32, #tpu.memory_space<vmem>>, vector<128x128xf32>
    %dot_general3A = arith.constant dense<0.000000e+00> : vector<8000x128xf32>
    %dot_general3A_13 = tpu.matmul %sub3A, %get3A_12, %dot_general3A {dimension_numbers = #tpu.dot_dimension_numbers<[1], [0], [0], [1], [0, 0, 1, 1], [], []>, transpose_lhs_hint = false} : vector<8000x128xf32>, vector<128x128xf32>, vector<8000x128xf32> -> vector<8000x128xf32>
    %add3A = arith.addf %get3A_9, %dot_general3A_13 : vector<8000x128xf32>
    %max3A = arith.constant 0.000000e+00 : f32
    %max3A_14 = vector.broadcast %max3A : f32 to vector<8000x128xf32>
    %max3A_15 = arith.maximumf %add3A, %max3A_14 : vector<8000x128xf32>
    %swap3A = arith.constant 0 : index
    %swap3A_16 = arith.constant 0 : index
    %swap3A_17 = vector.load %arg5[%swap3A, %swap3A_16] : memref<8000x128xf32, #tpu.memory_space<vmem>>, vector<8000x128xf32>
    tpu.vector_store %arg5[%swap3A, %swap3A_16], %max3A_15 {strides = array<i32>} : memref<8000x128xf32, #tpu.memory_space<vmem>>, vector<8000x128xf32>,
    return
  }
  func.func @transform_0(%arg0: i32) -> (i32, i32) {
    %c0_i32 = arith.constant 0 : i32
    %c0_i32_0 = arith.constant 0 : i32
    return %arg0, %c0_i32 : i32, i32
  }
  func.func @transform_1(%arg0: i32) -> (i32, i32, i32) {
    %c0_i32 = arith.constant 0 : i32
    %c0_i32_0 = arith.constant 0 : i32
    %c0_i32_1 = arith.constant 0 : i32
    return %arg0, %c0_i32, %c0_i32_0 : i32, i32, i32
  }
  func.func @transform_2(%arg0: i32) -> (i32, i32) {
    %c0_i32 = arith.constant 0 : i32
    %c0_i32_0 = arith.constant 0 : i32
    return %arg0, %c0_i32 : i32, i32
  }
  func.func @transform_3(%arg0: i32) -> (i32, i32) {
    %c0_i32 = arith.constant 0 : i32
    %c0_i32_0 = arith.constant 0 : i32
    %c0_i32_1 = arith.constant 0 : i32
    return %c0_i32, %c0_i32_0 : i32, i32
  }
  func.func @transform_4(%arg0: i32) -> (i32, i32) {
    %c0_i32 = arith.constant 0 : i32
    %c0_i32_0 = arith.constant 0 : i32
    return %arg0, %c0_i32 : i32, i32
  }
}

module attributes {stable_mosaic.version = 14 : i64} {
  func.func @body(%arg0: i32, %arg1: memref<2x5000x128xf32, #tpu.memory_space<vmem>>, %arg2: memref<5000x128xf32, #tpu.memory_space<vmem>>, %arg3: memref<5000x1xi32, #tpu.memory_space<vmem>>, %arg4: memref<5000x1xi32, #tpu.memory_space<vmem>>, %arg5: memref<5000x128xf32, #tpu.memory_space<vmem>>, %arg6: memref<3x128xf32, #tpu.memory_space<vmem>>, %arg7: memref<256x128xf32, #tpu.memory_space<vmem>>, %arg8: memref<128x128xf32, #tpu.memory_space<vmem>>, %arg9: memref<128x128xf32, #tpu.memory_space<vmem>>, %arg10: memref<128x256xf32, #tpu.memory_space<vmem>>, %arg11: memref<1x256xf32, #tpu.memory_space<vmem>>, %arg12: memref<256x35xf32, #tpu.memory_space<vmem>>, %arg13: memref<1x35xf32, #tpu.memory_space<vmem>>, %arg14: memref<128x256xf32, #tpu.memory_space<vmem>>, %arg15: memref<1x256xf32, #tpu.memory_space<vmem>>, %arg16: memref<256x1xf32, #tpu.memory_space<vmem>>, %arg17: memref<1x1xf32, #tpu.memory_space<vmem>>, %arg18: memref<5000x128xf32, #tpu.memory_space<vmem>>, %arg19: memref<5000x35xf32, #tpu.memory_space<vmem>>, %arg20: memref<200x1xf32, #tpu.memory_space<vmem>>, %arg21: memref<200x128xf32, #tpu.memory_space<vmem>>) attributes {dimension_semantics = [#tpu.dimension_semantics<arbitrary>], iteration_bounds = array<i64: 2>, scalar_prefetch = 0 : i64, scratch_operands = 1 : i64, tpu.core_type = #tpu.core_type<tc>, window_params = [{transform_indices = @transform_0, window_bounds = array<i64: 2, 5000, 128>}, {transform_indices = @transform_1, window_bounds = array<i64: 5000, 128>}, {transform_indices = @transform_2, window_bounds = array<i64: 5000, 1>}, {transform_indices = @transform_3, window_bounds = array<i64: 5000, 1>}, {transform_indices = @transform_4, window_bounds = array<i64: 5000, 128>}, {pipeline_mode = #tpu.pipeline_mode<synchronous>, transform_indices = @transform_5, window_bounds = array<i64: 3, 128>}, {pipeline_mode = #tpu.pipeline_mode<synchronous>, transform_indices = @transform_6, window_bounds = array<i64: 256, 128>}, {pipeline_mode = #tpu.pipeline_mode<synchronous>, transform_indices = @transform_7, window_bounds = array<i64: 128, 128>}, {pipeline_mode = #tpu.pipeline_mode<synchronous>, transform_indices = @transform_8, window_bounds = array<i64: 128, 128>}, {pipeline_mode = #tpu.pipeline_mode<synchronous>, transform_indices = @transform_9, window_bounds = array<i64: 128, 256>}, {pipeline_mode = #tpu.pipeline_mode<synchronous>, transform_indices = @transform_10, window_bounds = array<i64: 1, 256>}, {pipeline_mode = #tpu.pipeline_mode<synchronous>, transform_indices = @transform_11, window_bounds = array<i64: 256, 35>}, {pipeline_mode = #tpu.pipeline_mode<synchronous>, transform_indices = @transform_12, window_bounds = array<i64: 1, 35>}, {pipeline_mode = #tpu.pipeline_mode<synchronous>, transform_indices = @transform_13, window_bounds = array<i64: 128, 256>}, {pipeline_mode = #tpu.pipeline_mode<synchronous>, transform_indices = @transform_14, window_bounds = array<i64: 1, 256>}, {pipeline_mode = #tpu.pipeline_mode<synchronous>, transform_indices = @transform_15, window_bounds = array<i64: 256, 1>}, {pipeline_mode = #tpu.pipeline_mode<synchronous>, transform_indices = @transform_16, window_bounds = array<i64: 1, 1>}, {transform_indices = @transform_17, window_bounds = array<i64: 5000, 128>}, {transform_indices = @transform_18, window_bounds = array<i64: 5000, 35>}, {pipeline_mode = #tpu.pipeline_mode<synchronous>, transform_indices = @transform_19, window_bounds = array<i64: 200, 1>}]} {
    %get3A = arith.constant 0 : index
    %get3A_0 = arith.constant 0 : index
    %get3A_1 = arith.constant 0 : index
    %get3A_2 = vector.load %arg1[%get3A, %get3A_0, %get3A_1] : memref<2x5000x128xf32, #tpu.memory_space<vmem>>, vector<1x5000x128xf32>
    %get3A_3 = vector.shape_cast %get3A_2 : vector<1x5000x128xf32> to vector<5000x128xf32>
    %get3A_4 = arith.constant 1 : index
    %get3A_5 = arith.constant 0 : index
    %get3A_6 = arith.constant 0 : index
    %get3A_7 = vector.load %arg1[%get3A_4, %get3A_5, %get3A_6] : memref<2x5000x128xf32, #tpu.memory_space<vmem>>, vector<1x5000x128xf32>
    %get3A_8 = vector.shape_cast %get3A_7 : vector<1x5000x128xf32> to vector<5000x128xf32>
    %add3A = arith.addf %get3A_3, %get3A_8 : vector<5000x128xf32>
    %get3A_9 = arith.constant 0 : index
    %get3A_10 = arith.constant 0 : index
    %get3A_11 = vector.load %arg3[%get3A_9, %get3A_10] : memref<5000x1xi32, #tpu.memory_space<vmem>>, vector<5000x1xi32>
    %iota3A = tpu.iota {dimensions = array<i32: 1>} : vector<5000x3xi32>
    %eq3A = vector.broadcast %get3A_11 : vector<5000x1xi32> to vector<5000x3xi32>
    %eq3A_12 = arith.cmpi eq, %eq3A, %iota3A : vector<5000x3xi32>
    %convert_element_type3A = arith.extui %eq3A_12 : vector<5000x3xi1> to vector<5000x3xi32>
    %convert_element_type3A_13 = arith.sitofp %convert_element_type3A : vector<5000x3xi32> to vector<5000x3xf32>
    %get3A_14 = arith.constant 0 : index
    %get3A_15 = arith.constant 0 : index
    %get3A_16 = vector.load %arg2[%get3A_14, %get3A_15] : memref<5000x128xf32, #tpu.memory_space<vmem>>, vector<5000x128xf32>
    %get3A_17 = arith.constant 0 : index
    %get3A_18 = arith.constant 0 : index
    %get3A_19 = vector.load %arg6[%get3A_17, %get3A_18] : memref<3x128xf32, #tpu.memory_space<vmem>>, vector<3x128xf32>
    %dot_general3A = arith.constant dense<0.000000e+00> : vector<5000x128xf32>
    %dot_general3A_20 = tpu.matmul %convert_element_type3A_13, %get3A_19, %dot_general3A {dimension_numbers = #tpu.dot_dimension_numbers<[1], [0], [0], [1], [0, 0, 1, 1], [], []>, transpose_lhs_hint = false} : vector<5000x3xf32>, vector<3x128xf32>, vector<5000x128xf32> -> vector<5000x128xf32>
    %add3A_21 = arith.addf %get3A_16, %dot_general3A_20 : vector<5000x128xf32>
    %concatenate3A = tpu.concatenate %add3A_21, %add3A in 1 : vector<5000x128xf32>, vector<5000x128xf32> -> vector<5000x256xf32>
    %get3A_22 = arith.constant 0 : index
    %get3A_23 = arith.constant 0 : index
    %get3A_24 = vector.load %arg7[%get3A_22, %get3A_23] : memref<256x128xf32, #tpu.memory_space<vmem>>, vector<256x128xf32>
    %dot_general3A_25 = arith.constant dense<0.000000e+00> : vector<5000x128xf32>
    %dot_general3A_26 = tpu.matmul %concatenate3A, %get3A_24, %dot_general3A_25 {dimension_numbers = #tpu.dot_dimension_numbers<[1], [0], [0], [1], [0, 0, 1, 1], [], []>, transpose_lhs_hint = false} : vector<5000x256xf32>, vector<256x128xf32>, vector<5000x128xf32> -> vector<5000x128xf32>
    %max3A = arith.constant 0.000000e+00 : f32
    %max3A_27 = vector.broadcast %max3A : f32 to vector<5000x128xf32>
    %max3A_28 = arith.maximumf %dot_general3A_26, %max3A_27 : vector<5000x128xf32>
    %get3A_29 = arith.constant 0 : index
    %get3A_30 = arith.constant 0 : index
    %get3A_31 = vector.load %arg5[%get3A_29, %get3A_30] : memref<5000x128xf32, #tpu.memory_space<vmem>>, vector<5000x128xf32>
    %get3A_32 = arith.constant 0 : index
    %get3A_33 = arith.constant 0 : index
    %get3A_34 = vector.load %arg8[%get3A_32, %get3A_33] : memref<128x128xf32, #tpu.memory_space<vmem>>, vector<128x128xf32>
    %dot_general3A_35 = arith.constant dense<0.000000e+00> : vector<5000x128xf32>
    %dot_general3A_36 = tpu.matmul %get3A_31, %get3A_34, %dot_general3A_35 {dimension_numbers = #tpu.dot_dimension_numbers<[1], [0], [0], [1], [0, 0, 1, 1], [], []>, transpose_lhs_hint = false} : vector<5000x128xf32>, vector<128x128xf32>, vector<5000x128xf32> -> vector<5000x128xf32>
    %get3A_37 = arith.constant 0 : index
    %get3A_38 = arith.constant 0 : index
    %get3A_39 = vector.load %arg9[%get3A_37, %get3A_38] : memref<128x128xf32, #tpu.memory_space<vmem>>, vector<128x128xf32>
    %dot_general3A_40 = arith.constant dense<0.000000e+00> : vector<5000x128xf32>
    %dot_general3A_41 = tpu.matmul %max3A_28, %get3A_39, %dot_general3A_40 {dimension_numbers = #tpu.dot_dimension_numbers<[1], [0], [0], [1], [0, 0, 1, 1], [], []>, transpose_lhs_hint = false} : vector<5000x128xf32>, vector<128x128xf32>, vector<5000x128xf32> -> vector<5000x128xf32>
    %add3A_42 = arith.addf %dot_general3A_36, %dot_general3A_41 : vector<5000x128xf32>
    %max3A_43 = arith.constant 0.000000e+00 : f32
    %max3A_44 = vector.broadcast %max3A_43 : f32 to vector<5000x128xf32>
    %max3A_45 = arith.maximumf %add3A_42, %max3A_44 : vector<5000x128xf32>
    %swap3A = arith.constant 0 : index
    %swap3A_46 = arith.constant 0 : index
    %swap3A_47 = vector.load %arg18[%swap3A, %swap3A_46] : memref<5000x128xf32, #tpu.memory_space<vmem>>, vector<5000x128xf32>
    tpu.vector_store %arg18[%swap3A, %swap3A_46], %max3A_45 {strides = array<i32>} : memref<5000x128xf32, #tpu.memory_space<vmem>>, vector<5000x128xf32>,
    %get3A_48 = arith.constant 0 : index
    %get3A_49 = arith.constant 0 : index
    %get3A_50 = vector.load %arg10[%get3A_48, %get3A_49] : memref<128x256xf32, #tpu.memory_space<vmem>>, vector<128x256xf32>
    %dot_general3A_51 = arith.constant dense<0.000000e+00> : vector<5000x256xf32>
    %dot_general3A_52 = tpu.matmul %max3A_45, %get3A_50, %dot_general3A_51 {dimension_numbers = #tpu.dot_dimension_numbers<[1], [0], [0], [1], [0, 0, 1, 1], [], []>, transpose_lhs_hint = false} : vector<5000x128xf32>, vector<128x256xf32>, vector<5000x256xf32> -> vector<5000x256xf32>
    %get3A_53 = arith.constant 0 : index
    %get3A_54 = arith.constant 0 : index
    %get3A_55 = vector.load %arg11[%get3A_53, %get3A_54] : memref<1x256xf32, #tpu.memory_space<vmem>>, vector<1x256xf32>
    %add3A_56 = vector.broadcast %get3A_55 : vector<1x256xf32> to vector<5000x256xf32>
    %add3A_57 = arith.addf %dot_general3A_52, %add3A_56 : vector<5000x256xf32>
    %max3A_58 = arith.constant 0.000000e+00 : f32
    %max3A_59 = vector.broadcast %max3A_58 : f32 to vector<5000x256xf32>
    %max3A_60 = arith.maximumf %add3A_57, %max3A_59 : vector<5000x256xf32>
    %get3A_61 = arith.constant 0 : index
    %get3A_62 = arith.constant 0 : index
    %get3A_63 = vector.load %arg12[%get3A_61, %get3A_62] : memref<256x35xf32, #tpu.memory_space<vmem>>, vector<256x35xf32>
    %dot_general3A_64 = arith.constant dense<0.000000e+00> : vector<5000x35xf32>
    %dot_general3A_65 = tpu.matmul %max3A_60, %get3A_63, %dot_general3A_64 {dimension_numbers = #tpu.dot_dimension_numbers<[1], [0], [0], [1], [0, 0, 1, 1], [], []>, transpose_lhs_hint = false} : vector<5000x256xf32>, vector<256x35xf32>, vector<5000x35xf32> -> vector<5000x35xf32>
    %get3A_66 = arith.constant 0 : index
    %get3A_67 = arith.constant 0 : index
    %get3A_68 = vector.load %arg13[%get3A_66, %get3A_67] : memref<1x35xf32, #tpu.memory_space<vmem>>, vector<1x35xf32>
    %add3A_69 = vector.broadcast %get3A_68 : vector<1x35xf32> to vector<5000x35xf32>
    %add3A_70 = arith.addf %dot_general3A_65, %add3A_69 : vector<5000x35xf32>
    %swap3A_71 = arith.constant 0 : index
    %swap3A_72 = arith.constant 0 : index
    %swap3A_73 = vector.load %arg19[%swap3A_71, %swap3A_72] : memref<5000x35xf32, #tpu.memory_space<vmem>>, vector<5000x35xf32>
    tpu.vector_store %arg19[%swap3A_71, %swap3A_72], %add3A_70 {strides = array<i32>} : memref<5000x35xf32, #tpu.memory_space<vmem>>, vector<5000x35xf32>,
    %get3A_74 = arith.constant 0 : index
    %get3A_75 = arith.constant 0 : index
    %get3A_76 = vector.load %arg4[%get3A_74, %get3A_75] : memref<5000x1xi32, #tpu.memory_space<vmem>>, vector<5000x1xi32>
    %iota3A_77 = tpu.iota {dimensions = array<i32: 1>} : vector<5000x200xi32>
    %eq3A_78 = vector.broadcast %get3A_76 : vector<5000x1xi32> to vector<5000x200xi32>
    %eq3A_79 = arith.cmpi eq, %eq3A_78, %iota3A_77 : vector<5000x200xi32>
    %convert_element_type3A_80 = arith.extui %eq3A_79 : vector<5000x200xi1> to vector<5000x200xi32>
    %convert_element_type3A_81 = arith.sitofp %convert_element_type3A_80 : vector<5000x200xi32> to vector<5000x200xf32>
    %dot_general3A_82 = arith.constant dense<0.000000e+00> : vector<200x128xf32>
    %dot_general3A_83 = tpu.matmul %convert_element_type3A_81, %max3A_45, %dot_general3A_82 {dimension_numbers = #tpu.dot_dimension_numbers<[0], [0], [1], [1], [0, 1, 1, 1], [], []>, transpose_lhs_hint = false} : vector<5000x200xf32>, vector<5000x128xf32>, vector<200x128xf32> -> vector<200x128xf32>
    %eq3A_84 = arith.constant 0 : i32
    %eq3A_85 = arith.cmpi eq, %arg0, %eq3A_84 : i32
    %convert_element_type3A_86 = arith.extui %eq3A_85 : i1 to i32
    %cond3A = arith.constant 0 : i32
    %cond3A_87 = arith.cmpi ne, %convert_element_type3A_86, %cond3A : i32
    scf.if %cond3A_87 {
      %swap3A_97 = arith.constant 0 : index
      %swap3A_98 = arith.constant 0 : index
      %swap3A_99 = vector.load %arg21[%swap3A_97, %swap3A_98] : memref<200x128xf32, #tpu.memory_space<vmem>>, vector<200x128xf32>
      tpu.vector_store %arg21[%swap3A_97, %swap3A_98], %dot_general3A_83 {strides = array<i32>} : memref<200x128xf32, #tpu.memory_space<vmem>>, vector<200x128xf32>,
    } else {
    }
    %gt3A = arith.constant 0 : i32
    %gt3A_88 = arith.cmpi sgt, %arg0, %gt3A : i32
    %convert_element_type3A_89 = arith.extui %gt3A_88 : i1 to i32
    %cond3A_90 = arith.constant 0 : i32
    %cond3A_91 = arith.cmpi ne, %convert_element_type3A_89, %cond3A_90 : i32
    scf.if %cond3A_91 {
      %get3A_97 = arith.constant 0 : index
      %get3A_98 = arith.constant 0 : index
      %get3A_99 = vector.load %arg21[%get3A_97, %get3A_98] : memref<200x128xf32, #tpu.memory_space<vmem>>, vector<200x128xf32>
      %add3A_100 = arith.addf %get3A_99, %dot_general3A_83 : vector<200x128xf32>
      %swap3A_101 = arith.constant 0 : index
      %swap3A_102 = arith.constant 0 : index
      %swap3A_103 = vector.load %arg21[%swap3A_101, %swap3A_102] : memref<200x128xf32, #tpu.memory_space<vmem>>, vector<200x128xf32>
      tpu.vector_store %arg21[%swap3A_101, %swap3A_102], %add3A_100 {strides = array<i32>} : memref<200x128xf32, #tpu.memory_space<vmem>>, vector<200x128xf32>,
    } else {
    }
    %eq3A_92 = arith.constant 1 : i32
    %eq3A_93 = arith.cmpi eq, %arg0, %eq3A_92 : i32
    %convert_element_type3A_94 = arith.extui %eq3A_93 : i1 to i32
    %cond3A_95 = arith.constant 0 : i32
    %cond3A_96 = arith.cmpi ne, %convert_element_type3A_94, %cond3A_95 : i32
    scf.if %cond3A_96 {
      %get3A_97 = arith.constant 0 : index
      %get3A_98 = arith.constant 0 : index
      %get3A_99 = vector.load %arg21[%get3A_97, %get3A_98] : memref<200x128xf32, #tpu.memory_space<vmem>>, vector<200x128xf32>
      %get3A_100 = arith.constant 0 : index
      %get3A_101 = arith.constant 0 : index
      %get3A_102 = vector.load %arg14[%get3A_100, %get3A_101] : memref<128x256xf32, #tpu.memory_space<vmem>>, vector<128x256xf32>
      %dot_general3A_103 = arith.constant dense<0.000000e+00> : vector<200x256xf32>
      %dot_general3A_104 = tpu.matmul %get3A_99, %get3A_102, %dot_general3A_103 {dimension_numbers = #tpu.dot_dimension_numbers<[1], [0], [0], [1], [0, 0, 1, 1], [], []>, transpose_lhs_hint = false} : vector<200x128xf32>, vector<128x256xf32>, vector<200x256xf32> -> vector<200x256xf32>
      %get3A_105 = arith.constant 0 : index
      %get3A_106 = arith.constant 0 : index
      %get3A_107 = vector.load %arg15[%get3A_105, %get3A_106] : memref<1x256xf32, #tpu.memory_space<vmem>>, vector<1x256xf32>
      %add3A_108 = vector.broadcast %get3A_107 : vector<1x256xf32> to vector<200x256xf32>
      %add3A_109 = arith.addf %dot_general3A_104, %add3A_108 : vector<200x256xf32>
      %max3A_110 = arith.constant 0.000000e+00 : f32
      %max3A_111 = vector.broadcast %max3A_110 : f32 to vector<200x256xf32>
      %max3A_112 = arith.maximumf %add3A_109, %max3A_111 : vector<200x256xf32>
      %get3A_113 = arith.constant 0 : index
      %get3A_114 = arith.constant 0 : index
      %get3A_115 = vector.load %arg16[%get3A_113, %get3A_114] : memref<256x1xf32, #tpu.memory_space<vmem>>, vector<256x1xf32>
      %dot_general3A_116 = arith.constant dense<0.000000e+00> : vector<200x1xf32>
      %dot_general3A_117 = tpu.matmul %max3A_112, %get3A_115, %dot_general3A_116 {dimension_numbers = #tpu.dot_dimension_numbers<[1], [0], [0], [1], [0, 0, 1, 1], [], []>, transpose_lhs_hint = false} : vector<200x256xf32>, vector<256x1xf32>, vector<200x1xf32> -> vector<200x1xf32>
      %get3A_118 = arith.constant 0 : index
      %get3A_119 = arith.constant 0 : index
      %get3A_120 = vector.load %arg17[%get3A_118, %get3A_119] : memref<1x1xf32, #tpu.memory_space<vmem>>, vector<1x1xf32>
      %add3A_121 = vector.broadcast %get3A_120 : vector<1x1xf32> to vector<200x1xf32>
      %add3A_122 = arith.addf %dot_general3A_117, %add3A_121 : vector<200x1xf32>
      %swap3A_123 = arith.constant 0 : index
      %swap3A_124 = arith.constant 0 : index
      %swap3A_125 = vector.load %arg20[%swap3A_123, %swap3A_124] : memref<200x1xf32, #tpu.memory_space<vmem>>, vector<200x1xf32>
      tpu.vector_store %arg20[%swap3A_123, %swap3A_124], %add3A_122 {strides = array<i32>} : memref<200x1xf32, #tpu.memory_space<vmem>>, vector<200x1xf32>,
    } else {
    }
    return
  }
  func.func @transform_0(%arg0: i32) -> (i32, i32, i32) {
    %c0_i32 = arith.constant 0 : i32
    %c0_i32_0 = arith.constant 0 : i32
    %c0_i32_1 = arith.constant 0 : i32
    return %c0_i32, %arg0, %c0_i32_0 : i32, i32, i32
  }
  func.func @transform_1(%arg0: i32) -> (i32, i32) {
    %c0_i32 = arith.constant 0 : i32
    %c0_i32_0 = arith.constant 0 : i32
    return %arg0, %c0_i32 : i32, i32
  }
  func.func @transform_2(%arg0: i32) -> (i32, i32) {
    %c0_i32 = arith.constant 0 : i32
    %c0_i32_0 = arith.constant 0 : i32
    return %arg0, %c0_i32 : i32, i32
  }
  func.func @transform_3(%arg0: i32) -> (i32, i32) {
    %c0_i32 = arith.constant 0 : i32
    %c0_i32_0 = arith.constant 0 : i32
    return %arg0, %c0_i32 : i32, i32
  }
  func.func @transform_4(%arg0: i32) -> (i32, i32) {
    %c0_i32 = arith.constant 0 : i32
    %c0_i32_0 = arith.constant 0 : i32
    return %arg0, %c0_i32 : i32, i32
  }
  func.func @transform_5(%arg0: i32) -> (i32, i32) {
    %c0_i32 = arith.constant 0 : i32
    %c0_i32_0 = arith.constant 0 : i32
    %c0_i32_1 = arith.constant 0 : i32
    return %c0_i32, %c0_i32_0 : i32, i32
  }
  func.func @transform_6(%arg0: i32) -> (i32, i32) {
    %c0_i32 = arith.constant 0 : i32
    %c0_i32_0 = arith.constant 0 : i32
    %c0_i32_1 = arith.constant 0 : i32
    return %c0_i32, %c0_i32_0 : i32, i32
  }
  func.func @transform_7(%arg0: i32) -> (i32, i32) {
    %c0_i32 = arith.constant 0 : i32
    %c0_i32_0 = arith.constant 0 : i32
    %c0_i32_1 = arith.constant 0 : i32
    return %c0_i32, %c0_i32_0 : i32, i32
  }
  func.func @transform_8(%arg0: i32) -> (i32, i32) {
    %c0_i32 = arith.constant 0 : i32
    %c0_i32_0 = arith.constant 0 : i32
    %c0_i32_1 = arith.constant 0 : i32
    return %c0_i32, %c0_i32_0 : i32, i32
  }
  func.func @transform_9(%arg0: i32) -> (i32, i32) {
    %c0_i32 = arith.constant 0 : i32
    %c0_i32_0 = arith.constant 0 : i32
    %c0_i32_1 = arith.constant 0 : i32
    return %c0_i32, %c0_i32_0 : i32, i32
  }
  func.func @transform_10(%arg0: i32) -> (i32, i32) {
    %c0_i32 = arith.constant 0 : i32
    %c0_i32_0 = arith.constant 0 : i32
    %c0_i32_1 = arith.constant 0 : i32
    return %c0_i32, %c0_i32_0 : i32, i32
  }
  func.func @transform_11(%arg0: i32) -> (i32, i32) {
    %c0_i32 = arith.constant 0 : i32
    %c0_i32_0 = arith.constant 0 : i32
    %c0_i32_1 = arith.constant 0 : i32
    return %c0_i32, %c0_i32_0 : i32, i32
  }
  func.func @transform_12(%arg0: i32) -> (i32, i32) {
    %c0_i32 = arith.constant 0 : i32
    %c0_i32_0 = arith.constant 0 : i32
    %c0_i32_1 = arith.constant 0 : i32
    return %c0_i32, %c0_i32_0 : i32, i32
  }
  func.func @transform_13(%arg0: i32) -> (i32, i32) {
    %c0_i32 = arith.constant 0 : i32
    %c0_i32_0 = arith.constant 0 : i32
    %c0_i32_1 = arith.constant 0 : i32
    return %c0_i32, %c0_i32_0 : i32, i32
  }
  func.func @transform_14(%arg0: i32) -> (i32, i32) {
    %c0_i32 = arith.constant 0 : i32
    %c0_i32_0 = arith.constant 0 : i32
    %c0_i32_1 = arith.constant 0 : i32
    return %c0_i32, %c0_i32_0 : i32, i32
  }
  func.func @transform_15(%arg0: i32) -> (i32, i32) {
    %c0_i32 = arith.constant 0 : i32
    %c0_i32_0 = arith.constant 0 : i32
    %c0_i32_1 = arith.constant 0 : i32
    return %c0_i32, %c0_i32_0 : i32, i32
  }
  func.func @transform_16(%arg0: i32) -> (i32, i32) {
    %c0_i32 = arith.constant 0 : i32
    %c0_i32_0 = arith.constant 0 : i32
    %c0_i32_1 = arith.constant 0 : i32
    return %c0_i32, %c0_i32_0 : i32, i32
  }
  func.func @transform_17(%arg0: i32) -> (i32, i32) {
    %c0_i32 = arith.constant 0 : i32
    %c0_i32_0 = arith.constant 0 : i32
    return %arg0, %c0_i32 : i32, i32
  }
  func.func @transform_18(%arg0: i32) -> (i32, i32) {
    %c0_i32 = arith.constant 0 : i32
    %c0_i32_0 = arith.constant 0 : i32
    return %arg0, %c0_i32 : i32, i32
  }
  func.func @transform_19(%arg0: i32) -> (i32, i32) {
    %c0_i32 = arith.constant 0 : i32
    %c0_i32_0 = arith.constant 0 : i32
    %c0_i32_1 = arith.constant 0 : i32
    return %c0_i32, %c0_i32_0 : i32, i32
  }
}

module attributes {stable_mosaic.version = 14 : i64} {
  func.func @body(%arg0: i32, %arg1: memref<8000x256xf32, #tpu.memory_space<vmem>>, %arg2: memref<256x256xf32, #tpu.memory_space<vmem>>, %arg3: memref<1x256xf32, #tpu.memory_space<vmem>>, %arg4: memref<256x5xf32, #tpu.memory_space<vmem>>, %arg5: memref<1x5xf32, #tpu.memory_space<vmem>>, %arg6: memref<8000x5xf32, #tpu.memory_space<vmem>>) attributes {dimension_semantics = [#tpu.dimension_semantics<arbitrary>], iteration_bounds = array<i64: 20>, scalar_prefetch = 0 : i64, scratch_operands = 0 : i64, tpu.core_type = #tpu.core_type<tc>, window_params = [{transform_indices = @transform_0, window_bounds = array<i64: 8000, 256>}, {pipeline_mode = #tpu.pipeline_mode<synchronous>, transform_indices = @transform_1, window_bounds = array<i64: 256, 256>}, {pipeline_mode = #tpu.pipeline_mode<synchronous>, transform_indices = @transform_2, window_bounds = array<i64: 1, 256>}, {pipeline_mode = #tpu.pipeline_mode<synchronous>, transform_indices = @transform_3, window_bounds = array<i64: 256, 5>}, {pipeline_mode = #tpu.pipeline_mode<synchronous>, transform_indices = @transform_4, window_bounds = array<i64: 1, 5>}, {transform_indices = @transform_5, window_bounds = array<i64: 8000, 5>}]} {
    %get3A = arith.constant 0 : index
    %get3A_0 = arith.constant 0 : index
    %get3A_1 = vector.load %arg1[%get3A, %get3A_0] : memref<8000x256xf32, #tpu.memory_space<vmem>>, vector<8000x256xf32>
    %get3A_2 = arith.constant 0 : index
    %get3A_3 = arith.constant 0 : index
    %get3A_4 = vector.load %arg2[%get3A_2, %get3A_3] : memref<256x256xf32, #tpu.memory_space<vmem>>, vector<256x256xf32>
    %dot_general3A = arith.constant dense<0.000000e+00> : vector<8000x256xf32>
    %dot_general3A_5 = tpu.matmul %get3A_1, %get3A_4, %dot_general3A {dimension_numbers = #tpu.dot_dimension_numbers<[1], [0], [0], [1], [0, 0, 1, 1], [], []>, transpose_lhs_hint = false} : vector<8000x256xf32>, vector<256x256xf32>, vector<8000x256xf32> -> vector<8000x256xf32>
    %get3A_6 = arith.constant 0 : index
    %get3A_7 = arith.constant 0 : index
    %get3A_8 = vector.load %arg3[%get3A_6, %get3A_7] : memref<1x256xf32, #tpu.memory_space<vmem>>, vector<1x256xf32>
    %add3A = vector.broadcast %get3A_8 : vector<1x256xf32> to vector<8000x256xf32>
    %add3A_9 = arith.addf %dot_general3A_5, %add3A : vector<8000x256xf32>
    %max3A = arith.constant 0.000000e+00 : f32
    %max3A_10 = vector.broadcast %max3A : f32 to vector<8000x256xf32>
    %max3A_11 = arith.maximumf %add3A_9, %max3A_10 : vector<8000x256xf32>
    %get3A_12 = arith.constant 0 : index
    %get3A_13 = arith.constant 0 : index
    %get3A_14 = vector.load %arg4[%get3A_12, %get3A_13] : memref<256x5xf32, #tpu.memory_space<vmem>>, vector<256x5xf32>
    %dot_general3A_15 = arith.constant dense<0.000000e+00> : vector<8000x5xf32>
    %dot_general3A_16 = tpu.matmul %max3A_11, %get3A_14, %dot_general3A_15 {dimension_numbers = #tpu.dot_dimension_numbers<[1], [0], [0], [1], [0, 0, 1, 1], [], []>, transpose_lhs_hint = false} : vector<8000x256xf32>, vector<256x5xf32>, vector<8000x5xf32> -> vector<8000x5xf32>
    %get3A_17 = arith.constant 0 : index
    %get3A_18 = arith.constant 0 : index
    %get3A_19 = vector.load %arg5[%get3A_17, %get3A_18] : memref<1x5xf32, #tpu.memory_space<vmem>>, vector<1x5xf32>
    %add3A_20 = vector.broadcast %get3A_19 : vector<1x5xf32> to vector<8000x5xf32>
    %add3A_21 = arith.addf %dot_general3A_16, %add3A_20 : vector<8000x5xf32>
    %swap3A = arith.constant 0 : index
    %swap3A_22 = arith.constant 0 : index
    %swap3A_23 = vector.load %arg6[%swap3A, %swap3A_22] : memref<8000x5xf32, #tpu.memory_space<vmem>>, vector<8000x5xf32>
    tpu.vector_store %arg6[%swap3A, %swap3A_22], %add3A_21 {strides = array<i32>} : memref<8000x5xf32, #tpu.memory_space<vmem>>, vector<8000x5xf32>,
    return
  }
  func.func @transform_0(%arg0: i32) -> (i32, i32) {
    %c0_i32 = arith.constant 0 : i32
    %c0_i32_0 = arith.constant 0 : i32
    return %arg0, %c0_i32 : i32, i32
  }
  func.func @transform_1(%arg0: i32) -> (i32, i32) {
    %c0_i32 = arith.constant 0 : i32
    %c0_i32_0 = arith.constant 0 : i32
    %c0_i32_1 = arith.constant 0 : i32
    return %c0_i32, %c0_i32_0 : i32, i32
  }
  func.func @transform_2(%arg0: i32) -> (i32, i32) {
    %c0_i32 = arith.constant 0 : i32
    %c0_i32_0 = arith.constant 0 : i32
    %c0_i32_1 = arith.constant 0 : i32
    return %c0_i32, %c0_i32_0 : i32, i32
  }
  func.func @transform_3(%arg0: i32) -> (i32, i32) {
    %c0_i32 = arith.constant 0 : i32
    %c0_i32_0 = arith.constant 0 : i32
    %c0_i32_1 = arith.constant 0 : i32
    return %c0_i32, %c0_i32_0 : i32, i32
  }
  func.func @transform_4(%arg0: i32) -> (i32, i32) {
    %c0_i32 = arith.constant 0 : i32
    %c0_i32_0 = arith.constant 0 : i32
    %c0_i32_1 = arith.constant 0 : i32
    return %c0_i32, %c0_i32_0 : i32, i32
  }
  func.func @transform_5(%arg0: i32) -> (i32, i32) {
    %c0_i32 = arith.constant 0 : i32
    %c0_i32_0 = arith.constant 0 : i32
    return %arg0, %c0_i32 : i32, i32
  }
}

</mosaic_0001>

<sc_bundles>
// kernel: kernel.15.cloned.1.call-start
scs
__scs_entry_jumppad:
0x0: {  	(pc) =	sbr.rel $0x88, $3  }
0x1: {  	(tag) =	ssettag $0x0;
	lr =	simm.s32 $0x1  }
0x2: {  	[smem:$0x3F87] =	sst lr;
	_ =	strace $0xD0000000  }
0x3: {  	_ = 	snop  }
0x4: {  	_ = 	snop  }
0x5: {  	_ = 	snop  }
0x6: {  	_ = 	snop  }
0x7: {  	_ = 	snop  }
__scs_overlays_trampoline_lowered:
0x8: {  	[smem:$0x3F96] =	sst s0  }
0x9: {  	[smem:$0x3F97] =	sst s1  }
0xa: {  	[smem:$0x3F98] =	sst s2  }
0xb: {  	[smem:$0x3F99] =	sst s3  }
0xc: {  	[smem:$0x3F9A] =	sst s4  }
0xd: {  	[smem:$0x3F9B] =	sst s5  }
0xe: {  	[smem:$0x3F9C] =	sst s6  }
0xf: {  	[smem:$0x3F9D] =	sst s7  }
0x10: {  	[smem:$0x3F9E] =	sst s8  }
0x11: {  	[smem:$0x3F9F] =	sst s9;
	s0 =	simm.s32 @!p0 $0x0  }
0x12: {  	s1 =	sld [smem:$0x3F85];
	s0 =	simm.s32 @p0 $0x1  }
0x13: {  	[smem:$0x3FA0] =	sst s0;
	s0 =	simm.s32 @!p1 $0x0  }
0x14: {  	s2 =	sld [smem:$0x3F84];
	s0 =	simm.s32 @p1 $0x1  }
0x15: {  	[smem:$0x3FA1] =	sst s0;
	s0 =	simm.s32 @!p2 $0x0  }
0x16: {  	s3 =	sld [smem:$0x3FDB];
	s0 =	simm.s32 @p2 $0x1  }
0x17: {  	s4 =	simm.s32 $0x1BF5;
	[smem:$0x3FA3] =	sst s0  }
0x18: {  	s0 =	sld [smem:$0x3F86];
	_ =	swait.ge [sflag:s4], $0x0  }
0x19: {  	s7 =	sld [smem:$0x3F87]  }
0x1a: {  	s8 =	sadd.s32 $0xFFFFE003, lr  }
0x1b: {  	s9 =	sadd.s32 $0xFFFFFEF7, lr;
	s5 =	simm.s32 $0xFFFFFFFF;
	p2 =	slt.u32 s8, $0xFFFFF086  }
0x1c: {  	p1 =	slt.u32 s9, $0xF7A;
	s5 =	simm.s32 @!p2 $0x0  }
0x1d: {  	s5 =	simm.s32 @p1 $0x1;
	p0 =	seq.s32 s7, s2  }
0x1e: {  	s7 =	smul.u32 @!p0 $0xF7A, s2;
	p2 =	seq.s32 @!p0 s5, $0x0  }
0x1f: {  	s9 =	smul.u32 $0xF7A, s1;
	s8 =	simm.s32 @!p0 $0x1BF5;
	p2 =	por !p2, p0  }
0x20: {  	[sflag:s8] =	ssyncset.s32 @!p0 $0xFFFFF086;
	s6 =	sadd.s32 @!p0 s3, s7;
	s7 =	simm.s32 @!p0 $0x108  }
0x21: {  	s3 =	sadd.s32 s3, s9;
	s6 =	sadd.s32 @!p0 $0x88, s6;
	s7 =	simm.s32 @p2 $0x1082  }
0x22: {  	[simem:s7], [sflag:s8] =	dma.local @!p0 [hbm:s6], $0xF7A  }
0x23: {  	s9 =	sor.u32 $0xD0000000, s2;
	s6 =	simm.s32 $0x108;
	_ =	swait.ge @!p0 [sflag:s8], $0x0  }
0x24: {  	s3 =	sadd.s32 $0x88, s3;
	s6 =	simm.s32 @!p1 $0x1082;
	[sflag:s4] =	ssyncset.s32 $0xFFFFF086  }
0x25: {  	[simem:s6], [sflag:s4] =	dma.local [hbm:s3], $0xF7A  }
0x26: {  	[smem:$0x3F87] =	sst s1;
	(tag) =	ssettag s2;
	_ =	strace s9  }
0x27: {  	s1 =	sld [smem:$0x3F97]  }
0x28: {  	s2 =	sld [smem:$0x3F98]  }
0x29: {  	s4 =	sld [smem:$0x3F9A]  }
0x2a: {  	p0 =	seq.s32 s5, $0x0;
	s5 =	sld [smem:$0x3F9B]  }
0x2b: {  	s6 =	sld [smem:$0x3F9C]  }
0x2c: {  	s7 =	sld [smem:$0x3F9D]  }
0x2d: {  	s3 =	simm.s32 $0x108;
	s8 =	sld [smem:$0x3F9E]  }
0x2e: {  	s3 =	simm.s32 @!p0 $0x1082;
	s9 =	sld [smem:$0x3F9F]  }
0x2f: {  	lr =	sadd.s32 s0, s3;
	s0 =	sld [smem:$0x3F96]  }
0x30: {  	s3 =	sld [smem:$0x3F99]  }
0x31: {  	[smem:$0x3FA2] =	sst s10  }
0x32: {  	s10 =	sld [smem:$0x3FA0];
	_ =	sdelay $0x3  }
0x33: {  	p0 =	seq.s32 s10, $0x1;
	s10 =	sld [smem:$0x3FA2];
	_ =	sdelay $0x3  }
0x34: {  	[smem:$0x3FA2] =	sst s10  }
0x35: {  	s10 =	sld [smem:$0x3FA1];
	_ =	sdelay $0x3  }
0x36: {  	p1 =	seq.s32 s10, $0x1;
	s10 =	sld [smem:$0x3FA2];
	_ =	sdelay $0x3  }
0x37: {  	[smem:$0x3FA2] =	sst s10  }
0x38: {  	s10 =	sld [smem:$0x3FA3]  }
0x39: {  	_ = 	snop;
	(pc) =	sbr.ind lr, $3  }
0x3a: {  	_ = 	snop  }
0x3b: {  	_ = 	snop  }
0x3c: {  	p2 =	seq.s32 s10, $0x1;
	s10 =	sld [smem:$0x3FA2]  }
0x3d: {  	_ =	shalt  }
0x3e: {  	_ =	shalt  }
0x3f: {  	_ =	shalt  }
0x40: {  	_ =	shalt  }
0x41: {  	_ =	shalt  }
0x42: {  	_ =	shalt  }
0x43: {  	_ =	shalt  }
0x44: {  	_ =	shalt  }
0x45: {  	_ =	shalt  }
0x46: {  	_ =	shalt  }
0x47: {  	_ =	shalt  }
0x48: {  	_ =	shalt  }
0x49: {  	_ =	shalt  }
0x4a: {  	_ =	shalt  }
0x4b: {  	_ =	shalt  }
0x4c: {  	_ =	shalt  }
0x4d: {  	_ =	shalt  }
0x4e: {  	_ =	shalt  }
0x4f: {  	_ =	shalt  }
0x50: {  	_ =	shalt  }
0x51: {  	_ =	shalt  }
0x52: {  	_ =	shalt  }
0x53: {  	_ =	shalt  }
0x54: {  	_ =	shalt  }
0x55: {  	_ =	shalt  }
0x56: {  	_ =	shalt  }
0x57: {  	_ =	shalt  }
0x58: {  	_ =	shalt  }
0x59: {  	_ =	shalt  }
0x5a: {  	_ =	shalt  }
0x5b: {  	_ =	shalt  }
0x5c: {  	_ =	shalt  }
0x5d: {  	_ =	shalt  }
0x5e: {  	_ =	shalt  }
0x5f: {  	_ =	shalt  }
0x60: {  	_ =	shalt  }
0x61: {  	_ =	shalt  }
0x62: {  	_ =	shalt  }
0x63: {  	_ =	shalt  }
0x64: {  	_ =	shalt  }
0x65: {  	_ =	shalt  }
0x66: {  	_ =	shalt  }
0x67: {  	_ =	shalt  }
0x68: {  	_ =	shalt  }
0x69: {  	_ =	shalt  }
0x6a: {  	_ =	shalt  }
0x6b: {  	_ =	shalt  }
0x6c: {  	_ =	shalt  }
0x6d: {  	_ =	shalt  }
0x6e: {  	_ =	shalt  }
0x6f: {  	_ =	shalt  }
0x70: {  	_ =	shalt  }
0x71: {  	_ =	shalt  }
0x72: {  	_ =	shalt  }
0x73: {  	_ =	shalt  }
0x74: {  	_ =	shalt  }
0x75: {  	_ =	shalt  }
0x76: {  	_ =	shalt  }
0x77: {  	_ =	shalt  }
0x78: {  	_ =	shalt  }
0x79: {  	_ =	shalt  }
0x7a: {  	_ =	shalt  }
0x7b: {  	_ =	shalt  }
0x7c: {  	_ =	shalt  }
0x7d: {  	_ =	shalt  }
0x7e: {  	_ =	shalt  }
0x7f: {  	_ =	shalt  }
0x80: {  	_ =	shalt  }
0x81: {  	_ =	shalt  }
0x82: {  	_ =	shalt  }
0x83: {  	_ =	shalt  }
0x84: {  	_ =	shalt  }
0x85: {  	_ =	shalt  }
0x86: {  	_ =	shalt  }
0x87: {  	_ =	shalt  }
.Lfunc_end0:
.L_simem_size_0:
called_computation_lowered:
.L_overlay_start_0:
0x88: {  	s2 =	sld [smem:$0x3FD9]  }
0x89: {  	s3 =	sld [smem:$0x3FFE];
	_ =	sdelay $0x1  }
0x8a: {  	s1 =	srdreg.scid  }
0x8b: {  	s0 =	sand.u32 $0x1, s1  }
0x8c: {  	s17 =	sshll.u32 s0, $0xA;
	s2 =	sadd.s32 s3, s2  }
0x8d: {  	s2 =	sadd.s32 s2, s17  }
0x8e: {  	[smem:$0x3FAE] =	sst s2  }
0x8f: {  	_ = 	snop  }
0x90: {  	s2 =	sld [smem:$0x3FD0];
	(tm) =	ssettm $0x1  }
0x91: {  	s18 =	sld [smem:$0x3FFB];
	_ =	sdelay $0x3  }
0x92: {  	_ =	strace s18  }
0x93: {  	s3 =	sld [smem:$0x3FFC];
	_ =	sdelay $0x3  }
0x94: {  	_ =	strace s3  }
0x95: {  	s3 =	sld [smem:$0x3FFD];
	_ =	sdelay $0x3  }
0x96: {  	_ =	strace s3  }
0x97: {  	_ =	strace $0x8FFFFFFF  }
0x98: {  	s19 =	sld [smem:$0x3FDB];
	_ =	sdelay $0x1  }
0x99: {  	s4 =	simm.s32 $_scs_section_size  }
0x9a: {  	s5 =	simm.s32 $_size__tile_overlayer_lowered;
	s6 =	simm.s32 $_tile_overlayer_lowered  }
0x9b: {  	s22 =	simm.s32 $0x1BFF;
	s21 =	sshll.u32 s6, $0x1;
	s3 =	sadd.s32 s4, s19  }
0x9c: {  	s7 =	simm.s32 $0x0;
	s20 =	sshll.u32 s5, $0x1;
	s5 =	sadd.s32 s21, s3  }
0x9d: {  	[timem:s7], [sflag:s22] =	dma.local [hbm:s5], s20  }
0x9e: {  	_ =	swait.ge [sflag:s22], s20  }
0x9f: {  	s4 =	ssub.s32 $0x0, s20;
	[sflag:s22] =	ssyncset.done $0x0  }
0xa0: {  	[sflag:s22] =	ssyncadd.s32 s4;
	_ =	sdelay $0x1  }
0xa1: {  	s23 =	simm.s32 $0x1B8B  }
0xa2: {  	_ =	swait.ge [sflag:s23], $0x1  }
0xa3: {  	[sflag:s23] =	ssyncset.done $0x0  }
0xa4: {  	s25 =	simm.s32 $0x1B8E;
	s24 =	sld [smem:$0x3FFE];
	[sflag:s23] =	ssyncadd.s32 $0xFFFFFFFF  }
0xa5: {  	s26 =	simm.s32 $execute0_lowered;
	[smem:$0x3FD2] =	sst s25  }
0xa6: {  	s5 =	sshll.u32 s26, $0x1;
	_ =	strace $0x80000046;
	[dreg:$0x1] =	wrdreg $0xFFFFFFFF  }
0xa7: {  	s28 =	simm.s32 $_size_execute0_lowered;
	s3 =	sadd.s32 s3, s5;
	[dreg:$0x0] =	wrdreg $0x0  }
0xa8: {  	s5 =	sshll.u32 s28, $0x1;
	[dreg:$0x2] =	wrdreg s3  }
0xa9: {  	[dreg:$0x3] =	wrdreg s5  }
0xaa: {  	[dreg:$0x4] =	wrdreg $0xC0  }
0xab: {  	_ =	task [dreg:s7], $0x5FFFF  }
0xac: {  	[dreg:$0x1] =	wrdreg $0xFFFFFFFF  }
0xad: {  	[dreg:$0x0] =	wrdreg $0x60  }
0xae: {  	[dreg:$0x2] =	wrdreg s24  }
0xaf: {  	[dreg:$0x3] =	wrdreg s2  }
0xb0: {  	[dreg:$0x4] =	wrdreg $0xB8000  }
0xb1: {  	[dreg:$0x5] =	wrdreg $0x9  }
0xb2: {  	_ =	task.clear_ibuf [dreg:s7], $0x6FFFF;
	_ =	strace $0x90000046  }
0xb3: {  	s29 =	simm.s32 $0x9;
	_ =	strace $0x80000048  }
0xb4: {  	_ =	swait.ge [sflag:s29], $0x1  }
0xb5: {  	[sflag:s29] =	ssyncadd.s32 $0xFFFFFFFF  }
0xb6: {  	_ =	strace $0x90000048  }
0xb7: {  	_ =	sfence  }
0xb8: {  	s30 =	sld [smem:$0x0];
	_ =	sdelay $0x2  }
0xb9: {  	s31 =	sshll.u32 s1, $0xD;
	s1 =	sshrl.u32 s1, $0x2  }
0xba: {  	s3 =	sand.u32 $0x4000, s31;
	s1 =	sadd.s32 s1, s30  }
0xbb: {  	s0 =	sor.u32 s3, s0;
	s1 =	sshll.u32 s1, $0x11  }
0xbc: {  	s0 =	sor.u32 s1, s0  }
0xbd: {  	s0 =	sadd.s32 $0x8F2B, s0  }
0xbe: {  	[sflag:s0] =	ssyncadd.remote.s32 $0x1  }
0xbf: {  	_ =	sfence.sel $0xFFFF  }
0xc0: {  	[dreg:$0x0] =	wrdreg $0xFFFFFFFF;
	(pc) =	sbr.abs _section_cstart, $3  }
0xc1: {  	[dreg:$0x1] =	wrdreg $0xFFFFFFFF  }
0xc2: {  	_ =	task.clear_ibuf [dreg:s7], $0x2FFFF;
	_ =	strace $0x9FFFFFFF  }
0xc3: {  	(tm) =	ssettm $0x7FFFFFFF  }
tec
execute0_lowered:
.L_overlay_start_1:
0x0: {  	(tag) =	ssettag $0x1  }
0x1: {  	s0 =	rddreg [dreg:$0x0]  }
0x2: {  	s1 =	rddreg [dreg:$0x1]  }
0x3: {  	s2 =	rddreg [dreg:$0x2]  }
0x4: {  	s12 =	stileid.u32;
	s4 =	srdreg.scid  }
0x5: {  	s3 =	simm.s32 $0x0;
	s17 =	simm.s32 $0x4000;
	s18 =	simm.s32 $0x6800  }
0x6: {  	s28 =	simm.s32 $0x5;
	s29 =	simm.s32 $0x6;
	s5 =	smul.u32 $0x14000, s12  }
0x7: {  	s31 =	simm.s32 $0x3E00;
	s10 =	sand.u32 $0x1, s4;
	s20 =	smul.u32 $0x50000, s12  }
0x8: {  	[smem:$0x7FF] =	sst s3;
	s14 =	sadd.s32 $0x9C9E00, s0;
	s26 =	smul.u32 $0x27100, s12  }
0x9: {  	s23 =	sshll.u32 s12, $0x6;
	s4 =	smul.u32 $0x140000, s10;
	_ =	strace $0x80000047  }
0xa: {  	s21 =	ssub.s32 $0x2, s10;
	s7 =	sshll.u32 s10, $0x4;
	s16 =	smul.u32 $0x271000, s10  }
0xb: {  	s6 =	sshrl.u32 s5, $0x3;
	s8 =	sshrl.u32 s21, $0x1;
	s7 =	sor.u32 s12, s7  }
0xc: {  	s4 =	sadd.s32 s5, s4;
	s19 =	sadd.s32 s6, s0;
	s22 =	smul.u32 $0x138800, s7  }
0xd: {  	s6 =	sshrl.u32 s20, $0x2;
	s13 =	ssub.s32 s21, s8;
	s24 =	smul.u32 $0x27100, s7  }
0xe: {  	s5 =	sor.u32 $0x1C07, s23;
	s7 =	sshll.u32 s7, $0xB;
	s30 =	sadd.s32 s16, s14  }
0xf: {  	s16 =	simm.s32 $0x7;
	s20 =	simm.s32 $0x50;
	s21 =	simm.s32 $0x9000  }
0x10: {  	s4 =	sshrl.u32 s4, $0x3;
	s15 =	sadd.s32 s6, s2;
	s6 =	sadd.s32 s1, s7  }
0x11: {  	s13 =	smax.u32 s13, $0x1;
	s0 =	sadd.s32 s4, s0;
	s4 =	sadd.s32 $0x5E00, s19  }
0x12: {  	s9 =	sshrl.u32 s22, $0x3;
	s7 =	sadd.s32 s14, s24;
	s15 =	sshrl.u32 s15, $0x3  }
0x13: {  	s19 =	simm.s32 $0x1;
	s22 =	simm.s32 $0x2;
	s24 =	simm.s32 $0x4  }
0x14: {  	s25 =	sadd.s32 s14, s9;
	s12 =	sadd.s32 $0x2DE00, s0;
	s14 =	sadd.s32 s26, s30  }
0x15: {  	s0 =	simm.s32 $0x0;
	s8 =	sadd.s32 $0x500, s25;
	s9 =	sadd.s32 $0xA00, s25  }
0x16: {  	s10 =	sadd.s32 $0xF00, s25;
	s11 =	sadd.s32 $0x1400, s25;
	s25 =	simm.s32 $0x3  }
.LBB2_1:
0x17: {  	[spmem:s15], [sflag:s5] =	dma.local [hbm:s4], $0x2800  }
0x18: {  	_ =	swait.ge [sflag:s16], $0x2800  }
0x19: {  	[sflag:s16] =	ssyncset.done $0x0  }
0x1a: {  	[sflag:s16] =	ssyncadd.s32 $0xFFFFD800  }
0x1b: {  	[tilespmem:s3], [sflag:$0x7] =	stream.linear.gather [hbm4b:s6+s3], $0x3E80, $0x38;
	[tilespmem:$0x1F800] =	vst v63  }
0x1c: {  	_ =	swait.ge [sflag:s16], $0x3E80  }
0x1d: {  	[sflag:s16] =	ssyncset.done $0x0  }
0x1e: {  	[sflag:s16] =	ssyncadd.s32 $0xFFFFC180  }
0x1f: {  	[bflag:$0x0] =	sbarrier.arrive $0xFFFF  }
0x20: {  	[tilespmem:s17], [sflag:$0x1] =	stream.linear.gather [hbm4b:s7+s3], $0x2800, $0x38;
	[tilespmem:$0x1F800] =	vst v63  }
0x21: {  	_ = 	snop  }
0x22: {  	[tilespmem:s18], [sflag:$0x2] =	stream.linear.gather [hbm4b:s8+s3], $0x2800, $0x38;
	[tilespmem:$0x1F800] =	vst v63  }
0x23: {  	_ =	swait.ge [sflag:s19], $0x2800  }
0x24: {  	[sflag:s19] =	ssyncset.done $0x0  }
0x25: {  	[sflag:s19] =	ssyncadd.s32 $0xFFFFD800  }
0x26: {  	[spmem:s2] =	stream.indirect.scatter.add.f32 [tilespmem:s17], [sflag:$0x4], $0x80, s3, s20, $0xb8;
	[tilespmem:$0x1F800] =	vst v63  }
0x27: {  	_ = 	snop  }
0x28: {  	[tilespmem:s21], [sflag:$0x3] =	stream.linear.gather [hbm4b:s9+s3], $0x2800, $0x38;
	[tilespmem:$0x1F800] =	vst v63  }
0x29: {  	_ =	swait.ge [sflag:s22], $0x2800  }
0x2a: {  	[sflag:s22] =	ssyncset.done $0x0  }
0x2b: {  	s1 =	simm.s32 $0x80;
	[sflag:s22] =	ssyncadd.s32 $0xFFFFD800  }
0x2c: {  	[spmem:s2] =	stream.indirect.scatter.add.f32 [tilespmem:s18], [sflag:$0x5], $0x80, s1, s20, $0xb8;
	[tilespmem:$0x1F800] =	vst v63  }
0x2d: {  	_ =	swait.ge [sflag:s24], $0x2800  }
0x2e: {  	[sflag:s24] =	ssyncset.done $0x0  }
0x2f: {  	[sflag:s24] =	ssyncadd.s32 $0xFFFFD800  }
0x30: {  	[tilespmem:s17], [sflag:$0x1] =	stream.linear.gather [hbm4b:s10+s3], $0x2800, $0x38;
	[tilespmem:$0x1F800] =	vst v63  }
0x31: {  	_ =	swait.ge [sflag:s25], $0x2800  }
0x32: {  	[sflag:s25] =	ssyncset.done $0x0  }
0x33: {  	s30 =	simm.s32 $0x100;
	[sflag:s25] =	ssyncadd.s32 $0xFFFFD800  }
0x34: {  	[spmem:s2] =	stream.indirect.scatter.add.f32 [tilespmem:s21], [sflag:$0x6], $0x80, s30, s20, $0xb8;
	[tilespmem:$0x1F800] =	vst v63  }
0x35: {  	_ =	swait.ge [sflag:s28], $0x2800  }
0x36: {  	[sflag:s28] =	ssyncset.done $0x0  }
0x37: {  	[sflag:s28] =	ssyncadd.s32 $0xFFFFD800  }
0x38: {  	[tilespmem:s18], [sflag:$0x2] =	stream.linear.gather [hbm4b:s11+s3], $0x2800, $0x38;
	[tilespmem:$0x1F800] =	vst v63  }
0x39: {  	_ =	swait.ge [sflag:s19], $0x2800  }
0x3a: {  	[sflag:s19] =	ssyncset.done $0x0  }
0x3b: {  	s23 =	simm.s32 $0x180;
	[sflag:s19] =	ssyncadd.s32 $0xFFFFD800  }
0x3c: {  	[spmem:s2] =	stream.indirect.scatter.add.f32 [tilespmem:s17], [sflag:$0x4], $0x80, s23, s20, $0xb8;
	[tilespmem:$0x1F800] =	vst v63  }
0x3d: {  	_ =	swait.ge [sflag:s29], $0x2800  }
0x3e: {  	s23 =	sadd.s32 $0x0, s14;
	[sflag:s29] =	ssyncset.done $0x0  }
0x3f: {  	s26 =	sadd.s32 $0x1900, s23;
	[sflag:s29] =	ssyncadd.s32 $0xFFFFD800  }
0x40: {  	[tilespmem:s21], [sflag:$0x3] =	stream.linear.gather [hbm4b:s26+s3], $0x2800, $0x38;
	[tilespmem:$0x1F800] =	vst v63  }
0x41: {  	_ =	swait.ge [sflag:s22], $0x2800  }
0x42: {  	[sflag:s22] =	ssyncset.done $0x0  }
0x43: {  	s30 =	simm.s32 $0x200;
	[sflag:s22] =	ssyncadd.s32 $0xFFFFD800  }
0x44: {  	[spmem:s2] =	stream.indirect.scatter.add.f32 [tilespmem:s18], [sflag:$0x5], $0x80, s30, s20, $0xb8;
	[tilespmem:$0x1F800] =	vst v63  }
0x45: {  	_ =	swait.ge [sflag:s24], $0x2800  }
0x46: {  	[sflag:s24] =	ssyncset.done $0x0  }
0x47: {  	s26 =	sadd.s32 $0x1E00, s23;
	[sflag:s24] =	ssyncadd.s32 $0xFFFFD800  }
0x48: {  	[tilespmem:s17], [sflag:$0x1] =	stream.linear.gather [hbm4b:s26+s3], $0x2800, $0x38;
	[tilespmem:$0x1F800] =	vst v63  }
0x49: {  	_ =	swait.ge [sflag:s25], $0x2800  }
0x4a: {  	[sflag:s25] =	ssyncset.done $0x0  }
0x4b: {  	s30 =	simm.s32 $0x280;
	[sflag:s25] =	ssyncadd.s32 $0xFFFFD800  }
0x4c: {  	[spmem:s2] =	stream.indirect.scatter.add.f32 [tilespmem:s21], [sflag:$0x6], $0x80, s30, s20, $0xb8;
	[tilespmem:$0x1F800] =	vst v63  }
0x4d: {  	_ =	swait.ge [sflag:s28], $0x2800  }
0x4e: {  	s1 =	simm.s32 $0xF00;
	[sflag:s28] =	ssyncset.done $0x0  }
0x4f: {  	s26 =	sadd.s32 $0x2300, s23;
	s23 =	simm.s32 $0x400;
	[sflag:s28] =	ssyncadd.s32 $0xFFFFD800  }
.LBB2_2:
0x50: {  	[tilespmem:s18], [sflag:$0x2] =	stream.linear.gather [hbm4b:s26+s3], $0x2800, $0x38;
	[tilespmem:$0x1F800] =	vst v63  }
0x51: {  	s26 =	smov.u32 s1  }
0x52: {  	p0 =	sne.s32 s1, $0x24900;
	s1 =	sadd.s32 $0xF00, s1;
	_ =	swait.ge [sflag:s19], $0x2800  }
0x53: {  	[sflag:s19] =	ssyncset.done $0x0  }
0x54: {  	s30 =	sadd.s32 $0xFFFFFF00, s23;
	[sflag:s19] =	ssyncadd.s32 $0xFFFFD800  }
0x55: {  	[spmem:s2] =	stream.indirect.scatter.add.f32 [tilespmem:s17], [sflag:$0x4], $0x80, s30, s20, $0xb8;
	[tilespmem:$0x1F800] =	vst v63  }
0x56: {  	_ =	swait.ge [sflag:s29], $0x2800  }
0x57: {  	s26 =	sadd.s32 s26, s14;
	[sflag:s29] =	ssyncset.done $0x0  }
0x58: {  	s30 =	sadd.s32 $0x1900, s26;
	[sflag:s29] =	ssyncadd.s32 $0xFFFFD800  }
0x59: {  	[tilespmem:s21], [sflag:$0x3] =	stream.linear.gather [hbm4b:s30+s3], $0x2800, $0x38;
	[tilespmem:$0x1F800] =	vst v63  }
0x5a: {  	_ =	swait.ge [sflag:s22], $0x2800  }
0x5b: {  	[sflag:s22] =	ssyncset.done $0x0  }
0x5c: {  	s30 =	sadd.s32 $0xFFFFFF80, s23;
	[sflag:s22] =	ssyncadd.s32 $0xFFFFD800  }
0x5d: {  	[spmem:s2] =	stream.indirect.scatter.add.f32 [tilespmem:s18], [sflag:$0x5], $0x80, s30, s20, $0xb8;
	[tilespmem:$0x1F800] =	vst v63  }
0x5e: {  	_ =	swait.ge [sflag:s24], $0x2800  }
0x5f: {  	[sflag:s24] =	ssyncset.done $0x0  }
0x60: {  	s30 =	sadd.s32 $0x1E00, s26;
	[sflag:s24] =	ssyncadd.s32 $0xFFFFD800  }
0x61: {  	[tilespmem:s17], [sflag:$0x1] =	stream.linear.gather [hbm4b:s30+s3], $0x2800, $0x38;
	[tilespmem:$0x1F800] =	vst v63  }
0x62: {  	_ =	swait.ge [sflag:s25], $0x2800  }
0x63: {  	[sflag:s25] =	ssyncset.done $0x0  }
.Ltmp0:
0x64: {  	[sflag:s25] =	ssyncadd.s32 $0xFFFFD800;
	(pc) =	sbr.rel @p0 .LBB2_2-.Ltmp0, $4  }
0x65: {  	[spmem:s2] =	stream.indirect.scatter.add.f32 [tilespmem:s21], [sflag:$0x6], $0x80, s23, s20, $0xb8;
	[tilespmem:$0x1F800] =	vst v63  }
0x66: {  	_ =	swait.ge [sflag:s28], $0x2800  }
0x67: {  	[sflag:s28] =	ssyncset.done $0x0  }
0x68: {  	s26 =	sadd.s32 $0x2300, s26;
	s23 =	sadd.s32 $0x180, s23;
	[sflag:s28] =	ssyncadd.s32 $0xFFFFD800  }
0x69: {  	[tilespmem:s18], [sflag:$0x2] =	stream.linear.gather [hbm4b:s26+s3], $0x2800, $0x38;
	[tilespmem:$0x1F800] =	vst v63  }
0x6a: {  	_ =	swait.ge [sflag:s19], $0x2800  }
0x6b: {  	[sflag:s19] =	ssyncset.done $0x0  }
0x6c: {  	s1 =	simm.s32 $0x3D80;
	[sflag:s19] =	ssyncadd.s32 $0xFFFFD800  }
0x6d: {  	[spmem:s2] =	stream.indirect.scatter.add.f32 [tilespmem:s17], [sflag:$0x4], $0x80, s1, s20, $0xb8;
	[tilespmem:$0x1F800] =	vst v63  }
0x6e: {  	_ =	swait.ge [sflag:s22], $0x2800  }
0x6f: {  	[sflag:s22] =	ssyncset.done $0x0  }
0x70: {  	[sflag:s22] =	ssyncadd.s32 $0xFFFFD800  }
0x71: {  	[spmem:s2] =	stream.indirect.scatter.add.f32 [tilespmem:s18], [sflag:$0x5], $0x80, s31, s20, $0xb8;
	[tilespmem:$0x1F800] =	vst v63  }
0x72: {  	_ =	swait.ge [sflag:s29], $0x2800  }
0x73: {  	[sflag:s29] =	ssyncset.done $0x0  }
0x74: {  	[sflag:s29] =	ssyncadd.s32 $0xFFFFD800  }
0x75: {  	_ =	swait.ge [sflag:s24], $0x2800  }
0x76: {  	[sflag:s24] =	ssyncset.done $0x0  }
0x77: {  	[sflag:s24] =	ssyncadd.s32 $0xFFFFD800  }
0x78: {  	_ =	swait.ge [sflag:s28], $0x2800  }
0x79: {  	s0 =	sadd.s32 $0x1, s0;
	[sflag:s28] =	ssyncset.done $0x0  }
0x7a: {  	p0 =	sne.s32 s0, s13;
	[sflag:s28] =	ssyncadd.s32 $0xFFFFD800  }
.Ltmp1:
0x7b: {  	[bflag:$0x0] =	sbarrier.arrive $0xFFFF;
	(pc) =	sbr.rel @p0 .LBB2_1-.Ltmp1, $4  }
0x7c: {  	[hbm:s12], [sflag:s5] =	dma.local [spmem:s15], $0x2800  }
0x7d: {  	_ =	swait.ge [sflag:s16], $0x2800  }
0x7e: {  	[sflag:s16] =	ssyncset.done $0x0  }
0x7f: {  	[sflag:s16] =	ssyncadd.s32 $0xFFFFD800  }
0x80: {  	_ =	sfence.sel $0x180000  }
0x81: {  	[bflag:$0x0] =	sbarrier.arrive $0xFFFF  }
0x82: {  	_ =	strace $0x90000047  }
0x83: {  	s0 =	stileid.u32;
	[bflag:$0x2] =	sbarrier.arrive $0xFFFF  }
0x84: {  	p0 =	sne.s32 s0, $0x0;
	s0 =	rddreg [dreg:$0x3]  }
0x85: {  	s0 =	sadd.s32 @!p0 $0x100000, s0  }
0x86: {  	[sflag:s0] =	ssyncadd.tile.s32 @!p0 $0x1;
	_ =	shalt  }
.Lfunc_end2:
_tile_overlayer_lowered:
.L_overlay_start_2:
0x87: {  	(tag) =	ssettag $0x2  }
0x88: {  	s0 =	rddreg [dreg:$0x0];
	s2 =	stileid.u32  }
0x89: {  	s1 =	rddreg [dreg:$0x1];
	p0 =	sne.s32 s2, $0x0  }
0x8a: {  	s3 =	rddreg [dreg:$0x2];
	[bflag:$0x3] =	sbarrier.arrive $0xFFFF;
	s2 =	simm.s32 @!p0 $0x1C07  }
0x8b: {  	[timem:s3], [sflag:s2] =	dma.local @!p0 [hbm:s0], s1  }
0x8c: {  	s0 =	simm.s32 @!p0 $0x7  }
0x8d: {  	_ =	swait.ge @!p0 [sflag:s0], s1  }
0x8e: {  	s1 =	ssub.s32 @!p0 $0x0, s1;
	[sflag:s0] =	ssyncset.done @!p0 $0x0  }
0x8f: {  	[sflag:s0] =	ssyncadd.s32 @!p0 s1  }
0x90: {  	[bflag:$0x3] =	sbarrier.arrive $0xFFFF  }
0x91: {  	_ =	shalt  }

// kernel: kernel.18.cloned.1.call-start
scs
__scs_entry_jumppad:
0x0: {  	(pc) =	sbr.rel $0x88, $3  }
0x1: {  	(tag) =	ssettag $0x0;
	lr =	simm.s32 $0x1  }
0x2: {  	[smem:$0x3F87] =	sst lr;
	_ =	strace $0xD0000000  }
0x3: {  	_ = 	snop  }
0x4: {  	_ = 	snop  }
0x5: {  	_ = 	snop  }
0x6: {  	_ = 	snop  }
0x7: {  	_ = 	snop  }
__scs_overlays_trampoline_lowered:
0x8: {  	[smem:$0x3F96] =	sst s0  }
0x9: {  	[smem:$0x3F97] =	sst s1  }
0xa: {  	[smem:$0x3F98] =	sst s2  }
0xb: {  	[smem:$0x3F99] =	sst s3  }
0xc: {  	[smem:$0x3F9A] =	sst s4  }
0xd: {  	[smem:$0x3F9B] =	sst s5  }
0xe: {  	[smem:$0x3F9C] =	sst s6  }
0xf: {  	[smem:$0x3F9D] =	sst s7  }
0x10: {  	[smem:$0x3F9E] =	sst s8  }
0x11: {  	[smem:$0x3F9F] =	sst s9;
	s0 =	simm.s32 @!p0 $0x0  }
0x12: {  	s1 =	sld [smem:$0x3F85];
	s0 =	simm.s32 @p0 $0x1  }
0x13: {  	[smem:$0x3FA0] =	sst s0;
	s0 =	simm.s32 @!p1 $0x0  }
0x14: {  	s2 =	sld [smem:$0x3F84];
	s0 =	simm.s32 @p1 $0x1  }
0x15: {  	[smem:$0x3FA1] =	sst s0;
	s0 =	simm.s32 @!p2 $0x0  }
0x16: {  	s3 =	sld [smem:$0x3FDB];
	s0 =	simm.s32 @p2 $0x1  }
0x17: {  	s4 =	simm.s32 $0x1BF5;
	[smem:$0x3FA3] =	sst s0  }
0x18: {  	s0 =	sld [smem:$0x3F86];
	_ =	swait.ge [sflag:s4], $0x0  }
0x19: {  	s7 =	sld [smem:$0x3F87]  }
0x1a: {  	s8 =	sadd.s32 $0xFFFFE003, lr  }
0x1b: {  	s9 =	sadd.s32 $0xFFFFFEF7, lr;
	s5 =	simm.s32 $0xFFFFFFFF;
	p2 =	slt.u32 s8, $0xFFFFF086  }
0x1c: {  	p1 =	slt.u32 s9, $0xF7A;
	s5 =	simm.s32 @!p2 $0x0  }
0x1d: {  	s5 =	simm.s32 @p1 $0x1;
	p0 =	seq.s32 s7, s2  }
0x1e: {  	s7 =	smul.u32 @!p0 $0xF7A, s2;
	p2 =	seq.s32 @!p0 s5, $0x0  }
0x1f: {  	s9 =	smul.u32 $0xF7A, s1;
	s8 =	simm.s32 @!p0 $0x1BF5;
	p2 =	por !p2, p0  }
0x20: {  	[sflag:s8] =	ssyncset.s32 @!p0 $0xFFFFF086;
	s6 =	sadd.s32 @!p0 s3, s7;
	s7 =	simm.s32 @!p0 $0x108  }
0x21: {  	s3 =	sadd.s32 s3, s9;
	s6 =	sadd.s32 @!p0 $0x88, s6;
	s7 =	simm.s32 @p2 $0x1082  }
0x22: {  	[simem:s7], [sflag:s8] =	dma.local @!p0 [hbm:s6], $0xF7A  }
0x23: {  	s9 =	sor.u32 $0xD0000000, s2;
	s6 =	simm.s32 $0x108;
	_ =	swait.ge @!p0 [sflag:s8], $0x0  }
0x24: {  	s3 =	sadd.s32 $0x88, s3;
	s6 =	simm.s32 @!p1 $0x1082;
	[sflag:s4] =	ssyncset.s32 $0xFFFFF086  }
0x25: {  	[simem:s6], [sflag:s4] =	dma.local [hbm:s3], $0xF7A  }
0x26: {  	[smem:$0x3F87] =	sst s1;
	(tag) =	ssettag s2;
	_ =	strace s9  }
0x27: {  	s1 =	sld [smem:$0x3F97]  }
0x28: {  	s2 =	sld [smem:$0x3F98]  }
0x29: {  	s4 =	sld [smem:$0x3F9A]  }
0x2a: {  	p0 =	seq.s32 s5, $0x0;
	s5 =	sld [smem:$0x3F9B]  }
0x2b: {  	s6 =	sld [smem:$0x3F9C]  }
0x2c: {  	s7 =	sld [smem:$0x3F9D]  }
0x2d: {  	s3 =	simm.s32 $0x108;
	s8 =	sld [smem:$0x3F9E]  }
0x2e: {  	s3 =	simm.s32 @!p0 $0x1082;
	s9 =	sld [smem:$0x3F9F]  }
0x2f: {  	lr =	sadd.s32 s0, s3;
	s0 =	sld [smem:$0x3F96]  }
0x30: {  	s3 =	sld [smem:$0x3F99]  }
0x31: {  	[smem:$0x3FA2] =	sst s10  }
0x32: {  	s10 =	sld [smem:$0x3FA0];
	_ =	sdelay $0x3  }
0x33: {  	p0 =	seq.s32 s10, $0x1;
	s10 =	sld [smem:$0x3FA2];
	_ =	sdelay $0x3  }
0x34: {  	[smem:$0x3FA2] =	sst s10  }
0x35: {  	s10 =	sld [smem:$0x3FA1];
	_ =	sdelay $0x3  }
0x36: {  	p1 =	seq.s32 s10, $0x1;
	s10 =	sld [smem:$0x3FA2];
	_ =	sdelay $0x3  }
0x37: {  	[smem:$0x3FA2] =	sst s10  }
0x38: {  	s10 =	sld [smem:$0x3FA3]  }
0x39: {  	_ = 	snop;
	(pc) =	sbr.ind lr, $3  }
0x3a: {  	_ = 	snop  }
0x3b: {  	_ = 	snop  }
0x3c: {  	p2 =	seq.s32 s10, $0x1;
	s10 =	sld [smem:$0x3FA2]  }
0x3d: {  	_ =	shalt  }
0x3e: {  	_ =	shalt  }
0x3f: {  	_ =	shalt  }
0x40: {  	_ =	shalt  }
0x41: {  	_ =	shalt  }
0x42: {  	_ =	shalt  }
0x43: {  	_ =	shalt  }
0x44: {  	_ =	shalt  }
0x45: {  	_ =	shalt  }
0x46: {  	_ =	shalt  }
0x47: {  	_ =	shalt  }
0x48: {  	_ =	shalt  }
0x49: {  	_ =	shalt  }
0x4a: {  	_ =	shalt  }
0x4b: {  	_ =	shalt  }
0x4c: {  	_ =	shalt  }
0x4d: {  	_ =	shalt  }
0x4e: {  	_ =	shalt  }
0x4f: {  	_ =	shalt  }
0x50: {  	_ =	shalt  }
0x51: {  	_ =	shalt  }
0x52: {  	_ =	shalt  }
0x53: {  	_ =	shalt  }
0x54: {  	_ =	shalt  }
0x55: {  	_ =	shalt  }
0x56: {  	_ =	shalt  }
0x57: {  	_ =	shalt  }
0x58: {  	_ =	shalt  }
0x59: {  	_ =	shalt  }
0x5a: {  	_ =	shalt  }
0x5b: {  	_ =	shalt  }
0x5c: {  	_ =	shalt  }
0x5d: {  	_ =	shalt  }
0x5e: {  	_ =	shalt  }
0x5f: {  	_ =	shalt  }
0x60: {  	_ =	shalt  }
0x61: {  	_ =	shalt  }
0x62: {  	_ =	shalt  }
0x63: {  	_ =	shalt  }
0x64: {  	_ =	shalt  }
0x65: {  	_ =	shalt  }
0x66: {  	_ =	shalt  }
0x67: {  	_ =	shalt  }
0x68: {  	_ =	shalt  }
0x69: {  	_ =	shalt  }
0x6a: {  	_ =	shalt  }
0x6b: {  	_ =	shalt  }
0x6c: {  	_ =	shalt  }
0x6d: {  	_ =	shalt  }
0x6e: {  	_ =	shalt  }
0x6f: {  	_ =	shalt  }
0x70: {  	_ =	shalt  }
0x71: {  	_ =	shalt  }
0x72: {  	_ =	shalt  }
0x73: {  	_ =	shalt  }
0x74: {  	_ =	shalt  }
0x75: {  	_ =	shalt  }
0x76: {  	_ =	shalt  }
0x77: {  	_ =	shalt  }
0x78: {  	_ =	shalt  }
0x79: {  	_ =	shalt  }
0x7a: {  	_ =	shalt  }
0x7b: {  	_ =	shalt  }
0x7c: {  	_ =	shalt  }
0x7d: {  	_ =	shalt  }
0x7e: {  	_ =	shalt  }
0x7f: {  	_ =	shalt  }
0x80: {  	_ =	shalt  }
0x81: {  	_ =	shalt  }
0x82: {  	_ =	shalt  }
0x83: {  	_ =	shalt  }
0x84: {  	_ =	shalt  }
0x85: {  	_ =	shalt  }
0x86: {  	_ =	shalt  }
0x87: {  	_ =	shalt  }
.Lfunc_end0:
.L_simem_size_0:
called_computation.1_lowered:
.L_overlay_start_0:
0x88: {  	s2 =	sld [smem:$0x3FD9]  }
0x89: {  	s3 =	sld [smem:$0x3FFE];
	_ =	sdelay $0x1  }
0x8a: {  	s1 =	srdreg.scid  }
0x8b: {  	s0 =	sand.u32 $0x1, s1  }
0x8c: {  	s16 =	sshll.u32 s0, $0xA;
	s2 =	sadd.s32 s3, s2  }
0x8d: {  	s2 =	sadd.s32 s2, s16  }
0x8e: {  	[smem:$0x3FAE] =	sst s2  }
0x8f: {  	_ = 	snop  }
0x90: {  	(tm) =	ssettm $0x1  }
0x91: {  	s17 =	sld [smem:$0x3FFB];
	_ =	sdelay $0x3  }
0x92: {  	_ =	strace s17  }
0x93: {  	s2 =	sld [smem:$0x3FFC];
	_ =	sdelay $0x3  }
0x94: {  	_ =	strace s2  }
0x95: {  	s2 =	sld [smem:$0x3FFD];
	_ =	sdelay $0x3  }
0x96: {  	_ =	strace s2  }
0x97: {  	_ =	strace $0x8FFFFFFF  }
0x98: {  	s18 =	sld [smem:$0x3FDB];
	_ =	sdelay $0x1  }
0x99: {  	s19 =	simm.s32 $_scs_section_size  }
0x9a: {  	s4 =	simm.s32 $_size__tile_overlayer_lowered;
	s5 =	simm.s32 $_tile_overlayer_lowered  }
0x9b: {  	s22 =	simm.s32 $0x1BFF;
	s21 =	sshll.u32 s5, $0x1;
	s2 =	sadd.s32 s19, s18  }
0x9c: {  	s6 =	simm.s32 $0x0;
	s20 =	sshll.u32 s4, $0x1;
	s4 =	sadd.s32 s21, s2  }
0x9d: {  	[timem:s6], [sflag:s22] =	dma.local [hbm:s4], s20  }
0x9e: {  	_ =	swait.ge [sflag:s22], s20  }
0x9f: {  	s3 =	ssub.s32 $0x0, s20;
	[sflag:s22] =	ssyncset.done $0x0  }
0xa0: {  	[sflag:s22] =	ssyncadd.s32 s3;
	_ =	sdelay $0x1  }
0xa1: {  	s23 =	simm.s32 $0x1B8B  }
0xa2: {  	_ =	swait.ge [sflag:s23], $0x1  }
0xa3: {  	[sflag:s23] =	ssyncset.done $0x0  }
0xa4: {  	s25 =	simm.s32 $0x1B8E;
	s24 =	sld [smem:$0x3FFE];
	[sflag:s23] =	ssyncadd.s32 $0xFFFFFFFF  }
0xa5: {  	s26 =	simm.s32 $execute0_lowered;
	[smem:$0x3FD2] =	sst s25  }
0xa6: {  	s4 =	sshll.u32 s26, $0x1;
	_ =	strace $0x80000049;
	[dreg:$0x1] =	wrdreg $0xFFFFFFFF  }
0xa7: {  	s28 =	simm.s32 $_size_execute0_lowered;
	s2 =	sadd.s32 s2, s4;
	[dreg:$0x0] =	wrdreg $0x0  }
0xa8: {  	s4 =	sshll.u32 s28, $0x1;
	[dreg:$0x2] =	wrdreg s2  }
0xa9: {  	[dreg:$0x3] =	wrdreg s4  }
0xaa: {  	[dreg:$0x4] =	wrdreg $0xC0  }
0xab: {  	_ =	task [dreg:s6], $0x5FFFF  }
0xac: {  	[dreg:$0x1] =	wrdreg $0xFFFFFFFF  }
0xad: {  	[dreg:$0x0] =	wrdreg $0x60  }
0xae: {  	[dreg:$0x2] =	wrdreg s24  }
0xaf: {  	[dreg:$0x3] =	wrdreg $0xB8000  }
0xb0: {  	[dreg:$0x4] =	wrdreg $0x9  }
0xb1: {  	_ =	task.clear_ibuf [dreg:s6], $0x5FFFF;
	_ =	strace $0x90000049  }
0xb2: {  	s29 =	simm.s32 $0x9;
	_ =	strace $0x8000004B  }
0xb3: {  	_ =	swait.ge [sflag:s29], $0x1  }
0xb4: {  	[sflag:s29] =	ssyncadd.s32 $0xFFFFFFFF  }
0xb5: {  	_ =	strace $0x9000004B  }
0xb6: {  	_ =	sfence  }
0xb7: {  	s30 =	sld [smem:$0x0];
	_ =	sdelay $0x2  }
0xb8: {  	s31 =	sshll.u32 s1, $0xD;
	s1 =	sshrl.u32 s1, $0x2  }
0xb9: {  	s3 =	sand.u32 $0x4000, s31;
	s1 =	sadd.s32 s1, s30  }
0xba: {  	s0 =	sor.u32 s3, s0;
	s1 =	sshll.u32 s1, $0x11  }
0xbb: {  	s0 =	sor.u32 s1, s0  }
0xbc: {  	s0 =	sadd.s32 $0x8F2B, s0  }
0xbd: {  	[sflag:s0] =	ssyncadd.remote.s32 $0x1  }
0xbe: {  	_ =	sfence.sel $0xFFFF  }
0xbf: {  	[dreg:$0x0] =	wrdreg $0xFFFFFFFF;
	(pc) =	sbr.abs _section_cstart, $3  }
0xc0: {  	[dreg:$0x1] =	wrdreg $0xFFFFFFFF  }
0xc1: {  	_ =	task.clear_ibuf [dreg:s6], $0x2FFFF;
	_ =	strace $0x9FFFFFFF  }
0xc2: {  	(tm) =	ssettm $0x7FFFFFFF  }
0xc3: {  	_ =	shalt  }
tec
execute0_lowered:
.L_overlay_start_1:
0x0: {  	(tag) =	ssettag $0x1  }
0x1: {  	s0 =	rddreg [dreg:$0x0]  }
0x2: {  	s2 =	rddreg [dreg:$0x1]  }
0x3: {  	s10 =	stileid.u32;
	s1 =	srdreg.scid  }
0x4: {  	s3 =	simm.s32 $0x0;
	s15 =	simm.s32 $0x7;
	s16 =	simm.s32 $0x50  }
0x5: {  	s17 =	simm.s32 $0x4000;
	s19 =	simm.s32 $0x6800;
	s20 =	simm.s32 $0x1  }
0x6: {  	s28 =	simm.s32 $0x5;
	s29 =	simm.s32 $0x200;
	s30 =	simm.s32 $0x6  }
0x7: {  	s31 =	simm.s32 $0x0;
	s4 =	smul.u32 $0x2800, s10;
	s1 =	sand.u32 $0x1, s1  }
0x8: {  	[smem:$0x7FF] =	sst s3;
	s8 =	smul.u32 $0x50000, s10;
	s25 =	sshll.u32 s10, $0x6  }
0x9: {  	s13 =	smul.u32 $0x27100, s10;
	s5 =	sshll.u32 s1, $0x4;
	_ =	strace $0x8000004A  }
0xa: {  	s7 =	ssub.s32 $0x2, s1;
	s1 =	smul.u32 $0x271000, s1;
	s4 =	sadd.s32 s4, s0  }
0xb: {  	s6 =	sor.u32 s10, s5;
	s22 =	sshrl.u32 s7, $0x1;
	s23 =	sshrl.u32 s8, $0x2  }
0xc: {  	s5 =	sshll.u32 s6, $0xB;
	s12 =	ssub.s32 s7, s22;
	s24 =	smul.u32 $0x138800, s6  }
0xd: {  	s14 =	sadd.s32 s23, s2;
	s4 =	sadd.s32 $0x2DE00, s4;
	s26 =	smul.u32 $0x27100, s6  }
0xe: {  	s22 =	simm.s32 $0x9000;
	s23 =	simm.s32 $0x2;
	s9 =	sadd.s32 s5, s0  }
0xf: {  	s0 =	sadd.s32 $0x8DE00, s0;
	s5 =	sor.u32 $0x1C07, s25;
	s12 =	smax.u32 s12, $0x1  }
0x10: {  	s14 =	sshrl.u32 s14, $0x3;
	s25 =	simm.s32 $0x180;
	s7 =	sshrl.u32 s24, $0x3  }
0x11: {  	s6 =	sadd.s32 $0x7DE00, s9;
	s24 =	simm.s32 $0x4;
	s11 =	sadd.s32 s0, s7  }
0x12: {  	s7 =	sadd.s32 s0, s26;
	s0 =	sadd.s32 s1, s0;
	s26 =	simm.s32 $0x3  }
0x13: {  	s8 =	sadd.s32 $0x500, s11;
	s9 =	sadd.s32 $0xA00, s11;
	s0 =	sadd.s32 s13, s0  }
0x14: {  	s10 =	sadd.s32 $0x26700, s11;
	s11 =	sadd.s32 $0x26C00, s11;
	s13 =	sadd.s32 $0xF00, s0  }
.LBB2_1:
0x15: {  	[spmem:s14], [sflag:s5] =	dma.local [hbm:s4], $0x2800  }
0x16: {  	_ =	swait.ge [sflag:s15], $0x2800  }
0x17: {  	[sflag:s15] =	ssyncset.done $0x0  }
0x18: {  	[sflag:s15] =	ssyncadd.s32 $0xFFFFD800  }
0x19: {  	[tilespmem:s3], [sflag:$0x7] =	stream.linear.gather [hbm4b:s6+s3], $0x3E80, $0x38;
	[tilespmem:$0x1F800] =	vst v63  }
0x1a: {  	_ =	swait.ge [sflag:s15], $0x3E80  }
0x1b: {  	[sflag:s15] =	ssyncset.done $0x0  }
0x1c: {  	[sflag:s15] =	ssyncadd.s32 $0xFFFFC180  }
0x1d: {  	[bflag:$0x0] =	sbarrier.arrive $0xFFFF  }
0x1e: {  	[tilespmem:s17], [sflag:$0x1] =	stream.indirect.gather [spmem:s2], $0x80, s3, s16, $0xb8;
	[tilespmem:$0x1F800] =	vst v63  }
0x1f: {  	s0 =	simm.s32 $0x80  }
0x20: {  	[tilespmem:s19], [sflag:$0x2] =	stream.indirect.gather [spmem:s2], $0x80, s0, s16, $0xb8;
	[tilespmem:$0x1F800] =	vst v63  }
0x21: {  	_ =	swait.ge [sflag:s20], $0x2800  }
0x22: {  	[sflag:s20] =	ssyncset.done $0x0  }
0x23: {  	[sflag:s20] =	ssyncadd.s32 $0xFFFFD800  }
0x24: {  	[hbm4b:s7+s3] =	stream.linear.scatter [tilespmem:s17], [sflag:$0x4], $0x2800, $0x38;
	[tilespmem:$0x1F800] =	vst v63  }
0x25: {  	s18 =	simm.s32 $0x100  }
0x26: {  	[tilespmem:s22], [sflag:$0x3] =	stream.indirect.gather [spmem:s2], $0x80, s18, s16, $0xb8;
	[tilespmem:$0x1F800] =	vst v63  }
0x27: {  	_ =	swait.ge [sflag:s23], $0x2800  }
0x28: {  	[sflag:s23] =	ssyncset.done $0x0  }
0x29: {  	[sflag:s23] =	ssyncadd.s32 $0xFFFFD800  }
0x2a: {  	[hbm4b:s8+s3] =	stream.linear.scatter [tilespmem:s19], [sflag:$0x5], $0x2800, $0x38;
	[tilespmem:$0x1F800] =	vst v63  }
0x2b: {  	_ =	swait.ge [sflag:s24], $0x2800  }
0x2c: {  	[sflag:s24] =	ssyncset.done $0x0  }
0x2d: {  	[sflag:s24] =	ssyncadd.s32 $0xFFFFD800  }
0x2e: {  	[tilespmem:s17], [sflag:$0x1] =	stream.indirect.gather [spmem:s2], $0x80, s25, s16, $0xb8;
	[tilespmem:$0x1F800] =	vst v63  }
0x2f: {  	_ =	swait.ge [sflag:s26], $0x2800  }
0x30: {  	[sflag:s26] =	ssyncset.done $0x0  }
0x31: {  	[sflag:s26] =	ssyncadd.s32 $0xFFFFD800  }
0x32: {  	[hbm4b:s9+s3] =	stream.linear.scatter [tilespmem:s22], [sflag:$0x6], $0x2800, $0x38;
	[tilespmem:$0x1F800] =	vst v63  }
0x33: {  	_ =	swait.ge [sflag:s28], $0x2800  }
0x34: {  	[sflag:s28] =	ssyncset.done $0x0  }
0x35: {  	[sflag:s28] =	ssyncadd.s32 $0xFFFFD800  }
0x36: {  	[tilespmem:s19], [sflag:$0x2] =	stream.indirect.gather [spmem:s2], $0x80, s29, s16, $0xb8;
	[tilespmem:$0x1F800] =	vst v63  }
0x37: {  	_ =	swait.ge [sflag:s20], $0x2800  }
0x38: {  	[sflag:s20] =	ssyncset.done $0x0  }
0x39: {  	[sflag:s20] =	ssyncadd.s32 $0xFFFFD800  }
0x3a: {  	[hbm4b:s13+s3] =	stream.linear.scatter [tilespmem:s17], [sflag:$0x4], $0x2800, $0x38;
	[tilespmem:$0x1F800] =	vst v63  }
0x3b: {  	_ =	swait.ge [sflag:s30], $0x2800  }
0x3c: {  	[sflag:s30] =	ssyncset.done $0x0  }
0x3d: {  	s21 =	simm.s32 $0x280;
	[sflag:s30] =	ssyncadd.s32 $0xFFFFD800  }
0x3e: {  	[tilespmem:s22], [sflag:$0x3] =	stream.indirect.gather [spmem:s2], $0x80, s21, s16, $0xb8;
	[tilespmem:$0x1F800] =	vst v63  }
0x3f: {  	_ =	swait.ge [sflag:s23], $0x2800  }
0x40: {  	[sflag:s23] =	ssyncset.done $0x0  }
0x41: {  	s1 =	sadd.s32 $0x500, s13;
	[sflag:s23] =	ssyncadd.s32 $0xFFFFD800  }
0x42: {  	[hbm4b:s1+s3] =	stream.linear.scatter [tilespmem:s19], [sflag:$0x5], $0x2800, $0x38;
	[tilespmem:$0x1F800] =	vst v63  }
0x43: {  	_ =	swait.ge [sflag:s24], $0x2800  }
0x44: {  	[sflag:s24] =	ssyncset.done $0x0  }
0x45: {  	s18 =	simm.s32 $0x300;
	[sflag:s24] =	ssyncadd.s32 $0xFFFFD800  }
0x46: {  	[tilespmem:s17], [sflag:$0x1] =	stream.indirect.gather [spmem:s2], $0x80, s18, s16, $0xb8;
	[tilespmem:$0x1F800] =	vst v63  }
0x47: {  	_ =	swait.ge [sflag:s26], $0x2800  }
0x48: {  	[sflag:s26] =	ssyncset.done $0x0  }
0x49: {  	s21 =	sadd.s32 $0xA00, s13;
	[sflag:s26] =	ssyncadd.s32 $0xFFFFD800  }
0x4a: {  	[hbm4b:s21+s3] =	stream.linear.scatter [tilespmem:s22], [sflag:$0x6], $0x2800, $0x38;
	[tilespmem:$0x1F800] =	vst v63  }
0x4b: {  	_ =	swait.ge [sflag:s28], $0x2800  }
0x4c: {  	s0 =	simm.s32 $0x600;
	[sflag:s28] =	ssyncset.done $0x0  }
0x4d: {  	s1 =	sadd.s32 $0xF00, s13;
	s18 =	simm.s32 $0x380;
	[sflag:s28] =	ssyncadd.s32 $0xFFFFD800  }
.LBB2_2:
0x4e: {  	[tilespmem:s19], [sflag:$0x2] =	stream.indirect.gather [spmem:s2], $0x80, s18, s16, $0xb8;
	[tilespmem:$0x1F800] =	vst v63  }
0x4f: {  	s18 =	smov.u32 s0  }
0x50: {  	p0 =	sne.s32 s0, $0xEA00;
	s0 =	sadd.s32 $0x600, s0;
	_ =	swait.ge [sflag:s20], $0x2800  }
0x51: {  	[sflag:s20] =	ssyncset.done $0x0  }
0x52: {  	[sflag:s20] =	ssyncadd.s32 $0xFFFFD800  }
0x53: {  	[hbm4b:s1+s3] =	stream.linear.scatter [tilespmem:s17], [sflag:$0x4], $0x2800, $0x38;
	[tilespmem:$0x1F800] =	vst v63  }
0x54: {  	_ =	swait.ge [sflag:s30], $0x2800  }
0x55: {  	s18 =	sshra.s32 s18, $0x2;
	[sflag:s30] =	ssyncset.done $0x0  }
0x56: {  	s21 =	sadd.s32 $0x280, s18;
	[sflag:s30] =	ssyncadd.s32 $0xFFFFD800  }
0x57: {  	[tilespmem:s22], [sflag:$0x3] =	stream.indirect.gather [spmem:s2], $0x80, s21, s16, $0xb8;
	[tilespmem:$0x1F800] =	vst v63  }
0x58: {  	_ =	swait.ge [sflag:s23], $0x2800  }
0x59: {  	[sflag:s23] =	ssyncset.done $0x0  }
0x5a: {  	s21 =	sadd.s32 $0x500, s1;
	[sflag:s23] =	ssyncadd.s32 $0xFFFFD800  }
0x5b: {  	[hbm4b:s21+s3] =	stream.linear.scatter [tilespmem:s19], [sflag:$0x5], $0x2800, $0x38;
	[tilespmem:$0x1F800] =	vst v63  }
0x5c: {  	_ =	swait.ge [sflag:s24], $0x2800  }
0x5d: {  	[sflag:s24] =	ssyncset.done $0x0  }
0x5e: {  	s21 =	sadd.s32 $0x300, s18;
	[sflag:s24] =	ssyncadd.s32 $0xFFFFD800  }
0x5f: {  	[tilespmem:s17], [sflag:$0x1] =	stream.indirect.gather [spmem:s2], $0x80, s21, s16, $0xb8;
	[tilespmem:$0x1F800] =	vst v63  }
0x60: {  	_ =	swait.ge [sflag:s26], $0x2800  }
0x61: {  	[sflag:s26] =	ssyncset.done $0x0  }
.Ltmp0:
0x62: {  	s21 =	sadd.s32 $0xA00, s1;
	[sflag:s26] =	ssyncadd.s32 $0xFFFFD800;
	(pc) =	sbr.rel @p0 .LBB2_2-.Ltmp0, $4  }
0x63: {  	[hbm4b:s21+s3] =	stream.linear.scatter [tilespmem:s22], [sflag:$0x6], $0x2800, $0x38;
	[tilespmem:$0x1F800] =	vst v63  }
0x64: {  	_ =	swait.ge [sflag:s28], $0x2800  }
0x65: {  	[sflag:s28] =	ssyncset.done $0x0  }
0x66: {  	s18 =	sadd.s32 $0x380, s18;
	s1 =	sadd.s32 $0xF00, s1;
	[sflag:s28] =	ssyncadd.s32 $0xFFFFD800  }
0x67: {  	[tilespmem:s19], [sflag:$0x2] =	stream.indirect.gather [spmem:s2], $0x80, s18, s16, $0xb8;
	[tilespmem:$0x1F800] =	vst v63  }
0x68: {  	_ =	swait.ge [sflag:s20], $0x2800  }
0x69: {  	[sflag:s20] =	ssyncset.done $0x0  }
0x6a: {  	[sflag:s20] =	ssyncadd.s32 $0xFFFFD800  }
0x6b: {  	[hbm4b:s10+s3] =	stream.linear.scatter [tilespmem:s17], [sflag:$0x4], $0x2800, $0x38;
	[tilespmem:$0x1F800] =	vst v63  }
0x6c: {  	_ =	swait.ge [sflag:s23], $0x2800  }
0x6d: {  	[sflag:s23] =	ssyncset.done $0x0  }
0x6e: {  	[sflag:s23] =	ssyncadd.s32 $0xFFFFD800  }
0x6f: {  	[hbm4b:s11+s3] =	stream.linear.scatter [tilespmem:s19], [sflag:$0x5], $0x2800, $0x38;
	[tilespmem:$0x1F800] =	vst v63  }
0x70: {  	_ =	swait.ge [sflag:s30], $0x2800  }
0x71: {  	[sflag:s30] =	ssyncset.done $0x0  }
0x72: {  	s31 =	sadd.s32 $0x1, s31;
	[sflag:s30] =	ssyncadd.s32 $0xFFFFD800  }
0x73: {  	p0 =	sne.s32 s31, s12;
	_ =	swait.ge [sflag:s24], $0x2800  }
.Ltmp1:
0x74: {  	[sflag:s24] =	ssyncset.done $0x0;
	(pc) =	sbr.rel @p0 .LBB2_1-.Ltmp1, $4  }
0x75: {  	[sflag:s24] =	ssyncadd.s32 $0xFFFFD800  }
0x76: {  	_ =	swait.ge [sflag:s28], $0x2800  }
0x77: {  	[sflag:s28] =	ssyncset.done $0x0  }
0x78: {  	[sflag:s28] =	ssyncadd.s32 $0xFFFFD800  }
0x79: {  	_ =	sfence.sel $0x180000  }
0x7a: {  	[bflag:$0x0] =	sbarrier.arrive $0xFFFF  }
0x7b: {  	_ =	strace $0x9000004A  }
0x7c: {  	s0 =	stileid.u32;
	[bflag:$0x2] =	sbarrier.arrive $0xFFFF  }
0x7d: {  	p0 =	sne.s32 s0, $0x0;
	s0 =	rddreg [dreg:$0x2]  }
0x7e: {  	s0 =	sadd.s32 @!p0 $0x100000, s0  }
0x7f: {  	[sflag:s0] =	ssyncadd.tile.s32 @!p0 $0x1;
	_ =	shalt  }
.Lfunc_end2:
_tile_overlayer_lowered:
.L_overlay_start_2:
0x80: {  	(tag) =	ssettag $0x2  }
0x81: {  	s0 =	rddreg [dreg:$0x0];
	s2 =	stileid.u32  }
0x82: {  	s1 =	rddreg [dreg:$0x1];
	p0 =	sne.s32 s2, $0x0  }
0x83: {  	s3 =	rddreg [dreg:$0x2];
	[bflag:$0x3] =	sbarrier.arrive $0xFFFF;
	s2 =	simm.s32 @!p0 $0x1C07  }
0x84: {  	[timem:s3], [sflag:s2] =	dma.local @!p0 [hbm:s0], s1  }
0x85: {  	s0 =	simm.s32 @!p0 $0x7  }
0x86: {  	_ =	swait.ge @!p0 [sflag:s0], s1  }
0x87: {  	s1 =	ssub.s32 @!p0 $0x0, s1;
	[sflag:s0] =	ssyncset.done @!p0 $0x0  }
0x88: {  	[sflag:s0] =	ssyncadd.s32 @!p0 s1  }
0x89: {  	[bflag:$0x3] =	sbarrier.arrive $0xFFFF  }
0x8a: {  	_ =	shalt  }

// kernel: kernel.21.cloned.1.call-start
scs
__scs_entry_jumppad:
0x0: {  	(pc) =	sbr.rel $0x88, $3  }
0x1: {  	(tag) =	ssettag $0x0;
	lr =	simm.s32 $0x1  }
0x2: {  	[smem:$0x3F87] =	sst lr;
	_ =	strace $0xD0000000  }
0x3: {  	_ = 	snop  }
0x4: {  	_ = 	snop  }
0x5: {  	_ = 	snop  }
0x6: {  	_ = 	snop  }
0x7: {  	_ = 	snop  }
__scs_overlays_trampoline_lowered:
0x8: {  	[smem:$0x3F96] =	sst s0  }
0x9: {  	[smem:$0x3F97] =	sst s1  }
0xa: {  	[smem:$0x3F98] =	sst s2  }
0xb: {  	[smem:$0x3F99] =	sst s3  }
0xc: {  	[smem:$0x3F9A] =	sst s4  }
0xd: {  	[smem:$0x3F9B] =	sst s5  }
0xe: {  	[smem:$0x3F9C] =	sst s6  }
0xf: {  	[smem:$0x3F9D] =	sst s7  }
0x10: {  	[smem:$0x3F9E] =	sst s8  }
0x11: {  	[smem:$0x3F9F] =	sst s9;
	s0 =	simm.s32 @!p0 $0x0  }
0x12: {  	s1 =	sld [smem:$0x3F85];
	s0 =	simm.s32 @p0 $0x1  }
0x13: {  	[smem:$0x3FA0] =	sst s0;
	s0 =	simm.s32 @!p1 $0x0  }
0x14: {  	s2 =	sld [smem:$0x3F84];
	s0 =	simm.s32 @p1 $0x1  }
0x15: {  	[smem:$0x3FA1] =	sst s0;
	s0 =	simm.s32 @!p2 $0x0  }
0x16: {  	s3 =	sld [smem:$0x3FDB];
	s0 =	simm.s32 @p2 $0x1  }
0x17: {  	s4 =	simm.s32 $0x1BF5;
	[smem:$0x3FA3] =	sst s0  }
0x18: {  	s0 =	sld [smem:$0x3F86];
	_ =	swait.ge [sflag:s4], $0x0  }
0x19: {  	s7 =	sld [smem:$0x3F87]  }
0x1a: {  	s8 =	sadd.s32 $0xFFFFE003, lr  }
0x1b: {  	s9 =	sadd.s32 $0xFFFFFEF7, lr;
	s5 =	simm.s32 $0xFFFFFFFF;
	p2 =	slt.u32 s8, $0xFFFFF086  }
0x1c: {  	p1 =	slt.u32 s9, $0xF7A;
	s5 =	simm.s32 @!p2 $0x0  }
0x1d: {  	s5 =	simm.s32 @p1 $0x1;
	p0 =	seq.s32 s7, s2  }
0x1e: {  	s7 =	smul.u32 @!p0 $0xF7A, s2;
	p2 =	seq.s32 @!p0 s5, $0x0  }
0x1f: {  	s9 =	smul.u32 $0xF7A, s1;
	s8 =	simm.s32 @!p0 $0x1BF5;
	p2 =	por !p2, p0  }
0x20: {  	[sflag:s8] =	ssyncset.s32 @!p0 $0xFFFFF086;
	s6 =	sadd.s32 @!p0 s3, s7;
	s7 =	simm.s32 @!p0 $0x108  }
0x21: {  	s3 =	sadd.s32 s3, s9;
	s6 =	sadd.s32 @!p0 $0x88, s6;
	s7 =	simm.s32 @p2 $0x1082  }
0x22: {  	[simem:s7], [sflag:s8] =	dma.local @!p0 [hbm:s6], $0xF7A  }
0x23: {  	s9 =	sor.u32 $0xD0000000, s2;
	s6 =	simm.s32 $0x108;
	_ =	swait.ge @!p0 [sflag:s8], $0x0  }
0x24: {  	s3 =	sadd.s32 $0x88, s3;
	s6 =	simm.s32 @!p1 $0x1082;
	[sflag:s4] =	ssyncset.s32 $0xFFFFF086  }
0x25: {  	[simem:s6], [sflag:s4] =	dma.local [hbm:s3], $0xF7A  }
0x26: {  	[smem:$0x3F87] =	sst s1;
	(tag) =	ssettag s2;
	_ =	strace s9  }
0x27: {  	s1 =	sld [smem:$0x3F97]  }
0x28: {  	s2 =	sld [smem:$0x3F98]  }
0x29: {  	s4 =	sld [smem:$0x3F9A]  }
0x2a: {  	p0 =	seq.s32 s5, $0x0;
	s5 =	sld [smem:$0x3F9B]  }
0x2b: {  	s6 =	sld [smem:$0x3F9C]  }
0x2c: {  	s7 =	sld [smem:$0x3F9D]  }
0x2d: {  	s3 =	simm.s32 $0x108;
	s8 =	sld [smem:$0x3F9E]  }
0x2e: {  	s3 =	simm.s32 @!p0 $0x1082;
	s9 =	sld [smem:$0x3F9F]  }
0x2f: {  	lr =	sadd.s32 s0, s3;
	s0 =	sld [smem:$0x3F96]  }
0x30: {  	s3 =	sld [smem:$0x3F99]  }
0x31: {  	[smem:$0x3FA2] =	sst s10  }
0x32: {  	s10 =	sld [smem:$0x3FA0];
	_ =	sdelay $0x3  }
0x33: {  	p0 =	seq.s32 s10, $0x1;
	s10 =	sld [smem:$0x3FA2];
	_ =	sdelay $0x3  }
0x34: {  	[smem:$0x3FA2] =	sst s10  }
0x35: {  	s10 =	sld [smem:$0x3FA1];
	_ =	sdelay $0x3  }
0x36: {  	p1 =	seq.s32 s10, $0x1;
	s10 =	sld [smem:$0x3FA2];
	_ =	sdelay $0x3  }
0x37: {  	[smem:$0x3FA2] =	sst s10  }
0x38: {  	s10 =	sld [smem:$0x3FA3]  }
0x39: {  	_ = 	snop;
	(pc) =	sbr.ind lr, $3  }
0x3a: {  	_ = 	snop  }
0x3b: {  	_ = 	snop  }
0x3c: {  	p2 =	seq.s32 s10, $0x1;
	s10 =	sld [smem:$0x3FA2]  }
0x3d: {  	_ =	shalt  }
0x3e: {  	_ =	shalt  }
0x3f: {  	_ =	shalt  }
0x40: {  	_ =	shalt  }
0x41: {  	_ =	shalt  }
0x42: {  	_ =	shalt  }
0x43: {  	_ =	shalt  }
0x44: {  	_ =	shalt  }
0x45: {  	_ =	shalt  }
0x46: {  	_ =	shalt  }
0x47: {  	_ =	shalt  }
0x48: {  	_ =	shalt  }
0x49: {  	_ =	shalt  }
0x4a: {  	_ =	shalt  }
0x4b: {  	_ =	shalt  }
0x4c: {  	_ =	shalt  }
0x4d: {  	_ =	shalt  }
0x4e: {  	_ =	shalt  }
0x4f: {  	_ =	shalt  }
0x50: {  	_ =	shalt  }
0x51: {  	_ =	shalt  }
0x52: {  	_ =	shalt  }
0x53: {  	_ =	shalt  }
0x54: {  	_ =	shalt  }
0x55: {  	_ =	shalt  }
0x56: {  	_ =	shalt  }
0x57: {  	_ =	shalt  }
0x58: {  	_ =	shalt  }
0x59: {  	_ =	shalt  }
0x5a: {  	_ =	shalt  }
0x5b: {  	_ =	shalt  }
0x5c: {  	_ =	shalt  }
0x5d: {  	_ =	shalt  }
0x5e: {  	_ =	shalt  }
0x5f: {  	_ =	shalt  }
0x60: {  	_ =	shalt  }
0x61: {  	_ =	shalt  }
0x62: {  	_ =	shalt  }
0x63: {  	_ =	shalt  }
0x64: {  	_ =	shalt  }
0x65: {  	_ =	shalt  }
0x66: {  	_ =	shalt  }
0x67: {  	_ =	shalt  }
0x68: {  	_ =	shalt  }
0x69: {  	_ =	shalt  }
0x6a: {  	_ =	shalt  }
0x6b: {  	_ =	shalt  }
0x6c: {  	_ =	shalt  }
0x6d: {  	_ =	shalt  }
0x6e: {  	_ =	shalt  }
0x6f: {  	_ =	shalt  }
0x70: {  	_ =	shalt  }
0x71: {  	_ =	shalt  }
0x72: {  	_ =	shalt  }
0x73: {  	_ =	shalt  }
0x74: {  	_ =	shalt  }
0x75: {  	_ =	shalt  }
0x76: {  	_ =	shalt  }
0x77: {  	_ =	shalt  }
0x78: {  	_ =	shalt  }
0x79: {  	_ =	shalt  }
0x7a: {  	_ =	shalt  }
0x7b: {  	_ =	shalt  }
0x7c: {  	_ =	shalt  }
0x7d: {  	_ =	shalt  }
0x7e: {  	_ =	shalt  }
0x7f: {  	_ =	shalt  }
0x80: {  	_ =	shalt  }
0x81: {  	_ =	shalt  }
0x82: {  	_ =	shalt  }
0x83: {  	_ =	shalt  }
0x84: {  	_ =	shalt  }
0x85: {  	_ =	shalt  }
0x86: {  	_ =	shalt  }
0x87: {  	_ =	shalt  }
.Lfunc_end0:
.L_simem_size_0:
called_computation.2_lowered:
.L_overlay_start_0:
0x88: {  	s2 =	sld [smem:$0x3FD9]  }
0x89: {  	s3 =	sld [smem:$0x3FFE];
	_ =	sdelay $0x1  }
0x8a: {  	s1 =	srdreg.scid  }
0x8b: {  	s0 =	sand.u32 $0x1, s1  }
0x8c: {  	s17 =	sshll.u32 s0, $0xA;
	s2 =	sadd.s32 s3, s2  }
0x8d: {  	s2 =	sadd.s32 s2, s17  }
0x8e: {  	[smem:$0x3FAE] =	sst s2  }
0x8f: {  	_ = 	snop  }
0x90: {  	s2 =	sld [smem:$0x3FD0];
	(tm) =	ssettm $0x1  }
0x91: {  	s18 =	sld [smem:$0x3FFB];
	_ =	sdelay $0x3  }
0x92: {  	_ =	strace s18  }
0x93: {  	s3 =	sld [smem:$0x3FFC];
	_ =	sdelay $0x3  }
0x94: {  	_ =	strace s3  }
0x95: {  	s3 =	sld [smem:$0x3FFD];
	_ =	sdelay $0x3  }
0x96: {  	_ =	strace s3  }
0x97: {  	_ =	strace $0x8FFFFFFF  }
0x98: {  	s19 =	sld [smem:$0x3FDB];
	_ =	sdelay $0x1  }
0x99: {  	s4 =	simm.s32 $_scs_section_size  }
0x9a: {  	s5 =	simm.s32 $_size__tile_overlayer_lowered;
	s6 =	simm.s32 $_tile_overlayer_lowered  }
0x9b: {  	s22 =	simm.s32 $0x1BFF;
	s21 =	sshll.u32 s6, $0x1;
	s3 =	sadd.s32 s4, s19  }
0x9c: {  	s7 =	simm.s32 $0x0;
	s20 =	sshll.u32 s5, $0x1;
	s5 =	sadd.s32 s21, s3  }
0x9d: {  	[timem:s7], [sflag:s22] =	dma.local [hbm:s5], s20  }
0x9e: {  	_ =	swait.ge [sflag:s22], s20  }
0x9f: {  	s4 =	ssub.s32 $0x0, s20;
	[sflag:s22] =	ssyncset.done $0x0  }
0xa0: {  	[sflag:s22] =	ssyncadd.s32 s4;
	_ =	sdelay $0x1  }
0xa1: {  	s23 =	simm.s32 $0x1B8B  }
0xa2: {  	_ =	swait.ge [sflag:s23], $0x1  }
0xa3: {  	[sflag:s23] =	ssyncset.done $0x0  }
0xa4: {  	s25 =	simm.s32 $0x1B8E;
	s24 =	sld [smem:$0x3FFE];
	[sflag:s23] =	ssyncadd.s32 $0xFFFFFFFF  }
0xa5: {  	s26 =	simm.s32 $execute0_lowered;
	[smem:$0x3FD2] =	sst s25  }
0xa6: {  	s5 =	sshll.u32 s26, $0x1;
	_ =	strace $0x8000004C;
	[dreg:$0x1] =	wrdreg $0xFFFFFFFF  }
0xa7: {  	s28 =	simm.s32 $_size_execute0_lowered;
	s3 =	sadd.s32 s3, s5;
	[dreg:$0x0] =	wrdreg $0x0  }
0xa8: {  	s5 =	sshll.u32 s28, $0x1;
	[dreg:$0x2] =	wrdreg s3  }
0xa9: {  	[dreg:$0x3] =	wrdreg s5  }
0xaa: {  	[dreg:$0x4] =	wrdreg $0xC0  }
0xab: {  	_ =	task [dreg:s7], $0x5FFFF  }
0xac: {  	[dreg:$0x1] =	wrdreg $0xFFFFFFFF  }
0xad: {  	[dreg:$0x0] =	wrdreg $0x60  }
0xae: {  	[dreg:$0x2] =	wrdreg s24  }
0xaf: {  	[dreg:$0x3] =	wrdreg s2  }
0xb0: {  	[dreg:$0x4] =	wrdreg $0xB8000  }
0xb1: {  	[dreg:$0x5] =	wrdreg $0x9  }
0xb2: {  	_ =	task.clear_ibuf [dreg:s7], $0x6FFFF;
	_ =	strace $0x9000004C  }
0xb3: {  	s29 =	simm.s32 $0x9;
	_ =	strace $0x8000004E  }
0xb4: {  	_ =	swait.ge [sflag:s29], $0x1  }
0xb5: {  	[sflag:s29] =	ssyncadd.s32 $0xFFFFFFFF  }
0xb6: {  	_ =	strace $0x9000004E  }
0xb7: {  	_ =	sfence  }
0xb8: {  	s30 =	sld [smem:$0x0];
	_ =	sdelay $0x2  }
0xb9: {  	s31 =	sshll.u32 s1, $0xD;
	s1 =	sshrl.u32 s1, $0x2  }
0xba: {  	s3 =	sand.u32 $0x4000, s31;
	s1 =	sadd.s32 s1, s30  }
0xbb: {  	s0 =	sor.u32 s3, s0;
	s1 =	sshll.u32 s1, $0x11  }
0xbc: {  	s0 =	sor.u32 s1, s0  }
0xbd: {  	s0 =	sadd.s32 $0x8F2B, s0  }
0xbe: {  	[sflag:s0] =	ssyncadd.remote.s32 $0x1  }
0xbf: {  	_ =	sfence.sel $0xFFFF  }
0xc0: {  	[dreg:$0x0] =	wrdreg $0xFFFFFFFF;
	(pc) =	sbr.abs _section_cstart, $3  }
0xc1: {  	[dreg:$0x1] =	wrdreg $0xFFFFFFFF  }
0xc2: {  	_ =	task.clear_ibuf [dreg:s7], $0x2FFFF;
	_ =	strace $0x9FFFFFFF  }
0xc3: {  	(tm) =	ssettm $0x7FFFFFFF  }
tec
execute0_lowered:
.L_overlay_start_1:
0x0: {  	(tag) =	ssettag $0x1  }
0x1: {  	s0 =	rddreg [dreg:$0x0]  }
0x2: {  	s1 =	rddreg [dreg:$0x1]  }
0x3: {  	s2 =	rddreg [dreg:$0x2]  }
0x4: {  	s12 =	stileid.u32;
	s4 =	srdreg.scid  }
0x5: {  	s3 =	simm.s32 $0x0;
	s17 =	simm.s32 $0x4000;
	s18 =	simm.s32 $0x6800  }
0x6: {  	s28 =	simm.s32 $0x5;
	s29 =	simm.s32 $0x6;
	s5 =	smul.u32 $0x14000, s12  }
0x7: {  	s31 =	simm.s32 $0x3E00;
	s10 =	sand.u32 $0x1, s4;
	s20 =	smul.u32 $0x50000, s12  }
0x8: {  	[smem:$0x7FF] =	sst s3;
	s14 =	sadd.s32 $0xEABE00, s0;
	s26 =	smul.u32 $0x27100, s12  }
0x9: {  	s23 =	sshll.u32 s12, $0x6;
	s4 =	smul.u32 $0x140000, s10;
	_ =	strace $0x8000004D  }
0xa: {  	s21 =	ssub.s32 $0x2, s10;
	s7 =	sshll.u32 s10, $0x4;
	s16 =	smul.u32 $0x271000, s10  }
0xb: {  	s6 =	sshrl.u32 s5, $0x3;
	s8 =	sshrl.u32 s21, $0x1;
	s7 =	sor.u32 s12, s7  }
0xc: {  	s4 =	sadd.s32 s5, s4;
	s19 =	sadd.s32 s6, s0;
	s22 =	smul.u32 $0x138800, s7  }
0xd: {  	s6 =	sshrl.u32 s20, $0x2;
	s13 =	ssub.s32 s21, s8;
	s24 =	smul.u32 $0x27100, s7  }
0xe: {  	s5 =	sor.u32 $0x1C07, s23;
	s7 =	sshll.u32 s7, $0xB;
	s30 =	sadd.s32 s16, s14  }
0xf: {  	s16 =	simm.s32 $0x7;
	s20 =	simm.s32 $0x50;
	s21 =	simm.s32 $0x9000  }
0x10: {  	s4 =	sshrl.u32 s4, $0x3;
	s15 =	sadd.s32 s6, s2;
	s6 =	sadd.s32 s1, s7  }
0x11: {  	s13 =	smax.u32 s13, $0x1;
	s0 =	sadd.s32 s4, s0;
	s4 =	sadd.s32 $0x5E00, s19  }
0x12: {  	s9 =	sshrl.u32 s22, $0x3;
	s7 =	sadd.s32 s14, s24;
	s15 =	sshrl.u32 s15, $0x3  }
0x13: {  	s19 =	simm.s32 $0x1;
	s22 =	simm.s32 $0x2;
	s24 =	simm.s32 $0x4  }
0x14: {  	s25 =	sadd.s32 s14, s9;
	s12 =	sadd.s32 $0x2DE00, s0;
	s14 =	sadd.s32 s26, s30  }
0x15: {  	s0 =	simm.s32 $0x0;
	s8 =	sadd.s32 $0x500, s25;
	s9 =	sadd.s32 $0xA00, s25  }
0x16: {  	s10 =	sadd.s32 $0xF00, s25;
	s11 =	sadd.s32 $0x1400, s25;
	s25 =	simm.s32 $0x3  }
.LBB2_1:
0x17: {  	[spmem:s15], [sflag:s5] =	dma.local [hbm:s4], $0x2800  }
0x18: {  	_ =	swait.ge [sflag:s16], $0x2800  }
0x19: {  	[sflag:s16] =	ssyncset.done $0x0  }
0x1a: {  	[sflag:s16] =	ssyncadd.s32 $0xFFFFD800  }
0x1b: {  	[tilespmem:s3], [sflag:$0x7] =	stream.linear.gather [hbm4b:s6+s3], $0x3E80, $0x38;
	[tilespmem:$0x1F800] =	vst v63  }
0x1c: {  	_ =	swait.ge [sflag:s16], $0x3E80  }
0x1d: {  	[sflag:s16] =	ssyncset.done $0x0  }
0x1e: {  	[sflag:s16] =	ssyncadd.s32 $0xFFFFC180  }
0x1f: {  	[bflag:$0x0] =	sbarrier.arrive $0xFFFF  }
0x20: {  	[tilespmem:s17], [sflag:$0x1] =	stream.linear.gather [hbm4b:s7+s3], $0x2800, $0x38;
	[tilespmem:$0x1F800] =	vst v63  }
0x21: {  	_ = 	snop  }
0x22: {  	[tilespmem:s18], [sflag:$0x2] =	stream.linear.gather [hbm4b:s8+s3], $0x2800, $0x38;
	[tilespmem:$0x1F800] =	vst v63  }
0x23: {  	_ =	swait.ge [sflag:s19], $0x2800  }
0x24: {  	[sflag:s19] =	ssyncset.done $0x0  }
0x25: {  	[sflag:s19] =	ssyncadd.s32 $0xFFFFD800  }
0x26: {  	[spmem:s2] =	stream.indirect.scatter.add.f32 [tilespmem:s17], [sflag:$0x4], $0x80, s3, s20, $0xb8;
	[tilespmem:$0x1F800] =	vst v63  }
0x27: {  	_ = 	snop  }
0x28: {  	[tilespmem:s21], [sflag:$0x3] =	stream.linear.gather [hbm4b:s9+s3], $0x2800, $0x38;
	[tilespmem:$0x1F800] =	vst v63  }
0x29: {  	_ =	swait.ge [sflag:s22], $0x2800  }
0x2a: {  	[sflag:s22] =	ssyncset.done $0x0  }
0x2b: {  	s1 =	simm.s32 $0x80;
	[sflag:s22] =	ssyncadd.s32 $0xFFFFD800  }
0x2c: {  	[spmem:s2] =	stream.indirect.scatter.add.f32 [tilespmem:s18], [sflag:$0x5], $0x80, s1, s20, $0xb8;
	[tilespmem:$0x1F800] =	vst v63  }
0x2d: {  	_ =	swait.ge [sflag:s24], $0x2800  }
0x2e: {  	[sflag:s24] =	ssyncset.done $0x0  }
0x2f: {  	[sflag:s24] =	ssyncadd.s32 $0xFFFFD800  }
0x30: {  	[tilespmem:s17], [sflag:$0x1] =	stream.linear.gather [hbm4b:s10+s3], $0x2800, $0x38;
	[tilespmem:$0x1F800] =	vst v63  }
0x31: {  	_ =	swait.ge [sflag:s25], $0x2800  }
0x32: {  	[sflag:s25] =	ssyncset.done $0x0  }
0x33: {  	s30 =	simm.s32 $0x100;
	[sflag:s25] =	ssyncadd.s32 $0xFFFFD800  }
0x34: {  	[spmem:s2] =	stream.indirect.scatter.add.f32 [tilespmem:s21], [sflag:$0x6], $0x80, s30, s20, $0xb8;
	[tilespmem:$0x1F800] =	vst v63  }
0x35: {  	_ =	swait.ge [sflag:s28], $0x2800  }
0x36: {  	[sflag:s28] =	ssyncset.done $0x0  }
0x37: {  	[sflag:s28] =	ssyncadd.s32 $0xFFFFD800  }
0x38: {  	[tilespmem:s18], [sflag:$0x2] =	stream.linear.gather [hbm4b:s11+s3], $0x2800, $0x38;
	[tilespmem:$0x1F800] =	vst v63  }
0x39: {  	_ =	swait.ge [sflag:s19], $0x2800  }
0x3a: {  	[sflag:s19] =	ssyncset.done $0x0  }
0x3b: {  	s23 =	simm.s32 $0x180;
	[sflag:s19] =	ssyncadd.s32 $0xFFFFD800  }
0x3c: {  	[spmem:s2] =	stream.indirect.scatter.add.f32 [tilespmem:s17], [sflag:$0x4], $0x80, s23, s20, $0xb8;
	[tilespmem:$0x1F800] =	vst v63  }
0x3d: {  	_ =	swait.ge [sflag:s29], $0x2800  }
0x3e: {  	s23 =	sadd.s32 $0x0, s14;
	[sflag:s29] =	ssyncset.done $0x0  }
0x3f: {  	s26 =	sadd.s32 $0x1900, s23;
	[sflag:s29] =	ssyncadd.s32 $0xFFFFD800  }
0x40: {  	[tilespmem:s21], [sflag:$0x3] =	stream.linear.gather [hbm4b:s26+s3], $0x2800, $0x38;
	[tilespmem:$0x1F800] =	vst v63  }
0x41: {  	_ =	swait.ge [sflag:s22], $0x2800  }
0x42: {  	[sflag:s22] =	ssyncset.done $0x0  }
0x43: {  	s30 =	simm.s32 $0x200;
	[sflag:s22] =	ssyncadd.s32 $0xFFFFD800  }
0x44: {  	[spmem:s2] =	stream.indirect.scatter.add.f32 [tilespmem:s18], [sflag:$0x5], $0x80, s30, s20, $0xb8;
	[tilespmem:$0x1F800] =	vst v63  }
0x45: {  	_ =	swait.ge [sflag:s24], $0x2800  }
0x46: {  	[sflag:s24] =	ssyncset.done $0x0  }
0x47: {  	s26 =	sadd.s32 $0x1E00, s23;
	[sflag:s24] =	ssyncadd.s32 $0xFFFFD800  }
0x48: {  	[tilespmem:s17], [sflag:$0x1] =	stream.linear.gather [hbm4b:s26+s3], $0x2800, $0x38;
	[tilespmem:$0x1F800] =	vst v63  }
0x49: {  	_ =	swait.ge [sflag:s25], $0x2800  }
0x4a: {  	[sflag:s25] =	ssyncset.done $0x0  }
0x4b: {  	s30 =	simm.s32 $0x280;
	[sflag:s25] =	ssyncadd.s32 $0xFFFFD800  }
0x4c: {  	[spmem:s2] =	stream.indirect.scatter.add.f32 [tilespmem:s21], [sflag:$0x6], $0x80, s30, s20, $0xb8;
	[tilespmem:$0x1F800] =	vst v63  }
0x4d: {  	_ =	swait.ge [sflag:s28], $0x2800  }
0x4e: {  	s1 =	simm.s32 $0xF00;
	[sflag:s28] =	ssyncset.done $0x0  }
0x4f: {  	s26 =	sadd.s32 $0x2300, s23;
	s23 =	simm.s32 $0x400;
	[sflag:s28] =	ssyncadd.s32 $0xFFFFD800  }
.LBB2_2:
0x50: {  	[tilespmem:s18], [sflag:$0x2] =	stream.linear.gather [hbm4b:s26+s3], $0x2800, $0x38;
	[tilespmem:$0x1F800] =	vst v63  }
0x51: {  	s26 =	smov.u32 s1  }
0x52: {  	p0 =	sne.s32 s1, $0x24900;
	s1 =	sadd.s32 $0xF00, s1;
	_ =	swait.ge [sflag:s19], $0x2800  }
0x53: {  	[sflag:s19] =	ssyncset.done $0x0  }
0x54: {  	s30 =	sadd.s32 $0xFFFFFF00, s23;
	[sflag:s19] =	ssyncadd.s32 $0xFFFFD800  }
0x55: {  	[spmem:s2] =	stream.indirect.scatter.add.f32 [tilespmem:s17], [sflag:$0x4], $0x80, s30, s20, $0xb8;
	[tilespmem:$0x1F800] =	vst v63  }
0x56: {  	_ =	swait.ge [sflag:s29], $0x2800  }
0x57: {  	s26 =	sadd.s32 s26, s14;
	[sflag:s29] =	ssyncset.done $0x0  }
0x58: {  	s30 =	sadd.s32 $0x1900, s26;
	[sflag:s29] =	ssyncadd.s32 $0xFFFFD800  }
0x59: {  	[tilespmem:s21], [sflag:$0x3] =	stream.linear.gather [hbm4b:s30+s3], $0x2800, $0x38;
	[tilespmem:$0x1F800] =	vst v63  }
0x5a: {  	_ =	swait.ge [sflag:s22], $0x2800  }
0x5b: {  	[sflag:s22] =	ssyncset.done $0x0  }
0x5c: {  	s30 =	sadd.s32 $0xFFFFFF80, s23;
	[sflag:s22] =	ssyncadd.s32 $0xFFFFD800  }
0x5d: {  	[spmem:s2] =	stream.indirect.scatter.add.f32 [tilespmem:s18], [sflag:$0x5], $0x80, s30, s20, $0xb8;
	[tilespmem:$0x1F800] =	vst v63  }
0x5e: {  	_ =	swait.ge [sflag:s24], $0x2800  }
0x5f: {  	[sflag:s24] =	ssyncset.done $0x0  }
0x60: {  	s30 =	sadd.s32 $0x1E00, s26;
	[sflag:s24] =	ssyncadd.s32 $0xFFFFD800  }
0x61: {  	[tilespmem:s17], [sflag:$0x1] =	stream.linear.gather [hbm4b:s30+s3], $0x2800, $0x38;
	[tilespmem:$0x1F800] =	vst v63  }
0x62: {  	_ =	swait.ge [sflag:s25], $0x2800  }
0x63: {  	[sflag:s25] =	ssyncset.done $0x0  }
.Ltmp0:
0x64: {  	[sflag:s25] =	ssyncadd.s32 $0xFFFFD800;
	(pc) =	sbr.rel @p0 .LBB2_2-.Ltmp0, $4  }
0x65: {  	[spmem:s2] =	stream.indirect.scatter.add.f32 [tilespmem:s21], [sflag:$0x6], $0x80, s23, s20, $0xb8;
	[tilespmem:$0x1F800] =	vst v63  }
0x66: {  	_ =	swait.ge [sflag:s28], $0x2800  }
0x67: {  	[sflag:s28] =	ssyncset.done $0x0  }
0x68: {  	s26 =	sadd.s32 $0x2300, s26;
	s23 =	sadd.s32 $0x180, s23;
	[sflag:s28] =	ssyncadd.s32 $0xFFFFD800  }
0x69: {  	[tilespmem:s18], [sflag:$0x2] =	stream.linear.gather [hbm4b:s26+s3], $0x2800, $0x38;
	[tilespmem:$0x1F800] =	vst v63  }
0x6a: {  	_ =	swait.ge [sflag:s19], $0x2800  }
0x6b: {  	[sflag:s19] =	ssyncset.done $0x0  }
0x6c: {  	s1 =	simm.s32 $0x3D80;
	[sflag:s19] =	ssyncadd.s32 $0xFFFFD800  }
0x6d: {  	[spmem:s2] =	stream.indirect.scatter.add.f32 [tilespmem:s17], [sflag:$0x4], $0x80, s1, s20, $0xb8;
	[tilespmem:$0x1F800] =	vst v63  }
0x6e: {  	_ =	swait.ge [sflag:s22], $0x2800  }
0x6f: {  	[sflag:s22] =	ssyncset.done $0x0  }
0x70: {  	[sflag:s22] =	ssyncadd.s32 $0xFFFFD800  }
0x71: {  	[spmem:s2] =	stream.indirect.scatter.add.f32 [tilespmem:s18], [sflag:$0x5], $0x80, s31, s20, $0xb8;
	[tilespmem:$0x1F800] =	vst v63  }
0x72: {  	_ =	swait.ge [sflag:s29], $0x2800  }
0x73: {  	[sflag:s29] =	ssyncset.done $0x0  }
0x74: {  	[sflag:s29] =	ssyncadd.s32 $0xFFFFD800  }
0x75: {  	_ =	swait.ge [sflag:s24], $0x2800  }
0x76: {  	[sflag:s24] =	ssyncset.done $0x0  }
0x77: {  	[sflag:s24] =	ssyncadd.s32 $0xFFFFD800  }
0x78: {  	_ =	swait.ge [sflag:s28], $0x2800  }
0x79: {  	s0 =	sadd.s32 $0x1, s0;
	[sflag:s28] =	ssyncset.done $0x0  }
0x7a: {  	p0 =	sne.s32 s0, s13;
	[sflag:s28] =	ssyncadd.s32 $0xFFFFD800  }
.Ltmp1:
0x7b: {  	[bflag:$0x0] =	sbarrier.arrive $0xFFFF;
	(pc) =	sbr.rel @p0 .LBB2_1-.Ltmp1, $4  }
0x7c: {  	[hbm:s12], [sflag:s5] =	dma.local [spmem:s15], $0x2800  }
0x7d: {  	_ =	swait.ge [sflag:s16], $0x2800  }
0x7e: {  	[sflag:s16] =	ssyncset.done $0x0  }
0x7f: {  	[sflag:s16] =	ssyncadd.s32 $0xFFFFD800  }
0x80: {  	_ =	sfence.sel $0x180000  }
0x81: {  	[bflag:$0x0] =	sbarrier.arrive $0xFFFF  }
0x82: {  	_ =	strace $0x9000004D  }
0x83: {  	s0 =	stileid.u32;
	[bflag:$0x2] =	sbarrier.arrive $0xFFFF  }
0x84: {  	p0 =	sne.s32 s0, $0x0;
	s0 =	rddreg [dreg:$0x3]  }
0x85: {  	s0 =	sadd.s32 @!p0 $0x100000, s0  }
0x86: {  	[sflag:s0] =	ssyncadd.tile.s32 @!p0 $0x1;
	_ =	shalt  }
.Lfunc_end2:
_tile_overlayer_lowered:
.L_overlay_start_2:
0x87: {  	(tag) =	ssettag $0x2  }
0x88: {  	s0 =	rddreg [dreg:$0x0];
	s2 =	stileid.u32  }
0x89: {  	s1 =	rddreg [dreg:$0x1];
	p0 =	sne.s32 s2, $0x0  }
0x8a: {  	s3 =	rddreg [dreg:$0x2];
	[bflag:$0x3] =	sbarrier.arrive $0xFFFF;
	s2 =	simm.s32 @!p0 $0x1C07  }
0x8b: {  	[timem:s3], [sflag:s2] =	dma.local @!p0 [hbm:s0], s1  }
0x8c: {  	s0 =	simm.s32 @!p0 $0x7  }
0x8d: {  	_ =	swait.ge @!p0 [sflag:s0], s1  }
0x8e: {  	s1 =	ssub.s32 @!p0 $0x0, s1;
	[sflag:s0] =	ssyncset.done @!p0 $0x0  }
0x8f: {  	[sflag:s0] =	ssyncadd.s32 @!p0 s1  }
0x90: {  	[bflag:$0x3] =	sbarrier.arrive $0xFFFF  }
0x91: {  	_ =	shalt  }

// kernel: kernel.24.cloned.1.call-start
scs
__scs_entry_jumppad:
0x0: {  	(pc) =	sbr.rel $0x88, $3  }
0x1: {  	(tag) =	ssettag $0x0;
	lr =	simm.s32 $0x1  }
0x2: {  	[smem:$0x3F87] =	sst lr;
	_ =	strace $0xD0000000  }
0x3: {  	_ = 	snop  }
0x4: {  	_ = 	snop  }
0x5: {  	_ = 	snop  }
0x6: {  	_ = 	snop  }
0x7: {  	_ = 	snop  }
__scs_overlays_trampoline_lowered:
0x8: {  	[smem:$0x3F96] =	sst s0  }
0x9: {  	[smem:$0x3F97] =	sst s1  }
0xa: {  	[smem:$0x3F98] =	sst s2  }
0xb: {  	[smem:$0x3F99] =	sst s3  }
0xc: {  	[smem:$0x3F9A] =	sst s4  }
0xd: {  	[smem:$0x3F9B] =	sst s5  }
0xe: {  	[smem:$0x3F9C] =	sst s6  }
0xf: {  	[smem:$0x3F9D] =	sst s7  }
0x10: {  	[smem:$0x3F9E] =	sst s8  }
0x11: {  	[smem:$0x3F9F] =	sst s9;
	s0 =	simm.s32 @!p0 $0x0  }
0x12: {  	s1 =	sld [smem:$0x3F85];
	s0 =	simm.s32 @p0 $0x1  }
0x13: {  	[smem:$0x3FA0] =	sst s0;
	s0 =	simm.s32 @!p1 $0x0  }
0x14: {  	s2 =	sld [smem:$0x3F84];
	s0 =	simm.s32 @p1 $0x1  }
0x15: {  	[smem:$0x3FA1] =	sst s0;
	s0 =	simm.s32 @!p2 $0x0  }
0x16: {  	s3 =	sld [smem:$0x3FDB];
	s0 =	simm.s32 @p2 $0x1  }
0x17: {  	s4 =	simm.s32 $0x1BF5;
	[smem:$0x3FA3] =	sst s0  }
0x18: {  	s0 =	sld [smem:$0x3F86];
	_ =	swait.ge [sflag:s4], $0x0  }
0x19: {  	s7 =	sld [smem:$0x3F87]  }
0x1a: {  	s8 =	sadd.s32 $0xFFFFE003, lr  }
0x1b: {  	s9 =	sadd.s32 $0xFFFFFEF7, lr;
	s5 =	simm.s32 $0xFFFFFFFF;
	p2 =	slt.u32 s8, $0xFFFFF086  }
0x1c: {  	p1 =	slt.u32 s9, $0xF7A;
	s5 =	simm.s32 @!p2 $0x0  }
0x1d: {  	s5 =	simm.s32 @p1 $0x1;
	p0 =	seq.s32 s7, s2  }
0x1e: {  	s7 =	smul.u32 @!p0 $0xF7A, s2;
	p2 =	seq.s32 @!p0 s5, $0x0  }
0x1f: {  	s9 =	smul.u32 $0xF7A, s1;
	s8 =	simm.s32 @!p0 $0x1BF5;
	p2 =	por !p2, p0  }
0x20: {  	[sflag:s8] =	ssyncset.s32 @!p0 $0xFFFFF086;
	s6 =	sadd.s32 @!p0 s3, s7;
	s7 =	simm.s32 @!p0 $0x108  }
0x21: {  	s3 =	sadd.s32 s3, s9;
	s6 =	sadd.s32 @!p0 $0x88, s6;
	s7 =	simm.s32 @p2 $0x1082  }
0x22: {  	[simem:s7], [sflag:s8] =	dma.local @!p0 [hbm:s6], $0xF7A  }
0x23: {  	s9 =	sor.u32 $0xD0000000, s2;
	s6 =	simm.s32 $0x108;
	_ =	swait.ge @!p0 [sflag:s8], $0x0  }
0x24: {  	s3 =	sadd.s32 $0x88, s3;
	s6 =	simm.s32 @!p1 $0x1082;
	[sflag:s4] =	ssyncset.s32 $0xFFFFF086  }
0x25: {  	[simem:s6], [sflag:s4] =	dma.local [hbm:s3], $0xF7A  }
0x26: {  	[smem:$0x3F87] =	sst s1;
	(tag) =	ssettag s2;
	_ =	strace s9  }
0x27: {  	s1 =	sld [smem:$0x3F97]  }
0x28: {  	s2 =	sld [smem:$0x3F98]  }
0x29: {  	s4 =	sld [smem:$0x3F9A]  }
0x2a: {  	p0 =	seq.s32 s5, $0x0;
	s5 =	sld [smem:$0x3F9B]  }
0x2b: {  	s6 =	sld [smem:$0x3F9C]  }
0x2c: {  	s7 =	sld [smem:$0x3F9D]  }
0x2d: {  	s3 =	simm.s32 $0x108;
	s8 =	sld [smem:$0x3F9E]  }
0x2e: {  	s3 =	simm.s32 @!p0 $0x1082;
	s9 =	sld [smem:$0x3F9F]  }
0x2f: {  	lr =	sadd.s32 s0, s3;
	s0 =	sld [smem:$0x3F96]  }
0x30: {  	s3 =	sld [smem:$0x3F99]  }
0x31: {  	[smem:$0x3FA2] =	sst s10  }
0x32: {  	s10 =	sld [smem:$0x3FA0];
	_ =	sdelay $0x3  }
0x33: {  	p0 =	seq.s32 s10, $0x1;
	s10 =	sld [smem:$0x3FA2];
	_ =	sdelay $0x3  }
0x34: {  	[smem:$0x3FA2] =	sst s10  }
0x35: {  	s10 =	sld [smem:$0x3FA1];
	_ =	sdelay $0x3  }
0x36: {  	p1 =	seq.s32 s10, $0x1;
	s10 =	sld [smem:$0x3FA2];
	_ =	sdelay $0x3  }
0x37: {  	[smem:$0x3FA2] =	sst s10  }
0x38: {  	s10 =	sld [smem:$0x3FA3]  }
0x39: {  	_ = 	snop;
	(pc) =	sbr.ind lr, $3  }
0x3a: {  	_ = 	snop  }
0x3b: {  	_ = 	snop  }
0x3c: {  	p2 =	seq.s32 s10, $0x1;
	s10 =	sld [smem:$0x3FA2]  }
0x3d: {  	_ =	shalt  }
0x3e: {  	_ =	shalt  }
0x3f: {  	_ =	shalt  }
0x40: {  	_ =	shalt  }
0x41: {  	_ =	shalt  }
0x42: {  	_ =	shalt  }
0x43: {  	_ =	shalt  }
0x44: {  	_ =	shalt  }
0x45: {  	_ =	shalt  }
0x46: {  	_ =	shalt  }
0x47: {  	_ =	shalt  }
0x48: {  	_ =	shalt  }
0x49: {  	_ =	shalt  }
0x4a: {  	_ =	shalt  }
0x4b: {  	_ =	shalt  }
0x4c: {  	_ =	shalt  }
0x4d: {  	_ =	shalt  }
0x4e: {  	_ =	shalt  }
0x4f: {  	_ =	shalt  }
0x50: {  	_ =	shalt  }
0x51: {  	_ =	shalt  }
0x52: {  	_ =	shalt  }
0x53: {  	_ =	shalt  }
0x54: {  	_ =	shalt  }
0x55: {  	_ =	shalt  }
0x56: {  	_ =	shalt  }
0x57: {  	_ =	shalt  }
0x58: {  	_ =	shalt  }
0x59: {  	_ =	shalt  }
0x5a: {  	_ =	shalt  }
0x5b: {  	_ =	shalt  }
0x5c: {  	_ =	shalt  }
0x5d: {  	_ =	shalt  }
0x5e: {  	_ =	shalt  }
0x5f: {  	_ =	shalt  }
0x60: {  	_ =	shalt  }
0x61: {  	_ =	shalt  }
0x62: {  	_ =	shalt  }
0x63: {  	_ =	shalt  }
0x64: {  	_ =	shalt  }
0x65: {  	_ =	shalt  }
0x66: {  	_ =	shalt  }
0x67: {  	_ =	shalt  }
0x68: {  	_ =	shalt  }
0x69: {  	_ =	shalt  }
0x6a: {  	_ =	shalt  }
0x6b: {  	_ =	shalt  }
0x6c: {  	_ =	shalt  }
0x6d: {  	_ =	shalt  }
0x6e: {  	_ =	shalt  }
0x6f: {  	_ =	shalt  }
0x70: {  	_ =	shalt  }
0x71: {  	_ =	shalt  }
0x72: {  	_ =	shalt  }
0x73: {  	_ =	shalt  }
0x74: {  	_ =	shalt  }
0x75: {  	_ =	shalt  }
0x76: {  	_ =	shalt  }
0x77: {  	_ =	shalt  }
0x78: {  	_ =	shalt  }
0x79: {  	_ =	shalt  }
0x7a: {  	_ =	shalt  }
0x7b: {  	_ =	shalt  }
0x7c: {  	_ =	shalt  }
0x7d: {  	_ =	shalt  }
0x7e: {  	_ =	shalt  }
0x7f: {  	_ =	shalt  }
0x80: {  	_ =	shalt  }
0x81: {  	_ =	shalt  }
0x82: {  	_ =	shalt  }
0x83: {  	_ =	shalt  }
0x84: {  	_ =	shalt  }
0x85: {  	_ =	shalt  }
0x86: {  	_ =	shalt  }
0x87: {  	_ =	shalt  }
.Lfunc_end0:
.L_simem_size_0:
called_computation.3_lowered:
.L_overlay_start_0:
0x88: {  	s2 =	sld [smem:$0x3FD9]  }
0x89: {  	s3 =	sld [smem:$0x3FFE];
	_ =	sdelay $0x1  }
0x8a: {  	s1 =	srdreg.scid  }
0x8b: {  	s0 =	sand.u32 $0x1, s1  }
0x8c: {  	s16 =	sshll.u32 s0, $0xA;
	s2 =	sadd.s32 s3, s2  }
0x8d: {  	s2 =	sadd.s32 s2, s16  }
0x8e: {  	[smem:$0x3FAE] =	sst s2  }
0x8f: {  	_ = 	snop  }
0x90: {  	(tm) =	ssettm $0x1  }
0x91: {  	s17 =	sld [smem:$0x3FFB];
	_ =	sdelay $0x3  }
0x92: {  	_ =	strace s17  }
0x93: {  	s2 =	sld [smem:$0x3FFC];
	_ =	sdelay $0x3  }
0x94: {  	_ =	strace s2  }
0x95: {  	s2 =	sld [smem:$0x3FFD];
	_ =	sdelay $0x3  }
0x96: {  	_ =	strace s2  }
0x97: {  	_ =	strace $0x8FFFFFFF  }
0x98: {  	s18 =	sld [smem:$0x3FDB];
	_ =	sdelay $0x1  }
0x99: {  	s19 =	simm.s32 $_scs_section_size  }
0x9a: {  	s4 =	simm.s32 $_size__tile_overlayer_lowered;
	s5 =	simm.s32 $_tile_overlayer_lowered  }
0x9b: {  	s22 =	simm.s32 $0x1BFF;
	s21 =	sshll.u32 s5, $0x1;
	s2 =	sadd.s32 s19, s18  }
0x9c: {  	s6 =	simm.s32 $0x0;
	s20 =	sshll.u32 s4, $0x1;
	s4 =	sadd.s32 s21, s2  }
0x9d: {  	[timem:s6], [sflag:s22] =	dma.local [hbm:s4], s20  }
0x9e: {  	_ =	swait.ge [sflag:s22], s20  }
0x9f: {  	s3 =	ssub.s32 $0x0, s20;
	[sflag:s22] =	ssyncset.done $0x0  }
0xa0: {  	[sflag:s22] =	ssyncadd.s32 s3;
	_ =	sdelay $0x1  }
0xa1: {  	s23 =	simm.s32 $0x1B8B  }
0xa2: {  	_ =	swait.ge [sflag:s23], $0x1  }
0xa3: {  	[sflag:s23] =	ssyncset.done $0x0  }
0xa4: {  	s25 =	simm.s32 $0x1B8E;
	s24 =	sld [smem:$0x3FFE];
	[sflag:s23] =	ssyncadd.s32 $0xFFFFFFFF  }
0xa5: {  	s26 =	simm.s32 $execute0_lowered;
	[smem:$0x3FD2] =	sst s25  }
0xa6: {  	s4 =	sshll.u32 s26, $0x1;
	_ =	strace $0x8000004F;
	[dreg:$0x1] =	wrdreg $0xFFFFFFFF  }
0xa7: {  	s28 =	simm.s32 $_size_execute0_lowered;
	s2 =	sadd.s32 s2, s4;
	[dreg:$0x0] =	wrdreg $0x0  }
0xa8: {  	s4 =	sshll.u32 s28, $0x1;
	[dreg:$0x2] =	wrdreg s2  }
0xa9: {  	[dreg:$0x3] =	wrdreg s4  }
0xaa: {  	[dreg:$0x4] =	wrdreg $0xC0  }
0xab: {  	_ =	task [dreg:s6], $0x5FFFF  }
0xac: {  	[dreg:$0x1] =	wrdreg $0xFFFFFFFF  }
0xad: {  	[dreg:$0x0] =	wrdreg $0x60  }
0xae: {  	[dreg:$0x2] =	wrdreg s24  }
0xaf: {  	[dreg:$0x3] =	wrdreg $0xB8000  }
0xb0: {  	[dreg:$0x4] =	wrdreg $0x9  }
0xb1: {  	_ =	task.clear_ibuf [dreg:s6], $0x5FFFF;
	_ =	strace $0x9000004F  }
0xb2: {  	s29 =	simm.s32 $0x9;
	_ =	strace $0x80000051  }
0xb3: {  	_ =	swait.ge [sflag:s29], $0x1  }
0xb4: {  	[sflag:s29] =	ssyncadd.s32 $0xFFFFFFFF  }
0xb5: {  	_ =	strace $0x90000051  }
0xb6: {  	_ =	sfence  }
0xb7: {  	s30 =	sld [smem:$0x0];
	_ =	sdelay $0x2  }
0xb8: {  	s31 =	sshll.u32 s1, $0xD;
	s1 =	sshrl.u32 s1, $0x2  }
0xb9: {  	s3 =	sand.u32 $0x4000, s31;
	s1 =	sadd.s32 s1, s30  }
0xba: {  	s0 =	sor.u32 s3, s0;
	s1 =	sshll.u32 s1, $0x11  }
0xbb: {  	s0 =	sor.u32 s1, s0  }
0xbc: {  	s0 =	sadd.s32 $0x8F2B, s0  }
0xbd: {  	[sflag:s0] =	ssyncadd.remote.s32 $0x1  }
0xbe: {  	_ =	sfence.sel $0xFFFF  }
0xbf: {  	[dreg:$0x0] =	wrdreg $0xFFFFFFFF;
	(pc) =	sbr.abs _section_cstart, $3  }
0xc0: {  	[dreg:$0x1] =	wrdreg $0xFFFFFFFF  }
0xc1: {  	_ =	task.clear_ibuf [dreg:s6], $0x2FFFF;
	_ =	strace $0x9FFFFFFF  }
0xc2: {  	(tm) =	ssettm $0x7FFFFFFF  }
0xc3: {  	_ =	shalt  }
tec
execute0_lowered:
.L_overlay_start_1:
0x0: {  	(tag) =	ssettag $0x1  }
0x1: {  	s0 =	rddreg [dreg:$0x0]  }
0x2: {  	s2 =	rddreg [dreg:$0x1]  }
0x3: {  	s10 =	stileid.u32;
	s1 =	srdreg.scid  }
0x4: {  	s3 =	simm.s32 $0x0;
	s15 =	simm.s32 $0x7;
	s16 =	simm.s32 $0x50  }
0x5: {  	s17 =	simm.s32 $0x4000;
	s19 =	simm.s32 $0x6800;
	s20 =	simm.s32 $0x1  }
0x6: {  	s28 =	simm.s32 $0x5;
	s29 =	simm.s32 $0x200;
	s30 =	simm.s32 $0x6  }
0x7: {  	s31 =	simm.s32 $0x0;
	s4 =	smul.u32 $0x2800, s10;
	s1 =	sand.u32 $0x1, s1  }
0x8: {  	[smem:$0x7FF] =	sst s3;
	s8 =	smul.u32 $0x50000, s10;
	s25 =	sshll.u32 s10, $0x6  }
0x9: {  	s13 =	smul.u32 $0x27100, s10;
	s5 =	sshll.u32 s1, $0x4;
	_ =	strace $0x80000050  }
0xa: {  	s7 =	ssub.s32 $0x2, s1;
	s1 =	smul.u32 $0x271000, s1;
	s4 =	sadd.s32 s4, s0  }
0xb: {  	s6 =	sor.u32 s10, s5;
	s22 =	sshrl.u32 s7, $0x1;
	s23 =	sshrl.u32 s8, $0x2  }
0xc: {  	s5 =	sshll.u32 s6, $0xB;
	s12 =	ssub.s32 s7, s22;
	s24 =	smul.u32 $0x138800, s6  }
0xd: {  	s14 =	sadd.s32 s23, s2;
	s4 =	sadd.s32 $0x2DE00, s4;
	s26 =	smul.u32 $0x27100, s6  }
0xe: {  	s22 =	simm.s32 $0x9000;
	s23 =	simm.s32 $0x2;
	s9 =	sadd.s32 s5, s0  }
0xf: {  	s0 =	sadd.s32 $0x8DE00, s0;
	s5 =	sor.u32 $0x1C07, s25;
	s12 =	smax.u32 s12, $0x1  }
0x10: {  	s14 =	sshrl.u32 s14, $0x3;
	s25 =	simm.s32 $0x180;
	s7 =	sshrl.u32 s24, $0x3  }
0x11: {  	s6 =	sadd.s32 $0x7DE00, s9;
	s24 =	simm.s32 $0x4;
	s11 =	sadd.s32 s0, s7  }
0x12: {  	s7 =	sadd.s32 s0, s26;
	s0 =	sadd.s32 s1, s0;
	s26 =	simm.s32 $0x3  }
0x13: {  	s8 =	sadd.s32 $0x500, s11;
	s9 =	sadd.s32 $0xA00, s11;
	s0 =	sadd.s32 s13, s0  }
0x14: {  	s10 =	sadd.s32 $0x26700, s11;
	s11 =	sadd.s32 $0x26C00, s11;
	s13 =	sadd.s32 $0xF00, s0  }
.LBB2_1:
0x15: {  	[spmem:s14], [sflag:s5] =	dma.local [hbm:s4], $0x2800  }
0x16: {  	_ =	swait.ge [sflag:s15], $0x2800  }
0x17: {  	[sflag:s15] =	ssyncset.done $0x0  }
0x18: {  	[sflag:s15] =	ssyncadd.s32 $0xFFFFD800  }
0x19: {  	[tilespmem:s3], [sflag:$0x7] =	stream.linear.gather [hbm4b:s6+s3], $0x3E80, $0x38;
	[tilespmem:$0x1F800] =	vst v63  }
0x1a: {  	_ =	swait.ge [sflag:s15], $0x3E80  }
0x1b: {  	[sflag:s15] =	ssyncset.done $0x0  }
0x1c: {  	[sflag:s15] =	ssyncadd.s32 $0xFFFFC180  }
0x1d: {  	[bflag:$0x0] =	sbarrier.arrive $0xFFFF  }
0x1e: {  	[tilespmem:s17], [sflag:$0x1] =	stream.indirect.gather [spmem:s2], $0x80, s3, s16, $0xb8;
	[tilespmem:$0x1F800] =	vst v63  }
0x1f: {  	s0 =	simm.s32 $0x80  }
0x20: {  	[tilespmem:s19], [sflag:$0x2] =	stream.indirect.gather [spmem:s2], $0x80, s0, s16, $0xb8;
	[tilespmem:$0x1F800] =	vst v63  }
0x21: {  	_ =	swait.ge [sflag:s20], $0x2800  }
0x22: {  	[sflag:s20] =	ssyncset.done $0x0  }
0x23: {  	[sflag:s20] =	ssyncadd.s32 $0xFFFFD800  }
0x24: {  	[hbm4b:s7+s3] =	stream.linear.scatter [tilespmem:s17], [sflag:$0x4], $0x2800, $0x38;
	[tilespmem:$0x1F800] =	vst v63  }
0x25: {  	s18 =	simm.s32 $0x100  }
0x26: {  	[tilespmem:s22], [sflag:$0x3] =	stream.indirect.gather [spmem:s2], $0x80, s18, s16, $0xb8;
	[tilespmem:$0x1F800] =	vst v63  }
0x27: {  	_ =	swait.ge [sflag:s23], $0x2800  }
0x28: {  	[sflag:s23] =	ssyncset.done $0x0  }
0x29: {  	[sflag:s23] =	ssyncadd.s32 $0xFFFFD800  }
0x2a: {  	[hbm4b:s8+s3] =	stream.linear.scatter [tilespmem:s19], [sflag:$0x5], $0x2800, $0x38;
	[tilespmem:$0x1F800] =	vst v63  }
0x2b: {  	_ =	swait.ge [sflag:s24], $0x2800  }
0x2c: {  	[sflag:s24] =	ssyncset.done $0x0  }
0x2d: {  	[sflag:s24] =	ssyncadd.s32 $0xFFFFD800  }
0x2e: {  	[tilespmem:s17], [sflag:$0x1] =	stream.indirect.gather [spmem:s2], $0x80, s25, s16, $0xb8;
	[tilespmem:$0x1F800] =	vst v63  }
0x2f: {  	_ =	swait.ge [sflag:s26], $0x2800  }
0x30: {  	[sflag:s26] =	ssyncset.done $0x0  }
0x31: {  	[sflag:s26] =	ssyncadd.s32 $0xFFFFD800  }
0x32: {  	[hbm4b:s9+s3] =	stream.linear.scatter [tilespmem:s22], [sflag:$0x6], $0x2800, $0x38;
	[tilespmem:$0x1F800] =	vst v63  }
0x33: {  	_ =	swait.ge [sflag:s28], $0x2800  }
0x34: {  	[sflag:s28] =	ssyncset.done $0x0  }
0x35: {  	[sflag:s28] =	ssyncadd.s32 $0xFFFFD800  }
0x36: {  	[tilespmem:s19], [sflag:$0x2] =	stream.indirect.gather [spmem:s2], $0x80, s29, s16, $0xb8;
	[tilespmem:$0x1F800] =	vst v63  }
0x37: {  	_ =	swait.ge [sflag:s20], $0x2800  }
0x38: {  	[sflag:s20] =	ssyncset.done $0x0  }
0x39: {  	[sflag:s20] =	ssyncadd.s32 $0xFFFFD800  }
0x3a: {  	[hbm4b:s13+s3] =	stream.linear.scatter [tilespmem:s17], [sflag:$0x4], $0x2800, $0x38;
	[tilespmem:$0x1F800] =	vst v63  }
0x3b: {  	_ =	swait.ge [sflag:s30], $0x2800  }
0x3c: {  	[sflag:s30] =	ssyncset.done $0x0  }
0x3d: {  	s21 =	simm.s32 $0x280;
	[sflag:s30] =	ssyncadd.s32 $0xFFFFD800  }
0x3e: {  	[tilespmem:s22], [sflag:$0x3] =	stream.indirect.gather [spmem:s2], $0x80, s21, s16, $0xb8;
	[tilespmem:$0x1F800] =	vst v63  }
0x3f: {  	_ =	swait.ge [sflag:s23], $0x2800  }
0x40: {  	[sflag:s23] =	ssyncset.done $0x0  }
0x41: {  	s1 =	sadd.s32 $0x500, s13;
	[sflag:s23] =	ssyncadd.s32 $0xFFFFD800  }
0x42: {  	[hbm4b:s1+s3] =	stream.linear.scatter [tilespmem:s19], [sflag:$0x5], $0x2800, $0x38;
	[tilespmem:$0x1F800] =	vst v63  }
0x43: {  	_ =	swait.ge [sflag:s24], $0x2800  }
0x44: {  	[sflag:s24] =	ssyncset.done $0x0  }
0x45: {  	s18 =	simm.s32 $0x300;
	[sflag:s24] =	ssyncadd.s32 $0xFFFFD800  }
0x46: {  	[tilespmem:s17], [sflag:$0x1] =	stream.indirect.gather [spmem:s2], $0x80, s18, s16, $0xb8;
	[tilespmem:$0x1F800] =	vst v63  }
0x47: {  	_ =	swait.ge [sflag:s26], $0x2800  }
0x48: {  	[sflag:s26] =	ssyncset.done $0x0  }
0x49: {  	s21 =	sadd.s32 $0xA00, s13;
	[sflag:s26] =	ssyncadd.s32 $0xFFFFD800  }
0x4a: {  	[hbm4b:s21+s3] =	stream.linear.scatter [tilespmem:s22], [sflag:$0x6], $0x2800, $0x38;
	[tilespmem:$0x1F800] =	vst v63  }
0x4b: {  	_ =	swait.ge [sflag:s28], $0x2800  }
0x4c: {  	s0 =	simm.s32 $0x600;
	[sflag:s28] =	ssyncset.done $0x0  }
0x4d: {  	s1 =	sadd.s32 $0xF00, s13;
	s18 =	simm.s32 $0x380;
	[sflag:s28] =	ssyncadd.s32 $0xFFFFD800  }
.LBB2_2:
0x4e: {  	[tilespmem:s19], [sflag:$0x2] =	stream.indirect.gather [spmem:s2], $0x80, s18, s16, $0xb8;
	[tilespmem:$0x1F800] =	vst v63  }
0x4f: {  	s18 =	smov.u32 s0  }
0x50: {  	p0 =	sne.s32 s0, $0xEA00;
	s0 =	sadd.s32 $0x600, s0;
	_ =	swait.ge [sflag:s20], $0x2800  }
0x51: {  	[sflag:s20] =	ssyncset.done $0x0  }
0x52: {  	[sflag:s20] =	ssyncadd.s32 $0xFFFFD800  }
0x53: {  	[hbm4b:s1+s3] =	stream.linear.scatter [tilespmem:s17], [sflag:$0x4], $0x2800, $0x38;
	[tilespmem:$0x1F800] =	vst v63  }
0x54: {  	_ =	swait.ge [sflag:s30], $0x2800  }
0x55: {  	s18 =	sshra.s32 s18, $0x2;
	[sflag:s30] =	ssyncset.done $0x0  }
0x56: {  	s21 =	sadd.s32 $0x280, s18;
	[sflag:s30] =	ssyncadd.s32 $0xFFFFD800  }
0x57: {  	[tilespmem:s22], [sflag:$0x3] =	stream.indirect.gather [spmem:s2], $0x80, s21, s16, $0xb8;
	[tilespmem:$0x1F800] =	vst v63  }
0x58: {  	_ =	swait.ge [sflag:s23], $0x2800  }
0x59: {  	[sflag:s23] =	ssyncset.done $0x0  }
0x5a: {  	s21 =	sadd.s32 $0x500, s1;
	[sflag:s23] =	ssyncadd.s32 $0xFFFFD800  }
0x5b: {  	[hbm4b:s21+s3] =	stream.linear.scatter [tilespmem:s19], [sflag:$0x5], $0x2800, $0x38;
	[tilespmem:$0x1F800] =	vst v63  }
0x5c: {  	_ =	swait.ge [sflag:s24], $0x2800  }
0x5d: {  	[sflag:s24] =	ssyncset.done $0x0  }
0x5e: {  	s21 =	sadd.s32 $0x300, s18;
	[sflag:s24] =	ssyncadd.s32 $0xFFFFD800  }
0x5f: {  	[tilespmem:s17], [sflag:$0x1] =	stream.indirect.gather [spmem:s2], $0x80, s21, s16, $0xb8;
	[tilespmem:$0x1F800] =	vst v63  }
0x60: {  	_ =	swait.ge [sflag:s26], $0x2800  }
0x61: {  	[sflag:s26] =	ssyncset.done $0x0  }
.Ltmp0:
0x62: {  	s21 =	sadd.s32 $0xA00, s1;
	[sflag:s26] =	ssyncadd.s32 $0xFFFFD800;
	(pc) =	sbr.rel @p0 .LBB2_2-.Ltmp0, $4  }
0x63: {  	[hbm4b:s21+s3] =	stream.linear.scatter [tilespmem:s22], [sflag:$0x6], $0x2800, $0x38;
	[tilespmem:$0x1F800] =	vst v63  }
0x64: {  	_ =	swait.ge [sflag:s28], $0x2800  }
0x65: {  	[sflag:s28] =	ssyncset.done $0x0  }
0x66: {  	s18 =	sadd.s32 $0x380, s18;
	s1 =	sadd.s32 $0xF00, s1;
	[sflag:s28] =	ssyncadd.s32 $0xFFFFD800  }
0x67: {  	[tilespmem:s19], [sflag:$0x2] =	stream.indirect.gather [spmem:s2], $0x80, s18, s16, $0xb8;
	[tilespmem:$0x1F800] =	vst v63  }
0x68: {  	_ =	swait.ge [sflag:s20], $0x2800  }
0x69: {  	[sflag:s20] =	ssyncset.done $0x0  }
0x6a: {  	[sflag:s20] =	ssyncadd.s32 $0xFFFFD800  }
0x6b: {  	[hbm4b:s10+s3] =	stream.linear.scatter [tilespmem:s17], [sflag:$0x4], $0x2800, $0x38;
	[tilespmem:$0x1F800] =	vst v63  }
0x6c: {  	_ =	swait.ge [sflag:s23], $0x2800  }
0x6d: {  	[sflag:s23] =	ssyncset.done $0x0  }
0x6e: {  	[sflag:s23] =	ssyncadd.s32 $0xFFFFD800  }
0x6f: {  	[hbm4b:s11+s3] =	stream.linear.scatter [tilespmem:s19], [sflag:$0x5], $0x2800, $0x38;
	[tilespmem:$0x1F800] =	vst v63  }
0x70: {  	_ =	swait.ge [sflag:s30], $0x2800  }
0x71: {  	[sflag:s30] =	ssyncset.done $0x0  }
0x72: {  	s31 =	sadd.s32 $0x1, s31;
	[sflag:s30] =	ssyncadd.s32 $0xFFFFD800  }
0x73: {  	p0 =	sne.s32 s31, s12;
	_ =	swait.ge [sflag:s24], $0x2800  }
.Ltmp1:
0x74: {  	[sflag:s24] =	ssyncset.done $0x0;
	(pc) =	sbr.rel @p0 .LBB2_1-.Ltmp1, $4  }
0x75: {  	[sflag:s24] =	ssyncadd.s32 $0xFFFFD800  }
0x76: {  	_ =	swait.ge [sflag:s28], $0x2800  }
0x77: {  	[sflag:s28] =	ssyncset.done $0x0  }
0x78: {  	[sflag:s28] =	ssyncadd.s32 $0xFFFFD800  }
0x79: {  	_ =	sfence.sel $0x180000  }
0x7a: {  	[bflag:$0x0] =	sbarrier.arrive $0xFFFF  }
0x7b: {  	_ =	strace $0x90000050  }
0x7c: {  	s0 =	stileid.u32;
	[bflag:$0x2] =	sbarrier.arrive $0xFFFF  }
0x7d: {  	p0 =	sne.s32 s0, $0x0;
	s0 =	rddreg [dreg:$0x2]  }
0x7e: {  	s0 =	sadd.s32 @!p0 $0x100000, s0  }
0x7f: {  	[sflag:s0] =	ssyncadd.tile.s32 @!p0 $0x1;
	_ =	shalt  }
.Lfunc_end2:
_tile_overlayer_lowered:
.L_overlay_start_2:
0x80: {  	(tag) =	ssettag $0x2  }
0x81: {  	s0 =	rddreg [dreg:$0x0];
	s2 =	stileid.u32  }
0x82: {  	s1 =	rddreg [dreg:$0x1];
	p0 =	sne.s32 s2, $0x0  }
0x83: {  	s3 =	rddreg [dreg:$0x2];
	[bflag:$0x3] =	sbarrier.arrive $0xFFFF;
	s2 =	simm.s32 @!p0 $0x1C07  }
0x84: {  	[timem:s3], [sflag:s2] =	dma.local @!p0 [hbm:s0], s1  }
0x85: {  	s0 =	simm.s32 @!p0 $0x7  }
0x86: {  	_ =	swait.ge @!p0 [sflag:s0], s1  }
0x87: {  	s1 =	ssub.s32 @!p0 $0x0, s1;
	[sflag:s0] =	ssyncset.done @!p0 $0x0  }
0x88: {  	[sflag:s0] =	ssyncadd.s32 @!p0 s1  }
0x89: {  	[bflag:$0x3] =	sbarrier.arrive $0xFFFF  }
0x8a: {  	_ =	shalt  }

// kernel: kernel.27.cloned.1.call-start
scs
__scs_entry_jumppad:
0x0: {  	(pc) =	sbr.rel $0x88, $3  }
0x1: {  	(tag) =	ssettag $0x0;
	lr =	simm.s32 $0x1  }
0x2: {  	[smem:$0x3F87] =	sst lr;
	_ =	strace $0xD0000000  }
0x3: {  	_ = 	snop  }
0x4: {  	_ = 	snop  }
0x5: {  	_ = 	snop  }
0x6: {  	_ = 	snop  }
0x7: {  	_ = 	snop  }
__scs_overlays_trampoline_lowered:
0x8: {  	[smem:$0x3F96] =	sst s0  }
0x9: {  	[smem:$0x3F97] =	sst s1  }
0xa: {  	[smem:$0x3F98] =	sst s2  }
0xb: {  	[smem:$0x3F99] =	sst s3  }
0xc: {  	[smem:$0x3F9A] =	sst s4  }
0xd: {  	[smem:$0x3F9B] =	sst s5  }
0xe: {  	[smem:$0x3F9C] =	sst s6  }
0xf: {  	[smem:$0x3F9D] =	sst s7  }
0x10: {  	[smem:$0x3F9E] =	sst s8  }
0x11: {  	[smem:$0x3F9F] =	sst s9;
	s0 =	simm.s32 @!p0 $0x0  }
0x12: {  	s1 =	sld [smem:$0x3F85];
	s0 =	simm.s32 @p0 $0x1  }
0x13: {  	[smem:$0x3FA0] =	sst s0;
	s0 =	simm.s32 @!p1 $0x0  }
0x14: {  	s2 =	sld [smem:$0x3F84];
	s0 =	simm.s32 @p1 $0x1  }
0x15: {  	[smem:$0x3FA1] =	sst s0;
	s0 =	simm.s32 @!p2 $0x0  }
0x16: {  	s3 =	sld [smem:$0x3FDB];
	s0 =	simm.s32 @p2 $0x1  }
0x17: {  	s4 =	simm.s32 $0x1BF5;
	[smem:$0x3FA3] =	sst s0  }
0x18: {  	s0 =	sld [smem:$0x3F86];
	_ =	swait.ge [sflag:s4], $0x0  }
0x19: {  	s7 =	sld [smem:$0x3F87]  }
0x1a: {  	s8 =	sadd.s32 $0xFFFFE003, lr  }
0x1b: {  	s9 =	sadd.s32 $0xFFFFFEF7, lr;
	s5 =	simm.s32 $0xFFFFFFFF;
	p2 =	slt.u32 s8, $0xFFFFF086  }
0x1c: {  	p1 =	slt.u32 s9, $0xF7A;
	s5 =	simm.s32 @!p2 $0x0  }
0x1d: {  	s5 =	simm.s32 @p1 $0x1;
	p0 =	seq.s32 s7, s2  }
0x1e: {  	s7 =	smul.u32 @!p0 $0xF7A, s2;
	p2 =	seq.s32 @!p0 s5, $0x0  }
0x1f: {  	s9 =	smul.u32 $0xF7A, s1;
	s8 =	simm.s32 @!p0 $0x1BF5;
	p2 =	por !p2, p0  }
0x20: {  	[sflag:s8] =	ssyncset.s32 @!p0 $0xFFFFF086;
	s6 =	sadd.s32 @!p0 s3, s7;
	s7 =	simm.s32 @!p0 $0x108  }
0x21: {  	s3 =	sadd.s32 s3, s9;
	s6 =	sadd.s32 @!p0 $0x88, s6;
	s7 =	simm.s32 @p2 $0x1082  }
0x22: {  	[simem:s7], [sflag:s8] =	dma.local @!p0 [hbm:s6], $0xF7A  }
0x23: {  	s9 =	sor.u32 $0xD0000000, s2;
	s6 =	simm.s32 $0x108;
	_ =	swait.ge @!p0 [sflag:s8], $0x0  }
0x24: {  	s3 =	sadd.s32 $0x88, s3;
	s6 =	simm.s32 @!p1 $0x1082;
	[sflag:s4] =	ssyncset.s32 $0xFFFFF086  }
0x25: {  	[simem:s6], [sflag:s4] =	dma.local [hbm:s3], $0xF7A  }
0x26: {  	[smem:$0x3F87] =	sst s1;
	(tag) =	ssettag s2;
	_ =	strace s9  }
0x27: {  	s1 =	sld [smem:$0x3F97]  }
0x28: {  	s2 =	sld [smem:$0x3F98]  }
0x29: {  	s4 =	sld [smem:$0x3F9A]  }
0x2a: {  	p0 =	seq.s32 s5, $0x0;
	s5 =	sld [smem:$0x3F9B]  }
0x2b: {  	s6 =	sld [smem:$0x3F9C]  }
0x2c: {  	s7 =	sld [smem:$0x3F9D]  }
0x2d: {  	s3 =	simm.s32 $0x108;
	s8 =	sld [smem:$0x3F9E]  }
0x2e: {  	s3 =	simm.s32 @!p0 $0x1082;
	s9 =	sld [smem:$0x3F9F]  }
0x2f: {  	lr =	sadd.s32 s0, s3;
	s0 =	sld [smem:$0x3F96]  }
0x30: {  	s3 =	sld [smem:$0x3F99]  }
0x31: {  	[smem:$0x3FA2] =	sst s10  }
0x32: {  	s10 =	sld [smem:$0x3FA0];
	_ =	sdelay $0x3  }
0x33: {  	p0 =	seq.s32 s10, $0x1;
	s10 =	sld [smem:$0x3FA2];
	_ =	sdelay $0x3  }
0x34: {  	[smem:$0x3FA2] =	sst s10  }
0x35: {  	s10 =	sld [smem:$0x3FA1];
	_ =	sdelay $0x3  }
0x36: {  	p1 =	seq.s32 s10, $0x1;
	s10 =	sld [smem:$0x3FA2];
	_ =	sdelay $0x3  }
0x37: {  	[smem:$0x3FA2] =	sst s10  }
0x38: {  	s10 =	sld [smem:$0x3FA3]  }
0x39: {  	_ = 	snop;
	(pc) =	sbr.ind lr, $3  }
0x3a: {  	_ = 	snop  }
0x3b: {  	_ = 	snop  }
0x3c: {  	p2 =	seq.s32 s10, $0x1;
	s10 =	sld [smem:$0x3FA2]  }
0x3d: {  	_ =	shalt  }
0x3e: {  	_ =	shalt  }
0x3f: {  	_ =	shalt  }
0x40: {  	_ =	shalt  }
0x41: {  	_ =	shalt  }
0x42: {  	_ =	shalt  }
0x43: {  	_ =	shalt  }
0x44: {  	_ =	shalt  }
0x45: {  	_ =	shalt  }
0x46: {  	_ =	shalt  }
0x47: {  	_ =	shalt  }
0x48: {  	_ =	shalt  }
0x49: {  	_ =	shalt  }
0x4a: {  	_ =	shalt  }
0x4b: {  	_ =	shalt  }
0x4c: {  	_ =	shalt  }
0x4d: {  	_ =	shalt  }
0x4e: {  	_ =	shalt  }
0x4f: {  	_ =	shalt  }
0x50: {  	_ =	shalt  }
0x51: {  	_ =	shalt  }
0x52: {  	_ =	shalt  }
0x53: {  	_ =	shalt  }
0x54: {  	_ =	shalt  }
0x55: {  	_ =	shalt  }
0x56: {  	_ =	shalt  }
0x57: {  	_ =	shalt  }
0x58: {  	_ =	shalt  }
0x59: {  	_ =	shalt  }
0x5a: {  	_ =	shalt  }
0x5b: {  	_ =	shalt  }
0x5c: {  	_ =	shalt  }
0x5d: {  	_ =	shalt  }
0x5e: {  	_ =	shalt  }
0x5f: {  	_ =	shalt  }
0x60: {  	_ =	shalt  }
0x61: {  	_ =	shalt  }
0x62: {  	_ =	shalt  }
0x63: {  	_ =	shalt  }
0x64: {  	_ =	shalt  }
0x65: {  	_ =	shalt  }
0x66: {  	_ =	shalt  }
0x67: {  	_ =	shalt  }
0x68: {  	_ =	shalt  }
0x69: {  	_ =	shalt  }
0x6a: {  	_ =	shalt  }
0x6b: {  	_ =	shalt  }
0x6c: {  	_ =	shalt  }
0x6d: {  	_ =	shalt  }
0x6e: {  	_ =	shalt  }
0x6f: {  	_ =	shalt  }
0x70: {  	_ =	shalt  }
0x71: {  	_ =	shalt  }
0x72: {  	_ =	shalt  }
0x73: {  	_ =	shalt  }
0x74: {  	_ =	shalt  }
0x75: {  	_ =	shalt  }
0x76: {  	_ =	shalt  }
0x77: {  	_ =	shalt  }
0x78: {  	_ =	shalt  }
0x79: {  	_ =	shalt  }
0x7a: {  	_ =	shalt  }
0x7b: {  	_ =	shalt  }
0x7c: {  	_ =	shalt  }
0x7d: {  	_ =	shalt  }
0x7e: {  	_ =	shalt  }
0x7f: {  	_ =	shalt  }
0x80: {  	_ =	shalt  }
0x81: {  	_ =	shalt  }
0x82: {  	_ =	shalt  }
0x83: {  	_ =	shalt  }
0x84: {  	_ =	shalt  }
0x85: {  	_ =	shalt  }
0x86: {  	_ =	shalt  }
0x87: {  	_ =	shalt  }
.Lfunc_end0:
.L_simem_size_0:
called_computation.4_lowered:
.L_overlay_start_0:
0x88: {  	s2 =	sld [smem:$0x3FD9]  }
0x89: {  	s3 =	sld [smem:$0x3FFE];
	_ =	sdelay $0x1  }
0x8a: {  	s1 =	srdreg.scid  }
0x8b: {  	s0 =	sand.u32 $0x1, s1  }
0x8c: {  	s17 =	sshll.u32 s0, $0xA;
	s2 =	sadd.s32 s3, s2  }
0x8d: {  	s2 =	sadd.s32 s2, s17  }
0x8e: {  	[smem:$0x3FAE] =	sst s2  }
0x8f: {  	_ = 	snop  }
0x90: {  	s2 =	sld [smem:$0x3FD0];
	(tm) =	ssettm $0x1  }
0x91: {  	s18 =	sld [smem:$0x3FFB];
	_ =	sdelay $0x3  }
0x92: {  	_ =	strace s18  }
0x93: {  	s3 =	sld [smem:$0x3FFC];
	_ =	sdelay $0x3  }
0x94: {  	_ =	strace s3  }
0x95: {  	s3 =	sld [smem:$0x3FFD];
	_ =	sdelay $0x3  }
0x96: {  	_ =	strace s3  }
0x97: {  	_ =	strace $0x8FFFFFFF  }
0x98: {  	s19 =	sld [smem:$0x3FDB];
	_ =	sdelay $0x1  }
0x99: {  	s4 =	simm.s32 $_scs_section_size  }
0x9a: {  	s5 =	simm.s32 $_size__tile_overlayer_lowered;
	s6 =	simm.s32 $_tile_overlayer_lowered  }
0x9b: {  	s22 =	simm.s32 $0x1BFF;
	s21 =	sshll.u32 s6, $0x1;
	s3 =	sadd.s32 s4, s19  }
0x9c: {  	s7 =	simm.s32 $0x0;
	s20 =	sshll.u32 s5, $0x1;
	s5 =	sadd.s32 s21, s3  }
0x9d: {  	[timem:s7], [sflag:s22] =	dma.local [hbm:s5], s20  }
0x9e: {  	_ =	swait.ge [sflag:s22], s20  }
0x9f: {  	s4 =	ssub.s32 $0x0, s20;
	[sflag:s22] =	ssyncset.done $0x0  }
0xa0: {  	[sflag:s22] =	ssyncadd.s32 s4;
	_ =	sdelay $0x1  }
0xa1: {  	s23 =	simm.s32 $0x1B8B  }
0xa2: {  	_ =	swait.ge [sflag:s23], $0x1  }
0xa3: {  	[sflag:s23] =	ssyncset.done $0x0  }
0xa4: {  	s25 =	simm.s32 $0x1B8E;
	s24 =	sld [smem:$0x3FFE];
	[sflag:s23] =	ssyncadd.s32 $0xFFFFFFFF  }
0xa5: {  	s26 =	simm.s32 $execute0_lowered;
	[smem:$0x3FD2] =	sst s25  }
0xa6: {  	s5 =	sshll.u32 s26, $0x1;
	_ =	strace $0x80000052;
	[dreg:$0x1] =	wrdreg $0xFFFFFFFF  }
0xa7: {  	s28 =	simm.s32 $_size_execute0_lowered;
	s3 =	sadd.s32 s3, s5;
	[dreg:$0x0] =	wrdreg $0x0  }
0xa8: {  	s5 =	sshll.u32 s28, $0x1;
	[dreg:$0x2] =	wrdreg s3  }
0xa9: {  	[dreg:$0x3] =	wrdreg s5  }
0xaa: {  	[dreg:$0x4] =	wrdreg $0xC0  }
0xab: {  	_ =	task [dreg:s7], $0x5FFFF  }
0xac: {  	[dreg:$0x1] =	wrdreg $0xFFFFFFFF  }
0xad: {  	[dreg:$0x0] =	wrdreg $0x60  }
0xae: {  	[dreg:$0x2] =	wrdreg s24  }
0xaf: {  	[dreg:$0x3] =	wrdreg s2  }
0xb0: {  	[dreg:$0x4] =	wrdreg $0xB8000  }
0xb1: {  	[dreg:$0x5] =	wrdreg $0x9  }
0xb2: {  	_ =	task.clear_ibuf [dreg:s7], $0x6FFFF;
	_ =	strace $0x90000052  }
0xb3: {  	s29 =	simm.s32 $0x9;
	_ =	strace $0x80000054  }
0xb4: {  	_ =	swait.ge [sflag:s29], $0x1  }
0xb5: {  	[sflag:s29] =	ssyncadd.s32 $0xFFFFFFFF  }
0xb6: {  	_ =	strace $0x90000054  }
0xb7: {  	_ =	sfence  }
0xb8: {  	s30 =	sld [smem:$0x0];
	_ =	sdelay $0x2  }
0xb9: {  	s31 =	sshll.u32 s1, $0xD;
	s1 =	sshrl.u32 s1, $0x2  }
0xba: {  	s3 =	sand.u32 $0x4000, s31;
	s1 =	sadd.s32 s1, s30  }
0xbb: {  	s0 =	sor.u32 s3, s0;
	s1 =	sshll.u32 s1, $0x11  }
0xbc: {  	s0 =	sor.u32 s1, s0  }
0xbd: {  	s0 =	sadd.s32 $0x8F2B, s0  }
0xbe: {  	[sflag:s0] =	ssyncadd.remote.s32 $0x1  }
0xbf: {  	_ =	sfence.sel $0xFFFF  }
0xc0: {  	[dreg:$0x0] =	wrdreg $0xFFFFFFFF;
	(pc) =	sbr.abs _section_cstart, $3  }
0xc1: {  	[dreg:$0x1] =	wrdreg $0xFFFFFFFF  }
0xc2: {  	_ =	task.clear_ibuf [dreg:s7], $0x2FFFF;
	_ =	strace $0x9FFFFFFF  }
0xc3: {  	(tm) =	ssettm $0x7FFFFFFF  }
tec
execute0_lowered:
.L_overlay_start_1:
0x0: {  	(tag) =	ssettag $0x1  }
0x1: {  	s0 =	rddreg [dreg:$0x0]  }
0x2: {  	s1 =	rddreg [dreg:$0x1]  }
0x3: {  	s2 =	rddreg [dreg:$0x2]  }
0x4: {  	s12 =	stileid.u32;
	s4 =	srdreg.scid  }
0x5: {  	s3 =	simm.s32 $0x0;
	s17 =	simm.s32 $0x4000;
	s18 =	simm.s32 $0x6800  }
0x6: {  	s28 =	simm.s32 $0x5;
	s29 =	simm.s32 $0x6;
	s5 =	smul.u32 $0x14000, s12  }
0x7: {  	s31 =	simm.s32 $0x3E00;
	s10 =	sand.u32 $0x1, s4;
	s20 =	smul.u32 $0x50000, s12  }
0x8: {  	[smem:$0x7FF] =	sst s3;
	s14 =	sadd.s32 $0x138DE00, s0;
	s26 =	smul.u32 $0x27100, s12  }
0x9: {  	s23 =	sshll.u32 s12, $0x6;
	s4 =	smul.u32 $0x140000, s10;
	_ =	strace $0x80000053  }
0xa: {  	s21 =	ssub.s32 $0x2, s10;
	s7 =	sshll.u32 s10, $0x4;
	s16 =	smul.u32 $0x271000, s10  }
0xb: {  	s6 =	sshrl.u32 s5, $0x3;
	s8 =	sshrl.u32 s21, $0x1;
	s7 =	sor.u32 s12, s7  }
0xc: {  	s4 =	sadd.s32 s5, s4;
	s19 =	sadd.s32 s6, s0;
	s22 =	smul.u32 $0x138800, s7  }
0xd: {  	s6 =	sshrl.u32 s20, $0x2;
	s13 =	ssub.s32 s21, s8;
	s24 =	smul.u32 $0x27100, s7  }
0xe: {  	s5 =	sor.u32 $0x1C07, s23;
	s7 =	sshll.u32 s7, $0xB;
	s30 =	sadd.s32 s16, s14  }
0xf: {  	s16 =	simm.s32 $0x7;
	s20 =	simm.s32 $0x50;
	s21 =	simm.s32 $0x9000  }
0x10: {  	s4 =	sshrl.u32 s4, $0x3;
	s15 =	sadd.s32 s6, s2;
	s6 =	sadd.s32 s1, s7  }
0x11: {  	s13 =	smax.u32 s13, $0x1;
	s0 =	sadd.s32 s4, s0;
	s4 =	sadd.s32 $0x5E00, s19  }
0x12: {  	s9 =	sshrl.u32 s22, $0x3;
	s7 =	sadd.s32 s14, s24;
	s15 =	sshrl.u32 s15, $0x3  }
0x13: {  	s19 =	simm.s32 $0x1;
	s22 =	simm.s32 $0x2;
	s24 =	simm.s32 $0x4  }
0x14: {  	s25 =	sadd.s32 s14, s9;
	s12 =	sadd.s32 $0x2DE00, s0;
	s14 =	sadd.s32 s26, s30  }
0x15: {  	s0 =	simm.s32 $0x0;
	s8 =	sadd.s32 $0x500, s25;
	s9 =	sadd.s32 $0xA00, s25  }
0x16: {  	s10 =	sadd.s32 $0xF00, s25;
	s11 =	sadd.s32 $0x1400, s25;
	s25 =	simm.s32 $0x3  }
.LBB2_1:
0x17: {  	[spmem:s15], [sflag:s5] =	dma.local [hbm:s4], $0x2800  }
0x18: {  	_ =	swait.ge [sflag:s16], $0x2800  }
0x19: {  	[sflag:s16] =	ssyncset.done $0x0  }
0x1a: {  	[sflag:s16] =	ssyncadd.s32 $0xFFFFD800  }
0x1b: {  	[tilespmem:s3], [sflag:$0x7] =	stream.linear.gather [hbm4b:s6+s3], $0x3E80, $0x38;
	[tilespmem:$0x1F800] =	vst v63  }
0x1c: {  	_ =	swait.ge [sflag:s16], $0x3E80  }
0x1d: {  	[sflag:s16] =	ssyncset.done $0x0  }
0x1e: {  	[sflag:s16] =	ssyncadd.s32 $0xFFFFC180  }
0x1f: {  	[bflag:$0x0] =	sbarrier.arrive $0xFFFF  }
0x20: {  	[tilespmem:s17], [sflag:$0x1] =	stream.linear.gather [hbm4b:s7+s3], $0x2800, $0x38;
	[tilespmem:$0x1F800] =	vst v63  }
0x21: {  	_ = 	snop  }
0x22: {  	[tilespmem:s18], [sflag:$0x2] =	stream.linear.gather [hbm4b:s8+s3], $0x2800, $0x38;
	[tilespmem:$0x1F800] =	vst v63  }
0x23: {  	_ =	swait.ge [sflag:s19], $0x2800  }
0x24: {  	[sflag:s19] =	ssyncset.done $0x0  }
0x25: {  	[sflag:s19] =	ssyncadd.s32 $0xFFFFD800  }
0x26: {  	[spmem:s2] =	stream.indirect.scatter.add.f32 [tilespmem:s17], [sflag:$0x4], $0x80, s3, s20, $0xb8;
	[tilespmem:$0x1F800] =	vst v63  }
0x27: {  	_ = 	snop  }
0x28: {  	[tilespmem:s21], [sflag:$0x3] =	stream.linear.gather [hbm4b:s9+s3], $0x2800, $0x38;
	[tilespmem:$0x1F800] =	vst v63  }
0x29: {  	_ =	swait.ge [sflag:s22], $0x2800  }
0x2a: {  	[sflag:s22] =	ssyncset.done $0x0  }
0x2b: {  	s1 =	simm.s32 $0x80;
	[sflag:s22] =	ssyncadd.s32 $0xFFFFD800  }
0x2c: {  	[spmem:s2] =	stream.indirect.scatter.add.f32 [tilespmem:s18], [sflag:$0x5], $0x80, s1, s20, $0xb8;
	[tilespmem:$0x1F800] =	vst v63  }
0x2d: {  	_ =	swait.ge [sflag:s24], $0x2800  }
0x2e: {  	[sflag:s24] =	ssyncset.done $0x0  }
0x2f: {  	[sflag:s24] =	ssyncadd.s32 $0xFFFFD800  }
0x30: {  	[tilespmem:s17], [sflag:$0x1] =	stream.linear.gather [hbm4b:s10+s3], $0x2800, $0x38;
	[tilespmem:$0x1F800] =	vst v63  }
0x31: {  	_ =	swait.ge [sflag:s25], $0x2800  }
0x32: {  	[sflag:s25] =	ssyncset.done $0x0  }
0x33: {  	s30 =	simm.s32 $0x100;
	[sflag:s25] =	ssyncadd.s32 $0xFFFFD800  }
0x34: {  	[spmem:s2] =	stream.indirect.scatter.add.f32 [tilespmem:s21], [sflag:$0x6], $0x80, s30, s20, $0xb8;
	[tilespmem:$0x1F800] =	vst v63  }
0x35: {  	_ =	swait.ge [sflag:s28], $0x2800  }
0x36: {  	[sflag:s28] =	ssyncset.done $0x0  }
0x37: {  	[sflag:s28] =	ssyncadd.s32 $0xFFFFD800  }
0x38: {  	[tilespmem:s18], [sflag:$0x2] =	stream.linear.gather [hbm4b:s11+s3], $0x2800, $0x38;
	[tilespmem:$0x1F800] =	vst v63  }
0x39: {  	_ =	swait.ge [sflag:s19], $0x2800  }
0x3a: {  	[sflag:s19] =	ssyncset.done $0x0  }
0x3b: {  	s23 =	simm.s32 $0x180;
	[sflag:s19] =	ssyncadd.s32 $0xFFFFD800  }
0x3c: {  	[spmem:s2] =	stream.indirect.scatter.add.f32 [tilespmem:s17], [sflag:$0x4], $0x80, s23, s20, $0xb8;
	[tilespmem:$0x1F800] =	vst v63  }
0x3d: {  	_ =	swait.ge [sflag:s29], $0x2800  }
0x3e: {  	s23 =	sadd.s32 $0x0, s14;
	[sflag:s29] =	ssyncset.done $0x0  }
0x3f: {  	s26 =	sadd.s32 $0x1900, s23;
	[sflag:s29] =	ssyncadd.s32 $0xFFFFD800  }
0x40: {  	[tilespmem:s21], [sflag:$0x3] =	stream.linear.gather [hbm4b:s26+s3], $0x2800, $0x38;
	[tilespmem:$0x1F800] =	vst v63  }
0x41: {  	_ =	swait.ge [sflag:s22], $0x2800  }
0x42: {  	[sflag:s22] =	ssyncset.done $0x0  }
0x43: {  	s30 =	simm.s32 $0x200;
	[sflag:s22] =	ssyncadd.s32 $0xFFFFD800  }
0x44: {  	[spmem:s2] =	stream.indirect.scatter.add.f32 [tilespmem:s18], [sflag:$0x5], $0x80, s30, s20, $0xb8;
	[tilespmem:$0x1F800] =	vst v63  }
0x45: {  	_ =	swait.ge [sflag:s24], $0x2800  }
0x46: {  	[sflag:s24] =	ssyncset.done $0x0  }
0x47: {  	s26 =	sadd.s32 $0x1E00, s23;
	[sflag:s24] =	ssyncadd.s32 $0xFFFFD800  }
0x48: {  	[tilespmem:s17], [sflag:$0x1] =	stream.linear.gather [hbm4b:s26+s3], $0x2800, $0x38;
	[tilespmem:$0x1F800] =	vst v63  }
0x49: {  	_ =	swait.ge [sflag:s25], $0x2800  }
0x4a: {  	[sflag:s25] =	ssyncset.done $0x0  }
0x4b: {  	s30 =	simm.s32 $0x280;
	[sflag:s25] =	ssyncadd.s32 $0xFFFFD800  }
0x4c: {  	[spmem:s2] =	stream.indirect.scatter.add.f32 [tilespmem:s21], [sflag:$0x6], $0x80, s30, s20, $0xb8;
	[tilespmem:$0x1F800] =	vst v63  }
0x4d: {  	_ =	swait.ge [sflag:s28], $0x2800  }
0x4e: {  	s1 =	simm.s32 $0xF00;
	[sflag:s28] =	ssyncset.done $0x0  }
0x4f: {  	s26 =	sadd.s32 $0x2300, s23;
	s23 =	simm.s32 $0x400;
	[sflag:s28] =	ssyncadd.s32 $0xFFFFD800  }
.LBB2_2:
0x50: {  	[tilespmem:s18], [sflag:$0x2] =	stream.linear.gather [hbm4b:s26+s3], $0x2800, $0x38;
	[tilespmem:$0x1F800] =	vst v63  }
0x51: {  	s26 =	smov.u32 s1  }
0x52: {  	p0 =	sne.s32 s1, $0x24900;
	s1 =	sadd.s32 $0xF00, s1;
	_ =	swait.ge [sflag:s19], $0x2800  }
0x53: {  	[sflag:s19] =	ssyncset.done $0x0  }
0x54: {  	s30 =	sadd.s32 $0xFFFFFF00, s23;
	[sflag:s19] =	ssyncadd.s32 $0xFFFFD800  }
0x55: {  	[spmem:s2] =	stream.indirect.scatter.add.f32 [tilespmem:s17], [sflag:$0x4], $0x80, s30, s20, $0xb8;
	[tilespmem:$0x1F800] =	vst v63  }
0x56: {  	_ =	swait.ge [sflag:s29], $0x2800  }
0x57: {  	s26 =	sadd.s32 s26, s14;
	[sflag:s29] =	ssyncset.done $0x0  }
0x58: {  	s30 =	sadd.s32 $0x1900, s26;
	[sflag:s29] =	ssyncadd.s32 $0xFFFFD800  }
0x59: {  	[tilespmem:s21], [sflag:$0x3] =	stream.linear.gather [hbm4b:s30+s3], $0x2800, $0x38;
	[tilespmem:$0x1F800] =	vst v63  }
0x5a: {  	_ =	swait.ge [sflag:s22], $0x2800  }
0x5b: {  	[sflag:s22] =	ssyncset.done $0x0  }
0x5c: {  	s30 =	sadd.s32 $0xFFFFFF80, s23;
	[sflag:s22] =	ssyncadd.s32 $0xFFFFD800  }
0x5d: {  	[spmem:s2] =	stream.indirect.scatter.add.f32 [tilespmem:s18], [sflag:$0x5], $0x80, s30, s20, $0xb8;
	[tilespmem:$0x1F800] =	vst v63  }
0x5e: {  	_ =	swait.ge [sflag:s24], $0x2800  }
0x5f: {  	[sflag:s24] =	ssyncset.done $0x0  }
0x60: {  	s30 =	sadd.s32 $0x1E00, s26;
	[sflag:s24] =	ssyncadd.s32 $0xFFFFD800  }
0x61: {  	[tilespmem:s17], [sflag:$0x1] =	stream.linear.gather [hbm4b:s30+s3], $0x2800, $0x38;
	[tilespmem:$0x1F800] =	vst v63  }
0x62: {  	_ =	swait.ge [sflag:s25], $0x2800  }
0x63: {  	[sflag:s25] =	ssyncset.done $0x0  }
.Ltmp0:
0x64: {  	[sflag:s25] =	ssyncadd.s32 $0xFFFFD800;
	(pc) =	sbr.rel @p0 .LBB2_2-.Ltmp0, $4  }
0x65: {  	[spmem:s2] =	stream.indirect.scatter.add.f32 [tilespmem:s21], [sflag:$0x6], $0x80, s23, s20, $0xb8;
	[tilespmem:$0x1F800] =	vst v63  }
0x66: {  	_ =	swait.ge [sflag:s28], $0x2800  }
0x67: {  	[sflag:s28] =	ssyncset.done $0x0  }
0x68: {  	s26 =	sadd.s32 $0x2300, s26;
	s23 =	sadd.s32 $0x180, s23;
	[sflag:s28] =	ssyncadd.s32 $0xFFFFD800  }
0x69: {  	[tilespmem:s18], [sflag:$0x2] =	stream.linear.gather [hbm4b:s26+s3], $0x2800, $0x38;
	[tilespmem:$0x1F800] =	vst v63  }
0x6a: {  	_ =	swait.ge [sflag:s19], $0x2800  }
0x6b: {  	[sflag:s19] =	ssyncset.done $0x0  }
0x6c: {  	s1 =	simm.s32 $0x3D80;
	[sflag:s19] =	ssyncadd.s32 $0xFFFFD800  }
0x6d: {  	[spmem:s2] =	stream.indirect.scatter.add.f32 [tilespmem:s17], [sflag:$0x4], $0x80, s1, s20, $0xb8;
	[tilespmem:$0x1F800] =	vst v63  }
0x6e: {  	_ =	swait.ge [sflag:s22], $0x2800  }
0x6f: {  	[sflag:s22] =	ssyncset.done $0x0  }
0x70: {  	[sflag:s22] =	ssyncadd.s32 $0xFFFFD800  }
0x71: {  	[spmem:s2] =	stream.indirect.scatter.add.f32 [tilespmem:s18], [sflag:$0x5], $0x80, s31, s20, $0xb8;
	[tilespmem:$0x1F800] =	vst v63  }
0x72: {  	_ =	swait.ge [sflag:s29], $0x2800  }
0x73: {  	[sflag:s29] =	ssyncset.done $0x0  }
0x74: {  	[sflag:s29] =	ssyncadd.s32 $0xFFFFD800  }
0x75: {  	_ =	swait.ge [sflag:s24], $0x2800  }
0x76: {  	[sflag:s24] =	ssyncset.done $0x0  }
0x77: {  	[sflag:s24] =	ssyncadd.s32 $0xFFFFD800  }
0x78: {  	_ =	swait.ge [sflag:s28], $0x2800  }
0x79: {  	s0 =	sadd.s32 $0x1, s0;
	[sflag:s28] =	ssyncset.done $0x0  }
0x7a: {  	p0 =	sne.s32 s0, s13;
	[sflag:s28] =	ssyncadd.s32 $0xFFFFD800  }
.Ltmp1:
0x7b: {  	[bflag:$0x0] =	sbarrier.arrive $0xFFFF;
	(pc) =	sbr.rel @p0 .LBB2_1-.Ltmp1, $4  }
0x7c: {  	[hbm:s12], [sflag:s5] =	dma.local [spmem:s15], $0x2800  }
0x7d: {  	_ =	swait.ge [sflag:s16], $0x2800  }
0x7e: {  	[sflag:s16] =	ssyncset.done $0x0  }
0x7f: {  	[sflag:s16] =	ssyncadd.s32 $0xFFFFD800  }
0x80: {  	_ =	sfence.sel $0x180000  }
0x81: {  	[bflag:$0x0] =	sbarrier.arrive $0xFFFF  }
0x82: {  	_ =	strace $0x90000053  }
0x83: {  	s0 =	stileid.u32;
	[bflag:$0x2] =	sbarrier.arrive $0xFFFF  }
0x84: {  	p0 =	sne.s32 s0, $0x0;
	s0 =	rddreg [dreg:$0x3]  }
0x85: {  	s0 =	sadd.s32 @!p0 $0x100000, s0  }
0x86: {  	[sflag:s0] =	ssyncadd.tile.s32 @!p0 $0x1;
	_ =	shalt  }
.Lfunc_end2:
_tile_overlayer_lowered:
.L_overlay_start_2:
0x87: {  	(tag) =	ssettag $0x2  }
0x88: {  	s0 =	rddreg [dreg:$0x0];
	s2 =	stileid.u32  }
0x89: {  	s1 =	rddreg [dreg:$0x1];
	p0 =	sne.s32 s2, $0x0  }
0x8a: {  	s3 =	rddreg [dreg:$0x2];
	[bflag:$0x3] =	sbarrier.arrive $0xFFFF;
	s2 =	simm.s32 @!p0 $0x1C07  }
0x8b: {  	[timem:s3], [sflag:s2] =	dma.local @!p0 [hbm:s0], s1  }
0x8c: {  	s0 =	simm.s32 @!p0 $0x7  }
0x8d: {  	_ =	swait.ge @!p0 [sflag:s0], s1  }
0x8e: {  	s1 =	ssub.s32 @!p0 $0x0, s1;
	[sflag:s0] =	ssyncset.done @!p0 $0x0  }
0x8f: {  	[sflag:s0] =	ssyncadd.s32 @!p0 s1  }
0x90: {  	[bflag:$0x3] =	sbarrier.arrive $0xFFFF  }
0x91: {  	_ =	shalt  }

// kernel: kernel.30.cloned.1.call-start
scs
__scs_entry_jumppad:
0x0: {  	(pc) =	sbr.rel $0x88, $3  }
0x1: {  	(tag) =	ssettag $0x0;
	lr =	simm.s32 $0x1  }
0x2: {  	[smem:$0x3F87] =	sst lr;
	_ =	strace $0xD0000000  }
0x3: {  	_ = 	snop  }
0x4: {  	_ = 	snop  }
0x5: {  	_ = 	snop  }
0x6: {  	_ = 	snop  }
0x7: {  	_ = 	snop  }
__scs_overlays_trampoline_lowered:
0x8: {  	[smem:$0x3F96] =	sst s0  }
0x9: {  	[smem:$0x3F97] =	sst s1  }
0xa: {  	[smem:$0x3F98] =	sst s2  }
0xb: {  	[smem:$0x3F99] =	sst s3  }
0xc: {  	[smem:$0x3F9A] =	sst s4  }
0xd: {  	[smem:$0x3F9B] =	sst s5  }
0xe: {  	[smem:$0x3F9C] =	sst s6  }
0xf: {  	[smem:$0x3F9D] =	sst s7  }
0x10: {  	[smem:$0x3F9E] =	sst s8  }
0x11: {  	[smem:$0x3F9F] =	sst s9;
	s0 =	simm.s32 @!p0 $0x0  }
0x12: {  	s1 =	sld [smem:$0x3F85];
	s0 =	simm.s32 @p0 $0x1  }
0x13: {  	[smem:$0x3FA0] =	sst s0;
	s0 =	simm.s32 @!p1 $0x0  }
0x14: {  	s2 =	sld [smem:$0x3F84];
	s0 =	simm.s32 @p1 $0x1  }
0x15: {  	[smem:$0x3FA1] =	sst s0;
	s0 =	simm.s32 @!p2 $0x0  }
0x16: {  	s3 =	sld [smem:$0x3FDB];
	s0 =	simm.s32 @p2 $0x1  }
0x17: {  	s4 =	simm.s32 $0x1BF5;
	[smem:$0x3FA3] =	sst s0  }
0x18: {  	s0 =	sld [smem:$0x3F86];
	_ =	swait.ge [sflag:s4], $0x0  }
0x19: {  	s7 =	sld [smem:$0x3F87]  }
0x1a: {  	s8 =	sadd.s32 $0xFFFFE003, lr  }
0x1b: {  	s9 =	sadd.s32 $0xFFFFFEF7, lr;
	s5 =	simm.s32 $0xFFFFFFFF;
	p2 =	slt.u32 s8, $0xFFFFF086  }
0x1c: {  	p1 =	slt.u32 s9, $0xF7A;
	s5 =	simm.s32 @!p2 $0x0  }
0x1d: {  	s5 =	simm.s32 @p1 $0x1;
	p0 =	seq.s32 s7, s2  }
0x1e: {  	s7 =	smul.u32 @!p0 $0xF7A, s2;
	p2 =	seq.s32 @!p0 s5, $0x0  }
0x1f: {  	s9 =	smul.u32 $0xF7A, s1;
	s8 =	simm.s32 @!p0 $0x1BF5;
	p2 =	por !p2, p0  }
0x20: {  	[sflag:s8] =	ssyncset.s32 @!p0 $0xFFFFF086;
	s6 =	sadd.s32 @!p0 s3, s7;
	s7 =	simm.s32 @!p0 $0x108  }
0x21: {  	s3 =	sadd.s32 s3, s9;
	s6 =	sadd.s32 @!p0 $0x88, s6;
	s7 =	simm.s32 @p2 $0x1082  }
0x22: {  	[simem:s7], [sflag:s8] =	dma.local @!p0 [hbm:s6], $0xF7A  }
0x23: {  	s9 =	sor.u32 $0xD0000000, s2;
	s6 =	simm.s32 $0x108;
	_ =	swait.ge @!p0 [sflag:s8], $0x0  }
0x24: {  	s3 =	sadd.s32 $0x88, s3;
	s6 =	simm.s32 @!p1 $0x1082;
	[sflag:s4] =	ssyncset.s32 $0xFFFFF086  }
0x25: {  	[simem:s6], [sflag:s4] =	dma.local [hbm:s3], $0xF7A  }
0x26: {  	[smem:$0x3F87] =	sst s1;
	(tag) =	ssettag s2;
	_ =	strace s9  }
0x27: {  	s1 =	sld [smem:$0x3F97]  }
0x28: {  	s2 =	sld [smem:$0x3F98]  }
0x29: {  	s4 =	sld [smem:$0x3F9A]  }
0x2a: {  	p0 =	seq.s32 s5, $0x0;
	s5 =	sld [smem:$0x3F9B]  }
0x2b: {  	s6 =	sld [smem:$0x3F9C]  }
0x2c: {  	s7 =	sld [smem:$0x3F9D]  }
0x2d: {  	s3 =	simm.s32 $0x108;
	s8 =	sld [smem:$0x3F9E]  }
0x2e: {  	s3 =	simm.s32 @!p0 $0x1082;
	s9 =	sld [smem:$0x3F9F]  }
0x2f: {  	lr =	sadd.s32 s0, s3;
	s0 =	sld [smem:$0x3F96]  }
0x30: {  	s3 =	sld [smem:$0x3F99]  }
0x31: {  	[smem:$0x3FA2] =	sst s10  }
0x32: {  	s10 =	sld [smem:$0x3FA0];
	_ =	sdelay $0x3  }
0x33: {  	p0 =	seq.s32 s10, $0x1;
	s10 =	sld [smem:$0x3FA2];
	_ =	sdelay $0x3  }
0x34: {  	[smem:$0x3FA2] =	sst s10  }
0x35: {  	s10 =	sld [smem:$0x3FA1];
	_ =	sdelay $0x3  }
0x36: {  	p1 =	seq.s32 s10, $0x1;
	s10 =	sld [smem:$0x3FA2];
	_ =	sdelay $0x3  }
0x37: {  	[smem:$0x3FA2] =	sst s10  }
0x38: {  	s10 =	sld [smem:$0x3FA3]  }
0x39: {  	_ = 	snop;
	(pc) =	sbr.ind lr, $3  }
0x3a: {  	_ = 	snop  }
0x3b: {  	_ = 	snop  }
0x3c: {  	p2 =	seq.s32 s10, $0x1;
	s10 =	sld [smem:$0x3FA2]  }
0x3d: {  	_ =	shalt  }
0x3e: {  	_ =	shalt  }
0x3f: {  	_ =	shalt  }
0x40: {  	_ =	shalt  }
0x41: {  	_ =	shalt  }
0x42: {  	_ =	shalt  }
0x43: {  	_ =	shalt  }
0x44: {  	_ =	shalt  }
0x45: {  	_ =	shalt  }
0x46: {  	_ =	shalt  }
0x47: {  	_ =	shalt  }
0x48: {  	_ =	shalt  }
0x49: {  	_ =	shalt  }
0x4a: {  	_ =	shalt  }
0x4b: {  	_ =	shalt  }
0x4c: {  	_ =	shalt  }
0x4d: {  	_ =	shalt  }
0x4e: {  	_ =	shalt  }
0x4f: {  	_ =	shalt  }
0x50: {  	_ =	shalt  }
0x51: {  	_ =	shalt  }
0x52: {  	_ =	shalt  }
0x53: {  	_ =	shalt  }
0x54: {  	_ =	shalt  }
0x55: {  	_ =	shalt  }
0x56: {  	_ =	shalt  }
0x57: {  	_ =	shalt  }
0x58: {  	_ =	shalt  }
0x59: {  	_ =	shalt  }
0x5a: {  	_ =	shalt  }
0x5b: {  	_ =	shalt  }
0x5c: {  	_ =	shalt  }
0x5d: {  	_ =	shalt  }
0x5e: {  	_ =	shalt  }
0x5f: {  	_ =	shalt  }
0x60: {  	_ =	shalt  }
0x61: {  	_ =	shalt  }
0x62: {  	_ =	shalt  }
0x63: {  	_ =	shalt  }
0x64: {  	_ =	shalt  }
0x65: {  	_ =	shalt  }
0x66: {  	_ =	shalt  }
0x67: {  	_ =	shalt  }
0x68: {  	_ =	shalt  }
0x69: {  	_ =	shalt  }
0x6a: {  	_ =	shalt  }
0x6b: {  	_ =	shalt  }
0x6c: {  	_ =	shalt  }
0x6d: {  	_ =	shalt  }
0x6e: {  	_ =	shalt  }
0x6f: {  	_ =	shalt  }
0x70: {  	_ =	shalt  }
0x71: {  	_ =	shalt  }
0x72: {  	_ =	shalt  }
0x73: {  	_ =	shalt  }
0x74: {  	_ =	shalt  }
0x75: {  	_ =	shalt  }
0x76: {  	_ =	shalt  }
0x77: {  	_ =	shalt  }
0x78: {  	_ =	shalt  }
0x79: {  	_ =	shalt  }
0x7a: {  	_ =	shalt  }
0x7b: {  	_ =	shalt  }
0x7c: {  	_ =	shalt  }
0x7d: {  	_ =	shalt  }
0x7e: {  	_ =	shalt  }
0x7f: {  	_ =	shalt  }
0x80: {  	_ =	shalt  }
0x81: {  	_ =	shalt  }
0x82: {  	_ =	shalt  }
0x83: {  	_ =	shalt  }
0x84: {  	_ =	shalt  }
0x85: {  	_ =	shalt  }
0x86: {  	_ =	shalt  }
0x87: {  	_ =	shalt  }
.Lfunc_end0:
.L_simem_size_0:
called_computation.5_lowered:
.L_overlay_start_0:
0x88: {  	s2 =	sld [smem:$0x3FD9]  }
0x89: {  	s3 =	sld [smem:$0x3FFE];
	_ =	sdelay $0x1  }
0x8a: {  	s1 =	srdreg.scid  }
0x8b: {  	s0 =	sand.u32 $0x1, s1  }
0x8c: {  	s16 =	sshll.u32 s0, $0xA;
	s2 =	sadd.s32 s3, s2  }
0x8d: {  	s2 =	sadd.s32 s2, s16  }
0x8e: {  	[smem:$0x3FAE] =	sst s2  }
0x8f: {  	_ = 	snop  }
0x90: {  	(tm) =	ssettm $0x1  }
0x91: {  	s17 =	sld [smem:$0x3FFB];
	_ =	sdelay $0x3  }
0x92: {  	_ =	strace s17  }
0x93: {  	s2 =	sld [smem:$0x3FFC];
	_ =	sdelay $0x3  }
0x94: {  	_ =	strace s2  }
0x95: {  	s2 =	sld [smem:$0x3FFD];
	_ =	sdelay $0x3  }
0x96: {  	_ =	strace s2  }
0x97: {  	_ =	strace $0x8FFFFFFF  }
0x98: {  	s18 =	sld [smem:$0x3FDB];
	_ =	sdelay $0x1  }
0x99: {  	s19 =	simm.s32 $_scs_section_size  }
0x9a: {  	s4 =	simm.s32 $_size__tile_overlayer_lowered;
	s5 =	simm.s32 $_tile_overlayer_lowered  }
0x9b: {  	s22 =	simm.s32 $0x1BFF;
	s21 =	sshll.u32 s5, $0x1;
	s2 =	sadd.s32 s19, s18  }
0x9c: {  	s6 =	simm.s32 $0x0;
	s20 =	sshll.u32 s4, $0x1;
	s4 =	sadd.s32 s21, s2  }
0x9d: {  	[timem:s6], [sflag:s22] =	dma.local [hbm:s4], s20  }
0x9e: {  	_ =	swait.ge [sflag:s22], s20  }
0x9f: {  	s3 =	ssub.s32 $0x0, s20;
	[sflag:s22] =	ssyncset.done $0x0  }
0xa0: {  	[sflag:s22] =	ssyncadd.s32 s3;
	_ =	sdelay $0x1  }
0xa1: {  	s23 =	simm.s32 $0x1B8B  }
0xa2: {  	_ =	swait.ge [sflag:s23], $0x1  }
0xa3: {  	[sflag:s23] =	ssyncset.done $0x0  }
0xa4: {  	s25 =	simm.s32 $0x1B8E;
	s24 =	sld [smem:$0x3FFE];
	[sflag:s23] =	ssyncadd.s32 $0xFFFFFFFF  }
0xa5: {  	s26 =	simm.s32 $execute0_lowered;
	[smem:$0x3FD2] =	sst s25  }
0xa6: {  	s4 =	sshll.u32 s26, $0x1;
	_ =	strace $0x80000055;
	[dreg:$0x1] =	wrdreg $0xFFFFFFFF  }
0xa7: {  	s28 =	simm.s32 $_size_execute0_lowered;
	s2 =	sadd.s32 s2, s4;
	[dreg:$0x0] =	wrdreg $0x0  }
0xa8: {  	s4 =	sshll.u32 s28, $0x1;
	[dreg:$0x2] =	wrdreg s2  }
0xa9: {  	[dreg:$0x3] =	wrdreg s4  }
0xaa: {  	[dreg:$0x4] =	wrdreg $0xC0  }
0xab: {  	_ =	task [dreg:s6], $0x5FFFF  }
0xac: {  	[dreg:$0x1] =	wrdreg $0xFFFFFFFF  }
0xad: {  	[dreg:$0x0] =	wrdreg $0x60  }
0xae: {  	[dreg:$0x2] =	wrdreg s24  }
0xaf: {  	[dreg:$0x3] =	wrdreg $0xB8000  }
0xb0: {  	[dreg:$0x4] =	wrdreg $0x9  }
0xb1: {  	_ =	task.clear_ibuf [dreg:s6], $0x5FFFF;
	_ =	strace $0x90000055  }
0xb2: {  	s29 =	simm.s32 $0x9;
	_ =	strace $0x80000057  }
0xb3: {  	_ =	swait.ge [sflag:s29], $0x1  }
0xb4: {  	[sflag:s29] =	ssyncadd.s32 $0xFFFFFFFF  }
0xb5: {  	_ =	strace $0x90000057  }
0xb6: {  	_ =	sfence  }
0xb7: {  	s30 =	sld [smem:$0x0];
	_ =	sdelay $0x2  }
0xb8: {  	s31 =	sshll.u32 s1, $0xD;
	s1 =	sshrl.u32 s1, $0x2  }
0xb9: {  	s3 =	sand.u32 $0x4000, s31;
	s1 =	sadd.s32 s1, s30  }
0xba: {  	s0 =	sor.u32 s3, s0;
	s1 =	sshll.u32 s1, $0x11  }
0xbb: {  	s0 =	sor.u32 s1, s0  }
0xbc: {  	s0 =	sadd.s32 $0x8F2B, s0  }
0xbd: {  	[sflag:s0] =	ssyncadd.remote.s32 $0x1  }
0xbe: {  	_ =	sfence.sel $0xFFFF  }
0xbf: {  	[dreg:$0x0] =	wrdreg $0xFFFFFFFF;
	(pc) =	sbr.abs _section_cstart, $3  }
0xc0: {  	[dreg:$0x1] =	wrdreg $0xFFFFFFFF  }
0xc1: {  	_ =	task.clear_ibuf [dreg:s6], $0x2FFFF;
	_ =	strace $0x9FFFFFFF  }
0xc2: {  	(tm) =	ssettm $0x7FFFFFFF  }
0xc3: {  	_ =	shalt  }
tec
execute0_lowered:
.L_overlay_start_1:
0x0: {  	(tag) =	ssettag $0x1  }
0x1: {  	s0 =	rddreg [dreg:$0x0]  }
0x2: {  	s2 =	rddreg [dreg:$0x1]  }
0x3: {  	s10 =	stileid.u32;
	s1 =	srdreg.scid  }
0x4: {  	s3 =	simm.s32 $0x0;
	s15 =	simm.s32 $0x7;
	s16 =	simm.s32 $0x50  }
0x5: {  	s17 =	simm.s32 $0x4000;
	s19 =	simm.s32 $0x6800;
	s20 =	simm.s32 $0x1  }
0x6: {  	s28 =	simm.s32 $0x5;
	s29 =	simm.s32 $0x200;
	s30 =	simm.s32 $0x6  }
0x7: {  	s31 =	simm.s32 $0x0;
	s4 =	smul.u32 $0x2800, s10;
	s1 =	sand.u32 $0x1, s1  }
0x8: {  	[smem:$0x7FF] =	sst s3;
	s8 =	smul.u32 $0x50000, s10;
	s25 =	sshll.u32 s10, $0x6  }
0x9: {  	s13 =	smul.u32 $0x27100, s10;
	s5 =	sshll.u32 s1, $0x4;
	_ =	strace $0x80000056  }
0xa: {  	s7 =	ssub.s32 $0x2, s1;
	s1 =	smul.u32 $0x271000, s1;
	s4 =	sadd.s32 s4, s0  }
0xb: {  	s6 =	sor.u32 s10, s5;
	s22 =	sshrl.u32 s7, $0x1;
	s23 =	sshrl.u32 s8, $0x2  }
0xc: {  	s5 =	sshll.u32 s6, $0xB;
	s12 =	ssub.s32 s7, s22;
	s24 =	smul.u32 $0x138800, s6  }
0xd: {  	s14 =	sadd.s32 s23, s2;
	s4 =	sadd.s32 $0x5E00, s4;
	s26 =	smul.u32 $0x27100, s6  }
0xe: {  	s22 =	simm.s32 $0x9000;
	s23 =	simm.s32 $0x2;
	s9 =	sadd.s32 s5, s0  }
0xf: {  	s0 =	sadd.s32 $0x2FF000, s0;
	s5 =	sor.u32 $0x1C07, s25;
	s12 =	smax.u32 s12, $0x1  }
0x10: {  	s14 =	sshrl.u32 s14, $0x3;
	s25 =	simm.s32 $0x180;
	s7 =	sshrl.u32 s24, $0x3  }
0x11: {  	s6 =	sadd.s32 $0x2EF000, s9;
	s24 =	simm.s32 $0x4;
	s11 =	sadd.s32 s0, s7  }
0x12: {  	s7 =	sadd.s32 s0, s26;
	s0 =	sadd.s32 s1, s0;
	s26 =	simm.s32 $0x3  }
0x13: {  	s8 =	sadd.s32 $0x500, s11;
	s9 =	sadd.s32 $0xA00, s11;
	s0 =	sadd.s32 s13, s0  }
0x14: {  	s10 =	sadd.s32 $0x26700, s11;
	s11 =	sadd.s32 $0x26C00, s11;
	s13 =	sadd.s32 $0xF00, s0  }
.LBB2_1:
0x15: {  	[spmem:s14], [sflag:s5] =	dma.local [hbm:s4], $0x2800  }
0x16: {  	_ =	swait.ge [sflag:s15], $0x2800  }
0x17: {  	[sflag:s15] =	ssyncset.done $0x0  }
0x18: {  	[sflag:s15] =	ssyncadd.s32 $0xFFFFD800  }
0x19: {  	[tilespmem:s3], [sflag:$0x7] =	stream.linear.gather [hbm4b:s6+s3], $0x3E80, $0x38;
	[tilespmem:$0x1F800] =	vst v63  }
0x1a: {  	_ =	swait.ge [sflag:s15], $0x3E80  }
0x1b: {  	[sflag:s15] =	ssyncset.done $0x0  }
0x1c: {  	[sflag:s15] =	ssyncadd.s32 $0xFFFFC180  }
0x1d: {  	[bflag:$0x0] =	sbarrier.arrive $0xFFFF  }
0x1e: {  	[tilespmem:s17], [sflag:$0x1] =	stream.indirect.gather [spmem:s2], $0x80, s3, s16, $0xb8;
	[tilespmem:$0x1F800] =	vst v63  }
0x1f: {  	s0 =	simm.s32 $0x80  }
0x20: {  	[tilespmem:s19], [sflag:$0x2] =	stream.indirect.gather [spmem:s2], $0x80, s0, s16, $0xb8;
	[tilespmem:$0x1F800] =	vst v63  }
0x21: {  	_ =	swait.ge [sflag:s20], $0x2800  }
0x22: {  	[sflag:s20] =	ssyncset.done $0x0  }
0x23: {  	[sflag:s20] =	ssyncadd.s32 $0xFFFFD800  }
0x24: {  	[hbm4b:s7+s3] =	stream.linear.scatter [tilespmem:s17], [sflag:$0x4], $0x2800, $0x38;
	[tilespmem:$0x1F800] =	vst v63  }
0x25: {  	s18 =	simm.s32 $0x100  }
0x26: {  	[tilespmem:s22], [sflag:$0x3] =	stream.indirect.gather [spmem:s2], $0x80, s18, s16, $0xb8;
	[tilespmem:$0x1F800] =	vst v63  }
0x27: {  	_ =	swait.ge [sflag:s23], $0x2800  }
0x28: {  	[sflag:s23] =	ssyncset.done $0x0  }
0x29: {  	[sflag:s23] =	ssyncadd.s32 $0xFFFFD800  }
0x2a: {  	[hbm4b:s8+s3] =	stream.linear.scatter [tilespmem:s19], [sflag:$0x5], $0x2800, $0x38;
	[tilespmem:$0x1F800] =	vst v63  }
0x2b: {  	_ =	swait.ge [sflag:s24], $0x2800  }
0x2c: {  	[sflag:s24] =	ssyncset.done $0x0  }
0x2d: {  	[sflag:s24] =	ssyncadd.s32 $0xFFFFD800  }
0x2e: {  	[tilespmem:s17], [sflag:$0x1] =	stream.indirect.gather [spmem:s2], $0x80, s25, s16, $0xb8;
	[tilespmem:$0x1F800] =	vst v63  }
0x2f: {  	_ =	swait.ge [sflag:s26], $0x2800  }
0x30: {  	[sflag:s26] =	ssyncset.done $0x0  }
0x31: {  	[sflag:s26] =	ssyncadd.s32 $0xFFFFD800  }
0x32: {  	[hbm4b:s9+s3] =	stream.linear.scatter [tilespmem:s22], [sflag:$0x6], $0x2800, $0x38;
	[tilespmem:$0x1F800] =	vst v63  }
0x33: {  	_ =	swait.ge [sflag:s28], $0x2800  }
0x34: {  	[sflag:s28] =	ssyncset.done $0x0  }
0x35: {  	[sflag:s28] =	ssyncadd.s32 $0xFFFFD800  }
0x36: {  	[tilespmem:s19], [sflag:$0x2] =	stream.indirect.gather [spmem:s2], $0x80, s29, s16, $0xb8;
	[tilespmem:$0x1F800] =	vst v63  }
0x37: {  	_ =	swait.ge [sflag:s20], $0x2800  }
0x38: {  	[sflag:s20] =	ssyncset.done $0x0  }
0x39: {  	[sflag:s20] =	ssyncadd.s32 $0xFFFFD800  }
0x3a: {  	[hbm4b:s13+s3] =	stream.linear.scatter [tilespmem:s17], [sflag:$0x4], $0x2800, $0x38;
	[tilespmem:$0x1F800] =	vst v63  }
0x3b: {  	_ =	swait.ge [sflag:s30], $0x2800  }
0x3c: {  	[sflag:s30] =	ssyncset.done $0x0  }
0x3d: {  	s21 =	simm.s32 $0x280;
	[sflag:s30] =	ssyncadd.s32 $0xFFFFD800  }
0x3e: {  	[tilespmem:s22], [sflag:$0x3] =	stream.indirect.gather [spmem:s2], $0x80, s21, s16, $0xb8;
	[tilespmem:$0x1F800] =	vst v63  }
0x3f: {  	_ =	swait.ge [sflag:s23], $0x2800  }
0x40: {  	[sflag:s23] =	ssyncset.done $0x0  }
0x41: {  	s1 =	sadd.s32 $0x500, s13;
	[sflag:s23] =	ssyncadd.s32 $0xFFFFD800  }
0x42: {  	[hbm4b:s1+s3] =	stream.linear.scatter [tilespmem:s19], [sflag:$0x5], $0x2800, $0x38;
	[tilespmem:$0x1F800] =	vst v63  }
0x43: {  	_ =	swait.ge [sflag:s24], $0x2800  }
0x44: {  	[sflag:s24] =	ssyncset.done $0x0  }
0x45: {  	s18 =	simm.s32 $0x300;
	[sflag:s24] =	ssyncadd.s32 $0xFFFFD800  }
0x46: {  	[tilespmem:s17], [sflag:$0x1] =	stream.indirect.gather [spmem:s2], $0x80, s18, s16, $0xb8;
	[tilespmem:$0x1F800] =	vst v63  }
0x47: {  	_ =	swait.ge [sflag:s26], $0x2800  }
0x48: {  	[sflag:s26] =	ssyncset.done $0x0  }
0x49: {  	s21 =	sadd.s32 $0xA00, s13;
	[sflag:s26] =	ssyncadd.s32 $0xFFFFD800  }
0x4a: {  	[hbm4b:s21+s3] =	stream.linear.scatter [tilespmem:s22], [sflag:$0x6], $0x2800, $0x38;
	[tilespmem:$0x1F800] =	vst v63  }
0x4b: {  	_ =	swait.ge [sflag:s28], $0x2800  }
0x4c: {  	s0 =	simm.s32 $0x600;
	[sflag:s28] =	ssyncset.done $0x0  }
0x4d: {  	s1 =	sadd.s32 $0xF00, s13;
	s18 =	simm.s32 $0x380;
	[sflag:s28] =	ssyncadd.s32 $0xFFFFD800  }
.LBB2_2:
0x4e: {  	[tilespmem:s19], [sflag:$0x2] =	stream.indirect.gather [spmem:s2], $0x80, s18, s16, $0xb8;
	[tilespmem:$0x1F800] =	vst v63  }
0x4f: {  	s18 =	smov.u32 s0  }
0x50: {  	p0 =	sne.s32 s0, $0xEA00;
	s0 =	sadd.s32 $0x600, s0;
	_ =	swait.ge [sflag:s20], $0x2800  }
0x51: {  	[sflag:s20] =	ssyncset.done $0x0  }
0x52: {  	[sflag:s20] =	ssyncadd.s32 $0xFFFFD800  }
0x53: {  	[hbm4b:s1+s3] =	stream.linear.scatter [tilespmem:s17], [sflag:$0x4], $0x2800, $0x38;
	[tilespmem:$0x1F800] =	vst v63  }
0x54: {  	_ =	swait.ge [sflag:s30], $0x2800  }
0x55: {  	s18 =	sshra.s32 s18, $0x2;
	[sflag:s30] =	ssyncset.done $0x0  }
0x56: {  	s21 =	sadd.s32 $0x280, s18;
	[sflag:s30] =	ssyncadd.s32 $0xFFFFD800  }
0x57: {  	[tilespmem:s22], [sflag:$0x3] =	stream.indirect.gather [spmem:s2], $0x80, s21, s16, $0xb8;
	[tilespmem:$0x1F800] =	vst v63  }
0x58: {  	_ =	swait.ge [sflag:s23], $0x2800  }
0x59: {  	[sflag:s23] =	ssyncset.done $0x0  }
0x5a: {  	s21 =	sadd.s32 $0x500, s1;
	[sflag:s23] =	ssyncadd.s32 $0xFFFFD800  }
0x5b: {  	[hbm4b:s21+s3] =	stream.linear.scatter [tilespmem:s19], [sflag:$0x5], $0x2800, $0x38;
	[tilespmem:$0x1F800] =	vst v63  }
0x5c: {  	_ =	swait.ge [sflag:s24], $0x2800  }
0x5d: {  	[sflag:s24] =	ssyncset.done $0x0  }
0x5e: {  	s21 =	sadd.s32 $0x300, s18;
	[sflag:s24] =	ssyncadd.s32 $0xFFFFD800  }
0x5f: {  	[tilespmem:s17], [sflag:$0x1] =	stream.indirect.gather [spmem:s2], $0x80, s21, s16, $0xb8;
	[tilespmem:$0x1F800] =	vst v63  }
0x60: {  	_ =	swait.ge [sflag:s26], $0x2800  }
0x61: {  	[sflag:s26] =	ssyncset.done $0x0  }
.Ltmp0:
0x62: {  	s21 =	sadd.s32 $0xA00, s1;
	[sflag:s26] =	ssyncadd.s32 $0xFFFFD800;
	(pc) =	sbr.rel @p0 .LBB2_2-.Ltmp0, $4  }
0x63: {  	[hbm4b:s21+s3] =	stream.linear.scatter [tilespmem:s22], [sflag:$0x6], $0x2800, $0x38;
	[tilespmem:$0x1F800] =	vst v63  }
0x64: {  	_ =	swait.ge [sflag:s28], $0x2800  }
0x65: {  	[sflag:s28] =	ssyncset.done $0x0  }
0x66: {  	s18 =	sadd.s32 $0x380, s18;
	s1 =	sadd.s32 $0xF00, s1;
	[sflag:s28] =	ssyncadd.s32 $0xFFFFD800  }
0x67: {  	[tilespmem:s19], [sflag:$0x2] =	stream.indirect.gather [spmem:s2], $0x80, s18, s16, $0xb8;
	[tilespmem:$0x1F800] =	vst v63  }
0x68: {  	_ =	swait.ge [sflag:s20], $0x2800  }
0x69: {  	[sflag:s20] =	ssyncset.done $0x0  }
0x6a: {  	[sflag:s20] =	ssyncadd.s32 $0xFFFFD800  }
0x6b: {  	[hbm4b:s10+s3] =	stream.linear.scatter [tilespmem:s17], [sflag:$0x4], $0x2800, $0x38;
	[tilespmem:$0x1F800] =	vst v63  }
0x6c: {  	_ =	swait.ge [sflag:s23], $0x2800  }
0x6d: {  	[sflag:s23] =	ssyncset.done $0x0  }
0x6e: {  	[sflag:s23] =	ssyncadd.s32 $0xFFFFD800  }
0x6f: {  	[hbm4b:s11+s3] =	stream.linear.scatter [tilespmem:s19], [sflag:$0x5], $0x2800, $0x38;
	[tilespmem:$0x1F800] =	vst v63  }
0x70: {  	_ =	swait.ge [sflag:s30], $0x2800  }
0x71: {  	[sflag:s30] =	ssyncset.done $0x0  }
0x72: {  	s31 =	sadd.s32 $0x1, s31;
	[sflag:s30] =	ssyncadd.s32 $0xFFFFD800  }
0x73: {  	p0 =	sne.s32 s31, s12;
	_ =	swait.ge [sflag:s24], $0x2800  }
.Ltmp1:
0x74: {  	[sflag:s24] =	ssyncset.done $0x0;
	(pc) =	sbr.rel @p0 .LBB2_1-.Ltmp1, $4  }
0x75: {  	[sflag:s24] =	ssyncadd.s32 $0xFFFFD800  }
0x76: {  	_ =	swait.ge [sflag:s28], $0x2800  }
0x77: {  	[sflag:s28] =	ssyncset.done $0x0  }
0x78: {  	[sflag:s28] =	ssyncadd.s32 $0xFFFFD800  }
0x79: {  	_ =	sfence.sel $0x180000  }
0x7a: {  	[bflag:$0x0] =	sbarrier.arrive $0xFFFF  }
0x7b: {  	_ =	strace $0x90000056  }
0x7c: {  	s0 =	stileid.u32;
	[bflag:$0x2] =	sbarrier.arrive $0xFFFF  }
0x7d: {  	p0 =	sne.s32 s0, $0x0;
	s0 =	rddreg [dreg:$0x2]  }
0x7e: {  	s0 =	sadd.s32 @!p0 $0x100000, s0  }
0x7f: {  	[sflag:s0] =	ssyncadd.tile.s32 @!p0 $0x1;
	_ =	shalt  }
.Lfunc_end2:
_tile_overlayer_lowered:
.L_overlay_start_2:
0x80: {  	(tag) =	ssettag $0x2  }
0x81: {  	s0 =	rddreg [dreg:$0x0];
	s2 =	stileid.u32  }
0x82: {  	s1 =	rddreg [dreg:$0x1];
	p0 =	sne.s32 s2, $0x0  }
0x83: {  	s3 =	rddreg [dreg:$0x2];
	[bflag:$0x3] =	sbarrier.arrive $0xFFFF;
	s2 =	simm.s32 @!p0 $0x1C07  }
0x84: {  	[timem:s3], [sflag:s2] =	dma.local @!p0 [hbm:s0], s1  }
0x85: {  	s0 =	simm.s32 @!p0 $0x7  }
0x86: {  	_ =	swait.ge @!p0 [sflag:s0], s1  }
0x87: {  	s1 =	ssub.s32 @!p0 $0x0, s1;
	[sflag:s0] =	ssyncset.done @!p0 $0x0  }
0x88: {  	[sflag:s0] =	ssyncadd.s32 @!p0 s1  }
0x89: {  	[bflag:$0x3] =	sbarrier.arrive $0xFFFF  }
0x8a: {  	_ =	shalt  }

</sc_bundles>
